<compile_context>
chip_gen: v7x
topology: tpu7x:2x2x1
jax: 0.10.2.dev20260603
libtpu: 0.0.44.dev20260713+nightly
codegen_flags: <defaults>
</compile_context>

<pallas_src>
import functools

import jax
import jax.numpy as jnp
from jax import lax
from jax.experimental import pallas as pl
from jax.experimental.pallas import tpu as pltpu
from jax.experimental.pallas import tpu_sc as plsc

N_NODES = 10000
N_GROUPS = 64
F = 32
F2 = F * F
DE = 11
DEP = 16

NC = 2
NS = 16
NW = NC * NS
CS = 128

N_ACC = 10016
EB = 2048

BF = jnp.bfloat16
F32 = jnp.float32


def _mesh():
    return plsc.VectorSubcoreMesh(
        core_axis_name="c", subcore_axis_name="s", num_cores=NC, num_subcores=NS
    )


def _make_gather(e_pad):
    per_w = e_pad // NW
    n_ch = per_w // CS

    @functools.partial(
        pl.kernel,
        out_type=jax.ShapeDtypeStruct((NW * n_ch, CS, F), F32),
        mesh=_mesh(),
        scratch_types=[
            pltpu.VMEM((n_ch, CS), jnp.int32),
            pltpu.VMEM((n_ch, CS, F), F32),
            pltpu.SemaphoreType.DMA,
        ],
        compiler_params=pltpu.CompilerParams(use_tc_tiling_on_sc=False),
    )
    def gather_k(table_hbm, idx_hbm, out_hbm, idx_v, rows_v, sem):
        wid = lax.axis_index("s") * NC + lax.axis_index("c")
        pltpu.sync_copy(idx_hbm.at[pl.ds(wid * n_ch, n_ch)], idx_v)

        def fire(c, carry):
            pltpu.async_copy(table_hbm.at[idx_v.at[c]], rows_v.at[c], sem)
            return carry

        lax.fori_loop(0, n_ch, fire, 0)
        pltpu.make_async_copy(
            out_hbm.at[pl.ds(wid * n_ch, n_ch)], rows_v, sem
        ).wait()
        pltpu.sync_copy(rows_v, out_hbm.at[pl.ds(wid * n_ch, n_ch)])

    return gather_k


def _make_scatter(e_pad):
    per_w = e_pad // NW
    n_ch = per_w // CS
    rpt = N_ACC // NS

    @functools.partial(
        pl.kernel,
        out_type=jax.ShapeDtypeStruct((NC, N_ACC, F), F32),
        mesh=_mesh(),
        scratch_types=[
            pltpu.VMEM((n_ch, CS), jnp.int32),
            pltpu.VMEM((n_ch, CS, F), F32),
            pltpu.VMEM_SHARED((N_ACC, F), F32),
            pltpu.SemaphoreType.DMA,
        ],
        compiler_params=pltpu.CompilerParams(use_tc_tiling_on_sc=False),
    )
    def scatter_k(msg_hbm, dst_hbm, zeros_hbm, out_hbm, idx_v, msg_v, acc_sh, sem):
        cid = lax.axis_index("c")
        sid = lax.axis_index("s")
        wid = sid * NC + cid
        r0 = sid * rpt
        pltpu.sync_copy(zeros_hbm.at[pl.ds(r0, rpt)], acc_sh.at[pl.ds(r0, rpt)])
        pltpu.sync_copy(dst_hbm.at[pl.ds(wid * n_ch, n_ch)], idx_v)
        pltpu.sync_copy(msg_hbm.at[pl.ds(wid * n_ch, n_ch)], msg_v)
        plsc.subcore_barrier()

        def fire(c, carry):
            pltpu.async_copy(msg_v.at[c], acc_sh.at[idx_v.at[c]], sem, add=True)
            return carry

        lax.fori_loop(0, n_ch, fire, 0)

        def drain(c, carry):
            pltpu.make_async_copy(msg_v.at[c], acc_sh.at[idx_v.at[c]], sem).wait()
            return carry

        lax.fori_loop(0, n_ch, drain, 0)
        plsc.subcore_barrier()
        pltpu.sync_copy(acc_sh.at[pl.ds(r0, rpt)], out_hbm.at[cid, pl.ds(r0, rpt)])

    return scatter_k


def _leaky(v):
    return jnp.where(v > 0, v, 0.01 * v)


def _edge_body(ea_ref, xs_ref, a1_ref, b1_ref, a2_ref, rep_ref, b2_ref, msg_ref):
    ea16 = ea_ref[...]
    xs16 = xs_ref[...].astype(BF)
    h = _leaky(
        jax.lax.dot(ea16, a1_ref[...], preferred_element_type=F32)
        + b1_ref[...]
    )
    w = jax.lax.dot(h.astype(BF), a2_ref[...], preferred_element_type=F32)
    w16 = (w + b2_ref[...]).astype(BF).astype(F32)
    xr = jax.lax.dot(xs16, rep_ref[...], preferred_element_type=F32)
    p = xr * w16
    p = p[:, :512] + p[:, 512:]
    p = p[:, :256] + p[:, 256:]
    p = p[:, :128] + p[:, 128:]
    p = p[:, :64] + p[:, 64:]
    msg_ref[...] = p[:, :32] + p[:, 32:]


def _make_edge(e_pad):
    grid = e_pad // EB
    return pl.pallas_call(
        _edge_body,
        grid=(grid,),
        in_specs=[
            pl.BlockSpec((EB, DEP), lambda i: (i, 0)),
            pl.BlockSpec((EB, F), lambda i: (i, 0)),
            pl.BlockSpec((DEP, F), lambda i: (0, 0)),
            pl.BlockSpec((1, F), lambda i: (0, 0)),
            pl.BlockSpec((F, F2), lambda i: (0, 0)),
            pl.BlockSpec((F, F2), lambda i: (0, 0)),
            pl.BlockSpec((1, F2), lambda i: (0, 0)),
        ],
        out_specs=pl.BlockSpec((EB, F), lambda i: (i, 0)),
        out_shape=jax.ShapeDtypeStruct((e_pad, F), F32),
    )


def _root_term(x_ref, root_ref):
    return jax.lax.dot(
        x_ref[...].astype(BF), root_ref[...], preferred_element_type=F32
    )


def _node_bn_body(parts_ref, x_ref, root_ref, bias_ref, g_ref, b_ref, out_ref):
    agg = parts_ref[0, :N_NODES, :] + parts_ref[1, :N_NODES, :]
    v = agg + _root_term(x_ref, root_ref) + bias_ref[...]
    mu = jnp.mean(v, axis=0, keepdims=True)
    var = jnp.mean((v - mu) ** 2, axis=0, keepdims=True)
    hn = g_ref[...] * (v - mu) / jnp.sqrt(var + 1e-5) + b_ref[...]
    out_ref[...] = _leaky(hn)


def _node_body(parts_ref, x_ref, root_ref, bias_ref, out_ref):
    agg = parts_ref[0, :N_NODES, :] + parts_ref[1, :N_NODES, :]
    v = agg + _root_term(x_ref, root_ref) + bias_ref[...]
    out_ref[...] = _leaky(v)


_node_bn = pl.pallas_call(
    _node_bn_body,
    out_shape=jax.ShapeDtypeStruct((N_NODES, F), F32),
)

_node_plain = pl.pallas_call(
    _node_body,
    out_shape=jax.ShapeDtypeStruct((N_NODES, F), F32),
)


def _pool_body(h_ref, bi_ref, bir_ref, out_ref, mx_ref):
    h = h_ref[...]
    bi = bi_ref[...]
    onehot_t = (
        lax.broadcasted_iota(jnp.int32, (N_GROUPS, N_NODES), 0) == bir_ref[...]
    ).astype(F32)
    h1 = jnp.concatenate([h, jnp.ones((N_NODES, F), F32)], axis=1)
    sums1 = jax.lax.dot(
        onehot_t, h1,
        precision=jax.lax.Precision.HIGHEST,
        preferred_element_type=F32,
    )
    sums = sums1[:, :F]
    cnt = sums1[:, F:F + 1]
    meanp = sums / jnp.maximum(cnt, 1.0)

    def body(g, carry):
        m = bi == g
        mx_ref[pl.ds(g, 1), :] = jnp.max(
            jnp.where(m, h, -jnp.inf), axis=0, keepdims=True
        )
        return carry

    lax.fori_loop(0, N_GROUPS, body, 0)
    out_ref[...] = jnp.concatenate([mx_ref[...], meanp], axis=1)


_pool = pl.pallas_call(
    _pool_body,
    out_shape=jax.ShapeDtypeStruct((N_GROUPS, 2 * F), F32),
    scratch_shapes=[pltpu.VMEM((N_GROUPS, F), F32)],
)


def kernel(x, edge_index, batch_index, edge_attr, params):
    e = edge_index.shape[1]
    e_pad = -(-e // (NW * CS)) * (NW * CS)
    n_ch = e_pad // NW // CS

    src = edge_index[0].astype(jnp.int32)
    dst = edge_index[1].astype(jnp.int32)
    src_p = jnp.concatenate(
        [src, jnp.zeros((e_pad - e,), jnp.int32)]).reshape(NW * n_ch, CS)
    dst_p = jnp.concatenate(
        [dst, jnp.full((e_pad - e,), N_NODES, jnp.int32)]).reshape(NW * n_ch, CS)
    ea16 = jnp.pad(edge_attr, ((0, e_pad - e), (0, DEP - DE))).astype(BF)
    zeros_acc = jnp.zeros((N_ACC, F), F32)
    rep16 = jnp.kron(jnp.eye(F, dtype=F32), jnp.ones((1, F), F32)).astype(BF)

    gather_k = _make_gather(e_pad)
    scatter_k = _make_scatter(e_pad)
    edge_k = _make_edge(e_pad)

    h = x
    layers = [("conv0", "bn0"), ("conv1", "bn1"), ("conv2", None), ("conv3", None)]
    for conv, bn in layers:
        p = params[conv]
        a1p16 = jnp.pad(p["A1"], ((0, DEP - DE), (0, 0))).astype(BF)

        xs = gather_k(h, src_p).reshape(e_pad, F)
        msg = edge_k(ea16, xs, a1p16, p["b1"][None, :], p["A2"].astype(BF),
                     rep16, p["b2"][None, :])
        parts = scatter_k(msg.reshape(NW * n_ch, CS, F), dst_p, zeros_acc)
        if bn is not None:
            q = params[bn]
            h = _node_bn(parts, h, p["root"].astype(BF), p["bias"][None, :],
                         q["gamma"][None, :], q["beta"][None, :])
        else:
            h = _node_plain(parts, h, p["root"].astype(BF), p["bias"][None, :])

    bi = batch_index.astype(jnp.int32).reshape(N_NODES, 1)
    bi_row = batch_index.astype(jnp.int32).reshape(1, N_NODES)
    pooled = _pool(h, bi, bi_row)
    return pooled @ params["fc"]["W"] + params["fc"]["b"]

# --- scband reference (transcript-rebuilt; emitter-appended) ---
"""Pipeline reference for scband-gnn-3607772529054 (READ-ONLY COPY).

The authoritative reference and input builder live on the scoring server;
editing this copy changes nothing except your own understanding.
"""

import jax, jax.numpy as jnp
import numpy as np

N = 10000
E = 80000
IN = 32
EMB = 32
DE = 11
G = 64


def _leaky(x):
    return jnp.where(x > 0, x, 0.01 * x)


def _nnconv(p, x, src, dst, ea, din, dout, n):
    # edge MLP: Linear(DE, dout) -> LeakyReLU -> Linear(dout, din*dout)
    h = _leaky(ea @ p["A1"] + p["b1"])
    W = (h @ p["A2"] + p["b2"]).reshape(-1, din, dout)
    msg = jnp.einsum("ei,eio->eo", x[src], W)
    agg = jax.ops.segment_sum(msg, dst, num_segments=n)
    return agg + x @ p["root"] + p["bias"]


def _bn(p, x):
    mu = jnp.mean(x, axis=0)
    var = jnp.var(x, axis=0)
    return p["gamma"] * (x - mu) / jnp.sqrt(var + 1e-5) + p["beta"]


def setup_inputs(seed: int = 0):
    key = jax.random.key(seed)
    kit = iter(jax.random.split(key, 64))

    def nrm(shape, s=0.05):
        return jax.random.normal(next(kit), shape, jnp.float32) * s

    def nnconv_p(din, dout):
        return {
            "A1": nrm((DE, dout)),
            "b1": jnp.zeros((dout,), jnp.float32),
            "A2": nrm((dout, din * dout)),
            "b2": jnp.zeros((din * dout,), jnp.float32),
            "root": nrm((din, dout)),
            "bias": jnp.zeros((dout,), jnp.float32),
        }

    params = {
        "conv0": nnconv_p(IN, EMB),
        "bn0": {"gamma": jnp.ones((EMB,), jnp.float32), "beta": jnp.zeros((EMB,), jnp.float32)},
        "conv1": nnconv_p(EMB, EMB),
        "bn1": {"gamma": jnp.ones((EMB,), jnp.float32), "beta": jnp.zeros((EMB,), jnp.float32)},
        "conv2": nnconv_p(EMB, EMB),
        "conv3": nnconv_p(EMB, EMB),
        "fc": {"W": nrm((2 * EMB, 1)), "b": jnp.zeros((1,), jnp.float32)},
    }
    x = jax.random.normal(next(kit), (N, IN), jnp.float32)
    edge_index = jax.random.randint(next(kit), (2, E), 0, N)
    edge_attr = jax.random.normal(next(kit), (E, DE), jnp.float32)
    batch_index = jnp.sort(jax.random.randint(next(kit), (N,), 0, G))
    return {"x": x, "edge_index": edge_index, "batch_index": batch_index, "edge_attr": edge_attr, "params": params}


def reference(x, edge_index, batch_index, edge_attr, params):
    src, dst = edge_index[0], edge_index[1]
    h = _leaky(_bn(params["bn0"], _nnconv(params["conv0"], x, src, dst, edge_attr, IN, EMB, N)))
    h = _leaky(_bn(params["bn1"], _nnconv(params["conv1"], h, src, dst, edge_attr, EMB, EMB, N)))
    h = _leaky(_nnconv(params["conv2"], h, src, dst, edge_attr, EMB, EMB, N))
    # dropout(p=0.05) omitted: eval mode
    h = _leaky(_nnconv(params["conv3"], h, src, dst, edge_attr, EMB, EMB, N))
    maxp = jax.ops.segment_max(h, batch_index, num_segments=G)
    cnt = jax.ops.segment_sum(jnp.ones((N,), jnp.float32), batch_index, num_segments=G)
    meanp = jax.ops.segment_sum(h, batch_index, num_segments=G) / jnp.maximum(cnt, 1.0)[:, None]
    pooled = jnp.concatenate([maxp, meanp], axis=1)
    return pooled @ params["fc"]["W"] + params["fc"]["b"]

if __name__ == "__main__":
    import jax
    _d = setup_inputs()
    print(jax.jit(kernel)(*tuple(_d.values())))

</pallas_src>

<mosaic_0001>
#map = affine_map<(d0, d1) -> (0, 0)>
#map1 = affine_map<(d0, d1) -> (0, 0, 0)>
module attributes {stable_mosaic.version = 14 : i64} {
  func.func @gather_k(%arg0: i32, %arg1: i32, %arg2: memref<10000x32xf32, #tpu.memory_space<hbm>>, %arg3: memref<640x128xi32, #tpu.memory_space<hbm>>, %arg4: memref<640x128x32xf32, #tpu.memory_space<hbm>>, %arg5: memref<20x128xi32, #tpu.memory_space<vmem>>, %arg6: memref<20x128x32xf32, #tpu.memory_space<vmem>>, %arg7: memref<!tpu.dma_semaphore, #tpu.memory_space<semaphore_mem>>) attributes {dimension_semantics = [#tpu.dimension_semantics<core_parallel>, #tpu.dimension_semantics<subcore_parallel>], iteration_bounds = array<i64: 2, 16>, scalar_prefetch = 0 : i64, scratch_operands = 3 : i64, tpu.core_type = #tpu.core_type<sc_vector_subcore>, window_params = [{transform_indices = #map}, {transform_indices = #map}, {transform_indices = #map1}]} {
    %mul3A = arith.constant 2 : i32
    %mul3A_0 = arith.muli %arg1, %mul3A : i32
    %add3A = arith.addi %mul3A_0, %arg0 : i32
    %mul3A_1 = arith.constant 20 : i32
    %mul3A_2 = arith.muli %add3A, %mul3A_1 : i32
    "tpu.region"() ({
      %run_scoped3A = tpu.sem_alloc : memref<!tpu.dma_semaphore, #tpu.memory_space<semaphore_mem>>
      %dma_start3A = arith.constant 0 : i32
      %dma_start3A_17 = tpu.memref_slice %arg3[%mul3A_2, %dma_start3A] : memref<640x128xi32, #tpu.memory_space<hbm>> -> memref<20x128xi32, #tpu.memory_space<hbm>>
      %dma_start3A_18 = arith.constant 0 : i32
      %dma_start3A_19 = tpu.memref_slice %arg3[%mul3A_2, %dma_start3A_18] : memref<640x128xi32, #tpu.memory_space<hbm>> -> memref<20x128xi32, #tpu.memory_space<hbm>>
      tpu.enqueue_dma source(%dma_start3A_19 : memref<20x128xi32, #tpu.memory_space<hbm>>) target(%arg5 : memref<20x128xi32, #tpu.memory_space<vmem>>) target_semaphore(%run_scoped3A : memref<!tpu.dma_semaphore, #tpu.memory_space<semaphore_mem>>)
      %dma_wait3A_20 = arith.constant 0 : i32
      %dma_wait3A_21 = tpu.memref_slice %arg3[%mul3A_2, %dma_wait3A_20] : memref<640x128xi32, #tpu.memory_space<hbm>> -> memref<20x128xi32, #tpu.memory_space<hbm>>
      %dma_wait3A_22 = arith.constant 0 : i32
      %dma_wait3A_23 = tpu.memref_slice %arg3[%mul3A_2, %dma_wait3A_22] : memref<640x128xi32, #tpu.memory_space<hbm>> -> memref<20x128xi32, #tpu.memory_space<hbm>>
      tpu.wait_dma2 semaphore(%run_scoped3A : memref<!tpu.dma_semaphore, #tpu.memory_space<semaphore_mem>>) src(%dma_wait3A_23 : memref<20x128xi32, #tpu.memory_space<hbm>>) dst(%arg5 : memref<20x128xi32, #tpu.memory_space<vmem>>)
      tpu.yield
    }) : () -> ()
    %scan3A = arith.constant 0 : i32
    %scan3A_3 = arith.constant 0 : i32
    %scan3A_4 = arith.constant 20 : i32
    %scan3A_5 = arith.addi %scan3A_3, %scan3A_4 : i32
    %scan3A_6 = arith.constant 1 : i32
    scf.for %scan3A_17 = %scan3A_3 to %scan3A_5 step %scan3A_6  : i32 {
      %dma_start3A = arith.constant 0 : i32
      %dma_start3A_18 = arith.constant 0 : i32
      %dma_start3A_19 = tpu.memref_slice %arg6[%scan3A_17, %dma_start3A, %dma_start3A_18] : memref<20x128x32xf32, #tpu.memory_space<vmem>> -> memref<1x128x32xf32, #tpu.memory_space<vmem>>
      %dma_start3A_20 = tpu.memref_squeeze %dma_start3A_19 : memref<1x128x32xf32, #tpu.memory_space<vmem>> -> memref<128x32xf32, #tpu.memory_space<vmem>>
      %dma_start3A_21 = arith.constant 0 : i32
      %dma_start3A_22 = tpu.memref_slice %arg5[%scan3A_17, %dma_start3A_21] : memref<20x128xi32, #tpu.memory_space<vmem>> -> memref<1x128xi32, #tpu.memory_space<vmem>>
      %dma_start3A_23 = tpu.memref_squeeze %dma_start3A_22 : memref<1x128xi32, #tpu.memory_space<vmem>> -> memref<128xi32, #tpu.memory_space<vmem>>
      %dma_start3A_24 = arith.constant 0 : i32
      %dma_start3A_25 = arith.constant 0 : i32
      %dma_start3A_26 = tpu.memref_slice %arg2[%dma_start3A_24, %dma_start3A_25] : memref<10000x32xf32, #tpu.memory_space<hbm>> -> memref<10000x32xf32, #tpu.memory_space<hbm>>
      tpu.enqueue_indirect_dma source(%dma_start3A_26 : memref<10000x32xf32, #tpu.memory_space<hbm>>) target(%dma_start3A_20 : memref<128x32xf32, #tpu.memory_space<vmem>>) offsets(%dma_start3A_23 : memref<128xi32, #tpu.memory_space<vmem>>) semaphore(%arg7 : memref<!tpu.dma_semaphore, #tpu.memory_space<semaphore_mem>>)
    }
    %scan3A_7 = arith.constant 20 : i32
    %mul3A_8 = arith.constant 20 : i32
    %mul3A_9 = arith.muli %add3A, %mul3A_8 : i32
    %dma_wait3A = arith.constant 0 : i32
    %dma_wait3A_10 = arith.constant 0 : i32
    %dma_wait3A_11 = tpu.memref_slice %arg4[%mul3A_9, %dma_wait3A, %dma_wait3A_10] : memref<640x128x32xf32, #tpu.memory_space<hbm>> -> memref<20x128x32xf32, #tpu.memory_space<hbm>>
    %dma_wait3A_12 = arith.constant 0 : i32
    %dma_wait3A_13 = arith.constant 0 : i32
    %dma_wait3A_14 = tpu.memref_slice %arg4[%mul3A_9, %dma_wait3A_12, %dma_wait3A_13] : memref<640x128x32xf32, #tpu.memory_space<hbm>> -> memref<20x128x32xf32, #tpu.memory_space<hbm>>
    tpu.wait_dma2 semaphore(%arg7 : memref<!tpu.dma_semaphore, #tpu.memory_space<semaphore_mem>>) src(%dma_wait3A_14 : memref<20x128x32xf32, #tpu.memory_space<hbm>>) dst(%arg6 : memref<20x128x32xf32, #tpu.memory_space<vmem>>)
    %mul3A_15 = arith.constant 20 : i32
    %mul3A_16 = arith.muli %add3A, %mul3A_15 : i32
    "tpu.region"() ({
      %run_scoped3A = tpu.sem_alloc : memref<!tpu.dma_semaphore, #tpu.memory_space<semaphore_mem>>
      %dma_start3A = arith.constant 0 : i32
      %dma_start3A_17 = arith.constant 0 : i32
      %dma_start3A_18 = tpu.memref_slice %arg4[%mul3A_16, %dma_start3A, %dma_start3A_17] : memref<640x128x32xf32, #tpu.memory_space<hbm>> -> memref<20x128x32xf32, #tpu.memory_space<hbm>>
      %dma_start3A_19 = arith.constant 0 : i32
      %dma_start3A_20 = arith.constant 0 : i32
      %dma_start3A_21 = tpu.memref_slice %arg4[%mul3A_16, %dma_start3A_19, %dma_start3A_20] : memref<640x128x32xf32, #tpu.memory_space<hbm>> -> memref<20x128x32xf32, #tpu.memory_space<hbm>>
      tpu.enqueue_dma source(%arg6 : memref<20x128x32xf32, #tpu.memory_space<vmem>>) target(%dma_start3A_21 : memref<20x128x32xf32, #tpu.memory_space<hbm>>) target_semaphore(%run_scoped3A : memref<!tpu.dma_semaphore, #tpu.memory_space<semaphore_mem>>)
      %dma_wait3A_22 = arith.constant 0 : i32
      %dma_wait3A_23 = arith.constant 0 : i32
      %dma_wait3A_24 = tpu.memref_slice %arg4[%mul3A_16, %dma_wait3A_22, %dma_wait3A_23] : memref<640x128x32xf32, #tpu.memory_space<hbm>> -> memref<20x128x32xf32, #tpu.memory_space<hbm>>
      %dma_wait3A_25 = arith.constant 0 : i32
      %dma_wait3A_26 = arith.constant 0 : i32
      %dma_wait3A_27 = tpu.memref_slice %arg4[%mul3A_16, %dma_wait3A_25, %dma_wait3A_26] : memref<640x128x32xf32, #tpu.memory_space<hbm>> -> memref<20x128x32xf32, #tpu.memory_space<hbm>>
      tpu.wait_dma2 semaphore(%run_scoped3A : memref<!tpu.dma_semaphore, #tpu.memory_space<semaphore_mem>>) src(%arg6 : memref<20x128x32xf32, #tpu.memory_space<vmem>>) dst(%dma_wait3A_27 : memref<20x128x32xf32, #tpu.memory_space<hbm>>)
      tpu.yield
    }) : () -> ()
    return
  }
}

#map = affine_map<(d0, d1) -> (0, 0, 0)>
#map1 = affine_map<(d0, d1) -> (0, 0)>
module attributes {stable_mosaic.version = 14 : i64} {
  func.func @scatter_k(%arg0: i32, %arg1: i32, %arg2: memref<640x128x32xf32, #tpu.memory_space<hbm>>, %arg3: memref<640x128xi32, #tpu.memory_space<hbm>>, %arg4: memref<10016x32xf32, #tpu.memory_space<hbm>>, %arg5: memref<2x10016x32xf32, #tpu.memory_space<hbm>>, %arg6: memref<20x128xi32, #tpu.memory_space<vmem>>, %arg7: memref<20x128x32xf32, #tpu.memory_space<vmem>>, %arg8: memref<10016x32xf32, #tpu.memory_space<vmem_shared>>, %arg9: memref<!tpu.dma_semaphore, #tpu.memory_space<semaphore_mem>>) attributes {dimension_semantics = [#tpu.dimension_semantics<core_parallel>, #tpu.dimension_semantics<subcore_parallel>], iteration_bounds = array<i64: 2, 16>, scalar_prefetch = 0 : i64, scratch_operands = 4 : i64, tpu.core_type = #tpu.core_type<sc_vector_subcore>, window_params = [{transform_indices = #map}, {transform_indices = #map1}, {transform_indices = #map1}, {transform_indices = #map}]} {
    %mul3A = arith.constant 2 : i32
    %mul3A_0 = arith.muli %arg1, %mul3A : i32
    %add3A = arith.addi %mul3A_0, %arg0 : i32
    %mul3A_1 = arith.constant 626 : i32
    %mul3A_2 = arith.muli %arg1, %mul3A_1 : i32
    "tpu.region"() ({
      %run_scoped3A = tpu.sem_alloc : memref<!tpu.dma_semaphore, #tpu.memory_space<semaphore_mem>>
      %dma_start3A = arith.constant 0 : i32
      %dma_start3A_19 = tpu.memref_slice %arg8[%mul3A_2, %dma_start3A] : memref<10016x32xf32, #tpu.memory_space<vmem_shared>> -> memref<626x32xf32, #tpu.memory_space<vmem_shared>>
      %dma_start3A_20 = arith.constant 0 : i32
      %dma_start3A_21 = tpu.memref_slice %arg4[%mul3A_2, %dma_start3A_20] : memref<10016x32xf32, #tpu.memory_space<hbm>> -> memref<626x32xf32, #tpu.memory_space<hbm>>
      tpu.enqueue_dma source(%dma_start3A_21 : memref<626x32xf32, #tpu.memory_space<hbm>>) target(%dma_start3A_19 : memref<626x32xf32, #tpu.memory_space<vmem_shared>>) target_semaphore(%run_scoped3A : memref<!tpu.dma_semaphore, #tpu.memory_space<semaphore_mem>>)
      %dma_wait3A = arith.constant 0 : i32
      %dma_wait3A_22 = tpu.memref_slice %arg8[%mul3A_2, %dma_wait3A] : memref<10016x32xf32, #tpu.memory_space<vmem_shared>> -> memref<626x32xf32, #tpu.memory_space<vmem_shared>>
      %dma_wait3A_23 = arith.constant 0 : i32
      %dma_wait3A_24 = tpu.memref_slice %arg4[%mul3A_2, %dma_wait3A_23] : memref<10016x32xf32, #tpu.memory_space<hbm>> -> memref<626x32xf32, #tpu.memory_space<hbm>>
      tpu.wait_dma2 semaphore(%run_scoped3A : memref<!tpu.dma_semaphore, #tpu.memory_space<semaphore_mem>>) src(%dma_wait3A_24 : memref<626x32xf32, #tpu.memory_space<hbm>>) dst(%dma_wait3A_22 : memref<626x32xf32, #tpu.memory_space<vmem_shared>>)
      tpu.yield
    }) : () -> ()
    %mul3A_3 = arith.constant 20 : i32
    %mul3A_4 = arith.muli %add3A, %mul3A_3 : i32
    "tpu.region"() ({
      %run_scoped3A = tpu.sem_alloc : memref<!tpu.dma_semaphore, #tpu.memory_space<semaphore_mem>>
      %dma_start3A = arith.constant 0 : i32
      %dma_start3A_19 = tpu.memref_slice %arg3[%mul3A_4, %dma_start3A] : memref<640x128xi32, #tpu.memory_space<hbm>> -> memref<20x128xi32, #tpu.memory_space<hbm>>
      %dma_start3A_20 = arith.constant 0 : i32
      %dma_start3A_21 = tpu.memref_slice %arg3[%mul3A_4, %dma_start3A_20] : memref<640x128xi32, #tpu.memory_space<hbm>> -> memref<20x128xi32, #tpu.memory_space<hbm>>
      tpu.enqueue_dma source(%dma_start3A_21 : memref<20x128xi32, #tpu.memory_space<hbm>>) target(%arg6 : memref<20x128xi32, #tpu.memory_space<vmem>>) target_semaphore(%run_scoped3A : memref<!tpu.dma_semaphore, #tpu.memory_space<semaphore_mem>>)
      %dma_wait3A = arith.constant 0 : i32
      %dma_wait3A_22 = tpu.memref_slice %arg3[%mul3A_4, %dma_wait3A] : memref<640x128xi32, #tpu.memory_space<hbm>> -> memref<20x128xi32, #tpu.memory_space<hbm>>
      %dma_wait3A_23 = arith.constant 0 : i32
      %dma_wait3A_24 = tpu.memref_slice %arg3[%mul3A_4, %dma_wait3A_23] : memref<640x128xi32, #tpu.memory_space<hbm>> -> memref<20x128xi32, #tpu.memory_space<hbm>>
      tpu.wait_dma2 semaphore(%run_scoped3A : memref<!tpu.dma_semaphore, #tpu.memory_space<semaphore_mem>>) src(%dma_wait3A_24 : memref<20x128xi32, #tpu.memory_space<hbm>>) dst(%arg6 : memref<20x128xi32, #tpu.memory_space<vmem>>)
      tpu.yield
    }) : () -> ()
    %mul3A_5 = arith.constant 20 : i32
    %mul3A_6 = arith.muli %add3A, %mul3A_5 : i32
    "tpu.region"() ({
      %run_scoped3A = tpu.sem_alloc : memref<!tpu.dma_semaphore, #tpu.memory_space<semaphore_mem>>
      %dma_start3A = arith.constant 0 : i32
      %dma_start3A_19 = arith.constant 0 : i32
      %dma_start3A_20 = tpu.memref_slice %arg2[%mul3A_6, %dma_start3A, %dma_start3A_19] : memref<640x128x32xf32, #tpu.memory_space<hbm>> -> memref<20x128x32xf32, #tpu.memory_space<hbm>>
      %dma_start3A_21 = arith.constant 0 : i32
      %dma_start3A_22 = arith.constant 0 : i32
      %dma_start3A_23 = tpu.memref_slice %arg2[%mul3A_6, %dma_start3A_21, %dma_start3A_22] : memref<640x128x32xf32, #tpu.memory_space<hbm>> -> memref<20x128x32xf32, #tpu.memory_space<hbm>>
      tpu.enqueue_dma source(%dma_start3A_23 : memref<20x128x32xf32, #tpu.memory_space<hbm>>) target(%arg7 : memref<20x128x32xf32, #tpu.memory_space<vmem>>) target_semaphore(%run_scoped3A : memref<!tpu.dma_semaphore, #tpu.memory_space<semaphore_mem>>)
      %dma_wait3A = arith.constant 0 : i32
      %dma_wait3A_24 = arith.constant 0 : i32
      %dma_wait3A_25 = tpu.memref_slice %arg2[%mul3A_6, %dma_wait3A, %dma_wait3A_24] : memref<640x128x32xf32, #tpu.memory_space<hbm>> -> memref<20x128x32xf32, #tpu.memory_space<hbm>>
      %dma_wait3A_26 = arith.constant 0 : i32
      %dma_wait3A_27 = arith.constant 0 : i32
      %dma_wait3A_28 = tpu.memref_slice %arg2[%mul3A_6, %dma_wait3A_26, %dma_wait3A_27] : memref<640x128x32xf32, #tpu.memory_space<hbm>> -> memref<20x128x32xf32, #tpu.memory_space<hbm>>
      tpu.wait_dma2 semaphore(%run_scoped3A : memref<!tpu.dma_semaphore, #tpu.memory_space<semaphore_mem>>) src(%dma_wait3A_28 : memref<20x128x32xf32, #tpu.memory_space<hbm>>) dst(%arg7 : memref<20x128x32xf32, #tpu.memory_space<vmem>>)
      tpu.yield
    }) : () -> ()
    %barrier3A = arith.constant 0 : index
    tpu.barrier barrier_id(%barrier3A)
    %scan3A = arith.constant 0 : i32
    %scan3A_7 = arith.constant 0 : i32
    %scan3A_8 = arith.constant 20 : i32
    %scan3A_9 = arith.addi %scan3A_7, %scan3A_8 : i32
    %scan3A_10 = arith.constant 1 : i32
    scf.for %scan3A_19 = %scan3A_7 to %scan3A_9 step %scan3A_10  : i32 {
      %dma_start3A = arith.constant 0 : i32
      %dma_start3A_20 = arith.constant 0 : i32
      %dma_start3A_21 = tpu.memref_slice %arg7[%scan3A_19, %dma_start3A, %dma_start3A_20] : memref<20x128x32xf32, #tpu.memory_space<vmem>> -> memref<1x128x32xf32, #tpu.memory_space<vmem>>
      %dma_start3A_22 = tpu.memref_squeeze %dma_start3A_21 : memref<1x128x32xf32, #tpu.memory_space<vmem>> -> memref<128x32xf32, #tpu.memory_space<vmem>>
      %dma_start3A_23 = arith.constant 0 : i32
      %dma_start3A_24 = tpu.memref_slice %arg6[%scan3A_19, %dma_start3A_23] : memref<20x128xi32, #tpu.memory_space<vmem>> -> memref<1x128xi32, #tpu.memory_space<vmem>>
      %dma_start3A_25 = tpu.memref_squeeze %dma_start3A_24 : memref<1x128xi32, #tpu.memory_space<vmem>> -> memref<128xi32, #tpu.memory_space<vmem>>
      %dma_start3A_26 = arith.constant 0 : i32
      %dma_start3A_27 = arith.constant 0 : i32
      %dma_start3A_28 = tpu.memref_slice %arg8[%dma_start3A_26, %dma_start3A_27] : memref<10016x32xf32, #tpu.memory_space<vmem_shared>> -> memref<10016x32xf32, #tpu.memory_space<vmem_shared>>
      tpu.enqueue_indirect_dma source(%dma_start3A_22 : memref<128x32xf32, #tpu.memory_space<vmem>>) target(%dma_start3A_28 : memref<10016x32xf32, #tpu.memory_space<vmem_shared>>) offsets(%dma_start3A_25 : memref<128xi32, #tpu.memory_space<vmem>>) semaphore(%arg9 : memref<!tpu.dma_semaphore, #tpu.memory_space<semaphore_mem>>) {add = true}
    }
    %scan3A_11 = arith.constant 20 : i32
    %scan3A_12 = arith.constant 0 : i32
    %scan3A_13 = arith.constant 0 : i32
    %scan3A_14 = arith.constant 20 : i32
    %scan3A_15 = arith.addi %scan3A_13, %scan3A_14 : i32
    %scan3A_16 = arith.constant 1 : i32
    scf.for %scan3A_19 = %scan3A_13 to %scan3A_15 step %scan3A_16  : i32 {
      %dma_wait3A = arith.constant 0 : i32
      %dma_wait3A_20 = arith.constant 0 : i32
      %dma_wait3A_21 = tpu.memref_slice %arg7[%scan3A_19, %dma_wait3A, %dma_wait3A_20] : memref<20x128x32xf32, #tpu.memory_space<vmem>> -> memref<1x128x32xf32, #tpu.memory_space<vmem>>
      %dma_wait3A_22 = tpu.memref_squeeze %dma_wait3A_21 : memref<1x128x32xf32, #tpu.memory_space<vmem>> -> memref<128x32xf32, #tpu.memory_space<vmem>>
      %dma_wait3A_23 = arith.constant 0 : i32
      %dma_wait3A_24 = tpu.memref_slice %arg6[%scan3A_19, %dma_wait3A_23] : memref<20x128xi32, #tpu.memory_space<vmem>> -> memref<1x128xi32, #tpu.memory_space<vmem>>
      %dma_wait3A_25 = tpu.memref_squeeze %dma_wait3A_24 : memref<1x128xi32, #tpu.memory_space<vmem>> -> memref<128xi32, #tpu.memory_space<vmem>>
      %dma_wait3A_26 = arith.constant 0 : i32
      %dma_wait3A_27 = arith.constant 0 : i32
      %dma_wait3A_28 = tpu.memref_slice %arg8[%dma_wait3A_26, %dma_wait3A_27] : memref<10016x32xf32, #tpu.memory_space<vmem_shared>> -> memref<10016x32xf32, #tpu.memory_space<vmem_shared>>
      tpu.wait_indirect_dma semaphore(%arg9 : memref<!tpu.dma_semaphore, #tpu.memory_space<semaphore_mem>>) src(%dma_wait3A_22 : memref<128x32xf32, #tpu.memory_space<vmem>>) dst(%dma_wait3A_28 : memref<10016x32xf32, #tpu.memory_space<vmem_shared>>)
    }
    %scan3A_17 = arith.constant 20 : i32
    %barrier3A_18 = arith.constant 0 : index
    tpu.barrier barrier_id(%barrier3A_18)
    "tpu.region"() ({
      %run_scoped3A = tpu.sem_alloc : memref<!tpu.dma_semaphore, #tpu.memory_space<semaphore_mem>>
      %dma_start3A = arith.constant 0 : i32
      %dma_start3A_19 = tpu.memref_slice %arg5[%arg0, %mul3A_2, %dma_start3A] : memref<2x10016x32xf32, #tpu.memory_space<hbm>> -> memref<1x626x32xf32, #tpu.memory_space<hbm>>
      %dma_start3A_20 = tpu.memref_squeeze %dma_start3A_19 : memref<1x626x32xf32, #tpu.memory_space<hbm>> -> memref<626x32xf32, #tpu.memory_space<hbm>>
      %dma_start3A_21 = arith.constant 0 : i32
      %dma_start3A_22 = tpu.memref_slice %arg8[%mul3A_2, %dma_start3A_21] : memref<10016x32xf32, #tpu.memory_space<vmem_shared>> -> memref<626x32xf32, #tpu.memory_space<vmem_shared>>
      tpu.enqueue_dma source(%dma_start3A_22 : memref<626x32xf32, #tpu.memory_space<vmem_shared>>) target(%dma_start3A_20 : memref<626x32xf32, #tpu.memory_space<hbm>>) target_semaphore(%run_scoped3A : memref<!tpu.dma_semaphore, #tpu.memory_space<semaphore_mem>>)
      %dma_wait3A = arith.constant 0 : i32
      %dma_wait3A_23 = tpu.memref_slice %arg5[%arg0, %mul3A_2, %dma_wait3A] : memref<2x10016x32xf32, #tpu.memory_space<hbm>> -> memref<1x626x32xf32, #tpu.memory_space<hbm>>
      %dma_wait3A_24 = tpu.memref_squeeze %dma_wait3A_23 : memref<1x626x32xf32, #tpu.memory_space<hbm>> -> memref<626x32xf32, #tpu.memory_space<hbm>>
      %dma_wait3A_25 = arith.constant 0 : i32
      %dma_wait3A_26 = tpu.memref_slice %arg8[%mul3A_2, %dma_wait3A_25] : memref<10016x32xf32, #tpu.memory_space<vmem_shared>> -> memref<626x32xf32, #tpu.memory_space<vmem_shared>>
      tpu.wait_dma2 semaphore(%run_scoped3A : memref<!tpu.dma_semaphore, #tpu.memory_space<semaphore_mem>>) src(%dma_wait3A_26 : memref<626x32xf32, #tpu.memory_space<vmem_shared>>) dst(%dma_wait3A_24 : memref<626x32xf32, #tpu.memory_space<hbm>>)
      tpu.yield
    }) : () -> ()
    return
  }
}

#map = affine_map<(d0, d1) -> (0, 0)>
#map1 = affine_map<(d0, d1) -> (0, 0, 0)>
module attributes {stable_mosaic.version = 14 : i64} {
  func.func @gather_k(%arg0: i32, %arg1: i32, %arg2: memref<10000x32xf32, #tpu.memory_space<hbm>>, %arg3: memref<640x128xi32, #tpu.memory_space<hbm>>, %arg4: memref<640x128x32xf32, #tpu.memory_space<hbm>>, %arg5: memref<20x128xi32, #tpu.memory_space<vmem>>, %arg6: memref<20x128x32xf32, #tpu.memory_space<vmem>>, %arg7: memref<!tpu.dma_semaphore, #tpu.memory_space<semaphore_mem>>) attributes {dimension_semantics = [#tpu.dimension_semantics<core_parallel>, #tpu.dimension_semantics<subcore_parallel>], iteration_bounds = array<i64: 2, 16>, scalar_prefetch = 0 : i64, scratch_operands = 3 : i64, tpu.core_type = #tpu.core_type<sc_vector_subcore>, window_params = [{transform_indices = #map}, {transform_indices = #map}, {transform_indices = #map1}]} {
    %mul3A = arith.constant 2 : i32
    %mul3A_0 = arith.muli %arg1, %mul3A : i32
    %add3A = arith.addi %mul3A_0, %arg0 : i32
    %mul3A_1 = arith.constant 20 : i32
    %mul3A_2 = arith.muli %add3A, %mul3A_1 : i32
    "tpu.region"() ({
      %run_scoped3A = tpu.sem_alloc : memref<!tpu.dma_semaphore, #tpu.memory_space<semaphore_mem>>
      %dma_start3A = arith.constant 0 : i32
      %dma_start3A_17 = tpu.memref_slice %arg3[%mul3A_2, %dma_start3A] : memref<640x128xi32, #tpu.memory_space<hbm>> -> memref<20x128xi32, #tpu.memory_space<hbm>>
      %dma_start3A_18 = arith.constant 0 : i32
      %dma_start3A_19 = tpu.memref_slice %arg3[%mul3A_2, %dma_start3A_18] : memref<640x128xi32, #tpu.memory_space<hbm>> -> memref<20x128xi32, #tpu.memory_space<hbm>>
      tpu.enqueue_dma source(%dma_start3A_19 : memref<20x128xi32, #tpu.memory_space<hbm>>) target(%arg5 : memref<20x128xi32, #tpu.memory_space<vmem>>) target_semaphore(%run_scoped3A : memref<!tpu.dma_semaphore, #tpu.memory_space<semaphore_mem>>)
      %dma_wait3A_20 = arith.constant 0 : i32
      %dma_wait3A_21 = tpu.memref_slice %arg3[%mul3A_2, %dma_wait3A_20] : memref<640x128xi32, #tpu.memory_space<hbm>> -> memref<20x128xi32, #tpu.memory_space<hbm>>
      %dma_wait3A_22 = arith.constant 0 : i32
      %dma_wait3A_23 = tpu.memref_slice %arg3[%mul3A_2, %dma_wait3A_22] : memref<640x128xi32, #tpu.memory_space<hbm>> -> memref<20x128xi32, #tpu.memory_space<hbm>>
      tpu.wait_dma2 semaphore(%run_scoped3A : memref<!tpu.dma_semaphore, #tpu.memory_space<semaphore_mem>>) src(%dma_wait3A_23 : memref<20x128xi32, #tpu.memory_space<hbm>>) dst(%arg5 : memref<20x128xi32, #tpu.memory_space<vmem>>)
      tpu.yield
    }) : () -> ()
    %scan3A = arith.constant 0 : i32
    %scan3A_3 = arith.constant 0 : i32
    %scan3A_4 = arith.constant 20 : i32
    %scan3A_5 = arith.addi %scan3A_3, %scan3A_4 : i32
    %scan3A_6 = arith.constant 1 : i32
    scf.for %scan3A_17 = %scan3A_3 to %scan3A_5 step %scan3A_6  : i32 {
      %dma_start3A = arith.constant 0 : i32
      %dma_start3A_18 = arith.constant 0 : i32
      %dma_start3A_19 = tpu.memref_slice %arg6[%scan3A_17, %dma_start3A, %dma_start3A_18] : memref<20x128x32xf32, #tpu.memory_space<vmem>> -> memref<1x128x32xf32, #tpu.memory_space<vmem>>
      %dma_start3A_20 = tpu.memref_squeeze %dma_start3A_19 : memref<1x128x32xf32, #tpu.memory_space<vmem>> -> memref<128x32xf32, #tpu.memory_space<vmem>>
      %dma_start3A_21 = arith.constant 0 : i32
      %dma_start3A_22 = tpu.memref_slice %arg5[%scan3A_17, %dma_start3A_21] : memref<20x128xi32, #tpu.memory_space<vmem>> -> memref<1x128xi32, #tpu.memory_space<vmem>>
      %dma_start3A_23 = tpu.memref_squeeze %dma_start3A_22 : memref<1x128xi32, #tpu.memory_space<vmem>> -> memref<128xi32, #tpu.memory_space<vmem>>
      %dma_start3A_24 = arith.constant 0 : i32
      %dma_start3A_25 = arith.constant 0 : i32
      %dma_start3A_26 = tpu.memref_slice %arg2[%dma_start3A_24, %dma_start3A_25] : memref<10000x32xf32, #tpu.memory_space<hbm>> -> memref<10000x32xf32, #tpu.memory_space<hbm>>
      tpu.enqueue_indirect_dma source(%dma_start3A_26 : memref<10000x32xf32, #tpu.memory_space<hbm>>) target(%dma_start3A_20 : memref<128x32xf32, #tpu.memory_space<vmem>>) offsets(%dma_start3A_23 : memref<128xi32, #tpu.memory_space<vmem>>) semaphore(%arg7 : memref<!tpu.dma_semaphore, #tpu.memory_space<semaphore_mem>>)
    }
    %scan3A_7 = arith.constant 20 : i32
    %mul3A_8 = arith.constant 20 : i32
    %mul3A_9 = arith.muli %add3A, %mul3A_8 : i32
    %dma_wait3A = arith.constant 0 : i32
    %dma_wait3A_10 = arith.constant 0 : i32
    %dma_wait3A_11 = tpu.memref_slice %arg4[%mul3A_9, %dma_wait3A, %dma_wait3A_10] : memref<640x128x32xf32, #tpu.memory_space<hbm>> -> memref<20x128x32xf32, #tpu.memory_space<hbm>>
    %dma_wait3A_12 = arith.constant 0 : i32
    %dma_wait3A_13 = arith.constant 0 : i32
    %dma_wait3A_14 = tpu.memref_slice %arg4[%mul3A_9, %dma_wait3A_12, %dma_wait3A_13] : memref<640x128x32xf32, #tpu.memory_space<hbm>> -> memref<20x128x32xf32, #tpu.memory_space<hbm>>
    tpu.wait_dma2 semaphore(%arg7 : memref<!tpu.dma_semaphore, #tpu.memory_space<semaphore_mem>>) src(%dma_wait3A_14 : memref<20x128x32xf32, #tpu.memory_space<hbm>>) dst(%arg6 : memref<20x128x32xf32, #tpu.memory_space<vmem>>)
    %mul3A_15 = arith.constant 20 : i32
    %mul3A_16 = arith.muli %add3A, %mul3A_15 : i32
    "tpu.region"() ({
      %run_scoped3A = tpu.sem_alloc : memref<!tpu.dma_semaphore, #tpu.memory_space<semaphore_mem>>
      %dma_start3A = arith.constant 0 : i32
      %dma_start3A_17 = arith.constant 0 : i32
      %dma_start3A_18 = tpu.memref_slice %arg4[%mul3A_16, %dma_start3A, %dma_start3A_17] : memref<640x128x32xf32, #tpu.memory_space<hbm>> -> memref<20x128x32xf32, #tpu.memory_space<hbm>>
      %dma_start3A_19 = arith.constant 0 : i32
      %dma_start3A_20 = arith.constant 0 : i32
      %dma_start3A_21 = tpu.memref_slice %arg4[%mul3A_16, %dma_start3A_19, %dma_start3A_20] : memref<640x128x32xf32, #tpu.memory_space<hbm>> -> memref<20x128x32xf32, #tpu.memory_space<hbm>>
      tpu.enqueue_dma source(%arg6 : memref<20x128x32xf32, #tpu.memory_space<vmem>>) target(%dma_start3A_21 : memref<20x128x32xf32, #tpu.memory_space<hbm>>) target_semaphore(%run_scoped3A : memref<!tpu.dma_semaphore, #tpu.memory_space<semaphore_mem>>)
      %dma_wait3A_22 = arith.constant 0 : i32
      %dma_wait3A_23 = arith.constant 0 : i32
      %dma_wait3A_24 = tpu.memref_slice %arg4[%mul3A_16, %dma_wait3A_22, %dma_wait3A_23] : memref<640x128x32xf32, #tpu.memory_space<hbm>> -> memref<20x128x32xf32, #tpu.memory_space<hbm>>
      %dma_wait3A_25 = arith.constant 0 : i32
      %dma_wait3A_26 = arith.constant 0 : i32
      %dma_wait3A_27 = tpu.memref_slice %arg4[%mul3A_16, %dma_wait3A_25, %dma_wait3A_26] : memref<640x128x32xf32, #tpu.memory_space<hbm>> -> memref<20x128x32xf32, #tpu.memory_space<hbm>>
      tpu.wait_dma2 semaphore(%run_scoped3A : memref<!tpu.dma_semaphore, #tpu.memory_space<semaphore_mem>>) src(%arg6 : memref<20x128x32xf32, #tpu.memory_space<vmem>>) dst(%dma_wait3A_27 : memref<20x128x32xf32, #tpu.memory_space<hbm>>)
      tpu.yield
    }) : () -> ()
    return
  }
}

#map = affine_map<(d0, d1) -> (0, 0, 0)>
#map1 = affine_map<(d0, d1) -> (0, 0)>
module attributes {stable_mosaic.version = 14 : i64} {
  func.func @scatter_k(%arg0: i32, %arg1: i32, %arg2: memref<640x128x32xf32, #tpu.memory_space<hbm>>, %arg3: memref<640x128xi32, #tpu.memory_space<hbm>>, %arg4: memref<10016x32xf32, #tpu.memory_space<hbm>>, %arg5: memref<2x10016x32xf32, #tpu.memory_space<hbm>>, %arg6: memref<20x128xi32, #tpu.memory_space<vmem>>, %arg7: memref<20x128x32xf32, #tpu.memory_space<vmem>>, %arg8: memref<10016x32xf32, #tpu.memory_space<vmem_shared>>, %arg9: memref<!tpu.dma_semaphore, #tpu.memory_space<semaphore_mem>>) attributes {dimension_semantics = [#tpu.dimension_semantics<core_parallel>, #tpu.dimension_semantics<subcore_parallel>], iteration_bounds = array<i64: 2, 16>, scalar_prefetch = 0 : i64, scratch_operands = 4 : i64, tpu.core_type = #tpu.core_type<sc_vector_subcore>, window_params = [{transform_indices = #map}, {transform_indices = #map1}, {transform_indices = #map1}, {transform_indices = #map}]} {
    %mul3A = arith.constant 2 : i32
    %mul3A_0 = arith.muli %arg1, %mul3A : i32
    %add3A = arith.addi %mul3A_0, %arg0 : i32
    %mul3A_1 = arith.constant 626 : i32
    %mul3A_2 = arith.muli %arg1, %mul3A_1 : i32
    "tpu.region"() ({
      %run_scoped3A = tpu.sem_alloc : memref<!tpu.dma_semaphore, #tpu.memory_space<semaphore_mem>>
      %dma_start3A = arith.constant 0 : i32
      %dma_start3A_19 = tpu.memref_slice %arg8[%mul3A_2, %dma_start3A] : memref<10016x32xf32, #tpu.memory_space<vmem_shared>> -> memref<626x32xf32, #tpu.memory_space<vmem_shared>>
      %dma_start3A_20 = arith.constant 0 : i32
      %dma_start3A_21 = tpu.memref_slice %arg4[%mul3A_2, %dma_start3A_20] : memref<10016x32xf32, #tpu.memory_space<hbm>> -> memref<626x32xf32, #tpu.memory_space<hbm>>
      tpu.enqueue_dma source(%dma_start3A_21 : memref<626x32xf32, #tpu.memory_space<hbm>>) target(%dma_start3A_19 : memref<626x32xf32, #tpu.memory_space<vmem_shared>>) target_semaphore(%run_scoped3A : memref<!tpu.dma_semaphore, #tpu.memory_space<semaphore_mem>>)
      %dma_wait3A = arith.constant 0 : i32
      %dma_wait3A_22 = tpu.memref_slice %arg8[%mul3A_2, %dma_wait3A] : memref<10016x32xf32, #tpu.memory_space<vmem_shared>> -> memref<626x32xf32, #tpu.memory_space<vmem_shared>>
      %dma_wait3A_23 = arith.constant 0 : i32
      %dma_wait3A_24 = tpu.memref_slice %arg4[%mul3A_2, %dma_wait3A_23] : memref<10016x32xf32, #tpu.memory_space<hbm>> -> memref<626x32xf32, #tpu.memory_space<hbm>>
      tpu.wait_dma2 semaphore(%run_scoped3A : memref<!tpu.dma_semaphore, #tpu.memory_space<semaphore_mem>>) src(%dma_wait3A_24 : memref<626x32xf32, #tpu.memory_space<hbm>>) dst(%dma_wait3A_22 : memref<626x32xf32, #tpu.memory_space<vmem_shared>>)
      tpu.yield
    }) : () -> ()
    %mul3A_3 = arith.constant 20 : i32
    %mul3A_4 = arith.muli %add3A, %mul3A_3 : i32
    "tpu.region"() ({
      %run_scoped3A = tpu.sem_alloc : memref<!tpu.dma_semaphore, #tpu.memory_space<semaphore_mem>>
      %dma_start3A = arith.constant 0 : i32
      %dma_start3A_19 = tpu.memref_slice %arg3[%mul3A_4, %dma_start3A] : memref<640x128xi32, #tpu.memory_space<hbm>> -> memref<20x128xi32, #tpu.memory_space<hbm>>
      %dma_start3A_20 = arith.constant 0 : i32
      %dma_start3A_21 = tpu.memref_slice %arg3[%mul3A_4, %dma_start3A_20] : memref<640x128xi32, #tpu.memory_space<hbm>> -> memref<20x128xi32, #tpu.memory_space<hbm>>
      tpu.enqueue_dma source(%dma_start3A_21 : memref<20x128xi32, #tpu.memory_space<hbm>>) target(%arg6 : memref<20x128xi32, #tpu.memory_space<vmem>>) target_semaphore(%run_scoped3A : memref<!tpu.dma_semaphore, #tpu.memory_space<semaphore_mem>>)
      %dma_wait3A = arith.constant 0 : i32
      %dma_wait3A_22 = tpu.memref_slice %arg3[%mul3A_4, %dma_wait3A] : memref<640x128xi32, #tpu.memory_space<hbm>> -> memref<20x128xi32, #tpu.memory_space<hbm>>
      %dma_wait3A_23 = arith.constant 0 : i32
      %dma_wait3A_24 = tpu.memref_slice %arg3[%mul3A_4, %dma_wait3A_23] : memref<640x128xi32, #tpu.memory_space<hbm>> -> memref<20x128xi32, #tpu.memory_space<hbm>>
      tpu.wait_dma2 semaphore(%run_scoped3A : memref<!tpu.dma_semaphore, #tpu.memory_space<semaphore_mem>>) src(%dma_wait3A_24 : memref<20x128xi32, #tpu.memory_space<hbm>>) dst(%arg6 : memref<20x128xi32, #tpu.memory_space<vmem>>)
      tpu.yield
    }) : () -> ()
    %mul3A_5 = arith.constant 20 : i32
    %mul3A_6 = arith.muli %add3A, %mul3A_5 : i32
    "tpu.region"() ({
      %run_scoped3A = tpu.sem_alloc : memref<!tpu.dma_semaphore, #tpu.memory_space<semaphore_mem>>
      %dma_start3A = arith.constant 0 : i32
      %dma_start3A_19 = arith.constant 0 : i32
      %dma_start3A_20 = tpu.memref_slice %arg2[%mul3A_6, %dma_start3A, %dma_start3A_19] : memref<640x128x32xf32, #tpu.memory_space<hbm>> -> memref<20x128x32xf32, #tpu.memory_space<hbm>>
      %dma_start3A_21 = arith.constant 0 : i32
      %dma_start3A_22 = arith.constant 0 : i32
      %dma_start3A_23 = tpu.memref_slice %arg2[%mul3A_6, %dma_start3A_21, %dma_start3A_22] : memref<640x128x32xf32, #tpu.memory_space<hbm>> -> memref<20x128x32xf32, #tpu.memory_space<hbm>>
      tpu.enqueue_dma source(%dma_start3A_23 : memref<20x128x32xf32, #tpu.memory_space<hbm>>) target(%arg7 : memref<20x128x32xf32, #tpu.memory_space<vmem>>) target_semaphore(%run_scoped3A : memref<!tpu.dma_semaphore, #tpu.memory_space<semaphore_mem>>)
      %dma_wait3A = arith.constant 0 : i32
      %dma_wait3A_24 = arith.constant 0 : i32
      %dma_wait3A_25 = tpu.memref_slice %arg2[%mul3A_6, %dma_wait3A, %dma_wait3A_24] : memref<640x128x32xf32, #tpu.memory_space<hbm>> -> memref<20x128x32xf32, #tpu.memory_space<hbm>>
      %dma_wait3A_26 = arith.constant 0 : i32
      %dma_wait3A_27 = arith.constant 0 : i32
      %dma_wait3A_28 = tpu.memref_slice %arg2[%mul3A_6, %dma_wait3A_26, %dma_wait3A_27] : memref<640x128x32xf32, #tpu.memory_space<hbm>> -> memref<20x128x32xf32, #tpu.memory_space<hbm>>
      tpu.wait_dma2 semaphore(%run_scoped3A : memref<!tpu.dma_semaphore, #tpu.memory_space<semaphore_mem>>) src(%dma_wait3A_28 : memref<20x128x32xf32, #tpu.memory_space<hbm>>) dst(%arg7 : memref<20x128x32xf32, #tpu.memory_space<vmem>>)
      tpu.yield
    }) : () -> ()
    %barrier3A = arith.constant 0 : index
    tpu.barrier barrier_id(%barrier3A)
    %scan3A = arith.constant 0 : i32
    %scan3A_7 = arith.constant 0 : i32
    %scan3A_8 = arith.constant 20 : i32
    %scan3A_9 = arith.addi %scan3A_7, %scan3A_8 : i32
    %scan3A_10 = arith.constant 1 : i32
    scf.for %scan3A_19 = %scan3A_7 to %scan3A_9 step %scan3A_10  : i32 {
      %dma_start3A = arith.constant 0 : i32
      %dma_start3A_20 = arith.constant 0 : i32
      %dma_start3A_21 = tpu.memref_slice %arg7[%scan3A_19, %dma_start3A, %dma_start3A_20] : memref<20x128x32xf32, #tpu.memory_space<vmem>> -> memref<1x128x32xf32, #tpu.memory_space<vmem>>
      %dma_start3A_22 = tpu.memref_squeeze %dma_start3A_21 : memref<1x128x32xf32, #tpu.memory_space<vmem>> -> memref<128x32xf32, #tpu.memory_space<vmem>>
      %dma_start3A_23 = arith.constant 0 : i32
      %dma_start3A_24 = tpu.memref_slice %arg6[%scan3A_19, %dma_start3A_23] : memref<20x128xi32, #tpu.memory_space<vmem>> -> memref<1x128xi32, #tpu.memory_space<vmem>>
      %dma_start3A_25 = tpu.memref_squeeze %dma_start3A_24 : memref<1x128xi32, #tpu.memory_space<vmem>> -> memref<128xi32, #tpu.memory_space<vmem>>
      %dma_start3A_26 = arith.constant 0 : i32
      %dma_start3A_27 = arith.constant 0 : i32
      %dma_start3A_28 = tpu.memref_slice %arg8[%dma_start3A_26, %dma_start3A_27] : memref<10016x32xf32, #tpu.memory_space<vmem_shared>> -> memref<10016x32xf32, #tpu.memory_space<vmem_shared>>
      tpu.enqueue_indirect_dma source(%dma_start3A_22 : memref<128x32xf32, #tpu.memory_space<vmem>>) target(%dma_start3A_28 : memref<10016x32xf32, #tpu.memory_space<vmem_shared>>) offsets(%dma_start3A_25 : memref<128xi32, #tpu.memory_space<vmem>>) semaphore(%arg9 : memref<!tpu.dma_semaphore, #tpu.memory_space<semaphore_mem>>) {add = true}
    }
    %scan3A_11 = arith.constant 20 : i32
    %scan3A_12 = arith.constant 0 : i32
    %scan3A_13 = arith.constant 0 : i32
    %scan3A_14 = arith.constant 20 : i32
    %scan3A_15 = arith.addi %scan3A_13, %scan3A_14 : i32
    %scan3A_16 = arith.constant 1 : i32
    scf.for %scan3A_19 = %scan3A_13 to %scan3A_15 step %scan3A_16  : i32 {
      %dma_wait3A = arith.constant 0 : i32
      %dma_wait3A_20 = arith.constant 0 : i32
      %dma_wait3A_21 = tpu.memref_slice %arg7[%scan3A_19, %dma_wait3A, %dma_wait3A_20] : memref<20x128x32xf32, #tpu.memory_space<vmem>> -> memref<1x128x32xf32, #tpu.memory_space<vmem>>
      %dma_wait3A_22 = tpu.memref_squeeze %dma_wait3A_21 : memref<1x128x32xf32, #tpu.memory_space<vmem>> -> memref<128x32xf32, #tpu.memory_space<vmem>>
      %dma_wait3A_23 = arith.constant 0 : i32
      %dma_wait3A_24 = tpu.memref_slice %arg6[%scan3A_19, %dma_wait3A_23] : memref<20x128xi32, #tpu.memory_space<vmem>> -> memref<1x128xi32, #tpu.memory_space<vmem>>
      %dma_wait3A_25 = tpu.memref_squeeze %dma_wait3A_24 : memref<1x128xi32, #tpu.memory_space<vmem>> -> memref<128xi32, #tpu.memory_space<vmem>>
      %dma_wait3A_26 = arith.constant 0 : i32
      %dma_wait3A_27 = arith.constant 0 : i32
      %dma_wait3A_28 = tpu.memref_slice %arg8[%dma_wait3A_26, %dma_wait3A_27] : memref<10016x32xf32, #tpu.memory_space<vmem_shared>> -> memref<10016x32xf32, #tpu.memory_space<vmem_shared>>
      tpu.wait_indirect_dma semaphore(%arg9 : memref<!tpu.dma_semaphore, #tpu.memory_space<semaphore_mem>>) src(%dma_wait3A_22 : memref<128x32xf32, #tpu.memory_space<vmem>>) dst(%dma_wait3A_28 : memref<10016x32xf32, #tpu.memory_space<vmem_shared>>)
    }
    %scan3A_17 = arith.constant 20 : i32
    %barrier3A_18 = arith.constant 0 : index
    tpu.barrier barrier_id(%barrier3A_18)
    "tpu.region"() ({
      %run_scoped3A = tpu.sem_alloc : memref<!tpu.dma_semaphore, #tpu.memory_space<semaphore_mem>>
      %dma_start3A = arith.constant 0 : i32
      %dma_start3A_19 = tpu.memref_slice %arg5[%arg0, %mul3A_2, %dma_start3A] : memref<2x10016x32xf32, #tpu.memory_space<hbm>> -> memref<1x626x32xf32, #tpu.memory_space<hbm>>
      %dma_start3A_20 = tpu.memref_squeeze %dma_start3A_19 : memref<1x626x32xf32, #tpu.memory_space<hbm>> -> memref<626x32xf32, #tpu.memory_space<hbm>>
      %dma_start3A_21 = arith.constant 0 : i32
      %dma_start3A_22 = tpu.memref_slice %arg8[%mul3A_2, %dma_start3A_21] : memref<10016x32xf32, #tpu.memory_space<vmem_shared>> -> memref<626x32xf32, #tpu.memory_space<vmem_shared>>
      tpu.enqueue_dma source(%dma_start3A_22 : memref<626x32xf32, #tpu.memory_space<vmem_shared>>) target(%dma_start3A_20 : memref<626x32xf32, #tpu.memory_space<hbm>>) target_semaphore(%run_scoped3A : memref<!tpu.dma_semaphore, #tpu.memory_space<semaphore_mem>>)
      %dma_wait3A = arith.constant 0 : i32
      %dma_wait3A_23 = tpu.memref_slice %arg5[%arg0, %mul3A_2, %dma_wait3A] : memref<2x10016x32xf32, #tpu.memory_space<hbm>> -> memref<1x626x32xf32, #tpu.memory_space<hbm>>
      %dma_wait3A_24 = tpu.memref_squeeze %dma_wait3A_23 : memref<1x626x32xf32, #tpu.memory_space<hbm>> -> memref<626x32xf32, #tpu.memory_space<hbm>>
      %dma_wait3A_25 = arith.constant 0 : i32
      %dma_wait3A_26 = tpu.memref_slice %arg8[%mul3A_2, %dma_wait3A_25] : memref<10016x32xf32, #tpu.memory_space<vmem_shared>> -> memref<626x32xf32, #tpu.memory_space<vmem_shared>>
      tpu.wait_dma2 semaphore(%run_scoped3A : memref<!tpu.dma_semaphore, #tpu.memory_space<semaphore_mem>>) src(%dma_wait3A_26 : memref<626x32xf32, #tpu.memory_space<vmem_shared>>) dst(%dma_wait3A_24 : memref<626x32xf32, #tpu.memory_space<hbm>>)
      tpu.yield
    }) : () -> ()
    return
  }
}

#map = affine_map<(d0, d1) -> (0, 0, 0)>
#map1 = affine_map<(d0, d1) -> (0, 0)>
module attributes {stable_mosaic.version = 14 : i64} {
  func.func @scatter_k(%arg0: i32, %arg1: i32, %arg2: memref<640x128x32xf32, #tpu.memory_space<hbm>>, %arg3: memref<640x128xi32, #tpu.memory_space<hbm>>, %arg4: memref<10016x32xf32, #tpu.memory_space<hbm>>, %arg5: memref<2x10016x32xf32, #tpu.memory_space<hbm>>, %arg6: memref<20x128xi32, #tpu.memory_space<vmem>>, %arg7: memref<20x128x32xf32, #tpu.memory_space<vmem>>, %arg8: memref<10016x32xf32, #tpu.memory_space<vmem_shared>>, %arg9: memref<!tpu.dma_semaphore, #tpu.memory_space<semaphore_mem>>) attributes {dimension_semantics = [#tpu.dimension_semantics<core_parallel>, #tpu.dimension_semantics<subcore_parallel>], iteration_bounds = array<i64: 2, 16>, scalar_prefetch = 0 : i64, scratch_operands = 4 : i64, tpu.core_type = #tpu.core_type<sc_vector_subcore>, window_params = [{transform_indices = #map}, {transform_indices = #map1}, {transform_indices = #map1}, {transform_indices = #map}]} {
    %mul3A = arith.constant 2 : i32
    %mul3A_0 = arith.muli %arg1, %mul3A : i32
    %add3A = arith.addi %mul3A_0, %arg0 : i32
    %mul3A_1 = arith.constant 626 : i32
    %mul3A_2 = arith.muli %arg1, %mul3A_1 : i32
    "tpu.region"() ({
      %run_scoped3A = tpu.sem_alloc : memref<!tpu.dma_semaphore, #tpu.memory_space<semaphore_mem>>
      %dma_start3A = arith.constant 0 : i32
      %dma_start3A_19 = tpu.memref_slice %arg8[%mul3A_2, %dma_start3A] : memref<10016x32xf32, #tpu.memory_space<vmem_shared>> -> memref<626x32xf32, #tpu.memory_space<vmem_shared>>
      %dma_start3A_20 = arith.constant 0 : i32
      %dma_start3A_21 = tpu.memref_slice %arg4[%mul3A_2, %dma_start3A_20] : memref<10016x32xf32, #tpu.memory_space<hbm>> -> memref<626x32xf32, #tpu.memory_space<hbm>>
      tpu.enqueue_dma source(%dma_start3A_21 : memref<626x32xf32, #tpu.memory_space<hbm>>) target(%dma_start3A_19 : memref<626x32xf32, #tpu.memory_space<vmem_shared>>) target_semaphore(%run_scoped3A : memref<!tpu.dma_semaphore, #tpu.memory_space<semaphore_mem>>)
      %dma_wait3A = arith.constant 0 : i32
      %dma_wait3A_22 = tpu.memref_slice %arg8[%mul3A_2, %dma_wait3A] : memref<10016x32xf32, #tpu.memory_space<vmem_shared>> -> memref<626x32xf32, #tpu.memory_space<vmem_shared>>
      %dma_wait3A_23 = arith.constant 0 : i32
      %dma_wait3A_24 = tpu.memref_slice %arg4[%mul3A_2, %dma_wait3A_23] : memref<10016x32xf32, #tpu.memory_space<hbm>> -> memref<626x32xf32, #tpu.memory_space<hbm>>
      tpu.wait_dma2 semaphore(%run_scoped3A : memref<!tpu.dma_semaphore, #tpu.memory_space<semaphore_mem>>) src(%dma_wait3A_24 : memref<626x32xf32, #tpu.memory_space<hbm>>) dst(%dma_wait3A_22 : memref<626x32xf32, #tpu.memory_space<vmem_shared>>)
      tpu.yield
    }) : () -> ()
    %mul3A_3 = arith.constant 20 : i32
    %mul3A_4 = arith.muli %add3A, %mul3A_3 : i32
    "tpu.region"() ({
      %run_scoped3A = tpu.sem_alloc : memref<!tpu.dma_semaphore, #tpu.memory_space<semaphore_mem>>
      %dma_start3A = arith.constant 0 : i32
      %dma_start3A_19 = tpu.memref_slice %arg3[%mul3A_4, %dma_start3A] : memref<640x128xi32, #tpu.memory_space<hbm>> -> memref<20x128xi32, #tpu.memory_space<hbm>>
      %dma_start3A_20 = arith.constant 0 : i32
      %dma_start3A_21 = tpu.memref_slice %arg3[%mul3A_4, %dma_start3A_20] : memref<640x128xi32, #tpu.memory_space<hbm>> -> memref<20x128xi32, #tpu.memory_space<hbm>>
      tpu.enqueue_dma source(%dma_start3A_21 : memref<20x128xi32, #tpu.memory_space<hbm>>) target(%arg6 : memref<20x128xi32, #tpu.memory_space<vmem>>) target_semaphore(%run_scoped3A : memref<!tpu.dma_semaphore, #tpu.memory_space<semaphore_mem>>)
      %dma_wait3A = arith.constant 0 : i32
      %dma_wait3A_22 = tpu.memref_slice %arg3[%mul3A_4, %dma_wait3A] : memref<640x128xi32, #tpu.memory_space<hbm>> -> memref<20x128xi32, #tpu.memory_space<hbm>>
      %dma_wait3A_23 = arith.constant 0 : i32
      %dma_wait3A_24 = tpu.memref_slice %arg3[%mul3A_4, %dma_wait3A_23] : memref<640x128xi32, #tpu.memory_space<hbm>> -> memref<20x128xi32, #tpu.memory_space<hbm>>
      tpu.wait_dma2 semaphore(%run_scoped3A : memref<!tpu.dma_semaphore, #tpu.memory_space<semaphore_mem>>) src(%dma_wait3A_24 : memref<20x128xi32, #tpu.memory_space<hbm>>) dst(%arg6 : memref<20x128xi32, #tpu.memory_space<vmem>>)
      tpu.yield
    }) : () -> ()
    %mul3A_5 = arith.constant 20 : i32
    %mul3A_6 = arith.muli %add3A, %mul3A_5 : i32
    "tpu.region"() ({
      %run_scoped3A = tpu.sem_alloc : memref<!tpu.dma_semaphore, #tpu.memory_space<semaphore_mem>>
      %dma_start3A = arith.constant 0 : i32
      %dma_start3A_19 = arith.constant 0 : i32
      %dma_start3A_20 = tpu.memref_slice %arg2[%mul3A_6, %dma_start3A, %dma_start3A_19] : memref<640x128x32xf32, #tpu.memory_space<hbm>> -> memref<20x128x32xf32, #tpu.memory_space<hbm>>
      %dma_start3A_21 = arith.constant 0 : i32
      %dma_start3A_22 = arith.constant 0 : i32
      %dma_start3A_23 = tpu.memref_slice %arg2[%mul3A_6, %dma_start3A_21, %dma_start3A_22] : memref<640x128x32xf32, #tpu.memory_space<hbm>> -> memref<20x128x32xf32, #tpu.memory_space<hbm>>
      tpu.enqueue_dma source(%dma_start3A_23 : memref<20x128x32xf32, #tpu.memory_space<hbm>>) target(%arg7 : memref<20x128x32xf32, #tpu.memory_space<vmem>>) target_semaphore(%run_scoped3A : memref<!tpu.dma_semaphore, #tpu.memory_space<semaphore_mem>>)
      %dma_wait3A = arith.constant 0 : i32
      %dma_wait3A_24 = arith.constant 0 : i32
      %dma_wait3A_25 = tpu.memref_slice %arg2[%mul3A_6, %dma_wait3A, %dma_wait3A_24] : memref<640x128x32xf32, #tpu.memory_space<hbm>> -> memref<20x128x32xf32, #tpu.memory_space<hbm>>
      %dma_wait3A_26 = arith.constant 0 : i32
      %dma_wait3A_27 = arith.constant 0 : i32
      %dma_wait3A_28 = tpu.memref_slice %arg2[%mul3A_6, %dma_wait3A_26, %dma_wait3A_27] : memref<640x128x32xf32, #tpu.memory_space<hbm>> -> memref<20x128x32xf32, #tpu.memory_space<hbm>>
      tpu.wait_dma2 semaphore(%run_scoped3A : memref<!tpu.dma_semaphore, #tpu.memory_space<semaphore_mem>>) src(%dma_wait3A_28 : memref<20x128x32xf32, #tpu.memory_space<hbm>>) dst(%arg7 : memref<20x128x32xf32, #tpu.memory_space<vmem>>)
      tpu.yield
    }) : () -> ()
    %barrier3A = arith.constant 0 : index
    tpu.barrier barrier_id(%barrier3A)
    %scan3A = arith.constant 0 : i32
    %scan3A_7 = arith.constant 0 : i32
    %scan3A_8 = arith.constant 20 : i32
    %scan3A_9 = arith.addi %scan3A_7, %scan3A_8 : i32
    %scan3A_10 = arith.constant 1 : i32
    scf.for %scan3A_19 = %scan3A_7 to %scan3A_9 step %scan3A_10  : i32 {
      %dma_start3A = arith.constant 0 : i32
      %dma_start3A_20 = arith.constant 0 : i32
      %dma_start3A_21 = tpu.memref_slice %arg7[%scan3A_19, %dma_start3A, %dma_start3A_20] : memref<20x128x32xf32, #tpu.memory_space<vmem>> -> memref<1x128x32xf32, #tpu.memory_space<vmem>>
      %dma_start3A_22 = tpu.memref_squeeze %dma_start3A_21 : memref<1x128x32xf32, #tpu.memory_space<vmem>> -> memref<128x32xf32, #tpu.memory_space<vmem>>
      %dma_start3A_23 = arith.constant 0 : i32
      %dma_start3A_24 = tpu.memref_slice %arg6[%scan3A_19, %dma_start3A_23] : memref<20x128xi32, #tpu.memory_space<vmem>> -> memref<1x128xi32, #tpu.memory_space<vmem>>
      %dma_start3A_25 = tpu.memref_squeeze %dma_start3A_24 : memref<1x128xi32, #tpu.memory_space<vmem>> -> memref<128xi32, #tpu.memory_space<vmem>>
      %dma_start3A_26 = arith.constant 0 : i32
      %dma_start3A_27 = arith.constant 0 : i32
      %dma_start3A_28 = tpu.memref_slice %arg8[%dma_start3A_26, %dma_start3A_27] : memref<10016x32xf32, #tpu.memory_space<vmem_shared>> -> memref<10016x32xf32, #tpu.memory_space<vmem_shared>>
      tpu.enqueue_indirect_dma source(%dma_start3A_22 : memref<128x32xf32, #tpu.memory_space<vmem>>) target(%dma_start3A_28 : memref<10016x32xf32, #tpu.memory_space<vmem_shared>>) offsets(%dma_start3A_25 : memref<128xi32, #tpu.memory_space<vmem>>) semaphore(%arg9 : memref<!tpu.dma_semaphore, #tpu.memory_space<semaphore_mem>>) {add = true}
    }
    %scan3A_11 = arith.constant 20 : i32
    %scan3A_12 = arith.constant 0 : i32
    %scan3A_13 = arith.constant 0 : i32
    %scan3A_14 = arith.constant 20 : i32
    %scan3A_15 = arith.addi %scan3A_13, %scan3A_14 : i32
    %scan3A_16 = arith.constant 1 : i32
    scf.for %scan3A_19 = %scan3A_13 to %scan3A_15 step %scan3A_16  : i32 {
      %dma_wait3A = arith.constant 0 : i32
      %dma_wait3A_20 = arith.constant 0 : i32
      %dma_wait3A_21 = tpu.memref_slice %arg7[%scan3A_19, %dma_wait3A, %dma_wait3A_20] : memref<20x128x32xf32, #tpu.memory_space<vmem>> -> memref<1x128x32xf32, #tpu.memory_space<vmem>>
      %dma_wait3A_22 = tpu.memref_squeeze %dma_wait3A_21 : memref<1x128x32xf32, #tpu.memory_space<vmem>> -> memref<128x32xf32, #tpu.memory_space<vmem>>
      %dma_wait3A_23 = arith.constant 0 : i32
      %dma_wait3A_24 = tpu.memref_slice %arg6[%scan3A_19, %dma_wait3A_23] : memref<20x128xi32, #tpu.memory_space<vmem>> -> memref<1x128xi32, #tpu.memory_space<vmem>>
      %dma_wait3A_25 = tpu.memref_squeeze %dma_wait3A_24 : memref<1x128xi32, #tpu.memory_space<vmem>> -> memref<128xi32, #tpu.memory_space<vmem>>
      %dma_wait3A_26 = arith.constant 0 : i32
      %dma_wait3A_27 = arith.constant 0 : i32
      %dma_wait3A_28 = tpu.memref_slice %arg8[%dma_wait3A_26, %dma_wait3A_27] : memref<10016x32xf32, #tpu.memory_space<vmem_shared>> -> memref<10016x32xf32, #tpu.memory_space<vmem_shared>>
      tpu.wait_indirect_dma semaphore(%arg9 : memref<!tpu.dma_semaphore, #tpu.memory_space<semaphore_mem>>) src(%dma_wait3A_22 : memref<128x32xf32, #tpu.memory_space<vmem>>) dst(%dma_wait3A_28 : memref<10016x32xf32, #tpu.memory_space<vmem_shared>>)
    }
    %scan3A_17 = arith.constant 20 : i32
    %barrier3A_18 = arith.constant 0 : index
    tpu.barrier barrier_id(%barrier3A_18)
    "tpu.region"() ({
      %run_scoped3A = tpu.sem_alloc : memref<!tpu.dma_semaphore, #tpu.memory_space<semaphore_mem>>
      %dma_start3A = arith.constant 0 : i32
      %dma_start3A_19 = tpu.memref_slice %arg5[%arg0, %mul3A_2, %dma_start3A] : memref<2x10016x32xf32, #tpu.memory_space<hbm>> -> memref<1x626x32xf32, #tpu.memory_space<hbm>>
      %dma_start3A_20 = tpu.memref_squeeze %dma_start3A_19 : memref<1x626x32xf32, #tpu.memory_space<hbm>> -> memref<626x32xf32, #tpu.memory_space<hbm>>
      %dma_start3A_21 = arith.constant 0 : i32
      %dma_start3A_22 = tpu.memref_slice %arg8[%mul3A_2, %dma_start3A_21] : memref<10016x32xf32, #tpu.memory_space<vmem_shared>> -> memref<626x32xf32, #tpu.memory_space<vmem_shared>>
      tpu.enqueue_dma source(%dma_start3A_22 : memref<626x32xf32, #tpu.memory_space<vmem_shared>>) target(%dma_start3A_20 : memref<626x32xf32, #tpu.memory_space<hbm>>) target_semaphore(%run_scoped3A : memref<!tpu.dma_semaphore, #tpu.memory_space<semaphore_mem>>)
      %dma_wait3A = arith.constant 0 : i32
      %dma_wait3A_23 = tpu.memref_slice %arg5[%arg0, %mul3A_2, %dma_wait3A] : memref<2x10016x32xf32, #tpu.memory_space<hbm>> -> memref<1x626x32xf32, #tpu.memory_space<hbm>>
      %dma_wait3A_24 = tpu.memref_squeeze %dma_wait3A_23 : memref<1x626x32xf32, #tpu.memory_space<hbm>> -> memref<626x32xf32, #tpu.memory_space<hbm>>
      %dma_wait3A_25 = arith.constant 0 : i32
      %dma_wait3A_26 = tpu.memref_slice %arg8[%mul3A_2, %dma_wait3A_25] : memref<10016x32xf32, #tpu.memory_space<vmem_shared>> -> memref<626x32xf32, #tpu.memory_space<vmem_shared>>
      tpu.wait_dma2 semaphore(%run_scoped3A : memref<!tpu.dma_semaphore, #tpu.memory_space<semaphore_mem>>) src(%dma_wait3A_26 : memref<626x32xf32, #tpu.memory_space<vmem_shared>>) dst(%dma_wait3A_24 : memref<626x32xf32, #tpu.memory_space<hbm>>)
      tpu.yield
    }) : () -> ()
    return
  }
}

#map = affine_map<(d0, d1) -> (0, 0)>
#map1 = affine_map<(d0, d1) -> (0, 0, 0)>
module attributes {stable_mosaic.version = 14 : i64} {
  func.func @gather_k(%arg0: i32, %arg1: i32, %arg2: memref<10000x32xf32, #tpu.memory_space<hbm>>, %arg3: memref<640x128xi32, #tpu.memory_space<hbm>>, %arg4: memref<640x128x32xf32, #tpu.memory_space<hbm>>, %arg5: memref<20x128xi32, #tpu.memory_space<vmem>>, %arg6: memref<20x128x32xf32, #tpu.memory_space<vmem>>, %arg7: memref<!tpu.dma_semaphore, #tpu.memory_space<semaphore_mem>>) attributes {dimension_semantics = [#tpu.dimension_semantics<core_parallel>, #tpu.dimension_semantics<subcore_parallel>], iteration_bounds = array<i64: 2, 16>, scalar_prefetch = 0 : i64, scratch_operands = 3 : i64, tpu.core_type = #tpu.core_type<sc_vector_subcore>, window_params = [{transform_indices = #map}, {transform_indices = #map}, {transform_indices = #map1}]} {
    %mul3A = arith.constant 2 : i32
    %mul3A_0 = arith.muli %arg1, %mul3A : i32
    %add3A = arith.addi %mul3A_0, %arg0 : i32
    %mul3A_1 = arith.constant 20 : i32
    %mul3A_2 = arith.muli %add3A, %mul3A_1 : i32
    "tpu.region"() ({
      %run_scoped3A = tpu.sem_alloc : memref<!tpu.dma_semaphore, #tpu.memory_space<semaphore_mem>>
      %dma_start3A = arith.constant 0 : i32
      %dma_start3A_17 = tpu.memref_slice %arg3[%mul3A_2, %dma_start3A] : memref<640x128xi32, #tpu.memory_space<hbm>> -> memref<20x128xi32, #tpu.memory_space<hbm>>
      %dma_start3A_18 = arith.constant 0 : i32
      %dma_start3A_19 = tpu.memref_slice %arg3[%mul3A_2, %dma_start3A_18] : memref<640x128xi32, #tpu.memory_space<hbm>> -> memref<20x128xi32, #tpu.memory_space<hbm>>
      tpu.enqueue_dma source(%dma_start3A_19 : memref<20x128xi32, #tpu.memory_space<hbm>>) target(%arg5 : memref<20x128xi32, #tpu.memory_space<vmem>>) target_semaphore(%run_scoped3A : memref<!tpu.dma_semaphore, #tpu.memory_space<semaphore_mem>>)
      %dma_wait3A_20 = arith.constant 0 : i32
      %dma_wait3A_21 = tpu.memref_slice %arg3[%mul3A_2, %dma_wait3A_20] : memref<640x128xi32, #tpu.memory_space<hbm>> -> memref<20x128xi32, #tpu.memory_space<hbm>>
      %dma_wait3A_22 = arith.constant 0 : i32
      %dma_wait3A_23 = tpu.memref_slice %arg3[%mul3A_2, %dma_wait3A_22] : memref<640x128xi32, #tpu.memory_space<hbm>> -> memref<20x128xi32, #tpu.memory_space<hbm>>
      tpu.wait_dma2 semaphore(%run_scoped3A : memref<!tpu.dma_semaphore, #tpu.memory_space<semaphore_mem>>) src(%dma_wait3A_23 : memref<20x128xi32, #tpu.memory_space<hbm>>) dst(%arg5 : memref<20x128xi32, #tpu.memory_space<vmem>>)
      tpu.yield
    }) : () -> ()
    %scan3A = arith.constant 0 : i32
    %scan3A_3 = arith.constant 0 : i32
    %scan3A_4 = arith.constant 20 : i32
    %scan3A_5 = arith.addi %scan3A_3, %scan3A_4 : i32
    %scan3A_6 = arith.constant 1 : i32
    scf.for %scan3A_17 = %scan3A_3 to %scan3A_5 step %scan3A_6  : i32 {
      %dma_start3A = arith.constant 0 : i32
      %dma_start3A_18 = arith.constant 0 : i32
      %dma_start3A_19 = tpu.memref_slice %arg6[%scan3A_17, %dma_start3A, %dma_start3A_18] : memref<20x128x32xf32, #tpu.memory_space<vmem>> -> memref<1x128x32xf32, #tpu.memory_space<vmem>>
      %dma_start3A_20 = tpu.memref_squeeze %dma_start3A_19 : memref<1x128x32xf32, #tpu.memory_space<vmem>> -> memref<128x32xf32, #tpu.memory_space<vmem>>
      %dma_start3A_21 = arith.constant 0 : i32
      %dma_start3A_22 = tpu.memref_slice %arg5[%scan3A_17, %dma_start3A_21] : memref<20x128xi32, #tpu.memory_space<vmem>> -> memref<1x128xi32, #tpu.memory_space<vmem>>
      %dma_start3A_23 = tpu.memref_squeeze %dma_start3A_22 : memref<1x128xi32, #tpu.memory_space<vmem>> -> memref<128xi32, #tpu.memory_space<vmem>>
      %dma_start3A_24 = arith.constant 0 : i32
      %dma_start3A_25 = arith.constant 0 : i32
      %dma_start3A_26 = tpu.memref_slice %arg2[%dma_start3A_24, %dma_start3A_25] : memref<10000x32xf32, #tpu.memory_space<hbm>> -> memref<10000x32xf32, #tpu.memory_space<hbm>>
      tpu.enqueue_indirect_dma source(%dma_start3A_26 : memref<10000x32xf32, #tpu.memory_space<hbm>>) target(%dma_start3A_20 : memref<128x32xf32, #tpu.memory_space<vmem>>) offsets(%dma_start3A_23 : memref<128xi32, #tpu.memory_space<vmem>>) semaphore(%arg7 : memref<!tpu.dma_semaphore, #tpu.memory_space<semaphore_mem>>)
    }
    %scan3A_7 = arith.constant 20 : i32
    %mul3A_8 = arith.constant 20 : i32
    %mul3A_9 = arith.muli %add3A, %mul3A_8 : i32
    %dma_wait3A = arith.constant 0 : i32
    %dma_wait3A_10 = arith.constant 0 : i32
    %dma_wait3A_11 = tpu.memref_slice %arg4[%mul3A_9, %dma_wait3A, %dma_wait3A_10] : memref<640x128x32xf32, #tpu.memory_space<hbm>> -> memref<20x128x32xf32, #tpu.memory_space<hbm>>
    %dma_wait3A_12 = arith.constant 0 : i32
    %dma_wait3A_13 = arith.constant 0 : i32
    %dma_wait3A_14 = tpu.memref_slice %arg4[%mul3A_9, %dma_wait3A_12, %dma_wait3A_13] : memref<640x128x32xf32, #tpu.memory_space<hbm>> -> memref<20x128x32xf32, #tpu.memory_space<hbm>>
    tpu.wait_dma2 semaphore(%arg7 : memref<!tpu.dma_semaphore, #tpu.memory_space<semaphore_mem>>) src(%dma_wait3A_14 : memref<20x128x32xf32, #tpu.memory_space<hbm>>) dst(%arg6 : memref<20x128x32xf32, #tpu.memory_space<vmem>>)
    %mul3A_15 = arith.constant 20 : i32
    %mul3A_16 = arith.muli %add3A, %mul3A_15 : i32
    "tpu.region"() ({
      %run_scoped3A = tpu.sem_alloc : memref<!tpu.dma_semaphore, #tpu.memory_space<semaphore_mem>>
      %dma_start3A = arith.constant 0 : i32
      %dma_start3A_17 = arith.constant 0 : i32
      %dma_start3A_18 = tpu.memref_slice %arg4[%mul3A_16, %dma_start3A, %dma_start3A_17] : memref<640x128x32xf32, #tpu.memory_space<hbm>> -> memref<20x128x32xf32, #tpu.memory_space<hbm>>
      %dma_start3A_19 = arith.constant 0 : i32
      %dma_start3A_20 = arith.constant 0 : i32
      %dma_start3A_21 = tpu.memref_slice %arg4[%mul3A_16, %dma_start3A_19, %dma_start3A_20] : memref<640x128x32xf32, #tpu.memory_space<hbm>> -> memref<20x128x32xf32, #tpu.memory_space<hbm>>
      tpu.enqueue_dma source(%arg6 : memref<20x128x32xf32, #tpu.memory_space<vmem>>) target(%dma_start3A_21 : memref<20x128x32xf32, #tpu.memory_space<hbm>>) target_semaphore(%run_scoped3A : memref<!tpu.dma_semaphore, #tpu.memory_space<semaphore_mem>>)
      %dma_wait3A_22 = arith.constant 0 : i32
      %dma_wait3A_23 = arith.constant 0 : i32
      %dma_wait3A_24 = tpu.memref_slice %arg4[%mul3A_16, %dma_wait3A_22, %dma_wait3A_23] : memref<640x128x32xf32, #tpu.memory_space<hbm>> -> memref<20x128x32xf32, #tpu.memory_space<hbm>>
      %dma_wait3A_25 = arith.constant 0 : i32
      %dma_wait3A_26 = arith.constant 0 : i32
      %dma_wait3A_27 = tpu.memref_slice %arg4[%mul3A_16, %dma_wait3A_25, %dma_wait3A_26] : memref<640x128x32xf32, #tpu.memory_space<hbm>> -> memref<20x128x32xf32, #tpu.memory_space<hbm>>
      tpu.wait_dma2 semaphore(%run_scoped3A : memref<!tpu.dma_semaphore, #tpu.memory_space<semaphore_mem>>) src(%arg6 : memref<20x128x32xf32, #tpu.memory_space<vmem>>) dst(%dma_wait3A_27 : memref<20x128x32xf32, #tpu.memory_space<hbm>>)
      tpu.yield
    }) : () -> ()
    return
  }
}

#map = affine_map<(d0, d1) -> (0, 0)>
#map1 = affine_map<(d0, d1) -> (0, 0, 0)>
module attributes {stable_mosaic.version = 14 : i64} {
  func.func @gather_k(%arg0: i32, %arg1: i32, %arg2: memref<10000x32xf32, #tpu.memory_space<hbm>>, %arg3: memref<640x128xi32, #tpu.memory_space<hbm>>, %arg4: memref<640x128x32xf32, #tpu.memory_space<hbm>>, %arg5: memref<20x128xi32, #tpu.memory_space<vmem>>, %arg6: memref<20x128x32xf32, #tpu.memory_space<vmem>>, %arg7: memref<!tpu.dma_semaphore, #tpu.memory_space<semaphore_mem>>) attributes {dimension_semantics = [#tpu.dimension_semantics<core_parallel>, #tpu.dimension_semantics<subcore_parallel>], iteration_bounds = array<i64: 2, 16>, scalar_prefetch = 0 : i64, scratch_operands = 3 : i64, tpu.core_type = #tpu.core_type<sc_vector_subcore>, window_params = [{transform_indices = #map}, {transform_indices = #map}, {transform_indices = #map1}]} {
    %mul3A = arith.constant 2 : i32
    %mul3A_0 = arith.muli %arg1, %mul3A : i32
    %add3A = arith.addi %mul3A_0, %arg0 : i32
    %mul3A_1 = arith.constant 20 : i32
    %mul3A_2 = arith.muli %add3A, %mul3A_1 : i32
    "tpu.region"() ({
      %run_scoped3A = tpu.sem_alloc : memref<!tpu.dma_semaphore, #tpu.memory_space<semaphore_mem>>
      %dma_start3A = arith.constant 0 : i32
      %dma_start3A_17 = tpu.memref_slice %arg3[%mul3A_2, %dma_start3A] : memref<640x128xi32, #tpu.memory_space<hbm>> -> memref<20x128xi32, #tpu.memory_space<hbm>>
      %dma_start3A_18 = arith.constant 0 : i32
      %dma_start3A_19 = tpu.memref_slice %arg3[%mul3A_2, %dma_start3A_18] : memref<640x128xi32, #tpu.memory_space<hbm>> -> memref<20x128xi32, #tpu.memory_space<hbm>>
      tpu.enqueue_dma source(%dma_start3A_19 : memref<20x128xi32, #tpu.memory_space<hbm>>) target(%arg5 : memref<20x128xi32, #tpu.memory_space<vmem>>) target_semaphore(%run_scoped3A : memref<!tpu.dma_semaphore, #tpu.memory_space<semaphore_mem>>)
      %dma_wait3A_20 = arith.constant 0 : i32
      %dma_wait3A_21 = tpu.memref_slice %arg3[%mul3A_2, %dma_wait3A_20] : memref<640x128xi32, #tpu.memory_space<hbm>> -> memref<20x128xi32, #tpu.memory_space<hbm>>
      %dma_wait3A_22 = arith.constant 0 : i32
      %dma_wait3A_23 = tpu.memref_slice %arg3[%mul3A_2, %dma_wait3A_22] : memref<640x128xi32, #tpu.memory_space<hbm>> -> memref<20x128xi32, #tpu.memory_space<hbm>>
      tpu.wait_dma2 semaphore(%run_scoped3A : memref<!tpu.dma_semaphore, #tpu.memory_space<semaphore_mem>>) src(%dma_wait3A_23 : memref<20x128xi32, #tpu.memory_space<hbm>>) dst(%arg5 : memref<20x128xi32, #tpu.memory_space<vmem>>)
      tpu.yield
    }) : () -> ()
    %scan3A = arith.constant 0 : i32
    %scan3A_3 = arith.constant 0 : i32
    %scan3A_4 = arith.constant 20 : i32
    %scan3A_5 = arith.addi %scan3A_3, %scan3A_4 : i32
    %scan3A_6 = arith.constant 1 : i32
    scf.for %scan3A_17 = %scan3A_3 to %scan3A_5 step %scan3A_6  : i32 {
      %dma_start3A = arith.constant 0 : i32
      %dma_start3A_18 = arith.constant 0 : i32
      %dma_start3A_19 = tpu.memref_slice %arg6[%scan3A_17, %dma_start3A, %dma_start3A_18] : memref<20x128x32xf32, #tpu.memory_space<vmem>> -> memref<1x128x32xf32, #tpu.memory_space<vmem>>
      %dma_start3A_20 = tpu.memref_squeeze %dma_start3A_19 : memref<1x128x32xf32, #tpu.memory_space<vmem>> -> memref<128x32xf32, #tpu.memory_space<vmem>>
      %dma_start3A_21 = arith.constant 0 : i32
      %dma_start3A_22 = tpu.memref_slice %arg5[%scan3A_17, %dma_start3A_21] : memref<20x128xi32, #tpu.memory_space<vmem>> -> memref<1x128xi32, #tpu.memory_space<vmem>>
      %dma_start3A_23 = tpu.memref_squeeze %dma_start3A_22 : memref<1x128xi32, #tpu.memory_space<vmem>> -> memref<128xi32, #tpu.memory_space<vmem>>
      %dma_start3A_24 = arith.constant 0 : i32
      %dma_start3A_25 = arith.constant 0 : i32
      %dma_start3A_26 = tpu.memref_slice %arg2[%dma_start3A_24, %dma_start3A_25] : memref<10000x32xf32, #tpu.memory_space<hbm>> -> memref<10000x32xf32, #tpu.memory_space<hbm>>
      tpu.enqueue_indirect_dma source(%dma_start3A_26 : memref<10000x32xf32, #tpu.memory_space<hbm>>) target(%dma_start3A_20 : memref<128x32xf32, #tpu.memory_space<vmem>>) offsets(%dma_start3A_23 : memref<128xi32, #tpu.memory_space<vmem>>) semaphore(%arg7 : memref<!tpu.dma_semaphore, #tpu.memory_space<semaphore_mem>>)
    }
    %scan3A_7 = arith.constant 20 : i32
    %mul3A_8 = arith.constant 20 : i32
    %mul3A_9 = arith.muli %add3A, %mul3A_8 : i32
    %dma_wait3A = arith.constant 0 : i32
    %dma_wait3A_10 = arith.constant 0 : i32
    %dma_wait3A_11 = tpu.memref_slice %arg4[%mul3A_9, %dma_wait3A, %dma_wait3A_10] : memref<640x128x32xf32, #tpu.memory_space<hbm>> -> memref<20x128x32xf32, #tpu.memory_space<hbm>>
    %dma_wait3A_12 = arith.constant 0 : i32
    %dma_wait3A_13 = arith.constant 0 : i32
    %dma_wait3A_14 = tpu.memref_slice %arg4[%mul3A_9, %dma_wait3A_12, %dma_wait3A_13] : memref<640x128x32xf32, #tpu.memory_space<hbm>> -> memref<20x128x32xf32, #tpu.memory_space<hbm>>
    tpu.wait_dma2 semaphore(%arg7 : memref<!tpu.dma_semaphore, #tpu.memory_space<semaphore_mem>>) src(%dma_wait3A_14 : memref<20x128x32xf32, #tpu.memory_space<hbm>>) dst(%arg6 : memref<20x128x32xf32, #tpu.memory_space<vmem>>)
    %mul3A_15 = arith.constant 20 : i32
    %mul3A_16 = arith.muli %add3A, %mul3A_15 : i32
    "tpu.region"() ({
      %run_scoped3A = tpu.sem_alloc : memref<!tpu.dma_semaphore, #tpu.memory_space<semaphore_mem>>
      %dma_start3A = arith.constant 0 : i32
      %dma_start3A_17 = arith.constant 0 : i32
      %dma_start3A_18 = tpu.memref_slice %arg4[%mul3A_16, %dma_start3A, %dma_start3A_17] : memref<640x128x32xf32, #tpu.memory_space<hbm>> -> memref<20x128x32xf32, #tpu.memory_space<hbm>>
      %dma_start3A_19 = arith.constant 0 : i32
      %dma_start3A_20 = arith.constant 0 : i32
      %dma_start3A_21 = tpu.memref_slice %arg4[%mul3A_16, %dma_start3A_19, %dma_start3A_20] : memref<640x128x32xf32, #tpu.memory_space<hbm>> -> memref<20x128x32xf32, #tpu.memory_space<hbm>>
      tpu.enqueue_dma source(%arg6 : memref<20x128x32xf32, #tpu.memory_space<vmem>>) target(%dma_start3A_21 : memref<20x128x32xf32, #tpu.memory_space<hbm>>) target_semaphore(%run_scoped3A : memref<!tpu.dma_semaphore, #tpu.memory_space<semaphore_mem>>)
      %dma_wait3A_22 = arith.constant 0 : i32
      %dma_wait3A_23 = arith.constant 0 : i32
      %dma_wait3A_24 = tpu.memref_slice %arg4[%mul3A_16, %dma_wait3A_22, %dma_wait3A_23] : memref<640x128x32xf32, #tpu.memory_space<hbm>> -> memref<20x128x32xf32, #tpu.memory_space<hbm>>
      %dma_wait3A_25 = arith.constant 0 : i32
      %dma_wait3A_26 = arith.constant 0 : i32
      %dma_wait3A_27 = tpu.memref_slice %arg4[%mul3A_16, %dma_wait3A_25, %dma_wait3A_26] : memref<640x128x32xf32, #tpu.memory_space<hbm>> -> memref<20x128x32xf32, #tpu.memory_space<hbm>>
      tpu.wait_dma2 semaphore(%run_scoped3A : memref<!tpu.dma_semaphore, #tpu.memory_space<semaphore_mem>>) src(%arg6 : memref<20x128x32xf32, #tpu.memory_space<vmem>>) dst(%dma_wait3A_27 : memref<20x128x32xf32, #tpu.memory_space<hbm>>)
      tpu.yield
    }) : () -> ()
    return
  }
}

#map = affine_map<(d0, d1) -> (0, 0, 0)>
#map1 = affine_map<(d0, d1) -> (0, 0)>
module attributes {stable_mosaic.version = 14 : i64} {
  func.func @scatter_k(%arg0: i32, %arg1: i32, %arg2: memref<640x128x32xf32, #tpu.memory_space<hbm>>, %arg3: memref<640x128xi32, #tpu.memory_space<hbm>>, %arg4: memref<10016x32xf32, #tpu.memory_space<hbm>>, %arg5: memref<2x10016x32xf32, #tpu.memory_space<hbm>>, %arg6: memref<20x128xi32, #tpu.memory_space<vmem>>, %arg7: memref<20x128x32xf32, #tpu.memory_space<vmem>>, %arg8: memref<10016x32xf32, #tpu.memory_space<vmem_shared>>, %arg9: memref<!tpu.dma_semaphore, #tpu.memory_space<semaphore_mem>>) attributes {dimension_semantics = [#tpu.dimension_semantics<core_parallel>, #tpu.dimension_semantics<subcore_parallel>], iteration_bounds = array<i64: 2, 16>, scalar_prefetch = 0 : i64, scratch_operands = 4 : i64, tpu.core_type = #tpu.core_type<sc_vector_subcore>, window_params = [{transform_indices = #map}, {transform_indices = #map1}, {transform_indices = #map1}, {transform_indices = #map}]} {
    %mul3A = arith.constant 2 : i32
    %mul3A_0 = arith.muli %arg1, %mul3A : i32
    %add3A = arith.addi %mul3A_0, %arg0 : i32
    %mul3A_1 = arith.constant 626 : i32
    %mul3A_2 = arith.muli %arg1, %mul3A_1 : i32
    "tpu.region"() ({
      %run_scoped3A = tpu.sem_alloc : memref<!tpu.dma_semaphore, #tpu.memory_space<semaphore_mem>>
      %dma_start3A = arith.constant 0 : i32
      %dma_start3A_19 = tpu.memref_slice %arg8[%mul3A_2, %dma_start3A] : memref<10016x32xf32, #tpu.memory_space<vmem_shared>> -> memref<626x32xf32, #tpu.memory_space<vmem_shared>>
      %dma_start3A_20 = arith.constant 0 : i32
      %dma_start3A_21 = tpu.memref_slice %arg4[%mul3A_2, %dma_start3A_20] : memref<10016x32xf32, #tpu.memory_space<hbm>> -> memref<626x32xf32, #tpu.memory_space<hbm>>
      tpu.enqueue_dma source(%dma_start3A_21 : memref<626x32xf32, #tpu.memory_space<hbm>>) target(%dma_start3A_19 : memref<626x32xf32, #tpu.memory_space<vmem_shared>>) target_semaphore(%run_scoped3A : memref<!tpu.dma_semaphore, #tpu.memory_space<semaphore_mem>>)
      %dma_wait3A = arith.constant 0 : i32
      %dma_wait3A_22 = tpu.memref_slice %arg8[%mul3A_2, %dma_wait3A] : memref<10016x32xf32, #tpu.memory_space<vmem_shared>> -> memref<626x32xf32, #tpu.memory_space<vmem_shared>>
      %dma_wait3A_23 = arith.constant 0 : i32
      %dma_wait3A_24 = tpu.memref_slice %arg4[%mul3A_2, %dma_wait3A_23] : memref<10016x32xf32, #tpu.memory_space<hbm>> -> memref<626x32xf32, #tpu.memory_space<hbm>>
      tpu.wait_dma2 semaphore(%run_scoped3A : memref<!tpu.dma_semaphore, #tpu.memory_space<semaphore_mem>>) src(%dma_wait3A_24 : memref<626x32xf32, #tpu.memory_space<hbm>>) dst(%dma_wait3A_22 : memref<626x32xf32, #tpu.memory_space<vmem_shared>>)
      tpu.yield
    }) : () -> ()
    %mul3A_3 = arith.constant 20 : i32
    %mul3A_4 = arith.muli %add3A, %mul3A_3 : i32
    "tpu.region"() ({
      %run_scoped3A = tpu.sem_alloc : memref<!tpu.dma_semaphore, #tpu.memory_space<semaphore_mem>>
      %dma_start3A = arith.constant 0 : i32
      %dma_start3A_19 = tpu.memref_slice %arg3[%mul3A_4, %dma_start3A] : memref<640x128xi32, #tpu.memory_space<hbm>> -> memref<20x128xi32, #tpu.memory_space<hbm>>
      %dma_start3A_20 = arith.constant 0 : i32
      %dma_start3A_21 = tpu.memref_slice %arg3[%mul3A_4, %dma_start3A_20] : memref<640x128xi32, #tpu.memory_space<hbm>> -> memref<20x128xi32, #tpu.memory_space<hbm>>
      tpu.enqueue_dma source(%dma_start3A_21 : memref<20x128xi32, #tpu.memory_space<hbm>>) target(%arg6 : memref<20x128xi32, #tpu.memory_space<vmem>>) target_semaphore(%run_scoped3A : memref<!tpu.dma_semaphore, #tpu.memory_space<semaphore_mem>>)
      %dma_wait3A = arith.constant 0 : i32
      %dma_wait3A_22 = tpu.memref_slice %arg3[%mul3A_4, %dma_wait3A] : memref<640x128xi32, #tpu.memory_space<hbm>> -> memref<20x128xi32, #tpu.memory_space<hbm>>
      %dma_wait3A_23 = arith.constant 0 : i32
      %dma_wait3A_24 = tpu.memref_slice %arg3[%mul3A_4, %dma_wait3A_23] : memref<640x128xi32, #tpu.memory_space<hbm>> -> memref<20x128xi32, #tpu.memory_space<hbm>>
      tpu.wait_dma2 semaphore(%run_scoped3A : memref<!tpu.dma_semaphore, #tpu.memory_space<semaphore_mem>>) src(%dma_wait3A_24 : memref<20x128xi32, #tpu.memory_space<hbm>>) dst(%arg6 : memref<20x128xi32, #tpu.memory_space<vmem>>)
      tpu.yield
    }) : () -> ()
    %mul3A_5 = arith.constant 20 : i32
    %mul3A_6 = arith.muli %add3A, %mul3A_5 : i32
    "tpu.region"() ({
      %run_scoped3A = tpu.sem_alloc : memref<!tpu.dma_semaphore, #tpu.memory_space<semaphore_mem>>
      %dma_start3A = arith.constant 0 : i32
      %dma_start3A_19 = arith.constant 0 : i32
      %dma_start3A_20 = tpu.memref_slice %arg2[%mul3A_6, %dma_start3A, %dma_start3A_19] : memref<640x128x32xf32, #tpu.memory_space<hbm>> -> memref<20x128x32xf32, #tpu.memory_space<hbm>>
      %dma_start3A_21 = arith.constant 0 : i32
      %dma_start3A_22 = arith.constant 0 : i32
      %dma_start3A_23 = tpu.memref_slice %arg2[%mul3A_6, %dma_start3A_21, %dma_start3A_22] : memref<640x128x32xf32, #tpu.memory_space<hbm>> -> memref<20x128x32xf32, #tpu.memory_space<hbm>>
      tpu.enqueue_dma source(%dma_start3A_23 : memref<20x128x32xf32, #tpu.memory_space<hbm>>) target(%arg7 : memref<20x128x32xf32, #tpu.memory_space<vmem>>) target_semaphore(%run_scoped3A : memref<!tpu.dma_semaphore, #tpu.memory_space<semaphore_mem>>)
      %dma_wait3A = arith.constant 0 : i32
      %dma_wait3A_24 = arith.constant 0 : i32
      %dma_wait3A_25 = tpu.memref_slice %arg2[%mul3A_6, %dma_wait3A, %dma_wait3A_24] : memref<640x128x32xf32, #tpu.memory_space<hbm>> -> memref<20x128x32xf32, #tpu.memory_space<hbm>>
      %dma_wait3A_26 = arith.constant 0 : i32
      %dma_wait3A_27 = arith.constant 0 : i32
      %dma_wait3A_28 = tpu.memref_slice %arg2[%mul3A_6, %dma_wait3A_26, %dma_wait3A_27] : memref<640x128x32xf32, #tpu.memory_space<hbm>> -> memref<20x128x32xf32, #tpu.memory_space<hbm>>
      tpu.wait_dma2 semaphore(%run_scoped3A : memref<!tpu.dma_semaphore, #tpu.memory_space<semaphore_mem>>) src(%dma_wait3A_28 : memref<20x128x32xf32, #tpu.memory_space<hbm>>) dst(%arg7 : memref<20x128x32xf32, #tpu.memory_space<vmem>>)
      tpu.yield
    }) : () -> ()
    %barrier3A = arith.constant 0 : index
    tpu.barrier barrier_id(%barrier3A)
    %scan3A = arith.constant 0 : i32
    %scan3A_7 = arith.constant 0 : i32
    %scan3A_8 = arith.constant 20 : i32
    %scan3A_9 = arith.addi %scan3A_7, %scan3A_8 : i32
    %scan3A_10 = arith.constant 1 : i32
    scf.for %scan3A_19 = %scan3A_7 to %scan3A_9 step %scan3A_10  : i32 {
      %dma_start3A = arith.constant 0 : i32
      %dma_start3A_20 = arith.constant 0 : i32
      %dma_start3A_21 = tpu.memref_slice %arg7[%scan3A_19, %dma_start3A, %dma_start3A_20] : memref<20x128x32xf32, #tpu.memory_space<vmem>> -> memref<1x128x32xf32, #tpu.memory_space<vmem>>
      %dma_start3A_22 = tpu.memref_squeeze %dma_start3A_21 : memref<1x128x32xf32, #tpu.memory_space<vmem>> -> memref<128x32xf32, #tpu.memory_space<vmem>>
      %dma_start3A_23 = arith.constant 0 : i32
      %dma_start3A_24 = tpu.memref_slice %arg6[%scan3A_19, %dma_start3A_23] : memref<20x128xi32, #tpu.memory_space<vmem>> -> memref<1x128xi32, #tpu.memory_space<vmem>>
      %dma_start3A_25 = tpu.memref_squeeze %dma_start3A_24 : memref<1x128xi32, #tpu.memory_space<vmem>> -> memref<128xi32, #tpu.memory_space<vmem>>
      %dma_start3A_26 = arith.constant 0 : i32
      %dma_start3A_27 = arith.constant 0 : i32
      %dma_start3A_28 = tpu.memref_slice %arg8[%dma_start3A_26, %dma_start3A_27] : memref<10016x32xf32, #tpu.memory_space<vmem_shared>> -> memref<10016x32xf32, #tpu.memory_space<vmem_shared>>
      tpu.enqueue_indirect_dma source(%dma_start3A_22 : memref<128x32xf32, #tpu.memory_space<vmem>>) target(%dma_start3A_28 : memref<10016x32xf32, #tpu.memory_space<vmem_shared>>) offsets(%dma_start3A_25 : memref<128xi32, #tpu.memory_space<vmem>>) semaphore(%arg9 : memref<!tpu.dma_semaphore, #tpu.memory_space<semaphore_mem>>) {add = true}
    }
    %scan3A_11 = arith.constant 20 : i32
    %scan3A_12 = arith.constant 0 : i32
    %scan3A_13 = arith.constant 0 : i32
    %scan3A_14 = arith.constant 20 : i32
    %scan3A_15 = arith.addi %scan3A_13, %scan3A_14 : i32
    %scan3A_16 = arith.constant 1 : i32
    scf.for %scan3A_19 = %scan3A_13 to %scan3A_15 step %scan3A_16  : i32 {
      %dma_wait3A = arith.constant 0 : i32
      %dma_wait3A_20 = arith.constant 0 : i32
      %dma_wait3A_21 = tpu.memref_slice %arg7[%scan3A_19, %dma_wait3A, %dma_wait3A_20] : memref<20x128x32xf32, #tpu.memory_space<vmem>> -> memref<1x128x32xf32, #tpu.memory_space<vmem>>
      %dma_wait3A_22 = tpu.memref_squeeze %dma_wait3A_21 : memref<1x128x32xf32, #tpu.memory_space<vmem>> -> memref<128x32xf32, #tpu.memory_space<vmem>>
      %dma_wait3A_23 = arith.constant 0 : i32
      %dma_wait3A_24 = tpu.memref_slice %arg6[%scan3A_19, %dma_wait3A_23] : memref<20x128xi32, #tpu.memory_space<vmem>> -> memref<1x128xi32, #tpu.memory_space<vmem>>
      %dma_wait3A_25 = tpu.memref_squeeze %dma_wait3A_24 : memref<1x128xi32, #tpu.memory_space<vmem>> -> memref<128xi32, #tpu.memory_space<vmem>>
      %dma_wait3A_26 = arith.constant 0 : i32
      %dma_wait3A_27 = arith.constant 0 : i32
      %dma_wait3A_28 = tpu.memref_slice %arg8[%dma_wait3A_26, %dma_wait3A_27] : memref<10016x32xf32, #tpu.memory_space<vmem_shared>> -> memref<10016x32xf32, #tpu.memory_space<vmem_shared>>
      tpu.wait_indirect_dma semaphore(%arg9 : memref<!tpu.dma_semaphore, #tpu.memory_space<semaphore_mem>>) src(%dma_wait3A_22 : memref<128x32xf32, #tpu.memory_space<vmem>>) dst(%dma_wait3A_28 : memref<10016x32xf32, #tpu.memory_space<vmem_shared>>)
    }
    %scan3A_17 = arith.constant 20 : i32
    %barrier3A_18 = arith.constant 0 : index
    tpu.barrier barrier_id(%barrier3A_18)
    "tpu.region"() ({
      %run_scoped3A = tpu.sem_alloc : memref<!tpu.dma_semaphore, #tpu.memory_space<semaphore_mem>>
      %dma_start3A = arith.constant 0 : i32
      %dma_start3A_19 = tpu.memref_slice %arg5[%arg0, %mul3A_2, %dma_start3A] : memref<2x10016x32xf32, #tpu.memory_space<hbm>> -> memref<1x626x32xf32, #tpu.memory_space<hbm>>
      %dma_start3A_20 = tpu.memref_squeeze %dma_start3A_19 : memref<1x626x32xf32, #tpu.memory_space<hbm>> -> memref<626x32xf32, #tpu.memory_space<hbm>>
      %dma_start3A_21 = arith.constant 0 : i32
      %dma_start3A_22 = tpu.memref_slice %arg8[%mul3A_2, %dma_start3A_21] : memref<10016x32xf32, #tpu.memory_space<vmem_shared>> -> memref<626x32xf32, #tpu.memory_space<vmem_shared>>
      tpu.enqueue_dma source(%dma_start3A_22 : memref<626x32xf32, #tpu.memory_space<vmem_shared>>) target(%dma_start3A_20 : memref<626x32xf32, #tpu.memory_space<hbm>>) target_semaphore(%run_scoped3A : memref<!tpu.dma_semaphore, #tpu.memory_space<semaphore_mem>>)
      %dma_wait3A = arith.constant 0 : i32
      %dma_wait3A_23 = tpu.memref_slice %arg5[%arg0, %mul3A_2, %dma_wait3A] : memref<2x10016x32xf32, #tpu.memory_space<hbm>> -> memref<1x626x32xf32, #tpu.memory_space<hbm>>
      %dma_wait3A_24 = tpu.memref_squeeze %dma_wait3A_23 : memref<1x626x32xf32, #tpu.memory_space<hbm>> -> memref<626x32xf32, #tpu.memory_space<hbm>>
      %dma_wait3A_25 = arith.constant 0 : i32
      %dma_wait3A_26 = tpu.memref_slice %arg8[%mul3A_2, %dma_wait3A_25] : memref<10016x32xf32, #tpu.memory_space<vmem_shared>> -> memref<626x32xf32, #tpu.memory_space<vmem_shared>>
      tpu.wait_dma2 semaphore(%run_scoped3A : memref<!tpu.dma_semaphore, #tpu.memory_space<semaphore_mem>>) src(%dma_wait3A_26 : memref<626x32xf32, #tpu.memory_space<vmem_shared>>) dst(%dma_wait3A_24 : memref<626x32xf32, #tpu.memory_space<hbm>>)
      tpu.yield
    }) : () -> ()
    return
  }
}

module attributes {stable_mosaic.version = 14 : i64} {
  func.func @_edge_body(%arg0: i32, %arg1: memref<2048x16xbf16, #tpu.memory_space<vmem>>, %arg2: memref<2048x32xf32, #tpu.memory_space<vmem>>, %arg3: memref<16x32xbf16, #tpu.memory_space<vmem>>, %arg4: memref<1x32xf32, #tpu.memory_space<vmem>>, %arg5: memref<32x1024xbf16, #tpu.memory_space<vmem>>, %arg6: memref<32x1024xbf16, #tpu.memory_space<vmem>>, %arg7: memref<1x1024xf32, #tpu.memory_space<vmem>>, %arg8: memref<2048x32xf32, #tpu.memory_space<vmem>>) attributes {dimension_semantics = [#tpu.dimension_semantics<arbitrary>], iteration_bounds = array<i64: 40>, scalar_prefetch = 0 : i64, scratch_operands = 0 : i64, tpu.core_type = #tpu.core_type<tc>, window_params = [{transform_indices = @transform_0, window_bounds = array<i64: 2048, 16>}, {transform_indices = @transform_1, window_bounds = array<i64: 2048, 32>}, {pipeline_mode = #tpu.pipeline_mode<synchronous>, transform_indices = @transform_2, window_bounds = array<i64: 16, 32>}, {pipeline_mode = #tpu.pipeline_mode<synchronous>, transform_indices = @transform_3, window_bounds = array<i64: 1, 32>}, {pipeline_mode = #tpu.pipeline_mode<synchronous>, transform_indices = @transform_4, window_bounds = array<i64: 32, 1024>}, {pipeline_mode = #tpu.pipeline_mode<synchronous>, transform_indices = @transform_5, window_bounds = array<i64: 32, 1024>}, {pipeline_mode = #tpu.pipeline_mode<synchronous>, transform_indices = @transform_6, window_bounds = array<i64: 1, 1024>}, {transform_indices = @transform_7, window_bounds = array<i64: 2048, 32>}]} {
    %get3A = arith.constant 0 : index
    %get3A_0 = arith.constant 0 : index
    %get3A_1 = vector.load %arg1[%get3A, %get3A_0] : memref<2048x16xbf16, #tpu.memory_space<vmem>>, vector<2048x16xbf16>
    %get3A_2 = arith.constant 0 : index
    %get3A_3 = arith.constant 0 : index
    %get3A_4 = vector.load %arg2[%get3A_2, %get3A_3] : memref<2048x32xf32, #tpu.memory_space<vmem>>, vector<2048x32xf32>
    %convert_element_type3A = arith.truncf %get3A_4 : vector<2048x32xf32> to vector<2048x32xbf16>
    %get3A_5 = arith.constant 0 : index
    %get3A_6 = arith.constant 0 : index
    %get3A_7 = vector.load %arg3[%get3A_5, %get3A_6] : memref<16x32xbf16, #tpu.memory_space<vmem>>, vector<16x32xbf16>
    %dot_general3A = arith.constant dense<0.000000e+00> : vector<2048x32xf32>
    %dot_general3A_8 = tpu.matmul %get3A_1, %get3A_7, %dot_general3A {dimension_numbers = #tpu.dot_dimension_numbers<[1], [0], [0], [1], [0, 0, 1, 1], [], []>, transpose_lhs_hint = false} : vector<2048x16xbf16>, vector<16x32xbf16>, vector<2048x32xf32> -> vector<2048x32xf32>
    %get3A_9 = arith.constant 0 : index
    %get3A_10 = arith.constant 0 : index
    %get3A_11 = vector.load %arg4[%get3A_9, %get3A_10] : memref<1x32xf32, #tpu.memory_space<vmem>>, vector<1x32xf32>
    %add3A = vector.broadcast %get3A_11 : vector<1x32xf32> to vector<2048x32xf32>
    %add3A_12 = arith.addf %dot_general3A_8, %add3A : vector<2048x32xf32>
    %gt3A = arith.constant 0.000000e+00 : f32
    %gt3A_13 = vector.broadcast %gt3A : f32 to vector<2048x32xf32>
    %gt3A_14 = arith.cmpf ogt, %add3A_12, %gt3A_13 : vector<2048x32xf32>
    %mul3A = arith.constant 0.00999999977 : f32
    %mul3A_15 = vector.broadcast %mul3A : f32 to vector<2048x32xf32>
    %mul3A_16 = arith.mulf %mul3A_15, %add3A_12 : vector<2048x32xf32>
    %select_n3A = arith.select %gt3A_14, %add3A_12, %mul3A_16 : vector<2048x32xi1>, vector<2048x32xf32>
    %convert_element_type3A_17 = arith.truncf %select_n3A : vector<2048x32xf32> to vector<2048x32xbf16>
    %get3A_18 = arith.constant 0 : index
    %get3A_19 = arith.constant 0 : index
    %get3A_20 = vector.load %arg5[%get3A_18, %get3A_19] : memref<32x1024xbf16, #tpu.memory_space<vmem>>, vector<32x1024xbf16>
    %dot_general3A_21 = arith.constant dense<0.000000e+00> : vector<2048x1024xf32>
    %dot_general3A_22 = tpu.matmul %convert_element_type3A_17, %get3A_20, %dot_general3A_21 {dimension_numbers = #tpu.dot_dimension_numbers<[1], [0], [0], [1], [0, 0, 1, 1], [], []>, transpose_lhs_hint = false} : vector<2048x32xbf16>, vector<32x1024xbf16>, vector<2048x1024xf32> -> vector<2048x1024xf32>
    %get3A_23 = arith.constant 0 : index
    %get3A_24 = arith.constant 0 : index
    %get3A_25 = vector.load %arg7[%get3A_23, %get3A_24] : memref<1x1024xf32, #tpu.memory_space<vmem>>, vector<1x1024xf32>
    %add3A_26 = vector.broadcast %get3A_25 : vector<1x1024xf32> to vector<2048x1024xf32>
    %add3A_27 = arith.addf %dot_general3A_22, %add3A_26 : vector<2048x1024xf32>
    %convert_element_type3A_28 = arith.truncf %add3A_27 : vector<2048x1024xf32> to vector<2048x1024xbf16>
    %convert_element_type3A_29 = arith.extf %convert_element_type3A_28 : vector<2048x1024xbf16> to vector<2048x1024xf32>
    %get3A_30 = arith.constant 0 : index
    %get3A_31 = arith.constant 0 : index
    %get3A_32 = vector.load %arg6[%get3A_30, %get3A_31] : memref<32x1024xbf16, #tpu.memory_space<vmem>>, vector<32x1024xbf16>
    %dot_general3A_33 = arith.constant dense<0.000000e+00> : vector<2048x1024xf32>
    %dot_general3A_34 = tpu.matmul %convert_element_type3A, %get3A_32, %dot_general3A_33 {dimension_numbers = #tpu.dot_dimension_numbers<[1], [0], [0], [1], [0, 0, 1, 1], [], []>, transpose_lhs_hint = false} : vector<2048x32xbf16>, vector<32x1024xbf16>, vector<2048x1024xf32> -> vector<2048x1024xf32>
    %mul3A_35 = arith.mulf %dot_general3A_34, %convert_element_type3A_29 : vector<2048x1024xf32>
    %slice3A = vector.extract_strided_slice %mul3A_35 {offsets = [0, 0], sizes = [2048, 512], strides = [1, 1]} : vector<2048x1024xf32> to vector<2048x512xf32>
    %slice3A_36 = vector.extract_strided_slice %mul3A_35 {offsets = [0, 512], sizes = [2048, 512], strides = [1, 1]} : vector<2048x1024xf32> to vector<2048x512xf32>
    %add3A_37 = arith.addf %slice3A, %slice3A_36 : vector<2048x512xf32>
    %slice3A_38 = vector.extract_strided_slice %add3A_37 {offsets = [0, 0], sizes = [2048, 256], strides = [1, 1]} : vector<2048x512xf32> to vector<2048x256xf32>
    %slice3A_39 = vector.extract_strided_slice %add3A_37 {offsets = [0, 256], sizes = [2048, 256], strides = [1, 1]} : vector<2048x512xf32> to vector<2048x256xf32>
    %add3A_40 = arith.addf %slice3A_38, %slice3A_39 : vector<2048x256xf32>
    %slice3A_41 = vector.extract_strided_slice %add3A_40 {offsets = [0, 0], sizes = [2048, 128], strides = [1, 1]} : vector<2048x256xf32> to vector<2048x128xf32>
    %slice3A_42 = vector.extract_strided_slice %add3A_40 {offsets = [0, 128], sizes = [2048, 128], strides = [1, 1]} : vector<2048x256xf32> to vector<2048x128xf32>
    %add3A_43 = arith.addf %slice3A_41, %slice3A_42 : vector<2048x128xf32>
    %slice3A_44 = vector.extract_strided_slice %add3A_43 {offsets = [0, 0], sizes = [2048, 64], strides = [1, 1]} : vector<2048x128xf32> to vector<2048x64xf32>
    %slice3A_45 = vector.extract_strided_slice %add3A_43 {offsets = [0, 64], sizes = [2048, 64], strides = [1, 1]} : vector<2048x128xf32> to vector<2048x64xf32>
    %add3A_46 = arith.addf %slice3A_44, %slice3A_45 : vector<2048x64xf32>
    %slice3A_47 = vector.extract_strided_slice %add3A_46 {offsets = [0, 0], sizes = [2048, 32], strides = [1, 1]} : vector<2048x64xf32> to vector<2048x32xf32>
    %slice3A_48 = vector.extract_strided_slice %add3A_46 {offsets = [0, 32], sizes = [2048, 32], strides = [1, 1]} : vector<2048x64xf32> to vector<2048x32xf32>
    %add3A_49 = arith.addf %slice3A_47, %slice3A_48 : vector<2048x32xf32>
    %swap3A = arith.constant 0 : index
    %swap3A_50 = arith.constant 0 : index
    %swap3A_51 = vector.load %arg8[%swap3A, %swap3A_50] : memref<2048x32xf32, #tpu.memory_space<vmem>>, vector<2048x32xf32>
    tpu.vector_store %arg8[%swap3A, %swap3A_50], %add3A_49 {strides = array<i32>} : memref<2048x32xf32, #tpu.memory_space<vmem>>, vector<2048x32xf32>,
    return
  }
  func.func @transform_0(%arg0: i32) -> (i32, i32) {
    %c0_i32 = arith.constant 0 : i32
    %c0_i32_0 = arith.constant 0 : i32
    return %arg0, %c0_i32 : i32, i32
  }
  func.func @transform_1(%arg0: i32) -> (i32, i32) {
    %c0_i32 = arith.constant 0 : i32
    %c0_i32_0 = arith.constant 0 : i32
    return %arg0, %c0_i32 : i32, i32
  }
  func.func @transform_2(%arg0: i32) -> (i32, i32) {
    %c0_i32 = arith.constant 0 : i32
    %c0_i32_0 = arith.constant 0 : i32
    %c0_i32_1 = arith.constant 0 : i32
    return %c0_i32, %c0_i32_0 : i32, i32
  }
  func.func @transform_3(%arg0: i32) -> (i32, i32) {
    %c0_i32 = arith.constant 0 : i32
    %c0_i32_0 = arith.constant 0 : i32
    %c0_i32_1 = arith.constant 0 : i32
    return %c0_i32, %c0_i32_0 : i32, i32
  }
  func.func @transform_4(%arg0: i32) -> (i32, i32) {
    %c0_i32 = arith.constant 0 : i32
    %c0_i32_0 = arith.constant 0 : i32
    %c0_i32_1 = arith.constant 0 : i32
    return %c0_i32, %c0_i32_0 : i32, i32
  }
  func.func @transform_5(%arg0: i32) -> (i32, i32) {
    %c0_i32 = arith.constant 0 : i32
    %c0_i32_0 = arith.constant 0 : i32
    %c0_i32_1 = arith.constant 0 : i32
    return %c0_i32, %c0_i32_0 : i32, i32
  }
  func.func @transform_6(%arg0: i32) -> (i32, i32) {
    %c0_i32 = arith.constant 0 : i32
    %c0_i32_0 = arith.constant 0 : i32
    %c0_i32_1 = arith.constant 0 : i32
    return %c0_i32, %c0_i32_0 : i32, i32
  }
  func.func @transform_7(%arg0: i32) -> (i32, i32) {
    %c0_i32 = arith.constant 0 : i32
    %c0_i32_0 = arith.constant 0 : i32
    return %arg0, %c0_i32 : i32, i32
  }
}

module attributes {stable_mosaic.version = 14 : i64} {
  func.func @_node_bn_body(%arg0: memref<2x10016x32xf32, #tpu.memory_space<vmem>>, %arg1: memref<10000x32xf32, #tpu.memory_space<vmem>>, %arg2: memref<32x32xbf16, #tpu.memory_space<vmem>>, %arg3: memref<1x32xf32, #tpu.memory_space<vmem>>, %arg4: memref<1x32xf32, #tpu.memory_space<vmem>>, %arg5: memref<1x32xf32, #tpu.memory_space<vmem>>, %arg6: memref<10000x32xf32, #tpu.memory_space<vmem>>) attributes {dimension_semantics = [], scalar_prefetch = 0 : i64, scratch_operands = 0 : i64, tpu.core_type = #tpu.core_type<tc>} {
    %get3A = arith.constant 0 : index
    %get3A_0 = arith.constant 0 : index
    %get3A_1 = arith.constant 0 : index
    %get3A_2 = vector.load %arg0[%get3A, %get3A_0, %get3A_1] : memref<2x10016x32xf32, #tpu.memory_space<vmem>>, vector<1x10000x32xf32>
    %get3A_3 = vector.shape_cast %get3A_2 : vector<1x10000x32xf32> to vector<10000x32xf32>
    %get3A_4 = arith.constant 1 : index
    %get3A_5 = arith.constant 0 : index
    %get3A_6 = arith.constant 0 : index
    %get3A_7 = vector.load %arg0[%get3A_4, %get3A_5, %get3A_6] : memref<2x10016x32xf32, #tpu.memory_space<vmem>>, vector<1x10000x32xf32>
    %get3A_8 = vector.shape_cast %get3A_7 : vector<1x10000x32xf32> to vector<10000x32xf32>
    %add3A = arith.addf %get3A_3, %get3A_8 : vector<10000x32xf32>
    %get3A_9 = arith.constant 0 : index
    %get3A_10 = arith.constant 0 : index
    %get3A_11 = vector.load %arg1[%get3A_9, %get3A_10] : memref<10000x32xf32, #tpu.memory_space<vmem>>, vector<10000x32xf32>
    %convert_element_type3A = arith.truncf %get3A_11 : vector<10000x32xf32> to vector<10000x32xbf16>
    %get3A_12 = arith.constant 0 : index
    %get3A_13 = arith.constant 0 : index
    %get3A_14 = vector.load %arg2[%get3A_12, %get3A_13] : memref<32x32xbf16, #tpu.memory_space<vmem>>, vector<32x32xbf16>
    %dot_general3A = arith.constant dense<0.000000e+00> : vector<10000x32xf32>
    %dot_general3A_15 = tpu.matmul %convert_element_type3A, %get3A_14, %dot_general3A {dimension_numbers = #tpu.dot_dimension_numbers<[1], [0], [0], [1], [0, 0, 1, 1], [], []>, transpose_lhs_hint = false} : vector<10000x32xbf16>, vector<32x32xbf16>, vector<10000x32xf32> -> vector<10000x32xf32>
    %add3A_16 = arith.addf %add3A, %dot_general3A_15 : vector<10000x32xf32>
    %get3A_17 = arith.constant 0 : index
    %get3A_18 = arith.constant 0 : index
    %get3A_19 = vector.load %arg3[%get3A_17, %get3A_18] : memref<1x32xf32, #tpu.memory_space<vmem>>, vector<1x32xf32>
    %add3A_20 = vector.broadcast %get3A_19 : vector<1x32xf32> to vector<10000x32xf32>
    %add3A_21 = arith.addf %add3A_16, %add3A_20 : vector<10000x32xf32>
    %reduce_sum3A = arith.constant dense<0.000000e+00> : vector<32xf32>
    %reduce_sum3A_22 = vector.multi_reduction <add>, %add3A_21, %reduce_sum3A [0] : vector<10000x32xf32> to vector<32xf32>
    %broadcast_in_dim3A = vector.shape_cast %reduce_sum3A_22 : vector<32xf32> to vector<1x32xf32>
    %div3A = arith.constant 1.000000e+04 : f32
    %div3A_23 = vector.broadcast %div3A : f32 to vector<1x32xf32>
    %div3A_24 = arith.divf %broadcast_in_dim3A, %div3A_23 : vector<1x32xf32>
    %sub3A = vector.broadcast %div3A_24 : vector<1x32xf32> to vector<10000x32xf32>
    %sub3A_25 = arith.subf %add3A_21, %sub3A : vector<10000x32xf32>
    %integer_pow3A = arith.mulf %sub3A_25, %sub3A_25 : vector<10000x32xf32>
    %reduce_sum3A_26 = arith.constant dense<0.000000e+00> : vector<32xf32>
    %reduce_sum3A_27 = vector.multi_reduction <add>, %integer_pow3A, %reduce_sum3A_26 [0] : vector<10000x32xf32> to vector<32xf32>
    %broadcast_in_dim3A_28 = vector.shape_cast %reduce_sum3A_27 : vector<32xf32> to vector<1x32xf32>
    %div3A_29 = arith.constant 1.000000e+04 : f32
    %div3A_30 = vector.broadcast %div3A_29 : f32 to vector<1x32xf32>
    %div3A_31 = arith.divf %broadcast_in_dim3A_28, %div3A_30 : vector<1x32xf32>
    %get3A_32 = arith.constant 0 : index
    %get3A_33 = arith.constant 0 : index
    %get3A_34 = vector.load %arg4[%get3A_32, %get3A_33] : memref<1x32xf32, #tpu.memory_space<vmem>>, vector<1x32xf32>
    %sub3A_35 = vector.broadcast %div3A_24 : vector<1x32xf32> to vector<10000x32xf32>
    %sub3A_36 = arith.subf %add3A_21, %sub3A_35 : vector<10000x32xf32>
    %mul3A = vector.broadcast %get3A_34 : vector<1x32xf32> to vector<10000x32xf32>
    %mul3A_37 = arith.mulf %mul3A, %sub3A_36 : vector<10000x32xf32>
    %add3A_38 = arith.constant 9.99999974E-6 : f32
    %add3A_39 = vector.broadcast %add3A_38 : f32 to vector<1x32xf32>
    %add3A_40 = arith.addf %div3A_31, %add3A_39 : vector<1x32xf32>
    %sqrt3A = math.sqrt %add3A_40 : vector<1x32xf32>
    %div3A_41 = vector.broadcast %sqrt3A : vector<1x32xf32> to vector<10000x32xf32>
    %div3A_42 = arith.divf %mul3A_37, %div3A_41 : vector<10000x32xf32>
    %get3A_43 = arith.constant 0 : index
    %get3A_44 = arith.constant 0 : index
    %get3A_45 = vector.load %arg5[%get3A_43, %get3A_44] : memref<1x32xf32, #tpu.memory_space<vmem>>, vector<1x32xf32>
    %add3A_46 = vector.broadcast %get3A_45 : vector<1x32xf32> to vector<10000x32xf32>
    %add3A_47 = arith.addf %div3A_42, %add3A_46 : vector<10000x32xf32>
    %gt3A = arith.constant 0.000000e+00 : f32
    %gt3A_48 = vector.broadcast %gt3A : f32 to vector<10000x32xf32>
    %gt3A_49 = arith.cmpf ogt, %add3A_47, %gt3A_48 : vector<10000x32xf32>
    %mul3A_50 = arith.constant 0.00999999977 : f32
    %mul3A_51 = vector.broadcast %mul3A_50 : f32 to vector<10000x32xf32>
    %mul3A_52 = arith.mulf %mul3A_51, %add3A_47 : vector<10000x32xf32>
    %select_n3A = arith.select %gt3A_49, %add3A_47, %mul3A_52 : vector<10000x32xi1>, vector<10000x32xf32>
    %swap3A = arith.constant 0 : index
    %swap3A_53 = arith.constant 0 : index
    %swap3A_54 = vector.load %arg6[%swap3A, %swap3A_53] : memref<10000x32xf32, #tpu.memory_space<vmem>>, vector<10000x32xf32>
    tpu.vector_store %arg6[%swap3A, %swap3A_53], %select_n3A {strides = array<i32>} : memref<10000x32xf32, #tpu.memory_space<vmem>>, vector<10000x32xf32>,
    return
  }
}

module attributes {stable_mosaic.version = 14 : i64} {
  func.func @_node_body(%arg0: memref<2x10016x32xf32, #tpu.memory_space<vmem>>, %arg1: memref<10000x32xf32, #tpu.memory_space<vmem>>, %arg2: memref<32x32xbf16, #tpu.memory_space<vmem>>, %arg3: memref<1x32xf32, #tpu.memory_space<vmem>>, %arg4: memref<10000x32xf32, #tpu.memory_space<vmem>>) attributes {dimension_semantics = [], scalar_prefetch = 0 : i64, scratch_operands = 0 : i64, tpu.core_type = #tpu.core_type<tc>} {
    %get3A = arith.constant 0 : index
    %get3A_0 = arith.constant 0 : index
    %get3A_1 = arith.constant 0 : index
    %get3A_2 = vector.load %arg0[%get3A, %get3A_0, %get3A_1] : memref<2x10016x32xf32, #tpu.memory_space<vmem>>, vector<1x10000x32xf32>
    %get3A_3 = vector.shape_cast %get3A_2 : vector<1x10000x32xf32> to vector<10000x32xf32>
    %get3A_4 = arith.constant 1 : index
    %get3A_5 = arith.constant 0 : index
    %get3A_6 = arith.constant 0 : index
    %get3A_7 = vector.load %arg0[%get3A_4, %get3A_5, %get3A_6] : memref<2x10016x32xf32, #tpu.memory_space<vmem>>, vector<1x10000x32xf32>
    %get3A_8 = vector.shape_cast %get3A_7 : vector<1x10000x32xf32> to vector<10000x32xf32>
    %add3A = arith.addf %get3A_3, %get3A_8 : vector<10000x32xf32>
    %get3A_9 = arith.constant 0 : index
    %get3A_10 = arith.constant 0 : index
    %get3A_11 = vector.load %arg1[%get3A_9, %get3A_10] : memref<10000x32xf32, #tpu.memory_space<vmem>>, vector<10000x32xf32>
    %convert_element_type3A = arith.truncf %get3A_11 : vector<10000x32xf32> to vector<10000x32xbf16>
    %get3A_12 = arith.constant 0 : index
    %get3A_13 = arith.constant 0 : index
    %get3A_14 = vector.load %arg2[%get3A_12, %get3A_13] : memref<32x32xbf16, #tpu.memory_space<vmem>>, vector<32x32xbf16>
    %dot_general3A = arith.constant dense<0.000000e+00> : vector<10000x32xf32>
    %dot_general3A_15 = tpu.matmul %convert_element_type3A, %get3A_14, %dot_general3A {dimension_numbers = #tpu.dot_dimension_numbers<[1], [0], [0], [1], [0, 0, 1, 1], [], []>, transpose_lhs_hint = false} : vector<10000x32xbf16>, vector<32x32xbf16>, vector<10000x32xf32> -> vector<10000x32xf32>
    %add3A_16 = arith.addf %add3A, %dot_general3A_15 : vector<10000x32xf32>
    %get3A_17 = arith.constant 0 : index
    %get3A_18 = arith.constant 0 : index
    %get3A_19 = vector.load %arg3[%get3A_17, %get3A_18] : memref<1x32xf32, #tpu.memory_space<vmem>>, vector<1x32xf32>
    %add3A_20 = vector.broadcast %get3A_19 : vector<1x32xf32> to vector<10000x32xf32>
    %add3A_21 = arith.addf %add3A_16, %add3A_20 : vector<10000x32xf32>
    %gt3A = arith.constant 0.000000e+00 : f32
    %gt3A_22 = vector.broadcast %gt3A : f32 to vector<10000x32xf32>
    %gt3A_23 = arith.cmpf ogt, %add3A_21, %gt3A_22 : vector<10000x32xf32>
    %mul3A = arith.constant 0.00999999977 : f32
    %mul3A_24 = vector.broadcast %mul3A : f32 to vector<10000x32xf32>
    %mul3A_25 = arith.mulf %mul3A_24, %add3A_21 : vector<10000x32xf32>
    %select_n3A = arith.select %gt3A_23, %add3A_21, %mul3A_25 : vector<10000x32xi1>, vector<10000x32xf32>
    %swap3A = arith.constant 0 : index
    %swap3A_26 = arith.constant 0 : index
    %swap3A_27 = vector.load %arg4[%swap3A, %swap3A_26] : memref<10000x32xf32, #tpu.memory_space<vmem>>, vector<10000x32xf32>
    tpu.vector_store %arg4[%swap3A, %swap3A_26], %select_n3A {strides = array<i32>} : memref<10000x32xf32, #tpu.memory_space<vmem>>, vector<10000x32xf32>,
    return
  }
}

module attributes {stable_mosaic.version = 14 : i64} {
  func.func @_pool_body(%arg0: memref<10000x32xf32, #tpu.memory_space<vmem>>, %arg1: memref<10000x1xi32, #tpu.memory_space<vmem>>, %arg2: memref<1x10000xi32, #tpu.memory_space<vmem>>, %arg3: memref<64x64xf32, #tpu.memory_space<vmem>>, %arg4: memref<64x32xf32, #tpu.memory_space<vmem>>) attributes {dimension_semantics = [], scalar_prefetch = 0 : i64, scratch_operands = 1 : i64, tpu.core_type = #tpu.core_type<tc>} {
    %get3A = arith.constant 0 : index
    %get3A_0 = arith.constant 0 : index
    %get3A_1 = vector.load %arg0[%get3A, %get3A_0] : memref<10000x32xf32, #tpu.memory_space<vmem>>, vector<10000x32xf32>
    %get3A_2 = arith.constant 0 : index
    %get3A_3 = arith.constant 0 : index
    %get3A_4 = vector.load %arg1[%get3A_2, %get3A_3] : memref<10000x1xi32, #tpu.memory_space<vmem>>, vector<10000x1xi32>
    %iota3A = tpu.iota {dimensions = array<i32: 0>} : vector<64x10000xi32>
    %get3A_5 = arith.constant 0 : index
    %get3A_6 = arith.constant 0 : index
    %get3A_7 = vector.load %arg2[%get3A_5, %get3A_6] : memref<1x10000xi32, #tpu.memory_space<vmem>>, vector<1x10000xi32>
    %eq3A = vector.broadcast %get3A_7 : vector<1x10000xi32> to vector<64x10000xi32>
    %eq3A_8 = arith.cmpi eq, %iota3A, %eq3A : vector<64x10000xi32>
    %convert_element_type3A = arith.extui %eq3A_8 : vector<64x10000xi1> to vector<64x10000xi32>
    %convert_element_type3A_9 = arith.sitofp %convert_element_type3A : vector<64x10000xi32> to vector<64x10000xf32>
    %broadcast_in_dim3A = arith.constant 1.000000e+00 : f32
    %broadcast_in_dim3A_10 = vector.broadcast %broadcast_in_dim3A : f32 to vector<10000x32xf32>
    %concatenate3A = tpu.concatenate %get3A_1, %broadcast_in_dim3A_10 in 1 : vector<10000x32xf32>, vector<10000x32xf32> -> vector<10000x64xf32>
    %dot_general3A = arith.constant dense<0.000000e+00> : vector<64x64xf32>
    %dot_general3A_11 = tpu.matmul %convert_element_type3A_9, %concatenate3A, %dot_general3A {dimension_numbers = #tpu.dot_dimension_numbers<[1], [0], [0], [1], [0, 0, 1, 1], [], []>, precision = #tpu.contract_precision<fp32>, transpose_lhs_hint = false} : vector<64x10000xf32>, vector<10000x64xf32>, vector<64x64xf32> -> vector<64x64xf32>
    %slice3A = vector.extract_strided_slice %dot_general3A_11 {offsets = [0, 0], sizes = [64, 32], strides = [1, 1]} : vector<64x64xf32> to vector<64x32xf32>
    %slice3A_12 = vector.extract_strided_slice %dot_general3A_11 {offsets = [0, 32], sizes = [64, 1], strides = [1, 1]} : vector<64x64xf32> to vector<64x1xf32>
    %max3A = arith.constant 1.000000e+00 : f32
    %max3A_13 = vector.broadcast %max3A : f32 to vector<64x1xf32>
    %max3A_14 = arith.maximumf %slice3A_12, %max3A_13 : vector<64x1xf32>
    %div3A = vector.broadcast %max3A_14 : vector<64x1xf32> to vector<64x32xf32>
    %div3A_15 = arith.divf %slice3A, %div3A : vector<64x32xf32>
    %scan3A = arith.constant 0 : i32
    %scan3A_16 = arith.constant 64 : i32
    %scan3A_17 = arith.addi %scan3A, %scan3A_16 : i32
    %scan3A_18 = arith.constant 1 : i32
    scf.for %scan3A_26 = %scan3A to %scan3A_17 step %scan3A_18  : i32 {
      %eq3A_27 = vector.broadcast %scan3A_26 : i32 to vector<10000x1xi32>
      %eq3A_28 = arith.cmpi eq, %get3A_4, %eq3A_27 : vector<10000x1xi32>
      %jit3A = arith.constant 0xFF800000 : f32
      %broadcast_in_dim3A_29 = vector.shape_cast %eq3A_28 : vector<10000x1xi1> to vector<10000x1xi1>
      %broadcast_in_dim3A_30 = vector.broadcast %broadcast_in_dim3A_29 : vector<10000x1xi1> to vector<10000x32xi1>
      %broadcast_in_dim3A_31 = vector.broadcast %jit3A : f32 to vector<10000x32xf32>
      %select_n3A = arith.select %broadcast_in_dim3A_30, %get3A_1, %broadcast_in_dim3A_31 : vector<10000x32xi1>, vector<10000x32xf32>
      %reduce_max3A = arith.constant dense<0xFF800000> : vector<32xf32>
      %reduce_max3A_32 = vector.multi_reduction <maximumf>, %select_n3A, %reduce_max3A [0] : vector<10000x32xf32> to vector<32xf32>
      %broadcast_in_dim3A_33 = vector.shape_cast %reduce_max3A_32 : vector<32xf32> to vector<1x32xf32>
      %swap3A_34 = arith.index_cast %scan3A_26 : i32 to index
      %swap3A_35 = arith.constant 0 : index
      %swap3A_36 = vector.load %arg4[%swap3A_34, %swap3A_35] : memref<64x32xf32, #tpu.memory_space<vmem>>, vector<1x32xf32>
      tpu.vector_store %arg4[%swap3A_34, %swap3A_35], %broadcast_in_dim3A_33 {strides = array<i32>} : memref<64x32xf32, #tpu.memory_space<vmem>>, vector<1x32xf32>,
    }
    %scan3A_19 = arith.constant 64 : i32
    %get3A_20 = arith.constant 0 : index
    %get3A_21 = arith.constant 0 : index
    %get3A_22 = vector.load %arg4[%get3A_20, %get3A_21] : memref<64x32xf32, #tpu.memory_space<vmem>>, vector<64x32xf32>
    %concatenate3A_23 = tpu.concatenate %get3A_22, %div3A_15 in 1 : vector<64x32xf32>, vector<64x32xf32> -> vector<64x64xf32>
    %swap3A = arith.constant 0 : index
    %swap3A_24 = arith.constant 0 : index
    %swap3A_25 = vector.load %arg3[%swap3A, %swap3A_24] : memref<64x64xf32, #tpu.memory_space<vmem>>, vector<64x64xf32>
    tpu.vector_store %arg3[%swap3A, %swap3A_24], %concatenate3A_23 {strides = array<i32>} : memref<64x64xf32, #tpu.memory_space<vmem>>, vector<64x64xf32>,
    return
  }
}

</mosaic_0001>

<sc_bundles>
// kernel: kernel.19.cloned.1.call-start
scs
__scs_entry_jumppad:
0x0: {  	(pc) =	sbr.rel $0x88, $3  }
0x1: {  	(tag) =	ssettag $0x0;
	lr =	simm.s32 $0x1  }
0x2: {  	[smem:$0x3F7F] =	sst lr;
	_ =	strace $0xD0000000  }
0x3: {  	_ = 	snop  }
0x4: {  	_ = 	snop  }
0x5: {  	_ = 	snop  }
0x6: {  	_ = 	snop  }
0x7: {  	_ = 	snop  }
__scs_overlays_trampoline_lowered:
0x8: {  	[smem:$0x3F8E] =	sst s0  }
0x9: {  	[smem:$0x3F8F] =	sst s1  }
0xa: {  	[smem:$0x3F90] =	sst s2  }
0xb: {  	[smem:$0x3F91] =	sst s3  }
0xc: {  	[smem:$0x3F92] =	sst s4  }
0xd: {  	[smem:$0x3F93] =	sst s5  }
0xe: {  	[smem:$0x3F94] =	sst s6  }
0xf: {  	[smem:$0x3F95] =	sst s7  }
0x10: {  	[smem:$0x3F96] =	sst s8  }
0x11: {  	[smem:$0x3F97] =	sst s9;
	s0 =	simm.s32 @!p0 $0x0  }
0x12: {  	s1 =	sld [smem:$0x3F7D];
	s0 =	simm.s32 @p0 $0x1  }
0x13: {  	[smem:$0x3F98] =	sst s0;
	s0 =	simm.s32 @!p1 $0x0  }
0x14: {  	s2 =	sld [smem:$0x3F7C];
	s0 =	simm.s32 @p1 $0x1  }
0x15: {  	[smem:$0x3F99] =	sst s0;
	s0 =	simm.s32 @!p2 $0x0  }
0x16: {  	s3 =	sld [smem:$0x3FDB];
	s0 =	simm.s32 @p2 $0x1  }
0x17: {  	s4 =	simm.s32 $0x1BF5;
	[smem:$0x3F9B] =	sst s0  }
0x18: {  	s0 =	sld [smem:$0x3F7E];
	_ =	swait.ge [sflag:s4], $0x0  }
0x19: {  	s7 =	sld [smem:$0x3F7F]  }
0x1a: {  	s8 =	sadd.s32 $0xFFFFE003, lr  }
0x1b: {  	s9 =	sadd.s32 $0xFFFFFEF7, lr;
	s5 =	simm.s32 $0xFFFFFFFF;
	p2 =	slt.u32 s8, $0xFFFFF086  }
0x1c: {  	p1 =	slt.u32 s9, $0xF7A;
	s5 =	simm.s32 @!p2 $0x0  }
0x1d: {  	s5 =	simm.s32 @p1 $0x1;
	p0 =	seq.s32 s7, s2  }
0x1e: {  	s7 =	smul.u32 @!p0 $0xF7A, s2;
	p2 =	seq.s32 @!p0 s5, $0x0  }
0x1f: {  	s9 =	smul.u32 $0xF7A, s1;
	s8 =	simm.s32 @!p0 $0x1BF5;
	p2 =	por !p2, p0  }
0x20: {  	[sflag:s8] =	ssyncset.s32 @!p0 $0xFFFFF086;
	s6 =	sadd.s32 @!p0 s3, s7;
	s7 =	simm.s32 @!p0 $0x108  }
0x21: {  	s3 =	sadd.s32 s3, s9;
	s6 =	sadd.s32 @!p0 $0x88, s6;
	s7 =	simm.s32 @p2 $0x1082  }
0x22: {  	[simem:s7], [sflag:s8] =	dma.local @!p0 [hbm:s6], $0xF7A  }
0x23: {  	s9 =	sor.u32 $0xD0000000, s2;
	s6 =	simm.s32 $0x108;
	_ =	swait.ge @!p0 [sflag:s8], $0x0  }
0x24: {  	s3 =	sadd.s32 $0x88, s3;
	s6 =	simm.s32 @!p1 $0x1082;
	[sflag:s4] =	ssyncset.s32 $0xFFFFF086  }
0x25: {  	[simem:s6], [sflag:s4] =	dma.local [hbm:s3], $0xF7A  }
0x26: {  	[smem:$0x3F7F] =	sst s1;
	(tag) =	ssettag s2;
	_ =	strace s9  }
0x27: {  	s1 =	sld [smem:$0x3F8F]  }
0x28: {  	s2 =	sld [smem:$0x3F90]  }
0x29: {  	s4 =	sld [smem:$0x3F92]  }
0x2a: {  	p0 =	seq.s32 s5, $0x0;
	s5 =	sld [smem:$0x3F93]  }
0x2b: {  	s6 =	sld [smem:$0x3F94]  }
0x2c: {  	s7 =	sld [smem:$0x3F95]  }
0x2d: {  	s3 =	simm.s32 $0x108;
	s8 =	sld [smem:$0x3F96]  }
0x2e: {  	s3 =	simm.s32 @!p0 $0x1082;
	s9 =	sld [smem:$0x3F97]  }
0x2f: {  	lr =	sadd.s32 s0, s3;
	s0 =	sld [smem:$0x3F8E]  }
0x30: {  	s3 =	sld [smem:$0x3F91]  }
0x31: {  	[smem:$0x3F9A] =	sst s10  }
0x32: {  	s10 =	sld [smem:$0x3F98];
	_ =	sdelay $0x3  }
0x33: {  	p0 =	seq.s32 s10, $0x1;
	s10 =	sld [smem:$0x3F9A];
	_ =	sdelay $0x3  }
0x34: {  	[smem:$0x3F9A] =	sst s10  }
0x35: {  	s10 =	sld [smem:$0x3F99];
	_ =	sdelay $0x3  }
0x36: {  	p1 =	seq.s32 s10, $0x1;
	s10 =	sld [smem:$0x3F9A];
	_ =	sdelay $0x3  }
0x37: {  	[smem:$0x3F9A] =	sst s10  }
0x38: {  	s10 =	sld [smem:$0x3F9B]  }
0x39: {  	_ = 	snop;
	(pc) =	sbr.ind lr, $3  }
0x3a: {  	_ = 	snop  }
0x3b: {  	_ = 	snop  }
0x3c: {  	p2 =	seq.s32 s10, $0x1;
	s10 =	sld [smem:$0x3F9A]  }
0x3d: {  	_ =	shalt  }
0x3e: {  	_ =	shalt  }
0x3f: {  	_ =	shalt  }
0x40: {  	_ =	shalt  }
0x41: {  	_ =	shalt  }
0x42: {  	_ =	shalt  }
0x43: {  	_ =	shalt  }
0x44: {  	_ =	shalt  }
0x45: {  	_ =	shalt  }
0x46: {  	_ =	shalt  }
0x47: {  	_ =	shalt  }
0x48: {  	_ =	shalt  }
0x49: {  	_ =	shalt  }
0x4a: {  	_ =	shalt  }
0x4b: {  	_ =	shalt  }
0x4c: {  	_ =	shalt  }
0x4d: {  	_ =	shalt  }
0x4e: {  	_ =	shalt  }
0x4f: {  	_ =	shalt  }
0x50: {  	_ =	shalt  }
0x51: {  	_ =	shalt  }
0x52: {  	_ =	shalt  }
0x53: {  	_ =	shalt  }
0x54: {  	_ =	shalt  }
0x55: {  	_ =	shalt  }
0x56: {  	_ =	shalt  }
0x57: {  	_ =	shalt  }
0x58: {  	_ =	shalt  }
0x59: {  	_ =	shalt  }
0x5a: {  	_ =	shalt  }
0x5b: {  	_ =	shalt  }
0x5c: {  	_ =	shalt  }
0x5d: {  	_ =	shalt  }
0x5e: {  	_ =	shalt  }
0x5f: {  	_ =	shalt  }
0x60: {  	_ =	shalt  }
0x61: {  	_ =	shalt  }
0x62: {  	_ =	shalt  }
0x63: {  	_ =	shalt  }
0x64: {  	_ =	shalt  }
0x65: {  	_ =	shalt  }
0x66: {  	_ =	shalt  }
0x67: {  	_ =	shalt  }
0x68: {  	_ =	shalt  }
0x69: {  	_ =	shalt  }
0x6a: {  	_ =	shalt  }
0x6b: {  	_ =	shalt  }
0x6c: {  	_ =	shalt  }
0x6d: {  	_ =	shalt  }
0x6e: {  	_ =	shalt  }
0x6f: {  	_ =	shalt  }
0x70: {  	_ =	shalt  }
0x71: {  	_ =	shalt  }
0x72: {  	_ =	shalt  }
0x73: {  	_ =	shalt  }
0x74: {  	_ =	shalt  }
0x75: {  	_ =	shalt  }
0x76: {  	_ =	shalt  }
0x77: {  	_ =	shalt  }
0x78: {  	_ =	shalt  }
0x79: {  	_ =	shalt  }
0x7a: {  	_ =	shalt  }
0x7b: {  	_ =	shalt  }
0x7c: {  	_ =	shalt  }
0x7d: {  	_ =	shalt  }
0x7e: {  	_ =	shalt  }
0x7f: {  	_ =	shalt  }
0x80: {  	_ =	shalt  }
0x81: {  	_ =	shalt  }
0x82: {  	_ =	shalt  }
0x83: {  	_ =	shalt  }
0x84: {  	_ =	shalt  }
0x85: {  	_ =	shalt  }
0x86: {  	_ =	shalt  }
0x87: {  	_ =	shalt  }
.Lfunc_end0:
.L_simem_size_0:
called_computation_lowered:
.L_overlay_start_0:
0x88: {  	s2 =	sld [smem:$0x3FD9]  }
0x89: {  	s3 =	sld [smem:$0x3FFE];
	_ =	sdelay $0x1  }
0x8a: {  	s1 =	srdreg.scid  }
0x8b: {  	s0 =	sand.u32 $0x1, s1  }
0x8c: {  	s16 =	sshll.u32 s0, $0xA;
	s2 =	sadd.s32 s3, s2  }
0x8d: {  	s2 =	sadd.s32 s2, s16  }
0x8e: {  	[smem:$0x3FA6] =	sst s2  }
0x8f: {  	_ = 	snop  }
0x90: {  	(tm) =	ssettm $0x1  }
0x91: {  	s17 =	sld [smem:$0x3FFB];
	_ =	sdelay $0x3  }
0x92: {  	_ =	strace s17  }
0x93: {  	s2 =	sld [smem:$0x3FFC];
	_ =	sdelay $0x3  }
0x94: {  	_ =	strace s2  }
0x95: {  	s2 =	sld [smem:$0x3FFD];
	_ =	sdelay $0x3  }
0x96: {  	_ =	strace s2  }
0x97: {  	_ =	strace $0x8FFFFFFF  }
0x98: {  	s18 =	sld [smem:$0x3FDB];
	_ =	sdelay $0x1  }
0x99: {  	s19 =	simm.s32 $_scs_section_size  }
0x9a: {  	s4 =	simm.s32 $_size__tile_overlayer_lowered;
	s5 =	simm.s32 $_tile_overlayer_lowered  }
0x9b: {  	s22 =	simm.s32 $0x1BFF;
	s21 =	sshll.u32 s5, $0x1;
	s2 =	sadd.s32 s19, s18  }
0x9c: {  	s6 =	simm.s32 $0x0;
	s20 =	sshll.u32 s4, $0x1;
	s4 =	sadd.s32 s21, s2  }
0x9d: {  	[timem:s6], [sflag:s22] =	dma.local [hbm:s4], s20  }
0x9e: {  	_ =	swait.ge [sflag:s22], s20  }
0x9f: {  	s3 =	ssub.s32 $0x0, s20;
	[sflag:s22] =	ssyncset.done $0x0  }
0xa0: {  	[sflag:s22] =	ssyncadd.s32 s3;
	_ =	sdelay $0x1  }
0xa1: {  	s23 =	simm.s32 $0x1B8B  }
0xa2: {  	_ =	swait.ge [sflag:s23], $0x1  }
0xa3: {  	[sflag:s23] =	ssyncset.done $0x0  }
0xa4: {  	s25 =	simm.s32 $0x1B8E;
	s24 =	sld [smem:$0x3FFE];
	[sflag:s23] =	ssyncadd.s32 $0xFFFFFFFF  }
0xa5: {  	s26 =	simm.s32 $execute0_lowered;
	[smem:$0x3FD2] =	sst s25  }
0xa6: {  	s4 =	sshll.u32 s26, $0x1;
	_ =	strace $0x80000046;
	[dreg:$0x1] =	wrdreg $0xFFFFFFFF  }
0xa7: {  	s28 =	simm.s32 $_size_execute0_lowered;
	s2 =	sadd.s32 s2, s4;
	[dreg:$0x0] =	wrdreg $0x0  }
0xa8: {  	s4 =	sshll.u32 s28, $0x1;
	[dreg:$0x2] =	wrdreg s2  }
0xa9: {  	[dreg:$0x3] =	wrdreg s4  }
0xaa: {  	[dreg:$0x4] =	wrdreg $0xC0  }
0xab: {  	_ =	task [dreg:s6], $0x5FFFF  }
0xac: {  	[dreg:$0x1] =	wrdreg $0xFFFFFFFF  }
0xad: {  	[dreg:$0x0] =	wrdreg $0x60  }
0xae: {  	[dreg:$0x2] =	wrdreg s24  }
0xaf: {  	[dreg:$0x3] =	wrdreg $0x9  }
0xb0: {  	_ =	task.clear_ibuf [dreg:s6], $0x4FFFF;
	_ =	strace $0x90000046  }
0xb1: {  	s29 =	simm.s32 $0x9;
	_ =	strace $0x80000048  }
0xb2: {  	_ =	swait.ge [sflag:s29], $0x1  }
0xb3: {  	[sflag:s29] =	ssyncadd.s32 $0xFFFFFFFF  }
0xb4: {  	_ =	strace $0x90000048  }
0xb5: {  	_ =	sfence  }
0xb6: {  	s30 =	sld [smem:$0x0];
	_ =	sdelay $0x2  }
0xb7: {  	s31 =	sshll.u32 s1, $0xD;
	s1 =	sshrl.u32 s1, $0x2  }
0xb8: {  	s3 =	sand.u32 $0x4000, s31;
	s1 =	sadd.s32 s1, s30  }
0xb9: {  	s0 =	sor.u32 s3, s0;
	s1 =	sshll.u32 s1, $0x11  }
0xba: {  	s0 =	sor.u32 s1, s0  }
0xbb: {  	s0 =	sadd.s32 $0x8F2B, s0  }
0xbc: {  	[sflag:s0] =	ssyncadd.remote.s32 $0x1  }
0xbd: {  	_ =	sfence.sel $0xFFFF  }
0xbe: {  	[dreg:$0x0] =	wrdreg $0xFFFFFFFF;
	(pc) =	sbr.abs _section_cstart, $3  }
0xbf: {  	[dreg:$0x1] =	wrdreg $0xFFFFFFFF  }
0xc0: {  	_ =	task.clear_ibuf [dreg:s6], $0x2FFFF;
	_ =	strace $0x9FFFFFFF  }
0xc1: {  	(tm) =	ssettm $0x7FFFFFFF  }
tec
execute0_lowered:
.L_overlay_start_1:
0x0: {  	(tag) =	ssettag $0x1  }
0x1: {  	s1 =	srdreg.scid;
	s0 =	stileid.u32  }
0x2: {  	s1 =	sand.u32 $0x1, s1;
	s2 =	sshll.u32 s0, $0x1  }
0x3: {  	s4 =	rddreg [dreg:$0x0];
	s3 =	sor.u32 s1, s2;
	s2 =	simm.s32 $0x0  }
0x4: {  	s14 =	simm.s32 $0x1A00;
	[smem:$0x7FF] =	sst s2  }
0x5: {  	s15 =	simm.s32 $0x100;
	_ =	strace $0x80000047;
	[dreg:$0x4] =	wrdreg s14  }
0x6: {  	s16 =	simm.s32 $0x2A00;
	[dreg:$0x5] =	wrdreg s15  }
0x7: {  	s17 =	simm.s32 $0x180;
	[dreg:$0x6] =	wrdreg s16  }
0x8: {  	s18 =	simm.s32 $0x3A00;
	[dreg:$0x7] =	wrdreg s17  }
0x9: {  	s19 =	simm.s32 $0x200;
	[dreg:$0x8] =	wrdreg s18  }
0xa: {  	s20 =	simm.s32 $0x4A00;
	[dreg:$0x9] =	wrdreg s19  }
0xb: {  	s21 =	simm.s32 $0x280;
	[dreg:$0xa] =	wrdreg s20  }
0xc: {  	s22 =	simm.s32 $0x5A00;
	[dreg:$0xb] =	wrdreg s21  }
0xd: {  	s23 =	simm.s32 $0x300;
	[dreg:$0xc] =	wrdreg s22  }
0xe: {  	s24 =	simm.s32 $0x6A00;
	[dreg:$0xd] =	wrdreg s23  }
0xf: {  	s25 =	simm.s32 $0x380;
	s5 =	smul.u32 $0x140, s3;
	[dreg:$0xe] =	wrdreg s24  }
0x10: {  	s26 =	simm.s32 $0x7A00;
	s3 =	smul.u32 $0x2800, s3;
	[dreg:$0xf] =	wrdreg s25  }
0x11: {  	s6 =	simm.s32 $0x400;
	[dreg:$0x10] =	wrdreg s26;
	s5 =	sadd.s32 s5, s4  }
0x12: {  	[dreg:$0x11] =	wrdreg s6;
	s3 =	sadd.s32 s3, s4;
	s5 =	sadd.s32 $0x13800, s5  }
0x13: {  	s3 =	sadd.s32 $0x16000, s3;
	[dreg:$0x2] =	wrdreg s5  }
0x14: {  	[dreg:$0x3] =	wrdreg s3  }
0x15: {  	s3 =	simm.s32 $0x2;
	s5 =	rddreg [dreg:$0x2]  }
0x16: {  	[tilespmem:s2], [sflag:$0x2] =	stream.linear.gather [hbm4b:s5+s2], $0xA00, $0x38;
	[tilespmem:$0x14A00] =	vst v63  }
0x17: {  	_ =	swait.ge [sflag:s3], $0xA00  }
0x18: {  	s7 =	rddreg [dreg:$0x10]  }
0x19: {  	s8 =	rddreg [dreg:$0xe]  }
0x1a: {  	s9 =	rddreg [dreg:$0xc]  }
0x1b: {  	s6 =	simm.s32 $0x80;
	s10 =	rddreg [dreg:$0xa]  }
0x1c: {  	s4 =	sadd.s32 $0x9A00, s4;
	s11 =	rddreg [dreg:$0x5];
	[sflag:s3] =	ssyncset.done $0x0  }
0x1d: {  	s5 =	simm.s32 $0xA00;
	s12 =	rddreg [dreg:$0x4];
	[sflag:s3] =	ssyncadd.s32 $0xFFFFF600  }
0x1e: {  	[tilespmem:s5], [sflag:$0x1] =	stream.indirect.gather [hbm4b:s4+s6], $0x20, s2, s6, $0xb8;
	[tilespmem:$0x14A00] =	vst v63  }
0x1f: {  	s13 =	rddreg [dreg:$0x6]  }
0x20: {  	[tilespmem:s12], [sflag:$0x1] =	stream.indirect.gather [hbm4b:s4+s6], $0x20, s6, s6, $0xb8;
	[tilespmem:$0x14A00] =	vst v63  }
0x21: {  	s14 =	rddreg [dreg:$0x8]  }
0x22: {  	[tilespmem:s13], [sflag:$0x1] =	stream.indirect.gather [hbm4b:s4+s6], $0x20, s11, s6, $0xb8;
	[tilespmem:$0x14A00] =	vst v63  }
0x23: {  	s0 =	rddreg [dreg:$0x7]  }
0x24: {  	[tilespmem:s14], [sflag:$0x1] =	stream.indirect.gather [hbm4b:s4+s6], $0x20, s0, s6, $0xb8;
	[tilespmem:$0x14A00] =	vst v63  }
0x25: {  	s15 =	rddreg [dreg:$0x9]  }
0x26: {  	[tilespmem:s10], [sflag:$0x1] =	stream.indirect.gather [hbm4b:s4+s6], $0x20, s15, s6, $0xb8;
	[tilespmem:$0x14A00] =	vst v63  }
0x27: {  	s16 =	rddreg [dreg:$0xb]  }
0x28: {  	[tilespmem:s9], [sflag:$0x1] =	stream.indirect.gather [hbm4b:s4+s6], $0x20, s16, s6, $0xb8;
	[tilespmem:$0x14A00] =	vst v63  }
0x29: {  	s17 =	rddreg [dreg:$0xd]  }
0x2a: {  	[tilespmem:s8], [sflag:$0x1] =	stream.indirect.gather [hbm4b:s4+s6], $0x20, s17, s6, $0xb8;
	[tilespmem:$0x14A00] =	vst v63  }
0x2b: {  	s18 =	rddreg [dreg:$0xf]  }
0x2c: {  	[tilespmem:s7], [sflag:$0x1] =	stream.indirect.gather [hbm4b:s4+s6], $0x20, s18, s6, $0xb8;
	[tilespmem:$0x14A00] =	vst v63  }
0x2d: {  	s20 =	simm.s32 $0x8A00;
	s19 =	rddreg [dreg:$0x11]  }
0x2e: {  	[tilespmem:s20], [sflag:$0x1] =	stream.indirect.gather [hbm4b:s4+s6], $0x20, s19, s6, $0xb8;
	[tilespmem:$0x14A00] =	vst v63  }
0x2f: {  	s21 =	simm.s32 $0x480;
	s22 =	simm.s32 $0x9A00  }
0x30: {  	[tilespmem:s22], [sflag:$0x1] =	stream.indirect.gather [hbm4b:s4+s6], $0x20, s21, s6, $0xb8;
	[tilespmem:$0x14A00] =	vst v63  }
0x31: {  	s23 =	simm.s32 $0x500;
	s24 =	simm.s32 $0xAA00  }
0x32: {  	[tilespmem:s24], [sflag:$0x1] =	stream.indirect.gather [hbm4b:s4+s6], $0x20, s23, s6, $0xb8;
	[tilespmem:$0x14A00] =	vst v63  }
0x33: {  	s25 =	simm.s32 $0x580;
	s26 =	simm.s32 $0xBA00  }
0x34: {  	[tilespmem:s26], [sflag:$0x1] =	stream.indirect.gather [hbm4b:s4+s6], $0x20, s25, s6, $0xb8;
	[tilespmem:$0x14A00] =	vst v63  }
0x35: {  	s14 =	simm.s32 $0x600;
	s15 =	simm.s32 $0xCA00  }
0x36: {  	[tilespmem:s15], [sflag:$0x1] =	stream.indirect.gather [hbm4b:s4+s6], $0x20, s14, s6, $0xb8;
	[tilespmem:$0x14A00] =	vst v63  }
0x37: {  	s1 =	ssub.s32 $0x2, s1;
	s16 =	simm.s32 $0x680;
	s17 =	simm.s32 $0xDA00  }
0x38: {  	[tilespmem:s17], [sflag:$0x1] =	stream.indirect.gather [hbm4b:s4+s6], $0x20, s16, s6, $0xb8;
	[tilespmem:$0x14A00] =	vst v63  }
0x39: {  	s18 =	simm.s32 $0x700;
	s19 =	simm.s32 $0xEA00;
	s26 =	sshrl.u32 s1, $0x1  }
0x3a: {  	[tilespmem:s19], [sflag:$0x1] =	stream.indirect.gather [hbm4b:s4+s6], $0x20, s18, s6, $0xb8;
	[tilespmem:$0x14A00] =	vst v63  }
0x3b: {  	s20 =	simm.s32 $0x780;
	s21 =	simm.s32 $0xFA00;
	s1 =	ssub.s32 s1, s26  }
0x3c: {  	[tilespmem:s21], [sflag:$0x1] =	stream.indirect.gather [hbm4b:s4+s6], $0x20, s20, s6, $0xb8;
	[tilespmem:$0x14A00] =	vst v63  }
0x3d: {  	s22 =	simm.s32 $0x800;
	s23 =	simm.s32 $0x10A00;
	s1 =	smax.u32 s1, $0x1  }
0x3e: {  	[tilespmem:s23], [sflag:$0x1] =	stream.indirect.gather [hbm4b:s4+s6], $0x20, s22, s6, $0xb8;
	[tilespmem:$0x14A00] =	vst v63  }
0x3f: {  	s24 =	simm.s32 $0x880;
	s25 =	simm.s32 $0x11A00;
	p0 =	sne.s32 s1, $0x1  }
0x40: {  	[tilespmem:s25], [sflag:$0x1] =	stream.indirect.gather [hbm4b:s4+s6], $0x20, s24, s6, $0xb8;
	[tilespmem:$0x14A00] =	vst v63  }
.Ltmp0:
0x41: {  	s28 =	simm.s32 $0x12A00;
	s26 =	simm.s32 $0x900;
	(pc) =	sbr.rel @!p0 .LBB2_2-.Ltmp0, $4  }
0x42: {  	[tilespmem:s28], [sflag:$0x1] =	stream.indirect.gather [hbm4b:s4+s6], $0x20, s26, s6, $0xb8;
	[tilespmem:$0x14A00] =	vst v63  }
0x43: {  	s29 =	simm.s32 $0x980;
	s31 =	simm.s32 $0x13A00;
	s30 =	simm.s32 $0x1  }
0x44: {  	[tilespmem:s31], [sflag:$0x1] =	stream.indirect.gather [hbm4b:s4+s6], $0x20, s29, s6, $0xb8;
	[tilespmem:$0x14A00] =	vst v63  }
0x45: {  	s1 =	sadd.s32 $0xFFFFFFFF, s1;
	_ =	swait.ge [sflag:s30], $0x14000  }
.LBB2_1:
0x46: {  	[sflag:s30] =	ssyncset.done $0x0  }
0x47: {  	s0 =	rddreg [dreg:$0x3];
	[sflag:s30] =	ssyncadd.s32 $0xFFFEC000  }
0x48: {  	[hbm4b:s0+s2] =	stream.linear.scatter [tilespmem:s5], [sflag:$0x2], $0x14000, $0x38;
	[tilespmem:$0x14A00] =	vst v63  }
0x49: {  	_ =	swait.ge [sflag:s3], $0x14000  }
0x4a: {  	[sflag:s3] =	ssyncset.done $0x0  }
0x4b: {  	s11 =	rddreg [dreg:$0x2];
	[sflag:s3] =	ssyncadd.s32 $0xFFFEC000  }
0x4c: {  	[tilespmem:s2], [sflag:$0x2] =	stream.linear.gather [hbm4b:s11+s2], $0xA00, $0x38;
	[tilespmem:$0x14A00] =	vst v63  }
0x4d: {  	_ =	swait.ge [sflag:s3], $0xA00  }
0x4e: {  	s0 =	rddreg [dreg:$0x10]  }
0x4f: {  	s7 =	rddreg [dreg:$0xe]  }
0x50: {  	s8 =	rddreg [dreg:$0xc]  }
0x51: {  	s9 =	rddreg [dreg:$0xa]  }
0x52: {  	s10 =	rddreg [dreg:$0x5];
	[sflag:s3] =	ssyncset.done $0x0  }
0x53: {  	s11 =	rddreg [dreg:$0x4];
	[sflag:s3] =	ssyncadd.s32 $0xFFFFF600  }
0x54: {  	[tilespmem:s5], [sflag:$0x1] =	stream.indirect.gather [hbm4b:s4+s6], $0x20, s2, s6, $0xb8;
	[tilespmem:$0x14A00] =	vst v63  }
0x55: {  	s12 =	rddreg [dreg:$0x6]  }
0x56: {  	[tilespmem:s11], [sflag:$0x1] =	stream.indirect.gather [hbm4b:s4+s6], $0x20, s6, s6, $0xb8;
	[tilespmem:$0x14A00] =	vst v63  }
0x57: {  	s13 =	rddreg [dreg:$0x8]  }
0x58: {  	[tilespmem:s12], [sflag:$0x1] =	stream.indirect.gather [hbm4b:s4+s6], $0x20, s10, s6, $0xb8;
	[tilespmem:$0x14A00] =	vst v63  }
0x59: {  	s11 =	rddreg [dreg:$0x7]  }
0x5a: {  	[tilespmem:s13], [sflag:$0x1] =	stream.indirect.gather [hbm4b:s4+s6], $0x20, s11, s6, $0xb8;
	[tilespmem:$0x14A00] =	vst v63  }
0x5b: {  	s12 =	rddreg [dreg:$0x9]  }
0x5c: {  	[tilespmem:s9], [sflag:$0x1] =	stream.indirect.gather [hbm4b:s4+s6], $0x20, s12, s6, $0xb8;
	[tilespmem:$0x14A00] =	vst v63  }
0x5d: {  	s13 =	rddreg [dreg:$0xb]  }
0x5e: {  	[tilespmem:s8], [sflag:$0x1] =	stream.indirect.gather [hbm4b:s4+s6], $0x20, s13, s6, $0xb8;
	[tilespmem:$0x14A00] =	vst v63  }
0x5f: {  	s10 =	rddreg [dreg:$0xd]  }
0x60: {  	[tilespmem:s7], [sflag:$0x1] =	stream.indirect.gather [hbm4b:s4+s6], $0x20, s10, s6, $0xb8;
	[tilespmem:$0x14A00] =	vst v63  }
0x61: {  	s11 =	rddreg [dreg:$0xf]  }
0x62: {  	[tilespmem:s0], [sflag:$0x1] =	stream.indirect.gather [hbm4b:s4+s6], $0x20, s11, s6, $0xb8;
	[tilespmem:$0x14A00] =	vst v63  }
0x63: {  	s12 =	rddreg [dreg:$0x11];
	s13 =	simm.s32 $0x8A00  }
0x64: {  	[tilespmem:s13], [sflag:$0x1] =	stream.indirect.gather [hbm4b:s4+s6], $0x20, s12, s6, $0xb8;
	[tilespmem:$0x14A00] =	vst v63  }
0x65: {  	s9 =	simm.s32 $0x9A00;
	s8 =	simm.s32 $0x480  }
0x66: {  	[tilespmem:s9], [sflag:$0x1] =	stream.indirect.gather [hbm4b:s4+s6], $0x20, s8, s6, $0xb8;
	[tilespmem:$0x14A00] =	vst v63  }
0x67: {  	s10 =	simm.s32 $0x500;
	s11 =	simm.s32 $0xAA00  }
0x68: {  	[tilespmem:s11], [sflag:$0x1] =	stream.indirect.gather [hbm4b:s4+s6], $0x20, s10, s6, $0xb8;
	[tilespmem:$0x14A00] =	vst v63  }
0x69: {  	s12 =	simm.s32 $0x580;
	s13 =	simm.s32 $0xBA00  }
0x6a: {  	[tilespmem:s13], [sflag:$0x1] =	stream.indirect.gather [hbm4b:s4+s6], $0x20, s12, s6, $0xb8;
	[tilespmem:$0x14A00] =	vst v63  }
0x6b: {  	_ = 	snop  }
0x6c: {  	[tilespmem:s15], [sflag:$0x1] =	stream.indirect.gather [hbm4b:s4+s6], $0x20, s14, s6, $0xb8;
	[tilespmem:$0x14A00] =	vst v63  }
0x6d: {  	_ = 	snop  }
0x6e: {  	[tilespmem:s17], [sflag:$0x1] =	stream.indirect.gather [hbm4b:s4+s6], $0x20, s16, s6, $0xb8;
	[tilespmem:$0x14A00] =	vst v63  }
0x6f: {  	_ = 	snop  }
0x70: {  	[tilespmem:s19], [sflag:$0x1] =	stream.indirect.gather [hbm4b:s4+s6], $0x20, s18, s6, $0xb8;
	[tilespmem:$0x14A00] =	vst v63  }
0x71: {  	_ = 	snop  }
0x72: {  	[tilespmem:s21], [sflag:$0x1] =	stream.indirect.gather [hbm4b:s4+s6], $0x20, s20, s6, $0xb8;
	[tilespmem:$0x14A00] =	vst v63  }
0x73: {  	_ = 	snop  }
0x74: {  	[tilespmem:s23], [sflag:$0x1] =	stream.indirect.gather [hbm4b:s4+s6], $0x20, s22, s6, $0xb8;
	[tilespmem:$0x14A00] =	vst v63  }
0x75: {  	p0 =	sne.s32 s1, $0x1  }
0x76: {  	[tilespmem:s25], [sflag:$0x1] =	stream.indirect.gather [hbm4b:s4+s6], $0x20, s24, s6, $0xb8;
	[tilespmem:$0x14A00] =	vst v63  }
.Ltmp1:
0x77: {  	_ = 	snop;
	(pc) =	sbr.rel @p0 .LBB2_1-.Ltmp1, $4  }
0x78: {  	[tilespmem:s28], [sflag:$0x1] =	stream.indirect.gather [hbm4b:s4+s6], $0x20, s26, s6, $0xb8;
	[tilespmem:$0x14A00] =	vst v63  }
0x79: {  	_ = 	snop  }
0x7a: {  	[tilespmem:s31], [sflag:$0x1] =	stream.indirect.gather [hbm4b:s4+s6], $0x20, s29, s6, $0xb8;
	[tilespmem:$0x14A00] =	vst v63  }
0x7b: {  	s1 =	sadd.s32 $0xFFFFFFFF, s1;
	_ =	swait.ge [sflag:s30], $0x14000  }
.LBB2_2:
0x7c: {  	[sflag:s30] =	ssyncset.done $0x0  }
0x7d: {  	s0 =	rddreg [dreg:$0x3];
	[sflag:s30] =	ssyncadd.s32 $0xFFFEC000  }
0x7e: {  	[hbm4b:s0+s2] =	stream.linear.scatter [tilespmem:s5], [sflag:$0x2], $0x14000, $0x38;
	[tilespmem:$0x14A00] =	vst v63  }
0x7f: {  	_ =	swait.ge [sflag:s3], $0x14000  }
0x80: {  	[sflag:s3] =	ssyncset.done $0x0  }
0x81: {  	[sflag:s3] =	ssyncadd.s32 $0xFFFEC000  }
0x82: {  	_ =	sfence.sel $0x180000  }
0x83: {  	[bflag:$0x0] =	sbarrier.arrive $0xFFFF  }
0x84: {  	_ =	strace $0x90000047  }
0x85: {  	s31 =	stileid.u32;
	[bflag:$0x2] =	sbarrier.arrive $0xFFFF  }
0x86: {  	p0 =	sne.s32 s31, $0x0;
	s0 =	rddreg [dreg:$0x1]  }
0x87: {  	s0 =	sadd.s32 @!p0 $0x100000, s0  }
0x88: {  	[sflag:s0] =	ssyncadd.tile.s32 @!p0 $0x1;
	_ =	shalt  }
.Lfunc_end2:
_tile_overlayer_lowered:
.L_overlay_start_2:
0x89: {  	(tag) =	ssettag $0x2  }
0x8a: {  	s0 =	rddreg [dreg:$0x0];
	s2 =	stileid.u32  }
0x8b: {  	s1 =	rddreg [dreg:$0x1];
	p0 =	sne.s32 s2, $0x0  }
0x8c: {  	s3 =	rddreg [dreg:$0x2];
	[bflag:$0x3] =	sbarrier.arrive $0xFFFF;
	s2 =	simm.s32 @!p0 $0x1C02  }
0x8d: {  	[timem:s3], [sflag:s2] =	dma.local @!p0 [hbm:s0], s1  }
0x8e: {  	s0 =	simm.s32 @!p0 $0x2  }
0x8f: {  	_ =	swait.ge @!p0 [sflag:s0], s1  }
0x90: {  	s1 =	ssub.s32 @!p0 $0x0, s1;
	[sflag:s0] =	ssyncset.done @!p0 $0x0  }
0x91: {  	[sflag:s0] =	ssyncadd.s32 @!p0 s1  }
0x92: {  	[bflag:$0x3] =	sbarrier.arrive $0xFFFF  }
0x93: {  	_ =	shalt  }

// kernel: kernel.22.cloned.1.call-start
scs
__scs_entry_jumppad:
0x0: {  	(pc) =	sbr.rel $0x88, $3  }
0x1: {  	(tag) =	ssettag $0x0;
	lr =	simm.s32 $0x1  }
0x2: {  	[smem:$0x3F7F] =	sst lr;
	_ =	strace $0xD0000000  }
0x3: {  	_ = 	snop  }
0x4: {  	_ = 	snop  }
0x5: {  	_ = 	snop  }
0x6: {  	_ = 	snop  }
0x7: {  	_ = 	snop  }
__scs_overlays_trampoline_lowered:
0x8: {  	[smem:$0x3F8E] =	sst s0  }
0x9: {  	[smem:$0x3F8F] =	sst s1  }
0xa: {  	[smem:$0x3F90] =	sst s2  }
0xb: {  	[smem:$0x3F91] =	sst s3  }
0xc: {  	[smem:$0x3F92] =	sst s4  }
0xd: {  	[smem:$0x3F93] =	sst s5  }
0xe: {  	[smem:$0x3F94] =	sst s6  }
0xf: {  	[smem:$0x3F95] =	sst s7  }
0x10: {  	[smem:$0x3F96] =	sst s8  }
0x11: {  	[smem:$0x3F97] =	sst s9;
	s0 =	simm.s32 @!p0 $0x0  }
0x12: {  	s1 =	sld [smem:$0x3F7D];
	s0 =	simm.s32 @p0 $0x1  }
0x13: {  	[smem:$0x3F98] =	sst s0;
	s0 =	simm.s32 @!p1 $0x0  }
0x14: {  	s2 =	sld [smem:$0x3F7C];
	s0 =	simm.s32 @p1 $0x1  }
0x15: {  	[smem:$0x3F99] =	sst s0;
	s0 =	simm.s32 @!p2 $0x0  }
0x16: {  	s3 =	sld [smem:$0x3FDB];
	s0 =	simm.s32 @p2 $0x1  }
0x17: {  	s4 =	simm.s32 $0x1BF5;
	[smem:$0x3F9B] =	sst s0  }
0x18: {  	s0 =	sld [smem:$0x3F7E];
	_ =	swait.ge [sflag:s4], $0x0  }
0x19: {  	s7 =	sld [smem:$0x3F7F]  }
0x1a: {  	s8 =	sadd.s32 $0xFFFFE003, lr  }
0x1b: {  	s9 =	sadd.s32 $0xFFFFFEF7, lr;
	s5 =	simm.s32 $0xFFFFFFFF;
	p2 =	slt.u32 s8, $0xFFFFF086  }
0x1c: {  	p1 =	slt.u32 s9, $0xF7A;
	s5 =	simm.s32 @!p2 $0x0  }
0x1d: {  	s5 =	simm.s32 @p1 $0x1;
	p0 =	seq.s32 s7, s2  }
0x1e: {  	s7 =	smul.u32 @!p0 $0xF7A, s2;
	p2 =	seq.s32 @!p0 s5, $0x0  }
0x1f: {  	s9 =	smul.u32 $0xF7A, s1;
	s8 =	simm.s32 @!p0 $0x1BF5;
	p2 =	por !p2, p0  }
0x20: {  	[sflag:s8] =	ssyncset.s32 @!p0 $0xFFFFF086;
	s6 =	sadd.s32 @!p0 s3, s7;
	s7 =	simm.s32 @!p0 $0x108  }
0x21: {  	s3 =	sadd.s32 s3, s9;
	s6 =	sadd.s32 @!p0 $0x88, s6;
	s7 =	simm.s32 @p2 $0x1082  }
0x22: {  	[simem:s7], [sflag:s8] =	dma.local @!p0 [hbm:s6], $0xF7A  }
0x23: {  	s9 =	sor.u32 $0xD0000000, s2;
	s6 =	simm.s32 $0x108;
	_ =	swait.ge @!p0 [sflag:s8], $0x0  }
0x24: {  	s3 =	sadd.s32 $0x88, s3;
	s6 =	simm.s32 @!p1 $0x1082;
	[sflag:s4] =	ssyncset.s32 $0xFFFFF086  }
0x25: {  	[simem:s6], [sflag:s4] =	dma.local [hbm:s3], $0xF7A  }
0x26: {  	[smem:$0x3F7F] =	sst s1;
	(tag) =	ssettag s2;
	_ =	strace s9  }
0x27: {  	s1 =	sld [smem:$0x3F8F]  }
0x28: {  	s2 =	sld [smem:$0x3F90]  }
0x29: {  	s4 =	sld [smem:$0x3F92]  }
0x2a: {  	p0 =	seq.s32 s5, $0x0;
	s5 =	sld [smem:$0x3F93]  }
0x2b: {  	s6 =	sld [smem:$0x3F94]  }
0x2c: {  	s7 =	sld [smem:$0x3F95]  }
0x2d: {  	s3 =	simm.s32 $0x108;
	s8 =	sld [smem:$0x3F96]  }
0x2e: {  	s3 =	simm.s32 @!p0 $0x1082;
	s9 =	sld [smem:$0x3F97]  }
0x2f: {  	lr =	sadd.s32 s0, s3;
	s0 =	sld [smem:$0x3F8E]  }
0x30: {  	s3 =	sld [smem:$0x3F91]  }
0x31: {  	[smem:$0x3F9A] =	sst s10  }
0x32: {  	s10 =	sld [smem:$0x3F98];
	_ =	sdelay $0x3  }
0x33: {  	p0 =	seq.s32 s10, $0x1;
	s10 =	sld [smem:$0x3F9A];
	_ =	sdelay $0x3  }
0x34: {  	[smem:$0x3F9A] =	sst s10  }
0x35: {  	s10 =	sld [smem:$0x3F99];
	_ =	sdelay $0x3  }
0x36: {  	p1 =	seq.s32 s10, $0x1;
	s10 =	sld [smem:$0x3F9A];
	_ =	sdelay $0x3  }
0x37: {  	[smem:$0x3F9A] =	sst s10  }
0x38: {  	s10 =	sld [smem:$0x3F9B]  }
0x39: {  	_ = 	snop;
	(pc) =	sbr.ind lr, $3  }
0x3a: {  	_ = 	snop  }
0x3b: {  	_ = 	snop  }
0x3c: {  	p2 =	seq.s32 s10, $0x1;
	s10 =	sld [smem:$0x3F9A]  }
0x3d: {  	_ =	shalt  }
0x3e: {  	_ =	shalt  }
0x3f: {  	_ =	shalt  }
0x40: {  	_ =	shalt  }
0x41: {  	_ =	shalt  }
0x42: {  	_ =	shalt  }
0x43: {  	_ =	shalt  }
0x44: {  	_ =	shalt  }
0x45: {  	_ =	shalt  }
0x46: {  	_ =	shalt  }
0x47: {  	_ =	shalt  }
0x48: {  	_ =	shalt  }
0x49: {  	_ =	shalt  }
0x4a: {  	_ =	shalt  }
0x4b: {  	_ =	shalt  }
0x4c: {  	_ =	shalt  }
0x4d: {  	_ =	shalt  }
0x4e: {  	_ =	shalt  }
0x4f: {  	_ =	shalt  }
0x50: {  	_ =	shalt  }
0x51: {  	_ =	shalt  }
0x52: {  	_ =	shalt  }
0x53: {  	_ =	shalt  }
0x54: {  	_ =	shalt  }
0x55: {  	_ =	shalt  }
0x56: {  	_ =	shalt  }
0x57: {  	_ =	shalt  }
0x58: {  	_ =	shalt  }
0x59: {  	_ =	shalt  }
0x5a: {  	_ =	shalt  }
0x5b: {  	_ =	shalt  }
0x5c: {  	_ =	shalt  }
0x5d: {  	_ =	shalt  }
0x5e: {  	_ =	shalt  }
0x5f: {  	_ =	shalt  }
0x60: {  	_ =	shalt  }
0x61: {  	_ =	shalt  }
0x62: {  	_ =	shalt  }
0x63: {  	_ =	shalt  }
0x64: {  	_ =	shalt  }
0x65: {  	_ =	shalt  }
0x66: {  	_ =	shalt  }
0x67: {  	_ =	shalt  }
0x68: {  	_ =	shalt  }
0x69: {  	_ =	shalt  }
0x6a: {  	_ =	shalt  }
0x6b: {  	_ =	shalt  }
0x6c: {  	_ =	shalt  }
0x6d: {  	_ =	shalt  }
0x6e: {  	_ =	shalt  }
0x6f: {  	_ =	shalt  }
0x70: {  	_ =	shalt  }
0x71: {  	_ =	shalt  }
0x72: {  	_ =	shalt  }
0x73: {  	_ =	shalt  }
0x74: {  	_ =	shalt  }
0x75: {  	_ =	shalt  }
0x76: {  	_ =	shalt  }
0x77: {  	_ =	shalt  }
0x78: {  	_ =	shalt  }
0x79: {  	_ =	shalt  }
0x7a: {  	_ =	shalt  }
0x7b: {  	_ =	shalt  }
0x7c: {  	_ =	shalt  }
0x7d: {  	_ =	shalt  }
0x7e: {  	_ =	shalt  }
0x7f: {  	_ =	shalt  }
0x80: {  	_ =	shalt  }
0x81: {  	_ =	shalt  }
0x82: {  	_ =	shalt  }
0x83: {  	_ =	shalt  }
0x84: {  	_ =	shalt  }
0x85: {  	_ =	shalt  }
0x86: {  	_ =	shalt  }
0x87: {  	_ =	shalt  }
.Lfunc_end0:
.L_simem_size_0:
called_computation.1_lowered:
.L_overlay_start_0:
0x88: {  	s2 =	sld [smem:$0x3FD9]  }
0x89: {  	s3 =	sld [smem:$0x3FFE];
	_ =	sdelay $0x1  }
0x8a: {  	s1 =	srdreg.scid  }
0x8b: {  	s0 =	sand.u32 $0x1, s1  }
0x8c: {  	s16 =	sshll.u32 s0, $0xA;
	s2 =	sadd.s32 s3, s2  }
0x8d: {  	s2 =	sadd.s32 s2, s16  }
0x8e: {  	[smem:$0x3FA6] =	sst s2  }
0x8f: {  	_ = 	snop  }
0x90: {  	(tm) =	ssettm $0x1  }
0x91: {  	s17 =	sld [smem:$0x3FFB];
	_ =	sdelay $0x3  }
0x92: {  	_ =	strace s17  }
0x93: {  	s2 =	sld [smem:$0x3FFC];
	_ =	sdelay $0x3  }
0x94: {  	_ =	strace s2  }
0x95: {  	s2 =	sld [smem:$0x3FFD];
	_ =	sdelay $0x3  }
0x96: {  	_ =	strace s2  }
0x97: {  	_ =	strace $0x8FFFFFFF  }
0x98: {  	s18 =	sld [smem:$0x3FDB];
	_ =	sdelay $0x1  }
0x99: {  	s19 =	simm.s32 $_scs_section_size  }
0x9a: {  	s4 =	simm.s32 $_size__tile_overlayer_lowered;
	s5 =	simm.s32 $_tile_overlayer_lowered  }
0x9b: {  	s22 =	simm.s32 $0x1BFF;
	s21 =	sshll.u32 s5, $0x1;
	s2 =	sadd.s32 s19, s18  }
0x9c: {  	s6 =	simm.s32 $0x0;
	s20 =	sshll.u32 s4, $0x1;
	s4 =	sadd.s32 s21, s2  }
0x9d: {  	[timem:s6], [sflag:s22] =	dma.local [hbm:s4], s20  }
0x9e: {  	_ =	swait.ge [sflag:s22], s20  }
0x9f: {  	s3 =	ssub.s32 $0x0, s20;
	[sflag:s22] =	ssyncset.done $0x0  }
0xa0: {  	[sflag:s22] =	ssyncadd.s32 s3;
	_ =	sdelay $0x1  }
0xa1: {  	s23 =	simm.s32 $0x1B8B  }
0xa2: {  	_ =	swait.ge [sflag:s23], $0x1  }
0xa3: {  	[sflag:s23] =	ssyncset.done $0x0  }
0xa4: {  	s25 =	simm.s32 $0x1B8E;
	s24 =	sld [smem:$0x3FFE];
	[sflag:s23] =	ssyncadd.s32 $0xFFFFFFFF  }
0xa5: {  	s26 =	simm.s32 $execute0_lowered;
	[smem:$0x3FD2] =	sst s25  }
0xa6: {  	s4 =	sshll.u32 s26, $0x1;
	_ =	strace $0x80000049;
	[dreg:$0x1] =	wrdreg $0xFFFFFFFF  }
0xa7: {  	s28 =	simm.s32 $_size_execute0_lowered;
	s2 =	sadd.s32 s2, s4;
	[dreg:$0x0] =	wrdreg $0x0  }
0xa8: {  	s4 =	sshll.u32 s28, $0x1;
	[dreg:$0x2] =	wrdreg s2  }
0xa9: {  	[dreg:$0x3] =	wrdreg s4  }
0xaa: {  	[dreg:$0x4] =	wrdreg $0xC0  }
0xab: {  	_ =	task [dreg:s6], $0x5FFFF  }
0xac: {  	[dreg:$0x1] =	wrdreg $0xFFFFFFFF  }
0xad: {  	[dreg:$0x0] =	wrdreg $0x60  }
0xae: {  	[dreg:$0x2] =	wrdreg s24  }
0xaf: {  	[dreg:$0x3] =	wrdreg $0x14A000  }
0xb0: {  	[dreg:$0x4] =	wrdreg $0x9  }
0xb1: {  	_ =	task.clear_ibuf [dreg:s6], $0x5FFFF;
	_ =	strace $0x90000049  }
0xb2: {  	s29 =	simm.s32 $0x9;
	_ =	strace $0x8000004B  }
0xb3: {  	_ =	swait.ge [sflag:s29], $0x1  }
0xb4: {  	[sflag:s29] =	ssyncadd.s32 $0xFFFFFFFF  }
0xb5: {  	_ =	strace $0x9000004B  }
0xb6: {  	_ =	sfence  }
0xb7: {  	s30 =	sld [smem:$0x0];
	_ =	sdelay $0x2  }
0xb8: {  	s31 =	sshll.u32 s1, $0xD;
	s1 =	sshrl.u32 s1, $0x2  }
0xb9: {  	s3 =	sand.u32 $0x4000, s31;
	s1 =	sadd.s32 s1, s30  }
0xba: {  	s0 =	sor.u32 s3, s0;
	s1 =	sshll.u32 s1, $0x11  }
0xbb: {  	s0 =	sor.u32 s1, s0  }
0xbc: {  	s0 =	sadd.s32 $0x8F2B, s0  }
0xbd: {  	[sflag:s0] =	ssyncadd.remote.s32 $0x1  }
0xbe: {  	_ =	sfence.sel $0xFFFF  }
0xbf: {  	[dreg:$0x0] =	wrdreg $0xFFFFFFFF;
	(pc) =	sbr.abs _section_cstart, $3  }
0xc0: {  	[dreg:$0x1] =	wrdreg $0xFFFFFFFF  }
0xc1: {  	_ =	task.clear_ibuf [dreg:s6], $0x2FFFF;
	_ =	strace $0x9FFFFFFF  }
0xc2: {  	(tm) =	ssettm $0x7FFFFFFF  }
0xc3: {  	_ =	shalt  }
tec
execute0_lowered:
.L_overlay_start_1:
0x0: {  	(tag) =	ssettag $0x1  }
0x1: {  	s1 =	srdreg.scid  }
0x2: {  	s0 =	stileid.u32;
	s5 =	rddreg [dreg:$0x0];
	s3 =	simm.s32 $0x0  }
0x3: {  	s1 =	sand.u32 $0x1, s1;
	s2 =	sshll.u32 s0, $0x1;
	[smem:$0x7FF] =	sst s3  }
0x4: {  	s26 =	simm.s32 $0x1A00;
	s4 =	sor.u32 s1, s2;
	s2 =	rddreg [dreg:$0x1]  }
0x5: {  	s10 =	simm.s32 $0x200;
	_ =	strace $0x8000004A;
	[dreg:$0x7] =	wrdreg s26  }
0x6: {  	s11 =	simm.s32 $0x4A00;
	[dreg:$0xc] =	wrdreg s10  }
0x7: {  	s12 =	simm.s32 $0x280;
	[dreg:$0xd] =	wrdreg s11  }
0x8: {  	s13 =	simm.s32 $0x5A00;
	[dreg:$0xe] =	wrdreg s12  }
0x9: {  	s14 =	simm.s32 $0x300;
	[dreg:$0xf] =	wrdreg s13  }
0xa: {  	s15 =	simm.s32 $0x6A00;
	s16 =	simm.s32 $0x380;
	[dreg:$0x10] =	wrdreg s14  }
0xb: {  	s17 =	simm.s32 $0x7A00;
	s18 =	simm.s32 $0x400;
	[dreg:$0x11] =	wrdreg s15  }
0xc: {  	s21 =	simm.s32 $0x8A00;
	s7 =	smul.u32 $0x4E40, s0;
	[dreg:$0x12] =	wrdreg s16  }
0xd: {  	s23 =	simm.s32 $0x480;
	[dreg:$0x13] =	wrdreg s17;
	s6 =	smul.u32 $0x2800, s4  }
0xe: {  	[dreg:$0x14] =	wrdreg s18;
	s4 =	smul.u32 $0x140, s4;
	s8 =	sshrl.u32 s7, $0x3  }
0xf: {  	s9 =	smul.u32 $0x4E400, s1;
	[dreg:$0x15] =	wrdreg s21;
	s8 =	sadd.s32 s8, s5  }
0x10: {  	[dreg:$0x16] =	wrdreg s23;
	s4 =	sadd.s32 s4, s5;
	s8 =	sadd.s32 $0x9A00, s8  }
0x11: {  	s6 =	sadd.s32 s6, s5;
	[dreg:$0x3] =	wrdreg s8;
	s4 =	sadd.s32 $0x106000, s4  }
0x12: {  	s24 =	sadd.s32 $0x16000, s6;
	[dreg:$0x4] =	wrdreg s4  }
0x13: {  	s9 =	sadd.s32 s7, s9;
	s6 =	simm.s32 $0x2A00;
	[dreg:$0x5] =	wrdreg s24  }
0x14: {  	s9 =	sshrl.u32 s9, $0x3;
	s8 =	simm.s32 $0x180;
	[dreg:$0x9] =	wrdreg s6  }
0x15: {  	s5 =	sadd.s32 s9, s5;
	s9 =	simm.s32 $0x3A00;
	[dreg:$0xa] =	wrdreg s8  }
0x16: {  	s20 =	sshll.u32 s0, $0x6;
	[dreg:$0xb] =	wrdreg s9  }
0x17: {  	s19 =	sadd.s32 s7, s2;
	s25 =	sadd.s32 $0x108800, s5;
	s22 =	rddreg [dreg:$0x3]  }
0x18: {  	s5 =	simm.s32 $0x100;
	s4 =	sor.u32 $0x1C02, s20;
	[dreg:$0x6] =	wrdreg s25  }
0x19: {  	s6 =	sshrl.u32 s19, $0x3;
	[dreg:$0x8] =	wrdreg s5;
	s5 =	simm.s32 $0x2  }
0x1a: {  	[spmem:s6], [sflag:s4] =	dma.local [hbm:s22], $0x9C8  }
0x1b: {  	_ =	swait.ge [sflag:s5], $0x9C8  }
0x1c: {  	[sflag:s5] =	ssyncset.done $0x0  }
0x1d: {  	s24 =	rddreg [dreg:$0x4];
	[sflag:s5] =	ssyncadd.s32 $0xFFFFF638  }
0x1e: {  	[tilespmem:s3], [sflag:$0x2] =	stream.linear.gather [hbm4b:s24+s3], $0xA00, $0x38;
	[tilespmem:$0x19840] =	vst v63  }
0x1f: {  	_ =	swait.ge [sflag:s5], $0xA00  }
0x20: {  	[sflag:s5] =	ssyncset.done $0x0  }
0x21: {  	s7 =	simm.s32 $0xA00;
	s25 =	rddreg [dreg:$0x5];
	[sflag:s5] =	ssyncadd.s32 $0xFFFFF600  }
0x22: {  	[tilespmem:s7], [sflag:$0x2] =	stream.linear.gather [hbm4b:s25+s3], $0x14000, $0x38;
	[tilespmem:$0x19840] =	vst v63  }
0x23: {  	_ =	swait.ge [sflag:s5], $0x14000  }
0x24: {  	[sflag:s5] =	ssyncset.done $0x0  }
0x25: {  	[sflag:s5] =	ssyncadd.s32 $0xFFFEC000  }
0x26: {  	[bflag:$0x0] =	sbarrier.arrive $0xFFFF  }
0x27: {  	s26 =	rddreg [dreg:$0x15]  }
0x28: {  	s10 =	rddreg [dreg:$0x13]  }
0x29: {  	s11 =	rddreg [dreg:$0x11]  }
0x2a: {  	s12 =	rddreg [dreg:$0xf]  }
0x2b: {  	s13 =	rddreg [dreg:$0xd]  }
0x2c: {  	s8 =	simm.s32 $0x80;
	s14 =	rddreg [dreg:$0xb]  }
0x2d: {  	[spmem:s2] =	stream.indirect.scatter.add.f32 [tilespmem:s7], [sflag:$0x1], $0x20, s3, s8, $0xb8;
	[tilespmem:$0x19840] =	vst v63  }
0x2e: {  	s15 =	rddreg [dreg:$0x7]  }
0x2f: {  	s16 =	rddreg [dreg:$0x9]  }
0x30: {  	[spmem:s2] =	stream.indirect.scatter.add.f32 [tilespmem:s15], [sflag:$0x1], $0x20, s8, s8, $0xb8;
	[tilespmem:$0x19840] =	vst v63  }
0x31: {  	s17 =	rddreg [dreg:$0x8]  }
0x32: {  	[spmem:s2] =	stream.indirect.scatter.add.f32 [tilespmem:s16], [sflag:$0x1], $0x20, s17, s8, $0xb8;
	[tilespmem:$0x19840] =	vst v63  }
0x33: {  	s0 =	rddreg [dreg:$0xa]  }
0x34: {  	[spmem:s2] =	stream.indirect.scatter.add.f32 [tilespmem:s14], [sflag:$0x1], $0x20, s0, s8, $0xb8;
	[tilespmem:$0x19840] =	vst v63  }
0x35: {  	s18 =	rddreg [dreg:$0xc]  }
0x36: {  	[spmem:s2] =	stream.indirect.scatter.add.f32 [tilespmem:s13], [sflag:$0x1], $0x20, s18, s8, $0xb8;
	[tilespmem:$0x19840] =	vst v63  }
0x37: {  	s19 =	rddreg [dreg:$0xe]  }
0x38: {  	[spmem:s2] =	stream.indirect.scatter.add.f32 [tilespmem:s12], [sflag:$0x1], $0x20, s19, s8, $0xb8;
	[tilespmem:$0x19840] =	vst v63  }
0x39: {  	s20 =	rddreg [dreg:$0x10]  }
0x3a: {  	[spmem:s2] =	stream.indirect.scatter.add.f32 [tilespmem:s11], [sflag:$0x1], $0x20, s20, s8, $0xb8;
	[tilespmem:$0x19840] =	vst v63  }
0x3b: {  	s21 =	rddreg [dreg:$0x12]  }
0x3c: {  	[spmem:s2] =	stream.indirect.scatter.add.f32 [tilespmem:s10], [sflag:$0x1], $0x20, s21, s8, $0xb8;
	[tilespmem:$0x19840] =	vst v63  }
0x3d: {  	s22 =	rddreg [dreg:$0x14]  }
0x3e: {  	[spmem:s2] =	stream.indirect.scatter.add.f32 [tilespmem:s26], [sflag:$0x1], $0x20, s22, s8, $0xb8;
	[tilespmem:$0x19840] =	vst v63  }
0x3f: {  	s24 =	simm.s32 $0x9A00;
	s23 =	rddreg [dreg:$0x16]  }
0x40: {  	[spmem:s2] =	stream.indirect.scatter.add.f32 [tilespmem:s24], [sflag:$0x1], $0x20, s23, s8, $0xb8;
	[tilespmem:$0x19840] =	vst v63  }
0x41: {  	s25 =	simm.s32 $0x500;
	s26 =	simm.s32 $0xAA00  }
0x42: {  	[spmem:s2] =	stream.indirect.scatter.add.f32 [tilespmem:s26], [sflag:$0x1], $0x20, s25, s8, $0xb8;
	[tilespmem:$0x19840] =	vst v63  }
0x43: {  	s11 =	simm.s32 $0xBA00;
	s10 =	simm.s32 $0x580  }
0x44: {  	[spmem:s2] =	stream.indirect.scatter.add.f32 [tilespmem:s11], [sflag:$0x1], $0x20, s10, s8, $0xb8;
	[tilespmem:$0x19840] =	vst v63  }
0x45: {  	s13 =	simm.s32 $0xCA00;
	s12 =	simm.s32 $0x600  }
0x46: {  	[spmem:s2] =	stream.indirect.scatter.add.f32 [tilespmem:s13], [sflag:$0x1], $0x20, s12, s8, $0xb8;
	[tilespmem:$0x19840] =	vst v63  }
0x47: {  	s15 =	simm.s32 $0xDA00;
	s14 =	simm.s32 $0x680  }
0x48: {  	[spmem:s2] =	stream.indirect.scatter.add.f32 [tilespmem:s15], [sflag:$0x1], $0x20, s14, s8, $0xb8;
	[tilespmem:$0x19840] =	vst v63  }
0x49: {  	s18 =	simm.s32 $0x700;
	s19 =	simm.s32 $0xEA00  }
0x4a: {  	[spmem:s2] =	stream.indirect.scatter.add.f32 [tilespmem:s19], [sflag:$0x1], $0x20, s18, s8, $0xb8;
	[tilespmem:$0x19840] =	vst v63  }
0x4b: {  	s20 =	simm.s32 $0x780;
	s21 =	simm.s32 $0xFA00  }
0x4c: {  	[spmem:s2] =	stream.indirect.scatter.add.f32 [tilespmem:s21], [sflag:$0x1], $0x20, s20, s8, $0xb8;
	[tilespmem:$0x19840] =	vst v63  }
0x4d: {  	s22 =	simm.s32 $0x800;
	s23 =	simm.s32 $0x10A00  }
0x4e: {  	[spmem:s2] =	stream.indirect.scatter.add.f32 [tilespmem:s23], [sflag:$0x1], $0x20, s22, s8, $0xb8;
	[tilespmem:$0x19840] =	vst v63  }
0x4f: {  	s24 =	simm.s32 $0x880;
	s25 =	simm.s32 $0x11A00  }
0x50: {  	[spmem:s2] =	stream.indirect.scatter.add.f32 [tilespmem:s25], [sflag:$0x1], $0x20, s24, s8, $0xb8;
	[tilespmem:$0x19840] =	vst v63  }
0x51: {  	s28 =	simm.s32 $0x12A00;
	s26 =	simm.s32 $0x900  }
0x52: {  	[spmem:s2] =	stream.indirect.scatter.add.f32 [tilespmem:s28], [sflag:$0x1], $0x20, s26, s8, $0xb8;
	[tilespmem:$0x19840] =	vst v63  }
0x53: {  	s29 =	simm.s32 $0x980;
	s30 =	simm.s32 $0x13A00;
	s31 =	simm.s32 $0x1  }
0x54: {  	[spmem:s2] =	stream.indirect.scatter.add.f32 [tilespmem:s30], [sflag:$0x1], $0x20, s29, s8, $0xb8;
	[tilespmem:$0x19840] =	vst v63  }
0x55: {  	_ =	swait.ge [sflag:s31], $0x1000  }
0x56: {  	[sflag:s31] =	ssyncset.done $0x0  }
0x57: {  	[sflag:s31] =	ssyncadd.s32 $0xFFFFF000  }
0x58: {  	_ =	swait.ge [sflag:s31], $0x1000  }
0x59: {  	[sflag:s31] =	ssyncset.done $0x0  }
0x5a: {  	[sflag:s31] =	ssyncadd.s32 $0xFFFFF000  }
0x5b: {  	_ =	swait.ge [sflag:s31], $0x1000  }
0x5c: {  	[sflag:s31] =	ssyncset.done $0x0  }
0x5d: {  	[sflag:s31] =	ssyncadd.s32 $0xFFFFF000  }
0x5e: {  	_ =	swait.ge [sflag:s31], $0x1000  }
0x5f: {  	[sflag:s31] =	ssyncset.done $0x0  }
0x60: {  	[sflag:s31] =	ssyncadd.s32 $0xFFFFF000  }
0x61: {  	_ =	swait.ge [sflag:s31], $0x1000  }
0x62: {  	[sflag:s31] =	ssyncset.done $0x0  }
0x63: {  	[sflag:s31] =	ssyncadd.s32 $0xFFFFF000  }
0x64: {  	_ =	swait.ge [sflag:s31], $0x1000  }
0x65: {  	[sflag:s31] =	ssyncset.done $0x0  }
0x66: {  	[sflag:s31] =	ssyncadd.s32 $0xFFFFF000  }
0x67: {  	_ =	swait.ge [sflag:s31], $0x1000  }
0x68: {  	[sflag:s31] =	ssyncset.done $0x0  }
0x69: {  	[sflag:s31] =	ssyncadd.s32 $0xFFFFF000  }
0x6a: {  	_ =	swait.ge [sflag:s31], $0x1000  }
0x6b: {  	[sflag:s31] =	ssyncset.done $0x0  }
0x6c: {  	[sflag:s31] =	ssyncadd.s32 $0xFFFFF000  }
0x6d: {  	_ =	swait.ge [sflag:s31], $0x1000  }
0x6e: {  	[sflag:s31] =	ssyncset.done $0x0  }
0x6f: {  	[sflag:s31] =	ssyncadd.s32 $0xFFFFF000  }
0x70: {  	_ =	swait.ge [sflag:s31], $0x1000  }
0x71: {  	[sflag:s31] =	ssyncset.done $0x0  }
0x72: {  	[sflag:s31] =	ssyncadd.s32 $0xFFFFF000  }
0x73: {  	_ =	swait.ge [sflag:s31], $0x1000  }
0x74: {  	[sflag:s31] =	ssyncset.done $0x0  }
0x75: {  	[sflag:s31] =	ssyncadd.s32 $0xFFFFF000  }
0x76: {  	_ =	swait.ge [sflag:s31], $0x1000  }
0x77: {  	[sflag:s31] =	ssyncset.done $0x0  }
0x78: {  	[sflag:s31] =	ssyncadd.s32 $0xFFFFF000  }
0x79: {  	_ =	swait.ge [sflag:s31], $0x1000  }
0x7a: {  	[sflag:s31] =	ssyncset.done $0x0  }
0x7b: {  	[sflag:s31] =	ssyncadd.s32 $0xFFFFF000  }
0x7c: {  	_ =	swait.ge [sflag:s31], $0x1000  }
0x7d: {  	[sflag:s31] =	ssyncset.done $0x0  }
0x7e: {  	[sflag:s31] =	ssyncadd.s32 $0xFFFFF000  }
0x7f: {  	_ =	swait.ge [sflag:s31], $0x1000  }
0x80: {  	[sflag:s31] =	ssyncset.done $0x0  }
0x81: {  	[sflag:s31] =	ssyncadd.s32 $0xFFFFF000  }
0x82: {  	_ =	swait.ge [sflag:s31], $0x1000  }
0x83: {  	[sflag:s31] =	ssyncset.done $0x0  }
0x84: {  	[sflag:s31] =	ssyncadd.s32 $0xFFFFF000  }
0x85: {  	_ =	swait.ge [sflag:s31], $0x1000  }
0x86: {  	s1 =	ssub.s32 $0x2, s1;
	[sflag:s31] =	ssyncset.done $0x0  }
0x87: {  	s16 =	sshrl.u32 s1, $0x1;
	[sflag:s31] =	ssyncadd.s32 $0xFFFFF000  }
0x88: {  	s0 =	ssub.s32 s1, s16;
	_ =	swait.ge [sflag:s31], $0x1000  }
0x89: {  	s0 =	smax.u32 s0, $0x1;
	[sflag:s31] =	ssyncset.done $0x0  }
0x8a: {  	p0 =	sne.s32 s0, $0x1;
	[sflag:s31] =	ssyncadd.s32 $0xFFFFF000  }
.Ltmp0:
0x8b: {  	_ =	swait.ge [sflag:s31], $0x1000;
	(pc) =	sbr.rel @!p0 .LBB2_2-.Ltmp0, $4  }
0x8c: {  	[sflag:s31] =	ssyncset.done $0x0  }
0x8d: {  	[sflag:s31] =	ssyncadd.s32 $0xFFFFF000  }
0x8e: {  	_ =	swait.ge [sflag:s31], $0x1000  }
0x8f: {  	s17 =	simm.s32 $0xDA00;
	s1 =	sadd.s32 $0xFFFFFFFF, s0;
	[sflag:s31] =	ssyncset.done $0x0  }
.LBB2_1:
0x90: {  	[sflag:s31] =	ssyncadd.s32 $0xFFFFF000  }
0x91: {  	[bflag:$0x0] =	sbarrier.arrive $0xFFFF  }
0x92: {  	s0 =	rddreg [dreg:$0x6]  }
0x93: {  	[hbm:s0], [sflag:s4] =	dma.local [spmem:s6], $0x9C8  }
0x94: {  	_ =	swait.ge [sflag:s5], $0x9C8  }
0x95: {  	[sflag:s5] =	ssyncset.done $0x0  }
0x96: {  	s13 =	rddreg [dreg:$0x3];
	[sflag:s5] =	ssyncadd.s32 $0xFFFFF638  }
0x97: {  	[spmem:s6], [sflag:s4] =	dma.local [hbm:s13], $0x9C8  }
0x98: {  	_ =	swait.ge [sflag:s5], $0x9C8  }
0x99: {  	[sflag:s5] =	ssyncset.done $0x0  }
0x9a: {  	s14 =	rddreg [dreg:$0x4];
	[sflag:s5] =	ssyncadd.s32 $0xFFFFF638  }
0x9b: {  	[tilespmem:s3], [sflag:$0x2] =	stream.linear.gather [hbm4b:s14+s3], $0xA00, $0x38;
	[tilespmem:$0x19840] =	vst v63  }
0x9c: {  	_ =	swait.ge [sflag:s5], $0xA00  }
0x9d: {  	[sflag:s5] =	ssyncset.done $0x0  }
0x9e: {  	s15 =	rddreg [dreg:$0x5];
	[sflag:s5] =	ssyncadd.s32 $0xFFFFF600  }
0x9f: {  	[tilespmem:s7], [sflag:$0x2] =	stream.linear.gather [hbm4b:s15+s3], $0x14000, $0x38;
	[tilespmem:$0x19840] =	vst v63  }
0xa0: {  	_ =	swait.ge [sflag:s5], $0x14000  }
0xa1: {  	[sflag:s5] =	ssyncset.done $0x0  }
0xa2: {  	[sflag:s5] =	ssyncadd.s32 $0xFFFEC000  }
0xa3: {  	[bflag:$0x0] =	sbarrier.arrive $0xFFFF  }
0xa4: {  	s0 =	rddreg [dreg:$0x15]  }
0xa5: {  	s9 =	rddreg [dreg:$0x13]  }
0xa6: {  	s10 =	rddreg [dreg:$0x11]  }
0xa7: {  	s11 =	rddreg [dreg:$0xf]  }
0xa8: {  	s12 =	rddreg [dreg:$0xd]  }
0xa9: {  	s13 =	rddreg [dreg:$0xb]  }
0xaa: {  	[spmem:s2] =	stream.indirect.scatter.add.f32 [tilespmem:s7], [sflag:$0x1], $0x20, s3, s8, $0xb8;
	[tilespmem:$0x19840] =	vst v63  }
0xab: {  	s14 =	rddreg [dreg:$0x7]  }
0xac: {  	s15 =	rddreg [dreg:$0x9]  }
0xad: {  	[spmem:s2] =	stream.indirect.scatter.add.f32 [tilespmem:s14], [sflag:$0x1], $0x20, s8, s8, $0xb8;
	[tilespmem:$0x19840] =	vst v63  }
0xae: {  	s16 =	rddreg [dreg:$0x8]  }
0xaf: {  	[spmem:s2] =	stream.indirect.scatter.add.f32 [tilespmem:s15], [sflag:$0x1], $0x20, s16, s8, $0xb8;
	[tilespmem:$0x19840] =	vst v63  }
0xb0: {  	s14 =	rddreg [dreg:$0xa]  }
0xb1: {  	[spmem:s2] =	stream.indirect.scatter.add.f32 [tilespmem:s13], [sflag:$0x1], $0x20, s14, s8, $0xb8;
	[tilespmem:$0x19840] =	vst v63  }
0xb2: {  	s16 =	rddreg [dreg:$0xc]  }
0xb3: {  	[spmem:s2] =	stream.indirect.scatter.add.f32 [tilespmem:s12], [sflag:$0x1], $0x20, s16, s8, $0xb8;
	[tilespmem:$0x19840] =	vst v63  }
0xb4: {  	s14 =	rddreg [dreg:$0xe]  }
0xb5: {  	[spmem:s2] =	stream.indirect.scatter.add.f32 [tilespmem:s11], [sflag:$0x1], $0x20, s14, s8, $0xb8;
	[tilespmem:$0x19840] =	vst v63  }
0xb6: {  	s16 =	rddreg [dreg:$0x10]  }
0xb7: {  	[spmem:s2] =	stream.indirect.scatter.add.f32 [tilespmem:s10], [sflag:$0x1], $0x20, s16, s8, $0xb8;
	[tilespmem:$0x19840] =	vst v63  }
0xb8: {  	s13 =	rddreg [dreg:$0x12]  }
0xb9: {  	[spmem:s2] =	stream.indirect.scatter.add.f32 [tilespmem:s9], [sflag:$0x1], $0x20, s13, s8, $0xb8;
	[tilespmem:$0x19840] =	vst v63  }
0xba: {  	s14 =	rddreg [dreg:$0x14]  }
0xbb: {  	[spmem:s2] =	stream.indirect.scatter.add.f32 [tilespmem:s0], [sflag:$0x1], $0x20, s14, s8, $0xb8;
	[tilespmem:$0x19840] =	vst v63  }
0xbc: {  	s15 =	rddreg [dreg:$0x16];
	s16 =	simm.s32 $0x9A00  }
0xbd: {  	[spmem:s2] =	stream.indirect.scatter.add.f32 [tilespmem:s16], [sflag:$0x1], $0x20, s15, s8, $0xb8;
	[tilespmem:$0x19840] =	vst v63  }
0xbe: {  	s11 =	simm.s32 $0xAA00;
	s10 =	simm.s32 $0x500  }
0xbf: {  	[spmem:s2] =	stream.indirect.scatter.add.f32 [tilespmem:s11], [sflag:$0x1], $0x20, s10, s8, $0xb8;
	[tilespmem:$0x19840] =	vst v63  }
0xc0: {  	s12 =	simm.s32 $0x580;
	s13 =	simm.s32 $0xBA00  }
0xc1: {  	[spmem:s2] =	stream.indirect.scatter.add.f32 [tilespmem:s13], [sflag:$0x1], $0x20, s12, s8, $0xb8;
	[tilespmem:$0x19840] =	vst v63  }
0xc2: {  	s14 =	simm.s32 $0x600;
	s15 =	simm.s32 $0xCA00  }
0xc3: {  	[spmem:s2] =	stream.indirect.scatter.add.f32 [tilespmem:s15], [sflag:$0x1], $0x20, s14, s8, $0xb8;
	[tilespmem:$0x19840] =	vst v63  }
0xc4: {  	s16 =	simm.s32 $0x680  }
0xc5: {  	[spmem:s2] =	stream.indirect.scatter.add.f32 [tilespmem:s17], [sflag:$0x1], $0x20, s16, s8, $0xb8;
	[tilespmem:$0x19840] =	vst v63  }
0xc6: {  	_ = 	snop  }
0xc7: {  	[spmem:s2] =	stream.indirect.scatter.add.f32 [tilespmem:s19], [sflag:$0x1], $0x20, s18, s8, $0xb8;
	[tilespmem:$0x19840] =	vst v63  }
0xc8: {  	_ = 	snop  }
0xc9: {  	[spmem:s2] =	stream.indirect.scatter.add.f32 [tilespmem:s21], [sflag:$0x1], $0x20, s20, s8, $0xb8;
	[tilespmem:$0x19840] =	vst v63  }
0xca: {  	_ = 	snop  }
0xcb: {  	[spmem:s2] =	stream.indirect.scatter.add.f32 [tilespmem:s23], [sflag:$0x1], $0x20, s22, s8, $0xb8;
	[tilespmem:$0x19840] =	vst v63  }
0xcc: {  	_ = 	snop  }
0xcd: {  	[spmem:s2] =	stream.indirect.scatter.add.f32 [tilespmem:s25], [sflag:$0x1], $0x20, s24, s8, $0xb8;
	[tilespmem:$0x19840] =	vst v63  }
0xce: {  	_ = 	snop  }
0xcf: {  	[spmem:s2] =	stream.indirect.scatter.add.f32 [tilespmem:s28], [sflag:$0x1], $0x20, s26, s8, $0xb8;
	[tilespmem:$0x19840] =	vst v63  }
0xd0: {  	_ = 	snop  }
0xd1: {  	[spmem:s2] =	stream.indirect.scatter.add.f32 [tilespmem:s30], [sflag:$0x1], $0x20, s29, s8, $0xb8;
	[tilespmem:$0x19840] =	vst v63  }
0xd2: {  	_ =	swait.ge [sflag:s31], $0x1000  }
0xd3: {  	[sflag:s31] =	ssyncset.done $0x0  }
0xd4: {  	[sflag:s31] =	ssyncadd.s32 $0xFFFFF000  }
0xd5: {  	_ =	swait.ge [sflag:s31], $0x1000  }
0xd6: {  	[sflag:s31] =	ssyncset.done $0x0  }
0xd7: {  	[sflag:s31] =	ssyncadd.s32 $0xFFFFF000  }
0xd8: {  	_ =	swait.ge [sflag:s31], $0x1000  }
0xd9: {  	[sflag:s31] =	ssyncset.done $0x0  }
0xda: {  	[sflag:s31] =	ssyncadd.s32 $0xFFFFF000  }
0xdb: {  	_ =	swait.ge [sflag:s31], $0x1000  }
0xdc: {  	[sflag:s31] =	ssyncset.done $0x0  }
0xdd: {  	[sflag:s31] =	ssyncadd.s32 $0xFFFFF000  }
0xde: {  	_ =	swait.ge [sflag:s31], $0x1000  }
0xdf: {  	[sflag:s31] =	ssyncset.done $0x0  }
0xe0: {  	[sflag:s31] =	ssyncadd.s32 $0xFFFFF000  }
0xe1: {  	_ =	swait.ge [sflag:s31], $0x1000  }
0xe2: {  	[sflag:s31] =	ssyncset.done $0x0  }
0xe3: {  	[sflag:s31] =	ssyncadd.s32 $0xFFFFF000  }
0xe4: {  	_ =	swait.ge [sflag:s31], $0x1000  }
0xe5: {  	[sflag:s31] =	ssyncset.done $0x0  }
0xe6: {  	[sflag:s31] =	ssyncadd.s32 $0xFFFFF000  }
0xe7: {  	_ =	swait.ge [sflag:s31], $0x1000  }
0xe8: {  	[sflag:s31] =	ssyncset.done $0x0  }
0xe9: {  	[sflag:s31] =	ssyncadd.s32 $0xFFFFF000  }
0xea: {  	_ =	swait.ge [sflag:s31], $0x1000  }
0xeb: {  	[sflag:s31] =	ssyncset.done $0x0  }
0xec: {  	[sflag:s31] =	ssyncadd.s32 $0xFFFFF000  }
0xed: {  	_ =	swait.ge [sflag:s31], $0x1000  }
0xee: {  	[sflag:s31] =	ssyncset.done $0x0  }
0xef: {  	[sflag:s31] =	ssyncadd.s32 $0xFFFFF000  }
0xf0: {  	_ =	swait.ge [sflag:s31], $0x1000  }
0xf1: {  	[sflag:s31] =	ssyncset.done $0x0  }
0xf2: {  	[sflag:s31] =	ssyncadd.s32 $0xFFFFF000  }
0xf3: {  	_ =	swait.ge [sflag:s31], $0x1000  }
0xf4: {  	[sflag:s31] =	ssyncset.done $0x0  }
0xf5: {  	[sflag:s31] =	ssyncadd.s32 $0xFFFFF000  }
0xf6: {  	_ =	swait.ge [sflag:s31], $0x1000  }
0xf7: {  	[sflag:s31] =	ssyncset.done $0x0  }
0xf8: {  	[sflag:s31] =	ssyncadd.s32 $0xFFFFF000  }
0xf9: {  	_ =	swait.ge [sflag:s31], $0x1000  }
0xfa: {  	[sflag:s31] =	ssyncset.done $0x0  }
0xfb: {  	[sflag:s31] =	ssyncadd.s32 $0xFFFFF000  }
0xfc: {  	_ =	swait.ge [sflag:s31], $0x1000  }
0xfd: {  	[sflag:s31] =	ssyncset.done $0x0  }
0xfe: {  	[sflag:s31] =	ssyncadd.s32 $0xFFFFF000  }
0xff: {  	_ =	swait.ge [sflag:s31], $0x1000  }
0x100: {  	[sflag:s31] =	ssyncset.done $0x0  }
0x101: {  	[sflag:s31] =	ssyncadd.s32 $0xFFFFF000  }
0x102: {  	_ =	swait.ge [sflag:s31], $0x1000  }
0x103: {  	[sflag:s31] =	ssyncset.done $0x0  }
0x104: {  	[sflag:s31] =	ssyncadd.s32 $0xFFFFF000  }
0x105: {  	_ =	swait.ge [sflag:s31], $0x1000  }
0x106: {  	[sflag:s31] =	ssyncset.done $0x0  }
0x107: {  	p0 =	sne.s32 s1, $0x1;
	[sflag:s31] =	ssyncadd.s32 $0xFFFFF000  }
.Ltmp1:
0x108: {  	_ =	swait.ge [sflag:s31], $0x1000;
	(pc) =	sbr.rel @p0 .LBB2_1-.Ltmp1, $4  }
0x109: {  	[sflag:s31] =	ssyncset.done $0x0  }
0x10a: {  	[sflag:s31] =	ssyncadd.s32 $0xFFFFF000  }
0x10b: {  	_ =	swait.ge [sflag:s31], $0x1000  }
0x10c: {  	s1 =	sadd.s32 $0xFFFFFFFF, s1;
	[sflag:s31] =	ssyncset.done $0x0  }
.LBB2_2:
0x10d: {  	[sflag:s31] =	ssyncadd.s32 $0xFFFFF000  }
0x10e: {  	[bflag:$0x0] =	sbarrier.arrive $0xFFFF  }
0x10f: {  	s0 =	rddreg [dreg:$0x6]  }
0x110: {  	[hbm:s0], [sflag:s4] =	dma.local [spmem:s6], $0x9C8  }
0x111: {  	_ =	swait.ge [sflag:s5], $0x9C8  }
0x112: {  	[sflag:s5] =	ssyncset.done $0x0  }
0x113: {  	[sflag:s5] =	ssyncadd.s32 $0xFFFFF638  }
0x114: {  	_ =	sfence.sel $0x180000  }
0x115: {  	[bflag:$0x0] =	sbarrier.arrive $0xFFFF  }
0x116: {  	_ =	strace $0x9000004A  }
0x117: {  	s31 =	stileid.u32;
	[bflag:$0x2] =	sbarrier.arrive $0xFFFF  }
0x118: {  	p0 =	sne.s32 s31, $0x0;
	s0 =	rddreg [dreg:$0x2]  }
0x119: {  	s0 =	sadd.s32 @!p0 $0x100000, s0  }
0x11a: {  	[sflag:s0] =	ssyncadd.tile.s32 @!p0 $0x1;
	_ =	shalt  }
.Lfunc_end2:
_tile_overlayer_lowered:
.L_overlay_start_2:
0x11b: {  	(tag) =	ssettag $0x2  }
0x11c: {  	s0 =	rddreg [dreg:$0x0];
	s2 =	stileid.u32  }
0x11d: {  	s1 =	rddreg [dreg:$0x1];
	p0 =	sne.s32 s2, $0x0  }
0x11e: {  	s3 =	rddreg [dreg:$0x2];
	[bflag:$0x3] =	sbarrier.arrive $0xFFFF;
	s2 =	simm.s32 @!p0 $0x1C02  }
0x11f: {  	[timem:s3], [sflag:s2] =	dma.local @!p0 [hbm:s0], s1  }
0x120: {  	s0 =	simm.s32 @!p0 $0x2  }
0x121: {  	_ =	swait.ge @!p0 [sflag:s0], s1  }
0x122: {  	s1 =	ssub.s32 @!p0 $0x0, s1;
	[sflag:s0] =	ssyncset.done @!p0 $0x0  }
0x123: {  	[sflag:s0] =	ssyncadd.s32 @!p0 s1  }
0x124: {  	[bflag:$0x3] =	sbarrier.arrive $0xFFFF  }
0x125: {  	_ =	shalt  }

// kernel: kernel.25.cloned.1.call-start
scs
__scs_entry_jumppad:
0x0: {  	(pc) =	sbr.rel $0x88, $3  }
0x1: {  	(tag) =	ssettag $0x0;
	lr =	simm.s32 $0x1  }
0x2: {  	[smem:$0x3F7F] =	sst lr;
	_ =	strace $0xD0000000  }
0x3: {  	_ = 	snop  }
0x4: {  	_ = 	snop  }
0x5: {  	_ = 	snop  }
0x6: {  	_ = 	snop  }
0x7: {  	_ = 	snop  }
__scs_overlays_trampoline_lowered:
0x8: {  	[smem:$0x3F8E] =	sst s0  }
0x9: {  	[smem:$0x3F8F] =	sst s1  }
0xa: {  	[smem:$0x3F90] =	sst s2  }
0xb: {  	[smem:$0x3F91] =	sst s3  }
0xc: {  	[smem:$0x3F92] =	sst s4  }
0xd: {  	[smem:$0x3F93] =	sst s5  }
0xe: {  	[smem:$0x3F94] =	sst s6  }
0xf: {  	[smem:$0x3F95] =	sst s7  }
0x10: {  	[smem:$0x3F96] =	sst s8  }
0x11: {  	[smem:$0x3F97] =	sst s9;
	s0 =	simm.s32 @!p0 $0x0  }
0x12: {  	s1 =	sld [smem:$0x3F7D];
	s0 =	simm.s32 @p0 $0x1  }
0x13: {  	[smem:$0x3F98] =	sst s0;
	s0 =	simm.s32 @!p1 $0x0  }
0x14: {  	s2 =	sld [smem:$0x3F7C];
	s0 =	simm.s32 @p1 $0x1  }
0x15: {  	[smem:$0x3F99] =	sst s0;
	s0 =	simm.s32 @!p2 $0x0  }
0x16: {  	s3 =	sld [smem:$0x3FDB];
	s0 =	simm.s32 @p2 $0x1  }
0x17: {  	s4 =	simm.s32 $0x1BF5;
	[smem:$0x3F9B] =	sst s0  }
0x18: {  	s0 =	sld [smem:$0x3F7E];
	_ =	swait.ge [sflag:s4], $0x0  }
0x19: {  	s7 =	sld [smem:$0x3F7F]  }
0x1a: {  	s8 =	sadd.s32 $0xFFFFE003, lr  }
0x1b: {  	s9 =	sadd.s32 $0xFFFFFEF7, lr;
	s5 =	simm.s32 $0xFFFFFFFF;
	p2 =	slt.u32 s8, $0xFFFFF086  }
0x1c: {  	p1 =	slt.u32 s9, $0xF7A;
	s5 =	simm.s32 @!p2 $0x0  }
0x1d: {  	s5 =	simm.s32 @p1 $0x1;
	p0 =	seq.s32 s7, s2  }
0x1e: {  	s7 =	smul.u32 @!p0 $0xF7A, s2;
	p2 =	seq.s32 @!p0 s5, $0x0  }
0x1f: {  	s9 =	smul.u32 $0xF7A, s1;
	s8 =	simm.s32 @!p0 $0x1BF5;
	p2 =	por !p2, p0  }
0x20: {  	[sflag:s8] =	ssyncset.s32 @!p0 $0xFFFFF086;
	s6 =	sadd.s32 @!p0 s3, s7;
	s7 =	simm.s32 @!p0 $0x108  }
0x21: {  	s3 =	sadd.s32 s3, s9;
	s6 =	sadd.s32 @!p0 $0x88, s6;
	s7 =	simm.s32 @p2 $0x1082  }
0x22: {  	[simem:s7], [sflag:s8] =	dma.local @!p0 [hbm:s6], $0xF7A  }
0x23: {  	s9 =	sor.u32 $0xD0000000, s2;
	s6 =	simm.s32 $0x108;
	_ =	swait.ge @!p0 [sflag:s8], $0x0  }
0x24: {  	s3 =	sadd.s32 $0x88, s3;
	s6 =	simm.s32 @!p1 $0x1082;
	[sflag:s4] =	ssyncset.s32 $0xFFFFF086  }
0x25: {  	[simem:s6], [sflag:s4] =	dma.local [hbm:s3], $0xF7A  }
0x26: {  	[smem:$0x3F7F] =	sst s1;
	(tag) =	ssettag s2;
	_ =	strace s9  }
0x27: {  	s1 =	sld [smem:$0x3F8F]  }
0x28: {  	s2 =	sld [smem:$0x3F90]  }
0x29: {  	s4 =	sld [smem:$0x3F92]  }
0x2a: {  	p0 =	seq.s32 s5, $0x0;
	s5 =	sld [smem:$0x3F93]  }
0x2b: {  	s6 =	sld [smem:$0x3F94]  }
0x2c: {  	s7 =	sld [smem:$0x3F95]  }
0x2d: {  	s3 =	simm.s32 $0x108;
	s8 =	sld [smem:$0x3F96]  }
0x2e: {  	s3 =	simm.s32 @!p0 $0x1082;
	s9 =	sld [smem:$0x3F97]  }
0x2f: {  	lr =	sadd.s32 s0, s3;
	s0 =	sld [smem:$0x3F8E]  }
0x30: {  	s3 =	sld [smem:$0x3F91]  }
0x31: {  	[smem:$0x3F9A] =	sst s10  }
0x32: {  	s10 =	sld [smem:$0x3F98];
	_ =	sdelay $0x3  }
0x33: {  	p0 =	seq.s32 s10, $0x1;
	s10 =	sld [smem:$0x3F9A];
	_ =	sdelay $0x3  }
0x34: {  	[smem:$0x3F9A] =	sst s10  }
0x35: {  	s10 =	sld [smem:$0x3F99];
	_ =	sdelay $0x3  }
0x36: {  	p1 =	seq.s32 s10, $0x1;
	s10 =	sld [smem:$0x3F9A];
	_ =	sdelay $0x3  }
0x37: {  	[smem:$0x3F9A] =	sst s10  }
0x38: {  	s10 =	sld [smem:$0x3F9B]  }
0x39: {  	_ = 	snop;
	(pc) =	sbr.ind lr, $3  }
0x3a: {  	_ = 	snop  }
0x3b: {  	_ = 	snop  }
0x3c: {  	p2 =	seq.s32 s10, $0x1;
	s10 =	sld [smem:$0x3F9A]  }
0x3d: {  	_ =	shalt  }
0x3e: {  	_ =	shalt  }
0x3f: {  	_ =	shalt  }
0x40: {  	_ =	shalt  }
0x41: {  	_ =	shalt  }
0x42: {  	_ =	shalt  }
0x43: {  	_ =	shalt  }
0x44: {  	_ =	shalt  }
0x45: {  	_ =	shalt  }
0x46: {  	_ =	shalt  }
0x47: {  	_ =	shalt  }
0x48: {  	_ =	shalt  }
0x49: {  	_ =	shalt  }
0x4a: {  	_ =	shalt  }
0x4b: {  	_ =	shalt  }
0x4c: {  	_ =	shalt  }
0x4d: {  	_ =	shalt  }
0x4e: {  	_ =	shalt  }
0x4f: {  	_ =	shalt  }
0x50: {  	_ =	shalt  }
0x51: {  	_ =	shalt  }
0x52: {  	_ =	shalt  }
0x53: {  	_ =	shalt  }
0x54: {  	_ =	shalt  }
0x55: {  	_ =	shalt  }
0x56: {  	_ =	shalt  }
0x57: {  	_ =	shalt  }
0x58: {  	_ =	shalt  }
0x59: {  	_ =	shalt  }
0x5a: {  	_ =	shalt  }
0x5b: {  	_ =	shalt  }
0x5c: {  	_ =	shalt  }
0x5d: {  	_ =	shalt  }
0x5e: {  	_ =	shalt  }
0x5f: {  	_ =	shalt  }
0x60: {  	_ =	shalt  }
0x61: {  	_ =	shalt  }
0x62: {  	_ =	shalt  }
0x63: {  	_ =	shalt  }
0x64: {  	_ =	shalt  }
0x65: {  	_ =	shalt  }
0x66: {  	_ =	shalt  }
0x67: {  	_ =	shalt  }
0x68: {  	_ =	shalt  }
0x69: {  	_ =	shalt  }
0x6a: {  	_ =	shalt  }
0x6b: {  	_ =	shalt  }
0x6c: {  	_ =	shalt  }
0x6d: {  	_ =	shalt  }
0x6e: {  	_ =	shalt  }
0x6f: {  	_ =	shalt  }
0x70: {  	_ =	shalt  }
0x71: {  	_ =	shalt  }
0x72: {  	_ =	shalt  }
0x73: {  	_ =	shalt  }
0x74: {  	_ =	shalt  }
0x75: {  	_ =	shalt  }
0x76: {  	_ =	shalt  }
0x77: {  	_ =	shalt  }
0x78: {  	_ =	shalt  }
0x79: {  	_ =	shalt  }
0x7a: {  	_ =	shalt  }
0x7b: {  	_ =	shalt  }
0x7c: {  	_ =	shalt  }
0x7d: {  	_ =	shalt  }
0x7e: {  	_ =	shalt  }
0x7f: {  	_ =	shalt  }
0x80: {  	_ =	shalt  }
0x81: {  	_ =	shalt  }
0x82: {  	_ =	shalt  }
0x83: {  	_ =	shalt  }
0x84: {  	_ =	shalt  }
0x85: {  	_ =	shalt  }
0x86: {  	_ =	shalt  }
0x87: {  	_ =	shalt  }
.Lfunc_end0:
.L_simem_size_0:
called_computation.2_lowered:
.L_overlay_start_0:
0x88: {  	s2 =	sld [smem:$0x3FD9]  }
0x89: {  	s3 =	sld [smem:$0x3FFE];
	_ =	sdelay $0x1  }
0x8a: {  	s1 =	srdreg.scid  }
0x8b: {  	s0 =	sand.u32 $0x1, s1  }
0x8c: {  	s16 =	sshll.u32 s0, $0xA;
	s2 =	sadd.s32 s3, s2  }
0x8d: {  	s2 =	sadd.s32 s2, s16  }
0x8e: {  	[smem:$0x3FA6] =	sst s2  }
0x8f: {  	_ = 	snop  }
0x90: {  	(tm) =	ssettm $0x1  }
0x91: {  	s17 =	sld [smem:$0x3FFB];
	_ =	sdelay $0x3  }
0x92: {  	_ =	strace s17  }
0x93: {  	s2 =	sld [smem:$0x3FFC];
	_ =	sdelay $0x3  }
0x94: {  	_ =	strace s2  }
0x95: {  	s2 =	sld [smem:$0x3FFD];
	_ =	sdelay $0x3  }
0x96: {  	_ =	strace s2  }
0x97: {  	_ =	strace $0x8FFFFFFF  }
0x98: {  	s18 =	sld [smem:$0x3FDB];
	_ =	sdelay $0x1  }
0x99: {  	s19 =	simm.s32 $_scs_section_size  }
0x9a: {  	s4 =	simm.s32 $_size__tile_overlayer_lowered;
	s5 =	simm.s32 $_tile_overlayer_lowered  }
0x9b: {  	s22 =	simm.s32 $0x1BFF;
	s21 =	sshll.u32 s5, $0x1;
	s2 =	sadd.s32 s19, s18  }
0x9c: {  	s6 =	simm.s32 $0x0;
	s20 =	sshll.u32 s4, $0x1;
	s4 =	sadd.s32 s21, s2  }
0x9d: {  	[timem:s6], [sflag:s22] =	dma.local [hbm:s4], s20  }
0x9e: {  	_ =	swait.ge [sflag:s22], s20  }
0x9f: {  	s3 =	ssub.s32 $0x0, s20;
	[sflag:s22] =	ssyncset.done $0x0  }
0xa0: {  	[sflag:s22] =	ssyncadd.s32 s3;
	_ =	sdelay $0x1  }
0xa1: {  	s23 =	simm.s32 $0x1B8B  }
0xa2: {  	_ =	swait.ge [sflag:s23], $0x1  }
0xa3: {  	[sflag:s23] =	ssyncset.done $0x0  }
0xa4: {  	s25 =	simm.s32 $0x1B8E;
	s24 =	sld [smem:$0x3FFE];
	[sflag:s23] =	ssyncadd.s32 $0xFFFFFFFF  }
0xa5: {  	s26 =	simm.s32 $execute0_lowered;
	[smem:$0x3FD2] =	sst s25  }
0xa6: {  	s4 =	sshll.u32 s26, $0x1;
	_ =	strace $0x8000004C;
	[dreg:$0x1] =	wrdreg $0xFFFFFFFF  }
0xa7: {  	s28 =	simm.s32 $_size_execute0_lowered;
	s2 =	sadd.s32 s2, s4;
	[dreg:$0x0] =	wrdreg $0x0  }
0xa8: {  	s4 =	sshll.u32 s28, $0x1;
	[dreg:$0x2] =	wrdreg s2  }
0xa9: {  	[dreg:$0x3] =	wrdreg s4  }
0xaa: {  	[dreg:$0x4] =	wrdreg $0xC0  }
0xab: {  	_ =	task [dreg:s6], $0x5FFFF  }
0xac: {  	[dreg:$0x1] =	wrdreg $0xFFFFFFFF  }
0xad: {  	[dreg:$0x0] =	wrdreg $0x60  }
0xae: {  	[dreg:$0x2] =	wrdreg s24  }
0xaf: {  	[dreg:$0x3] =	wrdreg $0x9  }
0xb0: {  	_ =	task.clear_ibuf [dreg:s6], $0x4FFFF;
	_ =	strace $0x9000004C  }
0xb1: {  	s29 =	simm.s32 $0x9;
	_ =	strace $0x8000004E  }
0xb2: {  	_ =	swait.ge [sflag:s29], $0x1  }
0xb3: {  	[sflag:s29] =	ssyncadd.s32 $0xFFFFFFFF  }
0xb4: {  	_ =	strace $0x9000004E  }
0xb5: {  	_ =	sfence  }
0xb6: {  	s30 =	sld [smem:$0x0];
	_ =	sdelay $0x2  }
0xb7: {  	s31 =	sshll.u32 s1, $0xD;
	s1 =	sshrl.u32 s1, $0x2  }
0xb8: {  	s3 =	sand.u32 $0x4000, s31;
	s1 =	sadd.s32 s1, s30  }
0xb9: {  	s0 =	sor.u32 s3, s0;
	s1 =	sshll.u32 s1, $0x11  }
0xba: {  	s0 =	sor.u32 s1, s0  }
0xbb: {  	s0 =	sadd.s32 $0x8F2B, s0  }
0xbc: {  	[sflag:s0] =	ssyncadd.remote.s32 $0x1  }
0xbd: {  	_ =	sfence.sel $0xFFFF  }
0xbe: {  	[dreg:$0x0] =	wrdreg $0xFFFFFFFF;
	(pc) =	sbr.abs _section_cstart, $3  }
0xbf: {  	[dreg:$0x1] =	wrdreg $0xFFFFFFFF  }
0xc0: {  	_ =	task.clear_ibuf [dreg:s6], $0x2FFFF;
	_ =	strace $0x9FFFFFFF  }
0xc1: {  	(tm) =	ssettm $0x7FFFFFFF  }
tec
execute0_lowered:
.L_overlay_start_1:
0x0: {  	(tag) =	ssettag $0x1  }
0x1: {  	s1 =	srdreg.scid;
	s0 =	stileid.u32  }
0x2: {  	s1 =	sand.u32 $0x1, s1;
	s2 =	sshll.u32 s0, $0x1  }
0x3: {  	s4 =	rddreg [dreg:$0x0];
	s3 =	sor.u32 s1, s2;
	s2 =	simm.s32 $0x0  }
0x4: {  	s14 =	simm.s32 $0x1A00;
	[smem:$0x7FF] =	sst s2  }
0x5: {  	s15 =	simm.s32 $0x100;
	_ =	strace $0x8000004D;
	[dreg:$0x4] =	wrdreg s14  }
0x6: {  	s16 =	simm.s32 $0x2A00;
	[dreg:$0x5] =	wrdreg s15  }
0x7: {  	s17 =	simm.s32 $0x180;
	[dreg:$0x6] =	wrdreg s16  }
0x8: {  	s18 =	simm.s32 $0x3A00;
	[dreg:$0x7] =	wrdreg s17  }
0x9: {  	s19 =	simm.s32 $0x200;
	[dreg:$0x8] =	wrdreg s18  }
0xa: {  	s20 =	simm.s32 $0x4A00;
	[dreg:$0x9] =	wrdreg s19  }
0xb: {  	s21 =	simm.s32 $0x280;
	[dreg:$0xa] =	wrdreg s20  }
0xc: {  	s22 =	simm.s32 $0x5A00;
	[dreg:$0xb] =	wrdreg s21  }
0xd: {  	s23 =	simm.s32 $0x300;
	[dreg:$0xc] =	wrdreg s22  }
0xe: {  	s24 =	simm.s32 $0x6A00;
	[dreg:$0xd] =	wrdreg s23  }
0xf: {  	s25 =	simm.s32 $0x380;
	s5 =	smul.u32 $0x140, s3;
	[dreg:$0xe] =	wrdreg s24  }
0x10: {  	s26 =	simm.s32 $0x7A00;
	s3 =	smul.u32 $0x2800, s3;
	[dreg:$0xf] =	wrdreg s25  }
0x11: {  	s6 =	simm.s32 $0x400;
	[dreg:$0x10] =	wrdreg s26;
	s5 =	sadd.s32 s5, s4  }
0x12: {  	[dreg:$0x11] =	wrdreg s6;
	s3 =	sadd.s32 s3, s4;
	s5 =	sadd.s32 $0x13800, s5  }
0x13: {  	s3 =	sadd.s32 $0x108800, s3;
	[dreg:$0x2] =	wrdreg s5  }
0x14: {  	[dreg:$0x3] =	wrdreg s3  }
0x15: {  	s3 =	simm.s32 $0x2;
	s5 =	rddreg [dreg:$0x2]  }
0x16: {  	[tilespmem:s2], [sflag:$0x2] =	stream.linear.gather [hbm4b:s5+s2], $0xA00, $0x38;
	[tilespmem:$0x14A00] =	vst v63  }
0x17: {  	_ =	swait.ge [sflag:s3], $0xA00  }
0x18: {  	s7 =	rddreg [dreg:$0x10]  }
0x19: {  	s8 =	rddreg [dreg:$0xe]  }
0x1a: {  	s9 =	rddreg [dreg:$0xc]  }
0x1b: {  	s6 =	simm.s32 $0x80;
	s10 =	rddreg [dreg:$0xa]  }
0x1c: {  	s4 =	sadd.s32 $0x16000, s4;
	s11 =	rddreg [dreg:$0x5];
	[sflag:s3] =	ssyncset.done $0x0  }
0x1d: {  	s5 =	simm.s32 $0xA00;
	s12 =	rddreg [dreg:$0x4];
	[sflag:s3] =	ssyncadd.s32 $0xFFFFF600  }
0x1e: {  	[tilespmem:s5], [sflag:$0x1] =	stream.indirect.gather [hbm4b:s4+s6], $0x20, s2, s6, $0xb8;
	[tilespmem:$0x14A00] =	vst v63  }
0x1f: {  	s13 =	rddreg [dreg:$0x6]  }
0x20: {  	[tilespmem:s12], [sflag:$0x1] =	stream.indirect.gather [hbm4b:s4+s6], $0x20, s6, s6, $0xb8;
	[tilespmem:$0x14A00] =	vst v63  }
0x21: {  	s14 =	rddreg [dreg:$0x8]  }
0x22: {  	[tilespmem:s13], [sflag:$0x1] =	stream.indirect.gather [hbm4b:s4+s6], $0x20, s11, s6, $0xb8;
	[tilespmem:$0x14A00] =	vst v63  }
0x23: {  	s0 =	rddreg [dreg:$0x7]  }
0x24: {  	[tilespmem:s14], [sflag:$0x1] =	stream.indirect.gather [hbm4b:s4+s6], $0x20, s0, s6, $0xb8;
	[tilespmem:$0x14A00] =	vst v63  }
0x25: {  	s15 =	rddreg [dreg:$0x9]  }
0x26: {  	[tilespmem:s10], [sflag:$0x1] =	stream.indirect.gather [hbm4b:s4+s6], $0x20, s15, s6, $0xb8;
	[tilespmem:$0x14A00] =	vst v63  }
0x27: {  	s16 =	rddreg [dreg:$0xb]  }
0x28: {  	[tilespmem:s9], [sflag:$0x1] =	stream.indirect.gather [hbm4b:s4+s6], $0x20, s16, s6, $0xb8;
	[tilespmem:$0x14A00] =	vst v63  }
0x29: {  	s17 =	rddreg [dreg:$0xd]  }
0x2a: {  	[tilespmem:s8], [sflag:$0x1] =	stream.indirect.gather [hbm4b:s4+s6], $0x20, s17, s6, $0xb8;
	[tilespmem:$0x14A00] =	vst v63  }
0x2b: {  	s18 =	rddreg [dreg:$0xf]  }
0x2c: {  	[tilespmem:s7], [sflag:$0x1] =	stream.indirect.gather [hbm4b:s4+s6], $0x20, s18, s6, $0xb8;
	[tilespmem:$0x14A00] =	vst v63  }
0x2d: {  	s20 =	simm.s32 $0x8A00;
	s19 =	rddreg [dreg:$0x11]  }
0x2e: {  	[tilespmem:s20], [sflag:$0x1] =	stream.indirect.gather [hbm4b:s4+s6], $0x20, s19, s6, $0xb8;
	[tilespmem:$0x14A00] =	vst v63  }
0x2f: {  	s21 =	simm.s32 $0x480;
	s22 =	simm.s32 $0x9A00  }
0x30: {  	[tilespmem:s22], [sflag:$0x1] =	stream.indirect.gather [hbm4b:s4+s6], $0x20, s21, s6, $0xb8;
	[tilespmem:$0x14A00] =	vst v63  }
0x31: {  	s23 =	simm.s32 $0x500;
	s24 =	simm.s32 $0xAA00  }
0x32: {  	[tilespmem:s24], [sflag:$0x1] =	stream.indirect.gather [hbm4b:s4+s6], $0x20, s23, s6, $0xb8;
	[tilespmem:$0x14A00] =	vst v63  }
0x33: {  	s25 =	simm.s32 $0x580;
	s26 =	simm.s32 $0xBA00  }
0x34: {  	[tilespmem:s26], [sflag:$0x1] =	stream.indirect.gather [hbm4b:s4+s6], $0x20, s25, s6, $0xb8;
	[tilespmem:$0x14A00] =	vst v63  }
0x35: {  	s14 =	simm.s32 $0x600;
	s15 =	simm.s32 $0xCA00  }
0x36: {  	[tilespmem:s15], [sflag:$0x1] =	stream.indirect.gather [hbm4b:s4+s6], $0x20, s14, s6, $0xb8;
	[tilespmem:$0x14A00] =	vst v63  }
0x37: {  	s1 =	ssub.s32 $0x2, s1;
	s16 =	simm.s32 $0x680;
	s17 =	simm.s32 $0xDA00  }
0x38: {  	[tilespmem:s17], [sflag:$0x1] =	stream.indirect.gather [hbm4b:s4+s6], $0x20, s16, s6, $0xb8;
	[tilespmem:$0x14A00] =	vst v63  }
0x39: {  	s18 =	simm.s32 $0x700;
	s19 =	simm.s32 $0xEA00;
	s26 =	sshrl.u32 s1, $0x1  }
0x3a: {  	[tilespmem:s19], [sflag:$0x1] =	stream.indirect.gather [hbm4b:s4+s6], $0x20, s18, s6, $0xb8;
	[tilespmem:$0x14A00] =	vst v63  }
0x3b: {  	s20 =	simm.s32 $0x780;
	s21 =	simm.s32 $0xFA00;
	s1 =	ssub.s32 s1, s26  }
0x3c: {  	[tilespmem:s21], [sflag:$0x1] =	stream.indirect.gather [hbm4b:s4+s6], $0x20, s20, s6, $0xb8;
	[tilespmem:$0x14A00] =	vst v63  }
0x3d: {  	s22 =	simm.s32 $0x800;
	s23 =	simm.s32 $0x10A00;
	s1 =	smax.u32 s1, $0x1  }
0x3e: {  	[tilespmem:s23], [sflag:$0x1] =	stream.indirect.gather [hbm4b:s4+s6], $0x20, s22, s6, $0xb8;
	[tilespmem:$0x14A00] =	vst v63  }
0x3f: {  	s24 =	simm.s32 $0x880;
	s25 =	simm.s32 $0x11A00;
	p0 =	sne.s32 s1, $0x1  }
0x40: {  	[tilespmem:s25], [sflag:$0x1] =	stream.indirect.gather [hbm4b:s4+s6], $0x20, s24, s6, $0xb8;
	[tilespmem:$0x14A00] =	vst v63  }
.Ltmp0:
0x41: {  	s28 =	simm.s32 $0x12A00;
	s26 =	simm.s32 $0x900;
	(pc) =	sbr.rel @!p0 .LBB2_2-.Ltmp0, $4  }
0x42: {  	[tilespmem:s28], [sflag:$0x1] =	stream.indirect.gather [hbm4b:s4+s6], $0x20, s26, s6, $0xb8;
	[tilespmem:$0x14A00] =	vst v63  }
0x43: {  	s29 =	simm.s32 $0x980;
	s31 =	simm.s32 $0x13A00;
	s30 =	simm.s32 $0x1  }
0x44: {  	[tilespmem:s31], [sflag:$0x1] =	stream.indirect.gather [hbm4b:s4+s6], $0x20, s29, s6, $0xb8;
	[tilespmem:$0x14A00] =	vst v63  }
0x45: {  	s1 =	sadd.s32 $0xFFFFFFFF, s1;
	_ =	swait.ge [sflag:s30], $0x14000  }
.LBB2_1:
0x46: {  	[sflag:s30] =	ssyncset.done $0x0  }
0x47: {  	s0 =	rddreg [dreg:$0x3];
	[sflag:s30] =	ssyncadd.s32 $0xFFFEC000  }
0x48: {  	[hbm4b:s0+s2] =	stream.linear.scatter [tilespmem:s5], [sflag:$0x2], $0x14000, $0x38;
	[tilespmem:$0x14A00] =	vst v63  }
0x49: {  	_ =	swait.ge [sflag:s3], $0x14000  }
0x4a: {  	[sflag:s3] =	ssyncset.done $0x0  }
0x4b: {  	s11 =	rddreg [dreg:$0x2];
	[sflag:s3] =	ssyncadd.s32 $0xFFFEC000  }
0x4c: {  	[tilespmem:s2], [sflag:$0x2] =	stream.linear.gather [hbm4b:s11+s2], $0xA00, $0x38;
	[tilespmem:$0x14A00] =	vst v63  }
0x4d: {  	_ =	swait.ge [sflag:s3], $0xA00  }
0x4e: {  	s0 =	rddreg [dreg:$0x10]  }
0x4f: {  	s7 =	rddreg [dreg:$0xe]  }
0x50: {  	s8 =	rddreg [dreg:$0xc]  }
0x51: {  	s9 =	rddreg [dreg:$0xa]  }
0x52: {  	s10 =	rddreg [dreg:$0x5];
	[sflag:s3] =	ssyncset.done $0x0  }
0x53: {  	s11 =	rddreg [dreg:$0x4];
	[sflag:s3] =	ssyncadd.s32 $0xFFFFF600  }
0x54: {  	[tilespmem:s5], [sflag:$0x1] =	stream.indirect.gather [hbm4b:s4+s6], $0x20, s2, s6, $0xb8;
	[tilespmem:$0x14A00] =	vst v63  }
0x55: {  	s12 =	rddreg [dreg:$0x6]  }
0x56: {  	[tilespmem:s11], [sflag:$0x1] =	stream.indirect.gather [hbm4b:s4+s6], $0x20, s6, s6, $0xb8;
	[tilespmem:$0x14A00] =	vst v63  }
0x57: {  	s13 =	rddreg [dreg:$0x8]  }
0x58: {  	[tilespmem:s12], [sflag:$0x1] =	stream.indirect.gather [hbm4b:s4+s6], $0x20, s10, s6, $0xb8;
	[tilespmem:$0x14A00] =	vst v63  }
0x59: {  	s11 =	rddreg [dreg:$0x7]  }
0x5a: {  	[tilespmem:s13], [sflag:$0x1] =	stream.indirect.gather [hbm4b:s4+s6], $0x20, s11, s6, $0xb8;
	[tilespmem:$0x14A00] =	vst v63  }
0x5b: {  	s12 =	rddreg [dreg:$0x9]  }
0x5c: {  	[tilespmem:s9], [sflag:$0x1] =	stream.indirect.gather [hbm4b:s4+s6], $0x20, s12, s6, $0xb8;
	[tilespmem:$0x14A00] =	vst v63  }
0x5d: {  	s13 =	rddreg [dreg:$0xb]  }
0x5e: {  	[tilespmem:s8], [sflag:$0x1] =	stream.indirect.gather [hbm4b:s4+s6], $0x20, s13, s6, $0xb8;
	[tilespmem:$0x14A00] =	vst v63  }
0x5f: {  	s10 =	rddreg [dreg:$0xd]  }
0x60: {  	[tilespmem:s7], [sflag:$0x1] =	stream.indirect.gather [hbm4b:s4+s6], $0x20, s10, s6, $0xb8;
	[tilespmem:$0x14A00] =	vst v63  }
0x61: {  	s11 =	rddreg [dreg:$0xf]  }
0x62: {  	[tilespmem:s0], [sflag:$0x1] =	stream.indirect.gather [hbm4b:s4+s6], $0x20, s11, s6, $0xb8;
	[tilespmem:$0x14A00] =	vst v63  }
0x63: {  	s12 =	rddreg [dreg:$0x11];
	s13 =	simm.s32 $0x8A00  }
0x64: {  	[tilespmem:s13], [sflag:$0x1] =	stream.indirect.gather [hbm4b:s4+s6], $0x20, s12, s6, $0xb8;
	[tilespmem:$0x14A00] =	vst v63  }
0x65: {  	s9 =	simm.s32 $0x9A00;
	s8 =	simm.s32 $0x480  }
0x66: {  	[tilespmem:s9], [sflag:$0x1] =	stream.indirect.gather [hbm4b:s4+s6], $0x20, s8, s6, $0xb8;
	[tilespmem:$0x14A00] =	vst v63  }
0x67: {  	s10 =	simm.s32 $0x500;
	s11 =	simm.s32 $0xAA00  }
0x68: {  	[tilespmem:s11], [sflag:$0x1] =	stream.indirect.gather [hbm4b:s4+s6], $0x20, s10, s6, $0xb8;
	[tilespmem:$0x14A00] =	vst v63  }
0x69: {  	s12 =	simm.s32 $0x580;
	s13 =	simm.s32 $0xBA00  }
0x6a: {  	[tilespmem:s13], [sflag:$0x1] =	stream.indirect.gather [hbm4b:s4+s6], $0x20, s12, s6, $0xb8;
	[tilespmem:$0x14A00] =	vst v63  }
0x6b: {  	_ = 	snop  }
0x6c: {  	[tilespmem:s15], [sflag:$0x1] =	stream.indirect.gather [hbm4b:s4+s6], $0x20, s14, s6, $0xb8;
	[tilespmem:$0x14A00] =	vst v63  }
0x6d: {  	_ = 	snop  }
0x6e: {  	[tilespmem:s17], [sflag:$0x1] =	stream.indirect.gather [hbm4b:s4+s6], $0x20, s16, s6, $0xb8;
	[tilespmem:$0x14A00] =	vst v63  }
0x6f: {  	_ = 	snop  }
0x70: {  	[tilespmem:s19], [sflag:$0x1] =	stream.indirect.gather [hbm4b:s4+s6], $0x20, s18, s6, $0xb8;
	[tilespmem:$0x14A00] =	vst v63  }
0x71: {  	_ = 	snop  }
0x72: {  	[tilespmem:s21], [sflag:$0x1] =	stream.indirect.gather [hbm4b:s4+s6], $0x20, s20, s6, $0xb8;
	[tilespmem:$0x14A00] =	vst v63  }
0x73: {  	_ = 	snop  }
0x74: {  	[tilespmem:s23], [sflag:$0x1] =	stream.indirect.gather [hbm4b:s4+s6], $0x20, s22, s6, $0xb8;
	[tilespmem:$0x14A00] =	vst v63  }
0x75: {  	p0 =	sne.s32 s1, $0x1  }
0x76: {  	[tilespmem:s25], [sflag:$0x1] =	stream.indirect.gather [hbm4b:s4+s6], $0x20, s24, s6, $0xb8;
	[tilespmem:$0x14A00] =	vst v63  }
.Ltmp1:
0x77: {  	_ = 	snop;
	(pc) =	sbr.rel @p0 .LBB2_1-.Ltmp1, $4  }
0x78: {  	[tilespmem:s28], [sflag:$0x1] =	stream.indirect.gather [hbm4b:s4+s6], $0x20, s26, s6, $0xb8;
	[tilespmem:$0x14A00] =	vst v63  }
0x79: {  	_ = 	snop  }
0x7a: {  	[tilespmem:s31], [sflag:$0x1] =	stream.indirect.gather [hbm4b:s4+s6], $0x20, s29, s6, $0xb8;
	[tilespmem:$0x14A00] =	vst v63  }
0x7b: {  	s1 =	sadd.s32 $0xFFFFFFFF, s1;
	_ =	swait.ge [sflag:s30], $0x14000  }
.LBB2_2:
0x7c: {  	[sflag:s30] =	ssyncset.done $0x0  }
0x7d: {  	s0 =	rddreg [dreg:$0x3];
	[sflag:s30] =	ssyncadd.s32 $0xFFFEC000  }
0x7e: {  	[hbm4b:s0+s2] =	stream.linear.scatter [tilespmem:s5], [sflag:$0x2], $0x14000, $0x38;
	[tilespmem:$0x14A00] =	vst v63  }
0x7f: {  	_ =	swait.ge [sflag:s3], $0x14000  }
0x80: {  	[sflag:s3] =	ssyncset.done $0x0  }
0x81: {  	[sflag:s3] =	ssyncadd.s32 $0xFFFEC000  }
0x82: {  	_ =	sfence.sel $0x180000  }
0x83: {  	[bflag:$0x0] =	sbarrier.arrive $0xFFFF  }
0x84: {  	_ =	strace $0x9000004D  }
0x85: {  	s31 =	stileid.u32;
	[bflag:$0x2] =	sbarrier.arrive $0xFFFF  }
0x86: {  	p0 =	sne.s32 s31, $0x0;
	s0 =	rddreg [dreg:$0x1]  }
0x87: {  	s0 =	sadd.s32 @!p0 $0x100000, s0  }
0x88: {  	[sflag:s0] =	ssyncadd.tile.s32 @!p0 $0x1;
	_ =	shalt  }
.Lfunc_end2:
_tile_overlayer_lowered:
.L_overlay_start_2:
0x89: {  	(tag) =	ssettag $0x2  }
0x8a: {  	s0 =	rddreg [dreg:$0x0];
	s2 =	stileid.u32  }
0x8b: {  	s1 =	rddreg [dreg:$0x1];
	p0 =	sne.s32 s2, $0x0  }
0x8c: {  	s3 =	rddreg [dreg:$0x2];
	[bflag:$0x3] =	sbarrier.arrive $0xFFFF;
	s2 =	simm.s32 @!p0 $0x1C02  }
0x8d: {  	[timem:s3], [sflag:s2] =	dma.local @!p0 [hbm:s0], s1  }
0x8e: {  	s0 =	simm.s32 @!p0 $0x2  }
0x8f: {  	_ =	swait.ge @!p0 [sflag:s0], s1  }
0x90: {  	s1 =	ssub.s32 @!p0 $0x0, s1;
	[sflag:s0] =	ssyncset.done @!p0 $0x0  }
0x91: {  	[sflag:s0] =	ssyncadd.s32 @!p0 s1  }
0x92: {  	[bflag:$0x3] =	sbarrier.arrive $0xFFFF  }
0x93: {  	_ =	shalt  }

// kernel: kernel.28.cloned.1.call-start
scs
__scs_entry_jumppad:
0x0: {  	(pc) =	sbr.rel $0x88, $3  }
0x1: {  	(tag) =	ssettag $0x0;
	lr =	simm.s32 $0x1  }
0x2: {  	[smem:$0x3F7F] =	sst lr;
	_ =	strace $0xD0000000  }
0x3: {  	_ = 	snop  }
0x4: {  	_ = 	snop  }
0x5: {  	_ = 	snop  }
0x6: {  	_ = 	snop  }
0x7: {  	_ = 	snop  }
__scs_overlays_trampoline_lowered:
0x8: {  	[smem:$0x3F8E] =	sst s0  }
0x9: {  	[smem:$0x3F8F] =	sst s1  }
0xa: {  	[smem:$0x3F90] =	sst s2  }
0xb: {  	[smem:$0x3F91] =	sst s3  }
0xc: {  	[smem:$0x3F92] =	sst s4  }
0xd: {  	[smem:$0x3F93] =	sst s5  }
0xe: {  	[smem:$0x3F94] =	sst s6  }
0xf: {  	[smem:$0x3F95] =	sst s7  }
0x10: {  	[smem:$0x3F96] =	sst s8  }
0x11: {  	[smem:$0x3F97] =	sst s9;
	s0 =	simm.s32 @!p0 $0x0  }
0x12: {  	s1 =	sld [smem:$0x3F7D];
	s0 =	simm.s32 @p0 $0x1  }
0x13: {  	[smem:$0x3F98] =	sst s0;
	s0 =	simm.s32 @!p1 $0x0  }
0x14: {  	s2 =	sld [smem:$0x3F7C];
	s0 =	simm.s32 @p1 $0x1  }
0x15: {  	[smem:$0x3F99] =	sst s0;
	s0 =	simm.s32 @!p2 $0x0  }
0x16: {  	s3 =	sld [smem:$0x3FDB];
	s0 =	simm.s32 @p2 $0x1  }
0x17: {  	s4 =	simm.s32 $0x1BF5;
	[smem:$0x3F9B] =	sst s0  }
0x18: {  	s0 =	sld [smem:$0x3F7E];
	_ =	swait.ge [sflag:s4], $0x0  }
0x19: {  	s7 =	sld [smem:$0x3F7F]  }
0x1a: {  	s8 =	sadd.s32 $0xFFFFE003, lr  }
0x1b: {  	s9 =	sadd.s32 $0xFFFFFEF7, lr;
	s5 =	simm.s32 $0xFFFFFFFF;
	p2 =	slt.u32 s8, $0xFFFFF086  }
0x1c: {  	p1 =	slt.u32 s9, $0xF7A;
	s5 =	simm.s32 @!p2 $0x0  }
0x1d: {  	s5 =	simm.s32 @p1 $0x1;
	p0 =	seq.s32 s7, s2  }
0x1e: {  	s7 =	smul.u32 @!p0 $0xF7A, s2;
	p2 =	seq.s32 @!p0 s5, $0x0  }
0x1f: {  	s9 =	smul.u32 $0xF7A, s1;
	s8 =	simm.s32 @!p0 $0x1BF5;
	p2 =	por !p2, p0  }
0x20: {  	[sflag:s8] =	ssyncset.s32 @!p0 $0xFFFFF086;
	s6 =	sadd.s32 @!p0 s3, s7;
	s7 =	simm.s32 @!p0 $0x108  }
0x21: {  	s3 =	sadd.s32 s3, s9;
	s6 =	sadd.s32 @!p0 $0x88, s6;
	s7 =	simm.s32 @p2 $0x1082  }
0x22: {  	[simem:s7], [sflag:s8] =	dma.local @!p0 [hbm:s6], $0xF7A  }
0x23: {  	s9 =	sor.u32 $0xD0000000, s2;
	s6 =	simm.s32 $0x108;
	_ =	swait.ge @!p0 [sflag:s8], $0x0  }
0x24: {  	s3 =	sadd.s32 $0x88, s3;
	s6 =	simm.s32 @!p1 $0x1082;
	[sflag:s4] =	ssyncset.s32 $0xFFFFF086  }
0x25: {  	[simem:s6], [sflag:s4] =	dma.local [hbm:s3], $0xF7A  }
0x26: {  	[smem:$0x3F7F] =	sst s1;
	(tag) =	ssettag s2;
	_ =	strace s9  }
0x27: {  	s1 =	sld [smem:$0x3F8F]  }
0x28: {  	s2 =	sld [smem:$0x3F90]  }
0x29: {  	s4 =	sld [smem:$0x3F92]  }
0x2a: {  	p0 =	seq.s32 s5, $0x0;
	s5 =	sld [smem:$0x3F93]  }
0x2b: {  	s6 =	sld [smem:$0x3F94]  }
0x2c: {  	s7 =	sld [smem:$0x3F95]  }
0x2d: {  	s3 =	simm.s32 $0x108;
	s8 =	sld [smem:$0x3F96]  }
0x2e: {  	s3 =	simm.s32 @!p0 $0x1082;
	s9 =	sld [smem:$0x3F97]  }
0x2f: {  	lr =	sadd.s32 s0, s3;
	s0 =	sld [smem:$0x3F8E]  }
0x30: {  	s3 =	sld [smem:$0x3F91]  }
0x31: {  	[smem:$0x3F9A] =	sst s10  }
0x32: {  	s10 =	sld [smem:$0x3F98];
	_ =	sdelay $0x3  }
0x33: {  	p0 =	seq.s32 s10, $0x1;
	s10 =	sld [smem:$0x3F9A];
	_ =	sdelay $0x3  }
0x34: {  	[smem:$0x3F9A] =	sst s10  }
0x35: {  	s10 =	sld [smem:$0x3F99];
	_ =	sdelay $0x3  }
0x36: {  	p1 =	seq.s32 s10, $0x1;
	s10 =	sld [smem:$0x3F9A];
	_ =	sdelay $0x3  }
0x37: {  	[smem:$0x3F9A] =	sst s10  }
0x38: {  	s10 =	sld [smem:$0x3F9B]  }
0x39: {  	_ = 	snop;
	(pc) =	sbr.ind lr, $3  }
0x3a: {  	_ = 	snop  }
0x3b: {  	_ = 	snop  }
0x3c: {  	p2 =	seq.s32 s10, $0x1;
	s10 =	sld [smem:$0x3F9A]  }
0x3d: {  	_ =	shalt  }
0x3e: {  	_ =	shalt  }
0x3f: {  	_ =	shalt  }
0x40: {  	_ =	shalt  }
0x41: {  	_ =	shalt  }
0x42: {  	_ =	shalt  }
0x43: {  	_ =	shalt  }
0x44: {  	_ =	shalt  }
0x45: {  	_ =	shalt  }
0x46: {  	_ =	shalt  }
0x47: {  	_ =	shalt  }
0x48: {  	_ =	shalt  }
0x49: {  	_ =	shalt  }
0x4a: {  	_ =	shalt  }
0x4b: {  	_ =	shalt  }
0x4c: {  	_ =	shalt  }
0x4d: {  	_ =	shalt  }
0x4e: {  	_ =	shalt  }
0x4f: {  	_ =	shalt  }
0x50: {  	_ =	shalt  }
0x51: {  	_ =	shalt  }
0x52: {  	_ =	shalt  }
0x53: {  	_ =	shalt  }
0x54: {  	_ =	shalt  }
0x55: {  	_ =	shalt  }
0x56: {  	_ =	shalt  }
0x57: {  	_ =	shalt  }
0x58: {  	_ =	shalt  }
0x59: {  	_ =	shalt  }
0x5a: {  	_ =	shalt  }
0x5b: {  	_ =	shalt  }
0x5c: {  	_ =	shalt  }
0x5d: {  	_ =	shalt  }
0x5e: {  	_ =	shalt  }
0x5f: {  	_ =	shalt  }
0x60: {  	_ =	shalt  }
0x61: {  	_ =	shalt  }
0x62: {  	_ =	shalt  }
0x63: {  	_ =	shalt  }
0x64: {  	_ =	shalt  }
0x65: {  	_ =	shalt  }
0x66: {  	_ =	shalt  }
0x67: {  	_ =	shalt  }
0x68: {  	_ =	shalt  }
0x69: {  	_ =	shalt  }
0x6a: {  	_ =	shalt  }
0x6b: {  	_ =	shalt  }
0x6c: {  	_ =	shalt  }
0x6d: {  	_ =	shalt  }
0x6e: {  	_ =	shalt  }
0x6f: {  	_ =	shalt  }
0x70: {  	_ =	shalt  }
0x71: {  	_ =	shalt  }
0x72: {  	_ =	shalt  }
0x73: {  	_ =	shalt  }
0x74: {  	_ =	shalt  }
0x75: {  	_ =	shalt  }
0x76: {  	_ =	shalt  }
0x77: {  	_ =	shalt  }
0x78: {  	_ =	shalt  }
0x79: {  	_ =	shalt  }
0x7a: {  	_ =	shalt  }
0x7b: {  	_ =	shalt  }
0x7c: {  	_ =	shalt  }
0x7d: {  	_ =	shalt  }
0x7e: {  	_ =	shalt  }
0x7f: {  	_ =	shalt  }
0x80: {  	_ =	shalt  }
0x81: {  	_ =	shalt  }
0x82: {  	_ =	shalt  }
0x83: {  	_ =	shalt  }
0x84: {  	_ =	shalt  }
0x85: {  	_ =	shalt  }
0x86: {  	_ =	shalt  }
0x87: {  	_ =	shalt  }
.Lfunc_end0:
.L_simem_size_0:
called_computation.3_lowered:
.L_overlay_start_0:
0x88: {  	s2 =	sld [smem:$0x3FD9]  }
0x89: {  	s3 =	sld [smem:$0x3FFE];
	_ =	sdelay $0x1  }
0x8a: {  	s1 =	srdreg.scid  }
0x8b: {  	s0 =	sand.u32 $0x1, s1  }
0x8c: {  	s16 =	sshll.u32 s0, $0xA;
	s2 =	sadd.s32 s3, s2  }
0x8d: {  	s2 =	sadd.s32 s2, s16  }
0x8e: {  	[smem:$0x3FA6] =	sst s2  }
0x8f: {  	_ = 	snop  }
0x90: {  	(tm) =	ssettm $0x1  }
0x91: {  	s17 =	sld [smem:$0x3FFB];
	_ =	sdelay $0x3  }
0x92: {  	_ =	strace s17  }
0x93: {  	s2 =	sld [smem:$0x3FFC];
	_ =	sdelay $0x3  }
0x94: {  	_ =	strace s2  }
0x95: {  	s2 =	sld [smem:$0x3FFD];
	_ =	sdelay $0x3  }
0x96: {  	_ =	strace s2  }
0x97: {  	_ =	strace $0x8FFFFFFF  }
0x98: {  	s18 =	sld [smem:$0x3FDB];
	_ =	sdelay $0x1  }
0x99: {  	s19 =	simm.s32 $_scs_section_size  }
0x9a: {  	s4 =	simm.s32 $_size__tile_overlayer_lowered;
	s5 =	simm.s32 $_tile_overlayer_lowered  }
0x9b: {  	s22 =	simm.s32 $0x1BFF;
	s21 =	sshll.u32 s5, $0x1;
	s2 =	sadd.s32 s19, s18  }
0x9c: {  	s6 =	simm.s32 $0x0;
	s20 =	sshll.u32 s4, $0x1;
	s4 =	sadd.s32 s21, s2  }
0x9d: {  	[timem:s6], [sflag:s22] =	dma.local [hbm:s4], s20  }
0x9e: {  	_ =	swait.ge [sflag:s22], s20  }
0x9f: {  	s3 =	ssub.s32 $0x0, s20;
	[sflag:s22] =	ssyncset.done $0x0  }
0xa0: {  	[sflag:s22] =	ssyncadd.s32 s3;
	_ =	sdelay $0x1  }
0xa1: {  	s23 =	simm.s32 $0x1B8B  }
0xa2: {  	_ =	swait.ge [sflag:s23], $0x1  }
0xa3: {  	[sflag:s23] =	ssyncset.done $0x0  }
0xa4: {  	s25 =	simm.s32 $0x1B8E;
	s24 =	sld [smem:$0x3FFE];
	[sflag:s23] =	ssyncadd.s32 $0xFFFFFFFF  }
0xa5: {  	s26 =	simm.s32 $execute0_lowered;
	[smem:$0x3FD2] =	sst s25  }
0xa6: {  	s4 =	sshll.u32 s26, $0x1;
	_ =	strace $0x8000004F;
	[dreg:$0x1] =	wrdreg $0xFFFFFFFF  }
0xa7: {  	s28 =	simm.s32 $_size_execute0_lowered;
	s2 =	sadd.s32 s2, s4;
	[dreg:$0x0] =	wrdreg $0x0  }
0xa8: {  	s4 =	sshll.u32 s28, $0x1;
	[dreg:$0x2] =	wrdreg s2  }
0xa9: {  	[dreg:$0x3] =	wrdreg s4  }
0xaa: {  	[dreg:$0x4] =	wrdreg $0xC0  }
0xab: {  	_ =	task [dreg:s6], $0x5FFFF  }
0xac: {  	[dreg:$0x1] =	wrdreg $0xFFFFFFFF  }
0xad: {  	[dreg:$0x0] =	wrdreg $0x60  }
0xae: {  	[dreg:$0x2] =	wrdreg s24  }
0xaf: {  	[dreg:$0x3] =	wrdreg $0x14A000  }
0xb0: {  	[dreg:$0x4] =	wrdreg $0x9  }
0xb1: {  	_ =	task.clear_ibuf [dreg:s6], $0x5FFFF;
	_ =	strace $0x9000004F  }
0xb2: {  	s29 =	simm.s32 $0x9;
	_ =	strace $0x80000051  }
0xb3: {  	_ =	swait.ge [sflag:s29], $0x1  }
0xb4: {  	[sflag:s29] =	ssyncadd.s32 $0xFFFFFFFF  }
0xb5: {  	_ =	strace $0x90000051  }
0xb6: {  	_ =	sfence  }
0xb7: {  	s30 =	sld [smem:$0x0];
	_ =	sdelay $0x2  }
0xb8: {  	s31 =	sshll.u32 s1, $0xD;
	s1 =	sshrl.u32 s1, $0x2  }
0xb9: {  	s3 =	sand.u32 $0x4000, s31;
	s1 =	sadd.s32 s1, s30  }
0xba: {  	s0 =	sor.u32 s3, s0;
	s1 =	sshll.u32 s1, $0x11  }
0xbb: {  	s0 =	sor.u32 s1, s0  }
0xbc: {  	s0 =	sadd.s32 $0x8F2B, s0  }
0xbd: {  	[sflag:s0] =	ssyncadd.remote.s32 $0x1  }
0xbe: {  	_ =	sfence.sel $0xFFFF  }
0xbf: {  	[dreg:$0x0] =	wrdreg $0xFFFFFFFF;
	(pc) =	sbr.abs _section_cstart, $3  }
0xc0: {  	[dreg:$0x1] =	wrdreg $0xFFFFFFFF  }
0xc1: {  	_ =	task.clear_ibuf [dreg:s6], $0x2FFFF;
	_ =	strace $0x9FFFFFFF  }
0xc2: {  	(tm) =	ssettm $0x7FFFFFFF  }
0xc3: {  	_ =	shalt  }
tec
execute0_lowered:
.L_overlay_start_1:
0x0: {  	(tag) =	ssettag $0x1  }
0x1: {  	s1 =	srdreg.scid  }
0x2: {  	s0 =	stileid.u32;
	s5 =	rddreg [dreg:$0x0];
	s3 =	simm.s32 $0x0  }
0x3: {  	s1 =	sand.u32 $0x1, s1;
	s2 =	sshll.u32 s0, $0x1;
	[smem:$0x7FF] =	sst s3  }
0x4: {  	s26 =	simm.s32 $0x1A00;
	s4 =	sor.u32 s1, s2;
	s2 =	rddreg [dreg:$0x1]  }
0x5: {  	s10 =	simm.s32 $0x200;
	_ =	strace $0x80000050;
	[dreg:$0x7] =	wrdreg s26  }
0x6: {  	s11 =	simm.s32 $0x4A00;
	[dreg:$0xc] =	wrdreg s10  }
0x7: {  	s12 =	simm.s32 $0x280;
	[dreg:$0xd] =	wrdreg s11  }
0x8: {  	s13 =	simm.s32 $0x5A00;
	[dreg:$0xe] =	wrdreg s12  }
0x9: {  	s14 =	simm.s32 $0x300;
	[dreg:$0xf] =	wrdreg s13  }
0xa: {  	s15 =	simm.s32 $0x6A00;
	s16 =	simm.s32 $0x380;
	[dreg:$0x10] =	wrdreg s14  }
0xb: {  	s17 =	simm.s32 $0x7A00;
	s18 =	simm.s32 $0x400;
	[dreg:$0x11] =	wrdreg s15  }
0xc: {  	s21 =	simm.s32 $0x8A00;
	s7 =	smul.u32 $0x4E40, s0;
	[dreg:$0x12] =	wrdreg s16  }
0xd: {  	s23 =	simm.s32 $0x480;
	[dreg:$0x13] =	wrdreg s17;
	s6 =	smul.u32 $0x2800, s4  }
0xe: {  	[dreg:$0x14] =	wrdreg s18;
	s4 =	smul.u32 $0x140, s4;
	s8 =	sshrl.u32 s7, $0x3  }
0xf: {  	s9 =	smul.u32 $0x4E400, s1;
	[dreg:$0x15] =	wrdreg s21;
	s8 =	sadd.s32 s8, s5  }
0x10: {  	[dreg:$0x16] =	wrdreg s23;
	s4 =	sadd.s32 s4, s5;
	s8 =	sadd.s32 $0x9A00, s8  }
0x11: {  	s6 =	sadd.s32 s6, s5;
	[dreg:$0x3] =	wrdreg s8;
	s4 =	sadd.s32 $0x106000, s4  }
0x12: {  	s24 =	sadd.s32 $0x16000, s6;
	[dreg:$0x4] =	wrdreg s4  }
0x13: {  	s9 =	sadd.s32 s7, s9;
	s6 =	simm.s32 $0x2A00;
	[dreg:$0x5] =	wrdreg s24  }
0x14: {  	s9 =	sshrl.u32 s9, $0x3;
	s8 =	simm.s32 $0x180;
	[dreg:$0x9] =	wrdreg s6  }
0x15: {  	s5 =	sadd.s32 s9, s5;
	s9 =	simm.s32 $0x3A00;
	[dreg:$0xa] =	wrdreg s8  }
0x16: {  	s20 =	sshll.u32 s0, $0x6;
	[dreg:$0xb] =	wrdreg s9  }
0x17: {  	s19 =	sadd.s32 s7, s2;
	s25 =	sadd.s32 $0x108800, s5;
	s22 =	rddreg [dreg:$0x3]  }
0x18: {  	s5 =	simm.s32 $0x100;
	s4 =	sor.u32 $0x1C02, s20;
	[dreg:$0x6] =	wrdreg s25  }
0x19: {  	s6 =	sshrl.u32 s19, $0x3;
	[dreg:$0x8] =	wrdreg s5;
	s5 =	simm.s32 $0x2  }
0x1a: {  	[spmem:s6], [sflag:s4] =	dma.local [hbm:s22], $0x9C8  }
0x1b: {  	_ =	swait.ge [sflag:s5], $0x9C8  }
0x1c: {  	[sflag:s5] =	ssyncset.done $0x0  }
0x1d: {  	s24 =	rddreg [dreg:$0x4];
	[sflag:s5] =	ssyncadd.s32 $0xFFFFF638  }
0x1e: {  	[tilespmem:s3], [sflag:$0x2] =	stream.linear.gather [hbm4b:s24+s3], $0xA00, $0x38;
	[tilespmem:$0x19840] =	vst v63  }
0x1f: {  	_ =	swait.ge [sflag:s5], $0xA00  }
0x20: {  	[sflag:s5] =	ssyncset.done $0x0  }
0x21: {  	s7 =	simm.s32 $0xA00;
	s25 =	rddreg [dreg:$0x5];
	[sflag:s5] =	ssyncadd.s32 $0xFFFFF600  }
0x22: {  	[tilespmem:s7], [sflag:$0x2] =	stream.linear.gather [hbm4b:s25+s3], $0x14000, $0x38;
	[tilespmem:$0x19840] =	vst v63  }
0x23: {  	_ =	swait.ge [sflag:s5], $0x14000  }
0x24: {  	[sflag:s5] =	ssyncset.done $0x0  }
0x25: {  	[sflag:s5] =	ssyncadd.s32 $0xFFFEC000  }
0x26: {  	[bflag:$0x0] =	sbarrier.arrive $0xFFFF  }
0x27: {  	s26 =	rddreg [dreg:$0x15]  }
0x28: {  	s10 =	rddreg [dreg:$0x13]  }
0x29: {  	s11 =	rddreg [dreg:$0x11]  }
0x2a: {  	s12 =	rddreg [dreg:$0xf]  }
0x2b: {  	s13 =	rddreg [dreg:$0xd]  }
0x2c: {  	s8 =	simm.s32 $0x80;
	s14 =	rddreg [dreg:$0xb]  }
0x2d: {  	[spmem:s2] =	stream.indirect.scatter.add.f32 [tilespmem:s7], [sflag:$0x1], $0x20, s3, s8, $0xb8;
	[tilespmem:$0x19840] =	vst v63  }
0x2e: {  	s15 =	rddreg [dreg:$0x7]  }
0x2f: {  	s16 =	rddreg [dreg:$0x9]  }
0x30: {  	[spmem:s2] =	stream.indirect.scatter.add.f32 [tilespmem:s15], [sflag:$0x1], $0x20, s8, s8, $0xb8;
	[tilespmem:$0x19840] =	vst v63  }
0x31: {  	s17 =	rddreg [dreg:$0x8]  }
0x32: {  	[spmem:s2] =	stream.indirect.scatter.add.f32 [tilespmem:s16], [sflag:$0x1], $0x20, s17, s8, $0xb8;
	[tilespmem:$0x19840] =	vst v63  }
0x33: {  	s0 =	rddreg [dreg:$0xa]  }
0x34: {  	[spmem:s2] =	stream.indirect.scatter.add.f32 [tilespmem:s14], [sflag:$0x1], $0x20, s0, s8, $0xb8;
	[tilespmem:$0x19840] =	vst v63  }
0x35: {  	s18 =	rddreg [dreg:$0xc]  }
0x36: {  	[spmem:s2] =	stream.indirect.scatter.add.f32 [tilespmem:s13], [sflag:$0x1], $0x20, s18, s8, $0xb8;
	[tilespmem:$0x19840] =	vst v63  }
0x37: {  	s19 =	rddreg [dreg:$0xe]  }
0x38: {  	[spmem:s2] =	stream.indirect.scatter.add.f32 [tilespmem:s12], [sflag:$0x1], $0x20, s19, s8, $0xb8;
	[tilespmem:$0x19840] =	vst v63  }
0x39: {  	s20 =	rddreg [dreg:$0x10]  }
0x3a: {  	[spmem:s2] =	stream.indirect.scatter.add.f32 [tilespmem:s11], [sflag:$0x1], $0x20, s20, s8, $0xb8;
	[tilespmem:$0x19840] =	vst v63  }
0x3b: {  	s21 =	rddreg [dreg:$0x12]  }
0x3c: {  	[spmem:s2] =	stream.indirect.scatter.add.f32 [tilespmem:s10], [sflag:$0x1], $0x20, s21, s8, $0xb8;
	[tilespmem:$0x19840] =	vst v63  }
0x3d: {  	s22 =	rddreg [dreg:$0x14]  }
0x3e: {  	[spmem:s2] =	stream.indirect.scatter.add.f32 [tilespmem:s26], [sflag:$0x1], $0x20, s22, s8, $0xb8;
	[tilespmem:$0x19840] =	vst v63  }
0x3f: {  	s24 =	simm.s32 $0x9A00;
	s23 =	rddreg [dreg:$0x16]  }
0x40: {  	[spmem:s2] =	stream.indirect.scatter.add.f32 [tilespmem:s24], [sflag:$0x1], $0x20, s23, s8, $0xb8;
	[tilespmem:$0x19840] =	vst v63  }
0x41: {  	s25 =	simm.s32 $0x500;
	s26 =	simm.s32 $0xAA00  }
0x42: {  	[spmem:s2] =	stream.indirect.scatter.add.f32 [tilespmem:s26], [sflag:$0x1], $0x20, s25, s8, $0xb8;
	[tilespmem:$0x19840] =	vst v63  }
0x43: {  	s11 =	simm.s32 $0xBA00;
	s10 =	simm.s32 $0x580  }
0x44: {  	[spmem:s2] =	stream.indirect.scatter.add.f32 [tilespmem:s11], [sflag:$0x1], $0x20, s10, s8, $0xb8;
	[tilespmem:$0x19840] =	vst v63  }
0x45: {  	s13 =	simm.s32 $0xCA00;
	s12 =	simm.s32 $0x600  }
0x46: {  	[spmem:s2] =	stream.indirect.scatter.add.f32 [tilespmem:s13], [sflag:$0x1], $0x20, s12, s8, $0xb8;
	[tilespmem:$0x19840] =	vst v63  }
0x47: {  	s15 =	simm.s32 $0xDA00;
	s14 =	simm.s32 $0x680  }
0x48: {  	[spmem:s2] =	stream.indirect.scatter.add.f32 [tilespmem:s15], [sflag:$0x1], $0x20, s14, s8, $0xb8;
	[tilespmem:$0x19840] =	vst v63  }
0x49: {  	s18 =	simm.s32 $0x700;
	s19 =	simm.s32 $0xEA00  }
0x4a: {  	[spmem:s2] =	stream.indirect.scatter.add.f32 [tilespmem:s19], [sflag:$0x1], $0x20, s18, s8, $0xb8;
	[tilespmem:$0x19840] =	vst v63  }
0x4b: {  	s20 =	simm.s32 $0x780;
	s21 =	simm.s32 $0xFA00  }
0x4c: {  	[spmem:s2] =	stream.indirect.scatter.add.f32 [tilespmem:s21], [sflag:$0x1], $0x20, s20, s8, $0xb8;
	[tilespmem:$0x19840] =	vst v63  }
0x4d: {  	s22 =	simm.s32 $0x800;
	s23 =	simm.s32 $0x10A00  }
0x4e: {  	[spmem:s2] =	stream.indirect.scatter.add.f32 [tilespmem:s23], [sflag:$0x1], $0x20, s22, s8, $0xb8;
	[tilespmem:$0x19840] =	vst v63  }
0x4f: {  	s24 =	simm.s32 $0x880;
	s25 =	simm.s32 $0x11A00  }
0x50: {  	[spmem:s2] =	stream.indirect.scatter.add.f32 [tilespmem:s25], [sflag:$0x1], $0x20, s24, s8, $0xb8;
	[tilespmem:$0x19840] =	vst v63  }
0x51: {  	s28 =	simm.s32 $0x12A00;
	s26 =	simm.s32 $0x900  }
0x52: {  	[spmem:s2] =	stream.indirect.scatter.add.f32 [tilespmem:s28], [sflag:$0x1], $0x20, s26, s8, $0xb8;
	[tilespmem:$0x19840] =	vst v63  }
0x53: {  	s29 =	simm.s32 $0x980;
	s30 =	simm.s32 $0x13A00;
	s31 =	simm.s32 $0x1  }
0x54: {  	[spmem:s2] =	stream.indirect.scatter.add.f32 [tilespmem:s30], [sflag:$0x1], $0x20, s29, s8, $0xb8;
	[tilespmem:$0x19840] =	vst v63  }
0x55: {  	_ =	swait.ge [sflag:s31], $0x1000  }
0x56: {  	[sflag:s31] =	ssyncset.done $0x0  }
0x57: {  	[sflag:s31] =	ssyncadd.s32 $0xFFFFF000  }
0x58: {  	_ =	swait.ge [sflag:s31], $0x1000  }
0x59: {  	[sflag:s31] =	ssyncset.done $0x0  }
0x5a: {  	[sflag:s31] =	ssyncadd.s32 $0xFFFFF000  }
0x5b: {  	_ =	swait.ge [sflag:s31], $0x1000  }
0x5c: {  	[sflag:s31] =	ssyncset.done $0x0  }
0x5d: {  	[sflag:s31] =	ssyncadd.s32 $0xFFFFF000  }
0x5e: {  	_ =	swait.ge [sflag:s31], $0x1000  }
0x5f: {  	[sflag:s31] =	ssyncset.done $0x0  }
0x60: {  	[sflag:s31] =	ssyncadd.s32 $0xFFFFF000  }
0x61: {  	_ =	swait.ge [sflag:s31], $0x1000  }
0x62: {  	[sflag:s31] =	ssyncset.done $0x0  }
0x63: {  	[sflag:s31] =	ssyncadd.s32 $0xFFFFF000  }
0x64: {  	_ =	swait.ge [sflag:s31], $0x1000  }
0x65: {  	[sflag:s31] =	ssyncset.done $0x0  }
0x66: {  	[sflag:s31] =	ssyncadd.s32 $0xFFFFF000  }
0x67: {  	_ =	swait.ge [sflag:s31], $0x1000  }
0x68: {  	[sflag:s31] =	ssyncset.done $0x0  }
0x69: {  	[sflag:s31] =	ssyncadd.s32 $0xFFFFF000  }
0x6a: {  	_ =	swait.ge [sflag:s31], $0x1000  }
0x6b: {  	[sflag:s31] =	ssyncset.done $0x0  }
0x6c: {  	[sflag:s31] =	ssyncadd.s32 $0xFFFFF000  }
0x6d: {  	_ =	swait.ge [sflag:s31], $0x1000  }
0x6e: {  	[sflag:s31] =	ssyncset.done $0x0  }
0x6f: {  	[sflag:s31] =	ssyncadd.s32 $0xFFFFF000  }
0x70: {  	_ =	swait.ge [sflag:s31], $0x1000  }
0x71: {  	[sflag:s31] =	ssyncset.done $0x0  }
0x72: {  	[sflag:s31] =	ssyncadd.s32 $0xFFFFF000  }
0x73: {  	_ =	swait.ge [sflag:s31], $0x1000  }
0x74: {  	[sflag:s31] =	ssyncset.done $0x0  }
0x75: {  	[sflag:s31] =	ssyncadd.s32 $0xFFFFF000  }
0x76: {  	_ =	swait.ge [sflag:s31], $0x1000  }
0x77: {  	[sflag:s31] =	ssyncset.done $0x0  }
0x78: {  	[sflag:s31] =	ssyncadd.s32 $0xFFFFF000  }
0x79: {  	_ =	swait.ge [sflag:s31], $0x1000  }
0x7a: {  	[sflag:s31] =	ssyncset.done $0x0  }
0x7b: {  	[sflag:s31] =	ssyncadd.s32 $0xFFFFF000  }
0x7c: {  	_ =	swait.ge [sflag:s31], $0x1000  }
0x7d: {  	[sflag:s31] =	ssyncset.done $0x0  }
0x7e: {  	[sflag:s31] =	ssyncadd.s32 $0xFFFFF000  }
0x7f: {  	_ =	swait.ge [sflag:s31], $0x1000  }
0x80: {  	[sflag:s31] =	ssyncset.done $0x0  }
0x81: {  	[sflag:s31] =	ssyncadd.s32 $0xFFFFF000  }
0x82: {  	_ =	swait.ge [sflag:s31], $0x1000  }
0x83: {  	[sflag:s31] =	ssyncset.done $0x0  }
0x84: {  	[sflag:s31] =	ssyncadd.s32 $0xFFFFF000  }
0x85: {  	_ =	swait.ge [sflag:s31], $0x1000  }
0x86: {  	s1 =	ssub.s32 $0x2, s1;
	[sflag:s31] =	ssyncset.done $0x0  }
0x87: {  	s16 =	sshrl.u32 s1, $0x1;
	[sflag:s31] =	ssyncadd.s32 $0xFFFFF000  }
0x88: {  	s0 =	ssub.s32 s1, s16;
	_ =	swait.ge [sflag:s31], $0x1000  }
0x89: {  	s0 =	smax.u32 s0, $0x1;
	[sflag:s31] =	ssyncset.done $0x0  }
0x8a: {  	p0 =	sne.s32 s0, $0x1;
	[sflag:s31] =	ssyncadd.s32 $0xFFFFF000  }
.Ltmp0:
0x8b: {  	_ =	swait.ge [sflag:s31], $0x1000;
	(pc) =	sbr.rel @!p0 .LBB2_2-.Ltmp0, $4  }
0x8c: {  	[sflag:s31] =	ssyncset.done $0x0  }
0x8d: {  	[sflag:s31] =	ssyncadd.s32 $0xFFFFF000  }
0x8e: {  	_ =	swait.ge [sflag:s31], $0x1000  }
0x8f: {  	s17 =	simm.s32 $0xDA00;
	s1 =	sadd.s32 $0xFFFFFFFF, s0;
	[sflag:s31] =	ssyncset.done $0x0  }
.LBB2_1:
0x90: {  	[sflag:s31] =	ssyncadd.s32 $0xFFFFF000  }
0x91: {  	[bflag:$0x0] =	sbarrier.arrive $0xFFFF  }
0x92: {  	s0 =	rddreg [dreg:$0x6]  }
0x93: {  	[hbm:s0], [sflag:s4] =	dma.local [spmem:s6], $0x9C8  }
0x94: {  	_ =	swait.ge [sflag:s5], $0x9C8  }
0x95: {  	[sflag:s5] =	ssyncset.done $0x0  }
0x96: {  	s13 =	rddreg [dreg:$0x3];
	[sflag:s5] =	ssyncadd.s32 $0xFFFFF638  }
0x97: {  	[spmem:s6], [sflag:s4] =	dma.local [hbm:s13], $0x9C8  }
0x98: {  	_ =	swait.ge [sflag:s5], $0x9C8  }
0x99: {  	[sflag:s5] =	ssyncset.done $0x0  }
0x9a: {  	s14 =	rddreg [dreg:$0x4];
	[sflag:s5] =	ssyncadd.s32 $0xFFFFF638  }
0x9b: {  	[tilespmem:s3], [sflag:$0x2] =	stream.linear.gather [hbm4b:s14+s3], $0xA00, $0x38;
	[tilespmem:$0x19840] =	vst v63  }
0x9c: {  	_ =	swait.ge [sflag:s5], $0xA00  }
0x9d: {  	[sflag:s5] =	ssyncset.done $0x0  }
0x9e: {  	s15 =	rddreg [dreg:$0x5];
	[sflag:s5] =	ssyncadd.s32 $0xFFFFF600  }
0x9f: {  	[tilespmem:s7], [sflag:$0x2] =	stream.linear.gather [hbm4b:s15+s3], $0x14000, $0x38;
	[tilespmem:$0x19840] =	vst v63  }
0xa0: {  	_ =	swait.ge [sflag:s5], $0x14000  }
0xa1: {  	[sflag:s5] =	ssyncset.done $0x0  }
0xa2: {  	[sflag:s5] =	ssyncadd.s32 $0xFFFEC000  }
0xa3: {  	[bflag:$0x0] =	sbarrier.arrive $0xFFFF  }
0xa4: {  	s0 =	rddreg [dreg:$0x15]  }
0xa5: {  	s9 =	rddreg [dreg:$0x13]  }
0xa6: {  	s10 =	rddreg [dreg:$0x11]  }
0xa7: {  	s11 =	rddreg [dreg:$0xf]  }
0xa8: {  	s12 =	rddreg [dreg:$0xd]  }
0xa9: {  	s13 =	rddreg [dreg:$0xb]  }
0xaa: {  	[spmem:s2] =	stream.indirect.scatter.add.f32 [tilespmem:s7], [sflag:$0x1], $0x20, s3, s8, $0xb8;
	[tilespmem:$0x19840] =	vst v63  }
0xab: {  	s14 =	rddreg [dreg:$0x7]  }
0xac: {  	s15 =	rddreg [dreg:$0x9]  }
0xad: {  	[spmem:s2] =	stream.indirect.scatter.add.f32 [tilespmem:s14], [sflag:$0x1], $0x20, s8, s8, $0xb8;
	[tilespmem:$0x19840] =	vst v63  }
0xae: {  	s16 =	rddreg [dreg:$0x8]  }
0xaf: {  	[spmem:s2] =	stream.indirect.scatter.add.f32 [tilespmem:s15], [sflag:$0x1], $0x20, s16, s8, $0xb8;
	[tilespmem:$0x19840] =	vst v63  }
0xb0: {  	s14 =	rddreg [dreg:$0xa]  }
0xb1: {  	[spmem:s2] =	stream.indirect.scatter.add.f32 [tilespmem:s13], [sflag:$0x1], $0x20, s14, s8, $0xb8;
	[tilespmem:$0x19840] =	vst v63  }
0xb2: {  	s16 =	rddreg [dreg:$0xc]  }
0xb3: {  	[spmem:s2] =	stream.indirect.scatter.add.f32 [tilespmem:s12], [sflag:$0x1], $0x20, s16, s8, $0xb8;
	[tilespmem:$0x19840] =	vst v63  }
0xb4: {  	s14 =	rddreg [dreg:$0xe]  }
0xb5: {  	[spmem:s2] =	stream.indirect.scatter.add.f32 [tilespmem:s11], [sflag:$0x1], $0x20, s14, s8, $0xb8;
	[tilespmem:$0x19840] =	vst v63  }
0xb6: {  	s16 =	rddreg [dreg:$0x10]  }
0xb7: {  	[spmem:s2] =	stream.indirect.scatter.add.f32 [tilespmem:s10], [sflag:$0x1], $0x20, s16, s8, $0xb8;
	[tilespmem:$0x19840] =	vst v63  }
0xb8: {  	s13 =	rddreg [dreg:$0x12]  }
0xb9: {  	[spmem:s2] =	stream.indirect.scatter.add.f32 [tilespmem:s9], [sflag:$0x1], $0x20, s13, s8, $0xb8;
	[tilespmem:$0x19840] =	vst v63  }
0xba: {  	s14 =	rddreg [dreg:$0x14]  }
0xbb: {  	[spmem:s2] =	stream.indirect.scatter.add.f32 [tilespmem:s0], [sflag:$0x1], $0x20, s14, s8, $0xb8;
	[tilespmem:$0x19840] =	vst v63  }
0xbc: {  	s15 =	rddreg [dreg:$0x16];
	s16 =	simm.s32 $0x9A00  }
0xbd: {  	[spmem:s2] =	stream.indirect.scatter.add.f32 [tilespmem:s16], [sflag:$0x1], $0x20, s15, s8, $0xb8;
	[tilespmem:$0x19840] =	vst v63  }
0xbe: {  	s11 =	simm.s32 $0xAA00;
	s10 =	simm.s32 $0x500  }
0xbf: {  	[spmem:s2] =	stream.indirect.scatter.add.f32 [tilespmem:s11], [sflag:$0x1], $0x20, s10, s8, $0xb8;
	[tilespmem:$0x19840] =	vst v63  }
0xc0: {  	s12 =	simm.s32 $0x580;
	s13 =	simm.s32 $0xBA00  }
0xc1: {  	[spmem:s2] =	stream.indirect.scatter.add.f32 [tilespmem:s13], [sflag:$0x1], $0x20, s12, s8, $0xb8;
	[tilespmem:$0x19840] =	vst v63  }
0xc2: {  	s14 =	simm.s32 $0x600;
	s15 =	simm.s32 $0xCA00  }
0xc3: {  	[spmem:s2] =	stream.indirect.scatter.add.f32 [tilespmem:s15], [sflag:$0x1], $0x20, s14, s8, $0xb8;
	[tilespmem:$0x19840] =	vst v63  }
0xc4: {  	s16 =	simm.s32 $0x680  }
0xc5: {  	[spmem:s2] =	stream.indirect.scatter.add.f32 [tilespmem:s17], [sflag:$0x1], $0x20, s16, s8, $0xb8;
	[tilespmem:$0x19840] =	vst v63  }
0xc6: {  	_ = 	snop  }
0xc7: {  	[spmem:s2] =	stream.indirect.scatter.add.f32 [tilespmem:s19], [sflag:$0x1], $0x20, s18, s8, $0xb8;
	[tilespmem:$0x19840] =	vst v63  }
0xc8: {  	_ = 	snop  }
0xc9: {  	[spmem:s2] =	stream.indirect.scatter.add.f32 [tilespmem:s21], [sflag:$0x1], $0x20, s20, s8, $0xb8;
	[tilespmem:$0x19840] =	vst v63  }
0xca: {  	_ = 	snop  }
0xcb: {  	[spmem:s2] =	stream.indirect.scatter.add.f32 [tilespmem:s23], [sflag:$0x1], $0x20, s22, s8, $0xb8;
	[tilespmem:$0x19840] =	vst v63  }
0xcc: {  	_ = 	snop  }
0xcd: {  	[spmem:s2] =	stream.indirect.scatter.add.f32 [tilespmem:s25], [sflag:$0x1], $0x20, s24, s8, $0xb8;
	[tilespmem:$0x19840] =	vst v63  }
0xce: {  	_ = 	snop  }
0xcf: {  	[spmem:s2] =	stream.indirect.scatter.add.f32 [tilespmem:s28], [sflag:$0x1], $0x20, s26, s8, $0xb8;
	[tilespmem:$0x19840] =	vst v63  }
0xd0: {  	_ = 	snop  }
0xd1: {  	[spmem:s2] =	stream.indirect.scatter.add.f32 [tilespmem:s30], [sflag:$0x1], $0x20, s29, s8, $0xb8;
	[tilespmem:$0x19840] =	vst v63  }
0xd2: {  	_ =	swait.ge [sflag:s31], $0x1000  }
0xd3: {  	[sflag:s31] =	ssyncset.done $0x0  }
0xd4: {  	[sflag:s31] =	ssyncadd.s32 $0xFFFFF000  }
0xd5: {  	_ =	swait.ge [sflag:s31], $0x1000  }
0xd6: {  	[sflag:s31] =	ssyncset.done $0x0  }
0xd7: {  	[sflag:s31] =	ssyncadd.s32 $0xFFFFF000  }
0xd8: {  	_ =	swait.ge [sflag:s31], $0x1000  }
0xd9: {  	[sflag:s31] =	ssyncset.done $0x0  }
0xda: {  	[sflag:s31] =	ssyncadd.s32 $0xFFFFF000  }
0xdb: {  	_ =	swait.ge [sflag:s31], $0x1000  }
0xdc: {  	[sflag:s31] =	ssyncset.done $0x0  }
0xdd: {  	[sflag:s31] =	ssyncadd.s32 $0xFFFFF000  }
0xde: {  	_ =	swait.ge [sflag:s31], $0x1000  }
0xdf: {  	[sflag:s31] =	ssyncset.done $0x0  }
0xe0: {  	[sflag:s31] =	ssyncadd.s32 $0xFFFFF000  }
0xe1: {  	_ =	swait.ge [sflag:s31], $0x1000  }
0xe2: {  	[sflag:s31] =	ssyncset.done $0x0  }
0xe3: {  	[sflag:s31] =	ssyncadd.s32 $0xFFFFF000  }
0xe4: {  	_ =	swait.ge [sflag:s31], $0x1000  }
0xe5: {  	[sflag:s31] =	ssyncset.done $0x0  }
0xe6: {  	[sflag:s31] =	ssyncadd.s32 $0xFFFFF000  }
0xe7: {  	_ =	swait.ge [sflag:s31], $0x1000  }
0xe8: {  	[sflag:s31] =	ssyncset.done $0x0  }
0xe9: {  	[sflag:s31] =	ssyncadd.s32 $0xFFFFF000  }
0xea: {  	_ =	swait.ge [sflag:s31], $0x1000  }
0xeb: {  	[sflag:s31] =	ssyncset.done $0x0  }
0xec: {  	[sflag:s31] =	ssyncadd.s32 $0xFFFFF000  }
0xed: {  	_ =	swait.ge [sflag:s31], $0x1000  }
0xee: {  	[sflag:s31] =	ssyncset.done $0x0  }
0xef: {  	[sflag:s31] =	ssyncadd.s32 $0xFFFFF000  }
0xf0: {  	_ =	swait.ge [sflag:s31], $0x1000  }
0xf1: {  	[sflag:s31] =	ssyncset.done $0x0  }
0xf2: {  	[sflag:s31] =	ssyncadd.s32 $0xFFFFF000  }
0xf3: {  	_ =	swait.ge [sflag:s31], $0x1000  }
0xf4: {  	[sflag:s31] =	ssyncset.done $0x0  }
0xf5: {  	[sflag:s31] =	ssyncadd.s32 $0xFFFFF000  }
0xf6: {  	_ =	swait.ge [sflag:s31], $0x1000  }
0xf7: {  	[sflag:s31] =	ssyncset.done $0x0  }
0xf8: {  	[sflag:s31] =	ssyncadd.s32 $0xFFFFF000  }
0xf9: {  	_ =	swait.ge [sflag:s31], $0x1000  }
0xfa: {  	[sflag:s31] =	ssyncset.done $0x0  }
0xfb: {  	[sflag:s31] =	ssyncadd.s32 $0xFFFFF000  }
0xfc: {  	_ =	swait.ge [sflag:s31], $0x1000  }
0xfd: {  	[sflag:s31] =	ssyncset.done $0x0  }
0xfe: {  	[sflag:s31] =	ssyncadd.s32 $0xFFFFF000  }
0xff: {  	_ =	swait.ge [sflag:s31], $0x1000  }
0x100: {  	[sflag:s31] =	ssyncset.done $0x0  }
0x101: {  	[sflag:s31] =	ssyncadd.s32 $0xFFFFF000  }
0x102: {  	_ =	swait.ge [sflag:s31], $0x1000  }
0x103: {  	[sflag:s31] =	ssyncset.done $0x0  }
0x104: {  	[sflag:s31] =	ssyncadd.s32 $0xFFFFF000  }
0x105: {  	_ =	swait.ge [sflag:s31], $0x1000  }
0x106: {  	[sflag:s31] =	ssyncset.done $0x0  }
0x107: {  	p0 =	sne.s32 s1, $0x1;
	[sflag:s31] =	ssyncadd.s32 $0xFFFFF000  }
.Ltmp1:
0x108: {  	_ =	swait.ge [sflag:s31], $0x1000;
	(pc) =	sbr.rel @p0 .LBB2_1-.Ltmp1, $4  }
0x109: {  	[sflag:s31] =	ssyncset.done $0x0  }
0x10a: {  	[sflag:s31] =	ssyncadd.s32 $0xFFFFF000  }
0x10b: {  	_ =	swait.ge [sflag:s31], $0x1000  }
0x10c: {  	s1 =	sadd.s32 $0xFFFFFFFF, s1;
	[sflag:s31] =	ssyncset.done $0x0  }
.LBB2_2:
0x10d: {  	[sflag:s31] =	ssyncadd.s32 $0xFFFFF000  }
0x10e: {  	[bflag:$0x0] =	sbarrier.arrive $0xFFFF  }
0x10f: {  	s0 =	rddreg [dreg:$0x6]  }
0x110: {  	[hbm:s0], [sflag:s4] =	dma.local [spmem:s6], $0x9C8  }
0x111: {  	_ =	swait.ge [sflag:s5], $0x9C8  }
0x112: {  	[sflag:s5] =	ssyncset.done $0x0  }
0x113: {  	[sflag:s5] =	ssyncadd.s32 $0xFFFFF638  }
0x114: {  	_ =	sfence.sel $0x180000  }
0x115: {  	[bflag:$0x0] =	sbarrier.arrive $0xFFFF  }
0x116: {  	_ =	strace $0x90000050  }
0x117: {  	s31 =	stileid.u32;
	[bflag:$0x2] =	sbarrier.arrive $0xFFFF  }
0x118: {  	p0 =	sne.s32 s31, $0x0;
	s0 =	rddreg [dreg:$0x2]  }
0x119: {  	s0 =	sadd.s32 @!p0 $0x100000, s0  }
0x11a: {  	[sflag:s0] =	ssyncadd.tile.s32 @!p0 $0x1;
	_ =	shalt  }
.Lfunc_end2:
_tile_overlayer_lowered:
.L_overlay_start_2:
0x11b: {  	(tag) =	ssettag $0x2  }
0x11c: {  	s0 =	rddreg [dreg:$0x0];
	s2 =	stileid.u32  }
0x11d: {  	s1 =	rddreg [dreg:$0x1];
	p0 =	sne.s32 s2, $0x0  }
0x11e: {  	s3 =	rddreg [dreg:$0x2];
	[bflag:$0x3] =	sbarrier.arrive $0xFFFF;
	s2 =	simm.s32 @!p0 $0x1C02  }
0x11f: {  	[timem:s3], [sflag:s2] =	dma.local @!p0 [hbm:s0], s1  }
0x120: {  	s0 =	simm.s32 @!p0 $0x2  }
0x121: {  	_ =	swait.ge @!p0 [sflag:s0], s1  }
0x122: {  	s1 =	ssub.s32 @!p0 $0x0, s1;
	[sflag:s0] =	ssyncset.done @!p0 $0x0  }
0x123: {  	[sflag:s0] =	ssyncadd.s32 @!p0 s1  }
0x124: {  	[bflag:$0x3] =	sbarrier.arrive $0xFFFF  }
0x125: {  	_ =	shalt  }

// kernel: kernel.31.cloned.1.call-start
scs
__scs_entry_jumppad:
0x0: {  	(pc) =	sbr.rel $0x88, $3  }
0x1: {  	(tag) =	ssettag $0x0;
	lr =	simm.s32 $0x1  }
0x2: {  	[smem:$0x3F7F] =	sst lr;
	_ =	strace $0xD0000000  }
0x3: {  	_ = 	snop  }
0x4: {  	_ = 	snop  }
0x5: {  	_ = 	snop  }
0x6: {  	_ = 	snop  }
0x7: {  	_ = 	snop  }
__scs_overlays_trampoline_lowered:
0x8: {  	[smem:$0x3F8E] =	sst s0  }
0x9: {  	[smem:$0x3F8F] =	sst s1  }
0xa: {  	[smem:$0x3F90] =	sst s2  }
0xb: {  	[smem:$0x3F91] =	sst s3  }
0xc: {  	[smem:$0x3F92] =	sst s4  }
0xd: {  	[smem:$0x3F93] =	sst s5  }
0xe: {  	[smem:$0x3F94] =	sst s6  }
0xf: {  	[smem:$0x3F95] =	sst s7  }
0x10: {  	[smem:$0x3F96] =	sst s8  }
0x11: {  	[smem:$0x3F97] =	sst s9;
	s0 =	simm.s32 @!p0 $0x0  }
0x12: {  	s1 =	sld [smem:$0x3F7D];
	s0 =	simm.s32 @p0 $0x1  }
0x13: {  	[smem:$0x3F98] =	sst s0;
	s0 =	simm.s32 @!p1 $0x0  }
0x14: {  	s2 =	sld [smem:$0x3F7C];
	s0 =	simm.s32 @p1 $0x1  }
0x15: {  	[smem:$0x3F99] =	sst s0;
	s0 =	simm.s32 @!p2 $0x0  }
0x16: {  	s3 =	sld [smem:$0x3FDB];
	s0 =	simm.s32 @p2 $0x1  }
0x17: {  	s4 =	simm.s32 $0x1BF5;
	[smem:$0x3F9B] =	sst s0  }
0x18: {  	s0 =	sld [smem:$0x3F7E];
	_ =	swait.ge [sflag:s4], $0x0  }
0x19: {  	s7 =	sld [smem:$0x3F7F]  }
0x1a: {  	s8 =	sadd.s32 $0xFFFFE003, lr  }
0x1b: {  	s9 =	sadd.s32 $0xFFFFFEF7, lr;
	s5 =	simm.s32 $0xFFFFFFFF;
	p2 =	slt.u32 s8, $0xFFFFF086  }
0x1c: {  	p1 =	slt.u32 s9, $0xF7A;
	s5 =	simm.s32 @!p2 $0x0  }
0x1d: {  	s5 =	simm.s32 @p1 $0x1;
	p0 =	seq.s32 s7, s2  }
0x1e: {  	s7 =	smul.u32 @!p0 $0xF7A, s2;
	p2 =	seq.s32 @!p0 s5, $0x0  }
0x1f: {  	s9 =	smul.u32 $0xF7A, s1;
	s8 =	simm.s32 @!p0 $0x1BF5;
	p2 =	por !p2, p0  }
0x20: {  	[sflag:s8] =	ssyncset.s32 @!p0 $0xFFFFF086;
	s6 =	sadd.s32 @!p0 s3, s7;
	s7 =	simm.s32 @!p0 $0x108  }
0x21: {  	s3 =	sadd.s32 s3, s9;
	s6 =	sadd.s32 @!p0 $0x88, s6;
	s7 =	simm.s32 @p2 $0x1082  }
0x22: {  	[simem:s7], [sflag:s8] =	dma.local @!p0 [hbm:s6], $0xF7A  }
0x23: {  	s9 =	sor.u32 $0xD0000000, s2;
	s6 =	simm.s32 $0x108;
	_ =	swait.ge @!p0 [sflag:s8], $0x0  }
0x24: {  	s3 =	sadd.s32 $0x88, s3;
	s6 =	simm.s32 @!p1 $0x1082;
	[sflag:s4] =	ssyncset.s32 $0xFFFFF086  }
0x25: {  	[simem:s6], [sflag:s4] =	dma.local [hbm:s3], $0xF7A  }
0x26: {  	[smem:$0x3F7F] =	sst s1;
	(tag) =	ssettag s2;
	_ =	strace s9  }
0x27: {  	s1 =	sld [smem:$0x3F8F]  }
0x28: {  	s2 =	sld [smem:$0x3F90]  }
0x29: {  	s4 =	sld [smem:$0x3F92]  }
0x2a: {  	p0 =	seq.s32 s5, $0x0;
	s5 =	sld [smem:$0x3F93]  }
0x2b: {  	s6 =	sld [smem:$0x3F94]  }
0x2c: {  	s7 =	sld [smem:$0x3F95]  }
0x2d: {  	s3 =	simm.s32 $0x108;
	s8 =	sld [smem:$0x3F96]  }
0x2e: {  	s3 =	simm.s32 @!p0 $0x1082;
	s9 =	sld [smem:$0x3F97]  }
0x2f: {  	lr =	sadd.s32 s0, s3;
	s0 =	sld [smem:$0x3F8E]  }
0x30: {  	s3 =	sld [smem:$0x3F91]  }
0x31: {  	[smem:$0x3F9A] =	sst s10  }
0x32: {  	s10 =	sld [smem:$0x3F98];
	_ =	sdelay $0x3  }
0x33: {  	p0 =	seq.s32 s10, $0x1;
	s10 =	sld [smem:$0x3F9A];
	_ =	sdelay $0x3  }
0x34: {  	[smem:$0x3F9A] =	sst s10  }
0x35: {  	s10 =	sld [smem:$0x3F99];
	_ =	sdelay $0x3  }
0x36: {  	p1 =	seq.s32 s10, $0x1;
	s10 =	sld [smem:$0x3F9A];
	_ =	sdelay $0x3  }
0x37: {  	[smem:$0x3F9A] =	sst s10  }
0x38: {  	s10 =	sld [smem:$0x3F9B]  }
0x39: {  	_ = 	snop;
	(pc) =	sbr.ind lr, $3  }
0x3a: {  	_ = 	snop  }
0x3b: {  	_ = 	snop  }
0x3c: {  	p2 =	seq.s32 s10, $0x1;
	s10 =	sld [smem:$0x3F9A]  }
0x3d: {  	_ =	shalt  }
0x3e: {  	_ =	shalt  }
0x3f: {  	_ =	shalt  }
0x40: {  	_ =	shalt  }
0x41: {  	_ =	shalt  }
0x42: {  	_ =	shalt  }
0x43: {  	_ =	shalt  }
0x44: {  	_ =	shalt  }
0x45: {  	_ =	shalt  }
0x46: {  	_ =	shalt  }
0x47: {  	_ =	shalt  }
0x48: {  	_ =	shalt  }
0x49: {  	_ =	shalt  }
0x4a: {  	_ =	shalt  }
0x4b: {  	_ =	shalt  }
0x4c: {  	_ =	shalt  }
0x4d: {  	_ =	shalt  }
0x4e: {  	_ =	shalt  }
0x4f: {  	_ =	shalt  }
0x50: {  	_ =	shalt  }
0x51: {  	_ =	shalt  }
0x52: {  	_ =	shalt  }
0x53: {  	_ =	shalt  }
0x54: {  	_ =	shalt  }
0x55: {  	_ =	shalt  }
0x56: {  	_ =	shalt  }
0x57: {  	_ =	shalt  }
0x58: {  	_ =	shalt  }
0x59: {  	_ =	shalt  }
0x5a: {  	_ =	shalt  }
0x5b: {  	_ =	shalt  }
0x5c: {  	_ =	shalt  }
0x5d: {  	_ =	shalt  }
0x5e: {  	_ =	shalt  }
0x5f: {  	_ =	shalt  }
0x60: {  	_ =	shalt  }
0x61: {  	_ =	shalt  }
0x62: {  	_ =	shalt  }
0x63: {  	_ =	shalt  }
0x64: {  	_ =	shalt  }
0x65: {  	_ =	shalt  }
0x66: {  	_ =	shalt  }
0x67: {  	_ =	shalt  }
0x68: {  	_ =	shalt  }
0x69: {  	_ =	shalt  }
0x6a: {  	_ =	shalt  }
0x6b: {  	_ =	shalt  }
0x6c: {  	_ =	shalt  }
0x6d: {  	_ =	shalt  }
0x6e: {  	_ =	shalt  }
0x6f: {  	_ =	shalt  }
0x70: {  	_ =	shalt  }
0x71: {  	_ =	shalt  }
0x72: {  	_ =	shalt  }
0x73: {  	_ =	shalt  }
0x74: {  	_ =	shalt  }
0x75: {  	_ =	shalt  }
0x76: {  	_ =	shalt  }
0x77: {  	_ =	shalt  }
0x78: {  	_ =	shalt  }
0x79: {  	_ =	shalt  }
0x7a: {  	_ =	shalt  }
0x7b: {  	_ =	shalt  }
0x7c: {  	_ =	shalt  }
0x7d: {  	_ =	shalt  }
0x7e: {  	_ =	shalt  }
0x7f: {  	_ =	shalt  }
0x80: {  	_ =	shalt  }
0x81: {  	_ =	shalt  }
0x82: {  	_ =	shalt  }
0x83: {  	_ =	shalt  }
0x84: {  	_ =	shalt  }
0x85: {  	_ =	shalt  }
0x86: {  	_ =	shalt  }
0x87: {  	_ =	shalt  }
.Lfunc_end0:
.L_simem_size_0:
called_computation.4_lowered:
.L_overlay_start_0:
0x88: {  	s2 =	sld [smem:$0x3FD9]  }
0x89: {  	s3 =	sld [smem:$0x3FFE];
	_ =	sdelay $0x1  }
0x8a: {  	s1 =	srdreg.scid  }
0x8b: {  	s0 =	sand.u32 $0x1, s1  }
0x8c: {  	s16 =	sshll.u32 s0, $0xA;
	s2 =	sadd.s32 s3, s2  }
0x8d: {  	s2 =	sadd.s32 s2, s16  }
0x8e: {  	[smem:$0x3FA6] =	sst s2  }
0x8f: {  	_ = 	snop  }
0x90: {  	(tm) =	ssettm $0x1  }
0x91: {  	s17 =	sld [smem:$0x3FFB];
	_ =	sdelay $0x3  }
0x92: {  	_ =	strace s17  }
0x93: {  	s2 =	sld [smem:$0x3FFC];
	_ =	sdelay $0x3  }
0x94: {  	_ =	strace s2  }
0x95: {  	s2 =	sld [smem:$0x3FFD];
	_ =	sdelay $0x3  }
0x96: {  	_ =	strace s2  }
0x97: {  	_ =	strace $0x8FFFFFFF  }
0x98: {  	s18 =	sld [smem:$0x3FDB];
	_ =	sdelay $0x1  }
0x99: {  	s19 =	simm.s32 $_scs_section_size  }
0x9a: {  	s4 =	simm.s32 $_size__tile_overlayer_lowered;
	s5 =	simm.s32 $_tile_overlayer_lowered  }
0x9b: {  	s22 =	simm.s32 $0x1BFF;
	s21 =	sshll.u32 s5, $0x1;
	s2 =	sadd.s32 s19, s18  }
0x9c: {  	s6 =	simm.s32 $0x0;
	s20 =	sshll.u32 s4, $0x1;
	s4 =	sadd.s32 s21, s2  }
0x9d: {  	[timem:s6], [sflag:s22] =	dma.local [hbm:s4], s20  }
0x9e: {  	_ =	swait.ge [sflag:s22], s20  }
0x9f: {  	s3 =	ssub.s32 $0x0, s20;
	[sflag:s22] =	ssyncset.done $0x0  }
0xa0: {  	[sflag:s22] =	ssyncadd.s32 s3;
	_ =	sdelay $0x1  }
0xa1: {  	s23 =	simm.s32 $0x1B8B  }
0xa2: {  	_ =	swait.ge [sflag:s23], $0x1  }
0xa3: {  	[sflag:s23] =	ssyncset.done $0x0  }
0xa4: {  	s25 =	simm.s32 $0x1B8E;
	s24 =	sld [smem:$0x3FFE];
	[sflag:s23] =	ssyncadd.s32 $0xFFFFFFFF  }
0xa5: {  	s26 =	simm.s32 $execute0_lowered;
	[smem:$0x3FD2] =	sst s25  }
0xa6: {  	s4 =	sshll.u32 s26, $0x1;
	_ =	strace $0x80000052;
	[dreg:$0x1] =	wrdreg $0xFFFFFFFF  }
0xa7: {  	s28 =	simm.s32 $_size_execute0_lowered;
	s2 =	sadd.s32 s2, s4;
	[dreg:$0x0] =	wrdreg $0x0  }
0xa8: {  	s4 =	sshll.u32 s28, $0x1;
	[dreg:$0x2] =	wrdreg s2  }
0xa9: {  	[dreg:$0x3] =	wrdreg s4  }
0xaa: {  	[dreg:$0x4] =	wrdreg $0xC0  }
0xab: {  	_ =	task [dreg:s6], $0x5FFFF  }
0xac: {  	[dreg:$0x1] =	wrdreg $0xFFFFFFFF  }
0xad: {  	[dreg:$0x0] =	wrdreg $0x60  }
0xae: {  	[dreg:$0x2] =	wrdreg s24  }
0xaf: {  	[dreg:$0x3] =	wrdreg $0x9  }
0xb0: {  	_ =	task.clear_ibuf [dreg:s6], $0x4FFFF;
	_ =	strace $0x90000052  }
0xb1: {  	s29 =	simm.s32 $0x9;
	_ =	strace $0x80000054  }
0xb2: {  	_ =	swait.ge [sflag:s29], $0x1  }
0xb3: {  	[sflag:s29] =	ssyncadd.s32 $0xFFFFFFFF  }
0xb4: {  	_ =	strace $0x90000054  }
0xb5: {  	_ =	sfence  }
0xb6: {  	s30 =	sld [smem:$0x0];
	_ =	sdelay $0x2  }
0xb7: {  	s31 =	sshll.u32 s1, $0xD;
	s1 =	sshrl.u32 s1, $0x2  }
0xb8: {  	s3 =	sand.u32 $0x4000, s31;
	s1 =	sadd.s32 s1, s30  }
0xb9: {  	s0 =	sor.u32 s3, s0;
	s1 =	sshll.u32 s1, $0x11  }
0xba: {  	s0 =	sor.u32 s1, s0  }
0xbb: {  	s0 =	sadd.s32 $0x8F2B, s0  }
0xbc: {  	[sflag:s0] =	ssyncadd.remote.s32 $0x1  }
0xbd: {  	_ =	sfence.sel $0xFFFF  }
0xbe: {  	[dreg:$0x0] =	wrdreg $0xFFFFFFFF;
	(pc) =	sbr.abs _section_cstart, $3  }
0xbf: {  	[dreg:$0x1] =	wrdreg $0xFFFFFFFF  }
0xc0: {  	_ =	task.clear_ibuf [dreg:s6], $0x2FFFF;
	_ =	strace $0x9FFFFFFF  }
0xc1: {  	(tm) =	ssettm $0x7FFFFFFF  }
tec
execute0_lowered:
.L_overlay_start_1:
0x0: {  	(tag) =	ssettag $0x1  }
0x1: {  	s1 =	srdreg.scid;
	s0 =	stileid.u32  }
0x2: {  	s1 =	sand.u32 $0x1, s1;
	s2 =	sshll.u32 s0, $0x1  }
0x3: {  	s4 =	rddreg [dreg:$0x0];
	s3 =	sor.u32 s1, s2;
	s2 =	simm.s32 $0x0  }
0x4: {  	s14 =	simm.s32 $0x1A00;
	[smem:$0x7FF] =	sst s2  }
0x5: {  	s15 =	simm.s32 $0x100;
	_ =	strace $0x80000053;
	[dreg:$0x4] =	wrdreg s14  }
0x6: {  	s16 =	simm.s32 $0x2A00;
	[dreg:$0x5] =	wrdreg s15  }
0x7: {  	s17 =	simm.s32 $0x180;
	[dreg:$0x6] =	wrdreg s16  }
0x8: {  	s18 =	simm.s32 $0x3A00;
	[dreg:$0x7] =	wrdreg s17  }
0x9: {  	s19 =	simm.s32 $0x200;
	[dreg:$0x8] =	wrdreg s18  }
0xa: {  	s20 =	simm.s32 $0x4A00;
	[dreg:$0x9] =	wrdreg s19  }
0xb: {  	s21 =	simm.s32 $0x280;
	[dreg:$0xa] =	wrdreg s20  }
0xc: {  	s22 =	simm.s32 $0x5A00;
	[dreg:$0xb] =	wrdreg s21  }
0xd: {  	s23 =	simm.s32 $0x300;
	[dreg:$0xc] =	wrdreg s22  }
0xe: {  	s24 =	simm.s32 $0x6A00;
	[dreg:$0xd] =	wrdreg s23  }
0xf: {  	s25 =	simm.s32 $0x380;
	s5 =	smul.u32 $0x140, s3;
	[dreg:$0xe] =	wrdreg s24  }
0x10: {  	s26 =	simm.s32 $0x7A00;
	s3 =	smul.u32 $0x2800, s3;
	[dreg:$0xf] =	wrdreg s25  }
0x11: {  	s6 =	simm.s32 $0x400;
	[dreg:$0x10] =	wrdreg s26;
	s5 =	sadd.s32 s5, s4  }
0x12: {  	[dreg:$0x11] =	wrdreg s6;
	s3 =	sadd.s32 s3, s4;
	s5 =	sadd.s32 $0x13800, s5  }
0x13: {  	s3 =	sadd.s32 $0x108800, s3;
	[dreg:$0x2] =	wrdreg s5  }
0x14: {  	[dreg:$0x3] =	wrdreg s3  }
0x15: {  	s3 =	simm.s32 $0x2;
	s5 =	rddreg [dreg:$0x2]  }
0x16: {  	[tilespmem:s2], [sflag:$0x2] =	stream.linear.gather [hbm4b:s5+s2], $0xA00, $0x38;
	[tilespmem:$0x14A00] =	vst v63  }
0x17: {  	_ =	swait.ge [sflag:s3], $0xA00  }
0x18: {  	s7 =	rddreg [dreg:$0x10]  }
0x19: {  	s8 =	rddreg [dreg:$0xe]  }
0x1a: {  	s9 =	rddreg [dreg:$0xc]  }
0x1b: {  	s6 =	simm.s32 $0x80;
	s10 =	rddreg [dreg:$0xa]  }
0x1c: {  	s4 =	sadd.s32 $0x16000, s4;
	s11 =	rddreg [dreg:$0x5];
	[sflag:s3] =	ssyncset.done $0x0  }
0x1d: {  	s5 =	simm.s32 $0xA00;
	s12 =	rddreg [dreg:$0x4];
	[sflag:s3] =	ssyncadd.s32 $0xFFFFF600  }
0x1e: {  	[tilespmem:s5], [sflag:$0x1] =	stream.indirect.gather [hbm4b:s4+s6], $0x20, s2, s6, $0xb8;
	[tilespmem:$0x14A00] =	vst v63  }
0x1f: {  	s13 =	rddreg [dreg:$0x6]  }
0x20: {  	[tilespmem:s12], [sflag:$0x1] =	stream.indirect.gather [hbm4b:s4+s6], $0x20, s6, s6, $0xb8;
	[tilespmem:$0x14A00] =	vst v63  }
0x21: {  	s14 =	rddreg [dreg:$0x8]  }
0x22: {  	[tilespmem:s13], [sflag:$0x1] =	stream.indirect.gather [hbm4b:s4+s6], $0x20, s11, s6, $0xb8;
	[tilespmem:$0x14A00] =	vst v63  }
0x23: {  	s0 =	rddreg [dreg:$0x7]  }
0x24: {  	[tilespmem:s14], [sflag:$0x1] =	stream.indirect.gather [hbm4b:s4+s6], $0x20, s0, s6, $0xb8;
	[tilespmem:$0x14A00] =	vst v63  }
0x25: {  	s15 =	rddreg [dreg:$0x9]  }
0x26: {  	[tilespmem:s10], [sflag:$0x1] =	stream.indirect.gather [hbm4b:s4+s6], $0x20, s15, s6, $0xb8;
	[tilespmem:$0x14A00] =	vst v63  }
0x27: {  	s16 =	rddreg [dreg:$0xb]  }
0x28: {  	[tilespmem:s9], [sflag:$0x1] =	stream.indirect.gather [hbm4b:s4+s6], $0x20, s16, s6, $0xb8;
	[tilespmem:$0x14A00] =	vst v63  }
0x29: {  	s17 =	rddreg [dreg:$0xd]  }
0x2a: {  	[tilespmem:s8], [sflag:$0x1] =	stream.indirect.gather [hbm4b:s4+s6], $0x20, s17, s6, $0xb8;
	[tilespmem:$0x14A00] =	vst v63  }
0x2b: {  	s18 =	rddreg [dreg:$0xf]  }
0x2c: {  	[tilespmem:s7], [sflag:$0x1] =	stream.indirect.gather [hbm4b:s4+s6], $0x20, s18, s6, $0xb8;
	[tilespmem:$0x14A00] =	vst v63  }
0x2d: {  	s20 =	simm.s32 $0x8A00;
	s19 =	rddreg [dreg:$0x11]  }
0x2e: {  	[tilespmem:s20], [sflag:$0x1] =	stream.indirect.gather [hbm4b:s4+s6], $0x20, s19, s6, $0xb8;
	[tilespmem:$0x14A00] =	vst v63  }
0x2f: {  	s21 =	simm.s32 $0x480;
	s22 =	simm.s32 $0x9A00  }
0x30: {  	[tilespmem:s22], [sflag:$0x1] =	stream.indirect.gather [hbm4b:s4+s6], $0x20, s21, s6, $0xb8;
	[tilespmem:$0x14A00] =	vst v63  }
0x31: {  	s23 =	simm.s32 $0x500;
	s24 =	simm.s32 $0xAA00  }
0x32: {  	[tilespmem:s24], [sflag:$0x1] =	stream.indirect.gather [hbm4b:s4+s6], $0x20, s23, s6, $0xb8;
	[tilespmem:$0x14A00] =	vst v63  }
0x33: {  	s25 =	simm.s32 $0x580;
	s26 =	simm.s32 $0xBA00  }
0x34: {  	[tilespmem:s26], [sflag:$0x1] =	stream.indirect.gather [hbm4b:s4+s6], $0x20, s25, s6, $0xb8;
	[tilespmem:$0x14A00] =	vst v63  }
0x35: {  	s14 =	simm.s32 $0x600;
	s15 =	simm.s32 $0xCA00  }
0x36: {  	[tilespmem:s15], [sflag:$0x1] =	stream.indirect.gather [hbm4b:s4+s6], $0x20, s14, s6, $0xb8;
	[tilespmem:$0x14A00] =	vst v63  }
0x37: {  	s1 =	ssub.s32 $0x2, s1;
	s16 =	simm.s32 $0x680;
	s17 =	simm.s32 $0xDA00  }
0x38: {  	[tilespmem:s17], [sflag:$0x1] =	stream.indirect.gather [hbm4b:s4+s6], $0x20, s16, s6, $0xb8;
	[tilespmem:$0x14A00] =	vst v63  }
0x39: {  	s18 =	simm.s32 $0x700;
	s19 =	simm.s32 $0xEA00;
	s26 =	sshrl.u32 s1, $0x1  }
0x3a: {  	[tilespmem:s19], [sflag:$0x1] =	stream.indirect.gather [hbm4b:s4+s6], $0x20, s18, s6, $0xb8;
	[tilespmem:$0x14A00] =	vst v63  }
0x3b: {  	s20 =	simm.s32 $0x780;
	s21 =	simm.s32 $0xFA00;
	s1 =	ssub.s32 s1, s26  }
0x3c: {  	[tilespmem:s21], [sflag:$0x1] =	stream.indirect.gather [hbm4b:s4+s6], $0x20, s20, s6, $0xb8;
	[tilespmem:$0x14A00] =	vst v63  }
0x3d: {  	s22 =	simm.s32 $0x800;
	s23 =	simm.s32 $0x10A00;
	s1 =	smax.u32 s1, $0x1  }
0x3e: {  	[tilespmem:s23], [sflag:$0x1] =	stream.indirect.gather [hbm4b:s4+s6], $0x20, s22, s6, $0xb8;
	[tilespmem:$0x14A00] =	vst v63  }
0x3f: {  	s24 =	simm.s32 $0x880;
	s25 =	simm.s32 $0x11A00;
	p0 =	sne.s32 s1, $0x1  }
0x40: {  	[tilespmem:s25], [sflag:$0x1] =	stream.indirect.gather [hbm4b:s4+s6], $0x20, s24, s6, $0xb8;
	[tilespmem:$0x14A00] =	vst v63  }
.Ltmp0:
0x41: {  	s28 =	simm.s32 $0x12A00;
	s26 =	simm.s32 $0x900;
	(pc) =	sbr.rel @!p0 .LBB2_2-.Ltmp0, $4  }
0x42: {  	[tilespmem:s28], [sflag:$0x1] =	stream.indirect.gather [hbm4b:s4+s6], $0x20, s26, s6, $0xb8;
	[tilespmem:$0x14A00] =	vst v63  }
0x43: {  	s29 =	simm.s32 $0x980;
	s31 =	simm.s32 $0x13A00;
	s30 =	simm.s32 $0x1  }
0x44: {  	[tilespmem:s31], [sflag:$0x1] =	stream.indirect.gather [hbm4b:s4+s6], $0x20, s29, s6, $0xb8;
	[tilespmem:$0x14A00] =	vst v63  }
0x45: {  	s1 =	sadd.s32 $0xFFFFFFFF, s1;
	_ =	swait.ge [sflag:s30], $0x14000  }
.LBB2_1:
0x46: {  	[sflag:s30] =	ssyncset.done $0x0  }
0x47: {  	s0 =	rddreg [dreg:$0x3];
	[sflag:s30] =	ssyncadd.s32 $0xFFFEC000  }
0x48: {  	[hbm4b:s0+s2] =	stream.linear.scatter [tilespmem:s5], [sflag:$0x2], $0x14000, $0x38;
	[tilespmem:$0x14A00] =	vst v63  }
0x49: {  	_ =	swait.ge [sflag:s3], $0x14000  }
0x4a: {  	[sflag:s3] =	ssyncset.done $0x0  }
0x4b: {  	s11 =	rddreg [dreg:$0x2];
	[sflag:s3] =	ssyncadd.s32 $0xFFFEC000  }
0x4c: {  	[tilespmem:s2], [sflag:$0x2] =	stream.linear.gather [hbm4b:s11+s2], $0xA00, $0x38;
	[tilespmem:$0x14A00] =	vst v63  }
0x4d: {  	_ =	swait.ge [sflag:s3], $0xA00  }
0x4e: {  	s0 =	rddreg [dreg:$0x10]  }
0x4f: {  	s7 =	rddreg [dreg:$0xe]  }
0x50: {  	s8 =	rddreg [dreg:$0xc]  }
0x51: {  	s9 =	rddreg [dreg:$0xa]  }
0x52: {  	s10 =	rddreg [dreg:$0x5];
	[sflag:s3] =	ssyncset.done $0x0  }
0x53: {  	s11 =	rddreg [dreg:$0x4];
	[sflag:s3] =	ssyncadd.s32 $0xFFFFF600  }
0x54: {  	[tilespmem:s5], [sflag:$0x1] =	stream.indirect.gather [hbm4b:s4+s6], $0x20, s2, s6, $0xb8;
	[tilespmem:$0x14A00] =	vst v63  }
0x55: {  	s12 =	rddreg [dreg:$0x6]  }
0x56: {  	[tilespmem:s11], [sflag:$0x1] =	stream.indirect.gather [hbm4b:s4+s6], $0x20, s6, s6, $0xb8;
	[tilespmem:$0x14A00] =	vst v63  }
0x57: {  	s13 =	rddreg [dreg:$0x8]  }
0x58: {  	[tilespmem:s12], [sflag:$0x1] =	stream.indirect.gather [hbm4b:s4+s6], $0x20, s10, s6, $0xb8;
	[tilespmem:$0x14A00] =	vst v63  }
0x59: {  	s11 =	rddreg [dreg:$0x7]  }
0x5a: {  	[tilespmem:s13], [sflag:$0x1] =	stream.indirect.gather [hbm4b:s4+s6], $0x20, s11, s6, $0xb8;
	[tilespmem:$0x14A00] =	vst v63  }
0x5b: {  	s12 =	rddreg [dreg:$0x9]  }
0x5c: {  	[tilespmem:s9], [sflag:$0x1] =	stream.indirect.gather [hbm4b:s4+s6], $0x20, s12, s6, $0xb8;
	[tilespmem:$0x14A00] =	vst v63  }
0x5d: {  	s13 =	rddreg [dreg:$0xb]  }
0x5e: {  	[tilespmem:s8], [sflag:$0x1] =	stream.indirect.gather [hbm4b:s4+s6], $0x20, s13, s6, $0xb8;
	[tilespmem:$0x14A00] =	vst v63  }
0x5f: {  	s10 =	rddreg [dreg:$0xd]  }
0x60: {  	[tilespmem:s7], [sflag:$0x1] =	stream.indirect.gather [hbm4b:s4+s6], $0x20, s10, s6, $0xb8;
	[tilespmem:$0x14A00] =	vst v63  }
0x61: {  	s11 =	rddreg [dreg:$0xf]  }
0x62: {  	[tilespmem:s0], [sflag:$0x1] =	stream.indirect.gather [hbm4b:s4+s6], $0x20, s11, s6, $0xb8;
	[tilespmem:$0x14A00] =	vst v63  }
0x63: {  	s12 =	rddreg [dreg:$0x11];
	s13 =	simm.s32 $0x8A00  }
0x64: {  	[tilespmem:s13], [sflag:$0x1] =	stream.indirect.gather [hbm4b:s4+s6], $0x20, s12, s6, $0xb8;
	[tilespmem:$0x14A00] =	vst v63  }
0x65: {  	s9 =	simm.s32 $0x9A00;
	s8 =	simm.s32 $0x480  }
0x66: {  	[tilespmem:s9], [sflag:$0x1] =	stream.indirect.gather [hbm4b:s4+s6], $0x20, s8, s6, $0xb8;
	[tilespmem:$0x14A00] =	vst v63  }
0x67: {  	s10 =	simm.s32 $0x500;
	s11 =	simm.s32 $0xAA00  }
0x68: {  	[tilespmem:s11], [sflag:$0x1] =	stream.indirect.gather [hbm4b:s4+s6], $0x20, s10, s6, $0xb8;
	[tilespmem:$0x14A00] =	vst v63  }
0x69: {  	s12 =	simm.s32 $0x580;
	s13 =	simm.s32 $0xBA00  }
0x6a: {  	[tilespmem:s13], [sflag:$0x1] =	stream.indirect.gather [hbm4b:s4+s6], $0x20, s12, s6, $0xb8;
	[tilespmem:$0x14A00] =	vst v63  }
0x6b: {  	_ = 	snop  }
0x6c: {  	[tilespmem:s15], [sflag:$0x1] =	stream.indirect.gather [hbm4b:s4+s6], $0x20, s14, s6, $0xb8;
	[tilespmem:$0x14A00] =	vst v63  }
0x6d: {  	_ = 	snop  }
0x6e: {  	[tilespmem:s17], [sflag:$0x1] =	stream.indirect.gather [hbm4b:s4+s6], $0x20, s16, s6, $0xb8;
	[tilespmem:$0x14A00] =	vst v63  }
0x6f: {  	_ = 	snop  }
0x70: {  	[tilespmem:s19], [sflag:$0x1] =	stream.indirect.gather [hbm4b:s4+s6], $0x20, s18, s6, $0xb8;
	[tilespmem:$0x14A00] =	vst v63  }
0x71: {  	_ = 	snop  }
0x72: {  	[tilespmem:s21], [sflag:$0x1] =	stream.indirect.gather [hbm4b:s4+s6], $0x20, s20, s6, $0xb8;
	[tilespmem:$0x14A00] =	vst v63  }
0x73: {  	_ = 	snop  }
0x74: {  	[tilespmem:s23], [sflag:$0x1] =	stream.indirect.gather [hbm4b:s4+s6], $0x20, s22, s6, $0xb8;
	[tilespmem:$0x14A00] =	vst v63  }
0x75: {  	p0 =	sne.s32 s1, $0x1  }
0x76: {  	[tilespmem:s25], [sflag:$0x1] =	stream.indirect.gather [hbm4b:s4+s6], $0x20, s24, s6, $0xb8;
	[tilespmem:$0x14A00] =	vst v63  }
.Ltmp1:
0x77: {  	_ = 	snop;
	(pc) =	sbr.rel @p0 .LBB2_1-.Ltmp1, $4  }
0x78: {  	[tilespmem:s28], [sflag:$0x1] =	stream.indirect.gather [hbm4b:s4+s6], $0x20, s26, s6, $0xb8;
	[tilespmem:$0x14A00] =	vst v63  }
0x79: {  	_ = 	snop  }
0x7a: {  	[tilespmem:s31], [sflag:$0x1] =	stream.indirect.gather [hbm4b:s4+s6], $0x20, s29, s6, $0xb8;
	[tilespmem:$0x14A00] =	vst v63  }
0x7b: {  	s1 =	sadd.s32 $0xFFFFFFFF, s1;
	_ =	swait.ge [sflag:s30], $0x14000  }
.LBB2_2:
0x7c: {  	[sflag:s30] =	ssyncset.done $0x0  }
0x7d: {  	s0 =	rddreg [dreg:$0x3];
	[sflag:s30] =	ssyncadd.s32 $0xFFFEC000  }
0x7e: {  	[hbm4b:s0+s2] =	stream.linear.scatter [tilespmem:s5], [sflag:$0x2], $0x14000, $0x38;
	[tilespmem:$0x14A00] =	vst v63  }
0x7f: {  	_ =	swait.ge [sflag:s3], $0x14000  }
0x80: {  	[sflag:s3] =	ssyncset.done $0x0  }
0x81: {  	[sflag:s3] =	ssyncadd.s32 $0xFFFEC000  }
0x82: {  	_ =	sfence.sel $0x180000  }
0x83: {  	[bflag:$0x0] =	sbarrier.arrive $0xFFFF  }
0x84: {  	_ =	strace $0x90000053  }
0x85: {  	s31 =	stileid.u32;
	[bflag:$0x2] =	sbarrier.arrive $0xFFFF  }
0x86: {  	p0 =	sne.s32 s31, $0x0;
	s0 =	rddreg [dreg:$0x1]  }
0x87: {  	s0 =	sadd.s32 @!p0 $0x100000, s0  }
0x88: {  	[sflag:s0] =	ssyncadd.tile.s32 @!p0 $0x1;
	_ =	shalt  }
.Lfunc_end2:
_tile_overlayer_lowered:
.L_overlay_start_2:
0x89: {  	(tag) =	ssettag $0x2  }
0x8a: {  	s0 =	rddreg [dreg:$0x0];
	s2 =	stileid.u32  }
0x8b: {  	s1 =	rddreg [dreg:$0x1];
	p0 =	sne.s32 s2, $0x0  }
0x8c: {  	s3 =	rddreg [dreg:$0x2];
	[bflag:$0x3] =	sbarrier.arrive $0xFFFF;
	s2 =	simm.s32 @!p0 $0x1C02  }
0x8d: {  	[timem:s3], [sflag:s2] =	dma.local @!p0 [hbm:s0], s1  }
0x8e: {  	s0 =	simm.s32 @!p0 $0x2  }
0x8f: {  	_ =	swait.ge @!p0 [sflag:s0], s1  }
0x90: {  	s1 =	ssub.s32 @!p0 $0x0, s1;
	[sflag:s0] =	ssyncset.done @!p0 $0x0  }
0x91: {  	[sflag:s0] =	ssyncadd.s32 @!p0 s1  }
0x92: {  	[bflag:$0x3] =	sbarrier.arrive $0xFFFF  }
0x93: {  	_ =	shalt  }

// kernel: kernel.34.cloned.1.call-start
scs
__scs_entry_jumppad:
0x0: {  	(pc) =	sbr.rel $0x88, $3  }
0x1: {  	(tag) =	ssettag $0x0;
	lr =	simm.s32 $0x1  }
0x2: {  	[smem:$0x3F7F] =	sst lr;
	_ =	strace $0xD0000000  }
0x3: {  	_ = 	snop  }
0x4: {  	_ = 	snop  }
0x5: {  	_ = 	snop  }
0x6: {  	_ = 	snop  }
0x7: {  	_ = 	snop  }
__scs_overlays_trampoline_lowered:
0x8: {  	[smem:$0x3F8E] =	sst s0  }
0x9: {  	[smem:$0x3F8F] =	sst s1  }
0xa: {  	[smem:$0x3F90] =	sst s2  }
0xb: {  	[smem:$0x3F91] =	sst s3  }
0xc: {  	[smem:$0x3F92] =	sst s4  }
0xd: {  	[smem:$0x3F93] =	sst s5  }
0xe: {  	[smem:$0x3F94] =	sst s6  }
0xf: {  	[smem:$0x3F95] =	sst s7  }
0x10: {  	[smem:$0x3F96] =	sst s8  }
0x11: {  	[smem:$0x3F97] =	sst s9;
	s0 =	simm.s32 @!p0 $0x0  }
0x12: {  	s1 =	sld [smem:$0x3F7D];
	s0 =	simm.s32 @p0 $0x1  }
0x13: {  	[smem:$0x3F98] =	sst s0;
	s0 =	simm.s32 @!p1 $0x0  }
0x14: {  	s2 =	sld [smem:$0x3F7C];
	s0 =	simm.s32 @p1 $0x1  }
0x15: {  	[smem:$0x3F99] =	sst s0;
	s0 =	simm.s32 @!p2 $0x0  }
0x16: {  	s3 =	sld [smem:$0x3FDB];
	s0 =	simm.s32 @p2 $0x1  }
0x17: {  	s4 =	simm.s32 $0x1BF5;
	[smem:$0x3F9B] =	sst s0  }
0x18: {  	s0 =	sld [smem:$0x3F7E];
	_ =	swait.ge [sflag:s4], $0x0  }
0x19: {  	s7 =	sld [smem:$0x3F7F]  }
0x1a: {  	s8 =	sadd.s32 $0xFFFFE003, lr  }
0x1b: {  	s9 =	sadd.s32 $0xFFFFFEF7, lr;
	s5 =	simm.s32 $0xFFFFFFFF;
	p2 =	slt.u32 s8, $0xFFFFF086  }
0x1c: {  	p1 =	slt.u32 s9, $0xF7A;
	s5 =	simm.s32 @!p2 $0x0  }
0x1d: {  	s5 =	simm.s32 @p1 $0x1;
	p0 =	seq.s32 s7, s2  }
0x1e: {  	s7 =	smul.u32 @!p0 $0xF7A, s2;
	p2 =	seq.s32 @!p0 s5, $0x0  }
0x1f: {  	s9 =	smul.u32 $0xF7A, s1;
	s8 =	simm.s32 @!p0 $0x1BF5;
	p2 =	por !p2, p0  }
0x20: {  	[sflag:s8] =	ssyncset.s32 @!p0 $0xFFFFF086;
	s6 =	sadd.s32 @!p0 s3, s7;
	s7 =	simm.s32 @!p0 $0x108  }
0x21: {  	s3 =	sadd.s32 s3, s9;
	s6 =	sadd.s32 @!p0 $0x88, s6;
	s7 =	simm.s32 @p2 $0x1082  }
0x22: {  	[simem:s7], [sflag:s8] =	dma.local @!p0 [hbm:s6], $0xF7A  }
0x23: {  	s9 =	sor.u32 $0xD0000000, s2;
	s6 =	simm.s32 $0x108;
	_ =	swait.ge @!p0 [sflag:s8], $0x0  }
0x24: {  	s3 =	sadd.s32 $0x88, s3;
	s6 =	simm.s32 @!p1 $0x1082;
	[sflag:s4] =	ssyncset.s32 $0xFFFFF086  }
0x25: {  	[simem:s6], [sflag:s4] =	dma.local [hbm:s3], $0xF7A  }
0x26: {  	[smem:$0x3F7F] =	sst s1;
	(tag) =	ssettag s2;
	_ =	strace s9  }
0x27: {  	s1 =	sld [smem:$0x3F8F]  }
0x28: {  	s2 =	sld [smem:$0x3F90]  }
0x29: {  	s4 =	sld [smem:$0x3F92]  }
0x2a: {  	p0 =	seq.s32 s5, $0x0;
	s5 =	sld [smem:$0x3F93]  }
0x2b: {  	s6 =	sld [smem:$0x3F94]  }
0x2c: {  	s7 =	sld [smem:$0x3F95]  }
0x2d: {  	s3 =	simm.s32 $0x108;
	s8 =	sld [smem:$0x3F96]  }
0x2e: {  	s3 =	simm.s32 @!p0 $0x1082;
	s9 =	sld [smem:$0x3F97]  }
0x2f: {  	lr =	sadd.s32 s0, s3;
	s0 =	sld [smem:$0x3F8E]  }
0x30: {  	s3 =	sld [smem:$0x3F91]  }
0x31: {  	[smem:$0x3F9A] =	sst s10  }
0x32: {  	s10 =	sld [smem:$0x3F98];
	_ =	sdelay $0x3  }
0x33: {  	p0 =	seq.s32 s10, $0x1;
	s10 =	sld [smem:$0x3F9A];
	_ =	sdelay $0x3  }
0x34: {  	[smem:$0x3F9A] =	sst s10  }
0x35: {  	s10 =	sld [smem:$0x3F99];
	_ =	sdelay $0x3  }
0x36: {  	p1 =	seq.s32 s10, $0x1;
	s10 =	sld [smem:$0x3F9A];
	_ =	sdelay $0x3  }
0x37: {  	[smem:$0x3F9A] =	sst s10  }
0x38: {  	s10 =	sld [smem:$0x3F9B]  }
0x39: {  	_ = 	snop;
	(pc) =	sbr.ind lr, $3  }
0x3a: {  	_ = 	snop  }
0x3b: {  	_ = 	snop  }
0x3c: {  	p2 =	seq.s32 s10, $0x1;
	s10 =	sld [smem:$0x3F9A]  }
0x3d: {  	_ =	shalt  }
0x3e: {  	_ =	shalt  }
0x3f: {  	_ =	shalt  }
0x40: {  	_ =	shalt  }
0x41: {  	_ =	shalt  }
0x42: {  	_ =	shalt  }
0x43: {  	_ =	shalt  }
0x44: {  	_ =	shalt  }
0x45: {  	_ =	shalt  }
0x46: {  	_ =	shalt  }
0x47: {  	_ =	shalt  }
0x48: {  	_ =	shalt  }
0x49: {  	_ =	shalt  }
0x4a: {  	_ =	shalt  }
0x4b: {  	_ =	shalt  }
0x4c: {  	_ =	shalt  }
0x4d: {  	_ =	shalt  }
0x4e: {  	_ =	shalt  }
0x4f: {  	_ =	shalt  }
0x50: {  	_ =	shalt  }
0x51: {  	_ =	shalt  }
0x52: {  	_ =	shalt  }
0x53: {  	_ =	shalt  }
0x54: {  	_ =	shalt  }
0x55: {  	_ =	shalt  }
0x56: {  	_ =	shalt  }
0x57: {  	_ =	shalt  }
0x58: {  	_ =	shalt  }
0x59: {  	_ =	shalt  }
0x5a: {  	_ =	shalt  }
0x5b: {  	_ =	shalt  }
0x5c: {  	_ =	shalt  }
0x5d: {  	_ =	shalt  }
0x5e: {  	_ =	shalt  }
0x5f: {  	_ =	shalt  }
0x60: {  	_ =	shalt  }
0x61: {  	_ =	shalt  }
0x62: {  	_ =	shalt  }
0x63: {  	_ =	shalt  }
0x64: {  	_ =	shalt  }
0x65: {  	_ =	shalt  }
0x66: {  	_ =	shalt  }
0x67: {  	_ =	shalt  }
0x68: {  	_ =	shalt  }
0x69: {  	_ =	shalt  }
0x6a: {  	_ =	shalt  }
0x6b: {  	_ =	shalt  }
0x6c: {  	_ =	shalt  }
0x6d: {  	_ =	shalt  }
0x6e: {  	_ =	shalt  }
0x6f: {  	_ =	shalt  }
0x70: {  	_ =	shalt  }
0x71: {  	_ =	shalt  }
0x72: {  	_ =	shalt  }
0x73: {  	_ =	shalt  }
0x74: {  	_ =	shalt  }
0x75: {  	_ =	shalt  }
0x76: {  	_ =	shalt  }
0x77: {  	_ =	shalt  }
0x78: {  	_ =	shalt  }
0x79: {  	_ =	shalt  }
0x7a: {  	_ =	shalt  }
0x7b: {  	_ =	shalt  }
0x7c: {  	_ =	shalt  }
0x7d: {  	_ =	shalt  }
0x7e: {  	_ =	shalt  }
0x7f: {  	_ =	shalt  }
0x80: {  	_ =	shalt  }
0x81: {  	_ =	shalt  }
0x82: {  	_ =	shalt  }
0x83: {  	_ =	shalt  }
0x84: {  	_ =	shalt  }
0x85: {  	_ =	shalt  }
0x86: {  	_ =	shalt  }
0x87: {  	_ =	shalt  }
.Lfunc_end0:
.L_simem_size_0:
called_computation.5_lowered:
.L_overlay_start_0:
0x88: {  	s2 =	sld [smem:$0x3FD9]  }
0x89: {  	s3 =	sld [smem:$0x3FFE];
	_ =	sdelay $0x1  }
0x8a: {  	s1 =	srdreg.scid  }
0x8b: {  	s0 =	sand.u32 $0x1, s1  }
0x8c: {  	s16 =	sshll.u32 s0, $0xA;
	s2 =	sadd.s32 s3, s2  }
0x8d: {  	s2 =	sadd.s32 s2, s16  }
0x8e: {  	[smem:$0x3FA6] =	sst s2  }
0x8f: {  	_ = 	snop  }
0x90: {  	(tm) =	ssettm $0x1  }
0x91: {  	s17 =	sld [smem:$0x3FFB];
	_ =	sdelay $0x3  }
0x92: {  	_ =	strace s17  }
0x93: {  	s2 =	sld [smem:$0x3FFC];
	_ =	sdelay $0x3  }
0x94: {  	_ =	strace s2  }
0x95: {  	s2 =	sld [smem:$0x3FFD];
	_ =	sdelay $0x3  }
0x96: {  	_ =	strace s2  }
0x97: {  	_ =	strace $0x8FFFFFFF  }
0x98: {  	s18 =	sld [smem:$0x3FDB];
	_ =	sdelay $0x1  }
0x99: {  	s19 =	simm.s32 $_scs_section_size  }
0x9a: {  	s4 =	simm.s32 $_size__tile_overlayer_lowered;
	s5 =	simm.s32 $_tile_overlayer_lowered  }
0x9b: {  	s22 =	simm.s32 $0x1BFF;
	s21 =	sshll.u32 s5, $0x1;
	s2 =	sadd.s32 s19, s18  }
0x9c: {  	s6 =	simm.s32 $0x0;
	s20 =	sshll.u32 s4, $0x1;
	s4 =	sadd.s32 s21, s2  }
0x9d: {  	[timem:s6], [sflag:s22] =	dma.local [hbm:s4], s20  }
0x9e: {  	_ =	swait.ge [sflag:s22], s20  }
0x9f: {  	s3 =	ssub.s32 $0x0, s20;
	[sflag:s22] =	ssyncset.done $0x0  }
0xa0: {  	[sflag:s22] =	ssyncadd.s32 s3;
	_ =	sdelay $0x1  }
0xa1: {  	s23 =	simm.s32 $0x1B8B  }
0xa2: {  	_ =	swait.ge [sflag:s23], $0x1  }
0xa3: {  	[sflag:s23] =	ssyncset.done $0x0  }
0xa4: {  	s25 =	simm.s32 $0x1B8E;
	s24 =	sld [smem:$0x3FFE];
	[sflag:s23] =	ssyncadd.s32 $0xFFFFFFFF  }
0xa5: {  	s26 =	simm.s32 $execute0_lowered;
	[smem:$0x3FD2] =	sst s25  }
0xa6: {  	s4 =	sshll.u32 s26, $0x1;
	_ =	strace $0x80000055;
	[dreg:$0x1] =	wrdreg $0xFFFFFFFF  }
0xa7: {  	s28 =	simm.s32 $_size_execute0_lowered;
	s2 =	sadd.s32 s2, s4;
	[dreg:$0x0] =	wrdreg $0x0  }
0xa8: {  	s4 =	sshll.u32 s28, $0x1;
	[dreg:$0x2] =	wrdreg s2  }
0xa9: {  	[dreg:$0x3] =	wrdreg s4  }
0xaa: {  	[dreg:$0x4] =	wrdreg $0xC0  }
0xab: {  	_ =	task [dreg:s6], $0x5FFFF  }
0xac: {  	[dreg:$0x1] =	wrdreg $0xFFFFFFFF  }
0xad: {  	[dreg:$0x0] =	wrdreg $0x60  }
0xae: {  	[dreg:$0x2] =	wrdreg s24  }
0xaf: {  	[dreg:$0x3] =	wrdreg $0x14A000  }
0xb0: {  	[dreg:$0x4] =	wrdreg $0x9  }
0xb1: {  	_ =	task.clear_ibuf [dreg:s6], $0x5FFFF;
	_ =	strace $0x90000055  }
0xb2: {  	s29 =	simm.s32 $0x9;
	_ =	strace $0x80000057  }
0xb3: {  	_ =	swait.ge [sflag:s29], $0x1  }
0xb4: {  	[sflag:s29] =	ssyncadd.s32 $0xFFFFFFFF  }
0xb5: {  	_ =	strace $0x90000057  }
0xb6: {  	_ =	sfence  }
0xb7: {  	s30 =	sld [smem:$0x0];
	_ =	sdelay $0x2  }
0xb8: {  	s31 =	sshll.u32 s1, $0xD;
	s1 =	sshrl.u32 s1, $0x2  }
0xb9: {  	s3 =	sand.u32 $0x4000, s31;
	s1 =	sadd.s32 s1, s30  }
0xba: {  	s0 =	sor.u32 s3, s0;
	s1 =	sshll.u32 s1, $0x11  }
0xbb: {  	s0 =	sor.u32 s1, s0  }
0xbc: {  	s0 =	sadd.s32 $0x8F2B, s0  }
0xbd: {  	[sflag:s0] =	ssyncadd.remote.s32 $0x1  }
0xbe: {  	_ =	sfence.sel $0xFFFF  }
0xbf: {  	[dreg:$0x0] =	wrdreg $0xFFFFFFFF;
	(pc) =	sbr.abs _section_cstart, $3  }
0xc0: {  	[dreg:$0x1] =	wrdreg $0xFFFFFFFF  }
0xc1: {  	_ =	task.clear_ibuf [dreg:s6], $0x2FFFF;
	_ =	strace $0x9FFFFFFF  }
0xc2: {  	(tm) =	ssettm $0x7FFFFFFF  }
0xc3: {  	_ =	shalt  }
tec
execute0_lowered:
.L_overlay_start_1:
0x0: {  	(tag) =	ssettag $0x1  }
0x1: {  	s1 =	srdreg.scid  }
0x2: {  	s0 =	stileid.u32;
	s5 =	rddreg [dreg:$0x0];
	s3 =	simm.s32 $0x0  }
0x3: {  	s1 =	sand.u32 $0x1, s1;
	s2 =	sshll.u32 s0, $0x1;
	[smem:$0x7FF] =	sst s3  }
0x4: {  	s26 =	simm.s32 $0x1A00;
	s4 =	sor.u32 s1, s2;
	s2 =	rddreg [dreg:$0x1]  }
0x5: {  	s10 =	simm.s32 $0x200;
	_ =	strace $0x80000056;
	[dreg:$0x7] =	wrdreg s26  }
0x6: {  	s11 =	simm.s32 $0x4A00;
	[dreg:$0xc] =	wrdreg s10  }
0x7: {  	s12 =	simm.s32 $0x280;
	[dreg:$0xd] =	wrdreg s11  }
0x8: {  	s13 =	simm.s32 $0x5A00;
	[dreg:$0xe] =	wrdreg s12  }
0x9: {  	s14 =	simm.s32 $0x300;
	[dreg:$0xf] =	wrdreg s13  }
0xa: {  	s15 =	simm.s32 $0x6A00;
	s16 =	simm.s32 $0x380;
	[dreg:$0x10] =	wrdreg s14  }
0xb: {  	s17 =	simm.s32 $0x7A00;
	s18 =	simm.s32 $0x400;
	[dreg:$0x11] =	wrdreg s15  }
0xc: {  	s21 =	simm.s32 $0x8A00;
	s7 =	smul.u32 $0x4E40, s0;
	[dreg:$0x12] =	wrdreg s16  }
0xd: {  	s23 =	simm.s32 $0x480;
	[dreg:$0x13] =	wrdreg s17;
	s6 =	smul.u32 $0x2800, s4  }
0xe: {  	[dreg:$0x14] =	wrdreg s18;
	s4 =	smul.u32 $0x140, s4;
	s8 =	sshrl.u32 s7, $0x3  }
0xf: {  	s9 =	smul.u32 $0x4E400, s1;
	[dreg:$0x15] =	wrdreg s21;
	s8 =	sadd.s32 s8, s5  }
0x10: {  	[dreg:$0x16] =	wrdreg s23;
	s4 =	sadd.s32 s4, s5;
	s8 =	sadd.s32 $0x9A00, s8  }
0x11: {  	s6 =	sadd.s32 s6, s5;
	[dreg:$0x3] =	wrdreg s8;
	s4 =	sadd.s32 $0x106000, s4  }
0x12: {  	s24 =	sadd.s32 $0x16000, s6;
	[dreg:$0x4] =	wrdreg s4  }
0x13: {  	s9 =	sadd.s32 s7, s9;
	s6 =	simm.s32 $0x2A00;
	[dreg:$0x5] =	wrdreg s24  }
0x14: {  	s9 =	sshrl.u32 s9, $0x3;
	s8 =	simm.s32 $0x180;
	[dreg:$0x9] =	wrdreg s6  }
0x15: {  	s5 =	sadd.s32 s9, s5;
	s9 =	simm.s32 $0x3A00;
	[dreg:$0xa] =	wrdreg s8  }
0x16: {  	s20 =	sshll.u32 s0, $0x6;
	[dreg:$0xb] =	wrdreg s9  }
0x17: {  	s19 =	sadd.s32 s7, s2;
	s25 =	sadd.s32 $0x108800, s5;
	s22 =	rddreg [dreg:$0x3]  }
0x18: {  	s5 =	simm.s32 $0x100;
	s4 =	sor.u32 $0x1C02, s20;
	[dreg:$0x6] =	wrdreg s25  }
0x19: {  	s6 =	sshrl.u32 s19, $0x3;
	[dreg:$0x8] =	wrdreg s5;
	s5 =	simm.s32 $0x2  }
0x1a: {  	[spmem:s6], [sflag:s4] =	dma.local [hbm:s22], $0x9C8  }
0x1b: {  	_ =	swait.ge [sflag:s5], $0x9C8  }
0x1c: {  	[sflag:s5] =	ssyncset.done $0x0  }
0x1d: {  	s24 =	rddreg [dreg:$0x4];
	[sflag:s5] =	ssyncadd.s32 $0xFFFFF638  }
0x1e: {  	[tilespmem:s3], [sflag:$0x2] =	stream.linear.gather [hbm4b:s24+s3], $0xA00, $0x38;
	[tilespmem:$0x19840] =	vst v63  }
0x1f: {  	_ =	swait.ge [sflag:s5], $0xA00  }
0x20: {  	[sflag:s5] =	ssyncset.done $0x0  }
0x21: {  	s7 =	simm.s32 $0xA00;
	s25 =	rddreg [dreg:$0x5];
	[sflag:s5] =	ssyncadd.s32 $0xFFFFF600  }
0x22: {  	[tilespmem:s7], [sflag:$0x2] =	stream.linear.gather [hbm4b:s25+s3], $0x14000, $0x38;
	[tilespmem:$0x19840] =	vst v63  }
0x23: {  	_ =	swait.ge [sflag:s5], $0x14000  }
0x24: {  	[sflag:s5] =	ssyncset.done $0x0  }
0x25: {  	[sflag:s5] =	ssyncadd.s32 $0xFFFEC000  }
0x26: {  	[bflag:$0x0] =	sbarrier.arrive $0xFFFF  }
0x27: {  	s26 =	rddreg [dreg:$0x15]  }
0x28: {  	s10 =	rddreg [dreg:$0x13]  }
0x29: {  	s11 =	rddreg [dreg:$0x11]  }
0x2a: {  	s12 =	rddreg [dreg:$0xf]  }
0x2b: {  	s13 =	rddreg [dreg:$0xd]  }
0x2c: {  	s8 =	simm.s32 $0x80;
	s14 =	rddreg [dreg:$0xb]  }
0x2d: {  	[spmem:s2] =	stream.indirect.scatter.add.f32 [tilespmem:s7], [sflag:$0x1], $0x20, s3, s8, $0xb8;
	[tilespmem:$0x19840] =	vst v63  }
0x2e: {  	s15 =	rddreg [dreg:$0x7]  }
0x2f: {  	s16 =	rddreg [dreg:$0x9]  }
0x30: {  	[spmem:s2] =	stream.indirect.scatter.add.f32 [tilespmem:s15], [sflag:$0x1], $0x20, s8, s8, $0xb8;
	[tilespmem:$0x19840] =	vst v63  }
0x31: {  	s17 =	rddreg [dreg:$0x8]  }
0x32: {  	[spmem:s2] =	stream.indirect.scatter.add.f32 [tilespmem:s16], [sflag:$0x1], $0x20, s17, s8, $0xb8;
	[tilespmem:$0x19840] =	vst v63  }
0x33: {  	s0 =	rddreg [dreg:$0xa]  }
0x34: {  	[spmem:s2] =	stream.indirect.scatter.add.f32 [tilespmem:s14], [sflag:$0x1], $0x20, s0, s8, $0xb8;
	[tilespmem:$0x19840] =	vst v63  }
0x35: {  	s18 =	rddreg [dreg:$0xc]  }
0x36: {  	[spmem:s2] =	stream.indirect.scatter.add.f32 [tilespmem:s13], [sflag:$0x1], $0x20, s18, s8, $0xb8;
	[tilespmem:$0x19840] =	vst v63  }
0x37: {  	s19 =	rddreg [dreg:$0xe]  }
0x38: {  	[spmem:s2] =	stream.indirect.scatter.add.f32 [tilespmem:s12], [sflag:$0x1], $0x20, s19, s8, $0xb8;
	[tilespmem:$0x19840] =	vst v63  }
0x39: {  	s20 =	rddreg [dreg:$0x10]  }
0x3a: {  	[spmem:s2] =	stream.indirect.scatter.add.f32 [tilespmem:s11], [sflag:$0x1], $0x20, s20, s8, $0xb8;
	[tilespmem:$0x19840] =	vst v63  }
0x3b: {  	s21 =	rddreg [dreg:$0x12]  }
0x3c: {  	[spmem:s2] =	stream.indirect.scatter.add.f32 [tilespmem:s10], [sflag:$0x1], $0x20, s21, s8, $0xb8;
	[tilespmem:$0x19840] =	vst v63  }
0x3d: {  	s22 =	rddreg [dreg:$0x14]  }
0x3e: {  	[spmem:s2] =	stream.indirect.scatter.add.f32 [tilespmem:s26], [sflag:$0x1], $0x20, s22, s8, $0xb8;
	[tilespmem:$0x19840] =	vst v63  }
0x3f: {  	s24 =	simm.s32 $0x9A00;
	s23 =	rddreg [dreg:$0x16]  }
0x40: {  	[spmem:s2] =	stream.indirect.scatter.add.f32 [tilespmem:s24], [sflag:$0x1], $0x20, s23, s8, $0xb8;
	[tilespmem:$0x19840] =	vst v63  }
0x41: {  	s25 =	simm.s32 $0x500;
	s26 =	simm.s32 $0xAA00  }
0x42: {  	[spmem:s2] =	stream.indirect.scatter.add.f32 [tilespmem:s26], [sflag:$0x1], $0x20, s25, s8, $0xb8;
	[tilespmem:$0x19840] =	vst v63  }
0x43: {  	s11 =	simm.s32 $0xBA00;
	s10 =	simm.s32 $0x580  }
0x44: {  	[spmem:s2] =	stream.indirect.scatter.add.f32 [tilespmem:s11], [sflag:$0x1], $0x20, s10, s8, $0xb8;
	[tilespmem:$0x19840] =	vst v63  }
0x45: {  	s13 =	simm.s32 $0xCA00;
	s12 =	simm.s32 $0x600  }
0x46: {  	[spmem:s2] =	stream.indirect.scatter.add.f32 [tilespmem:s13], [sflag:$0x1], $0x20, s12, s8, $0xb8;
	[tilespmem:$0x19840] =	vst v63  }
0x47: {  	s15 =	simm.s32 $0xDA00;
	s14 =	simm.s32 $0x680  }
0x48: {  	[spmem:s2] =	stream.indirect.scatter.add.f32 [tilespmem:s15], [sflag:$0x1], $0x20, s14, s8, $0xb8;
	[tilespmem:$0x19840] =	vst v63  }
0x49: {  	s18 =	simm.s32 $0x700;
	s19 =	simm.s32 $0xEA00  }
0x4a: {  	[spmem:s2] =	stream.indirect.scatter.add.f32 [tilespmem:s19], [sflag:$0x1], $0x20, s18, s8, $0xb8;
	[tilespmem:$0x19840] =	vst v63  }
0x4b: {  	s20 =	simm.s32 $0x780;
	s21 =	simm.s32 $0xFA00  }
0x4c: {  	[spmem:s2] =	stream.indirect.scatter.add.f32 [tilespmem:s21], [sflag:$0x1], $0x20, s20, s8, $0xb8;
	[tilespmem:$0x19840] =	vst v63  }
0x4d: {  	s22 =	simm.s32 $0x800;
	s23 =	simm.s32 $0x10A00  }
0x4e: {  	[spmem:s2] =	stream.indirect.scatter.add.f32 [tilespmem:s23], [sflag:$0x1], $0x20, s22, s8, $0xb8;
	[tilespmem:$0x19840] =	vst v63  }
0x4f: {  	s24 =	simm.s32 $0x880;
	s25 =	simm.s32 $0x11A00  }
0x50: {  	[spmem:s2] =	stream.indirect.scatter.add.f32 [tilespmem:s25], [sflag:$0x1], $0x20, s24, s8, $0xb8;
	[tilespmem:$0x19840] =	vst v63  }
0x51: {  	s28 =	simm.s32 $0x12A00;
	s26 =	simm.s32 $0x900  }
0x52: {  	[spmem:s2] =	stream.indirect.scatter.add.f32 [tilespmem:s28], [sflag:$0x1], $0x20, s26, s8, $0xb8;
	[tilespmem:$0x19840] =	vst v63  }
0x53: {  	s29 =	simm.s32 $0x980;
	s30 =	simm.s32 $0x13A00;
	s31 =	simm.s32 $0x1  }
0x54: {  	[spmem:s2] =	stream.indirect.scatter.add.f32 [tilespmem:s30], [sflag:$0x1], $0x20, s29, s8, $0xb8;
	[tilespmem:$0x19840] =	vst v63  }
0x55: {  	_ =	swait.ge [sflag:s31], $0x1000  }
0x56: {  	[sflag:s31] =	ssyncset.done $0x0  }
0x57: {  	[sflag:s31] =	ssyncadd.s32 $0xFFFFF000  }
0x58: {  	_ =	swait.ge [sflag:s31], $0x1000  }
0x59: {  	[sflag:s31] =	ssyncset.done $0x0  }
0x5a: {  	[sflag:s31] =	ssyncadd.s32 $0xFFFFF000  }
0x5b: {  	_ =	swait.ge [sflag:s31], $0x1000  }
0x5c: {  	[sflag:s31] =	ssyncset.done $0x0  }
0x5d: {  	[sflag:s31] =	ssyncadd.s32 $0xFFFFF000  }
0x5e: {  	_ =	swait.ge [sflag:s31], $0x1000  }
0x5f: {  	[sflag:s31] =	ssyncset.done $0x0  }
0x60: {  	[sflag:s31] =	ssyncadd.s32 $0xFFFFF000  }
0x61: {  	_ =	swait.ge [sflag:s31], $0x1000  }
0x62: {  	[sflag:s31] =	ssyncset.done $0x0  }
0x63: {  	[sflag:s31] =	ssyncadd.s32 $0xFFFFF000  }
0x64: {  	_ =	swait.ge [sflag:s31], $0x1000  }
0x65: {  	[sflag:s31] =	ssyncset.done $0x0  }
0x66: {  	[sflag:s31] =	ssyncadd.s32 $0xFFFFF000  }
0x67: {  	_ =	swait.ge [sflag:s31], $0x1000  }
0x68: {  	[sflag:s31] =	ssyncset.done $0x0  }
0x69: {  	[sflag:s31] =	ssyncadd.s32 $0xFFFFF000  }
0x6a: {  	_ =	swait.ge [sflag:s31], $0x1000  }
0x6b: {  	[sflag:s31] =	ssyncset.done $0x0  }
0x6c: {  	[sflag:s31] =	ssyncadd.s32 $0xFFFFF000  }
0x6d: {  	_ =	swait.ge [sflag:s31], $0x1000  }
0x6e: {  	[sflag:s31] =	ssyncset.done $0x0  }
0x6f: {  	[sflag:s31] =	ssyncadd.s32 $0xFFFFF000  }
0x70: {  	_ =	swait.ge [sflag:s31], $0x1000  }
0x71: {  	[sflag:s31] =	ssyncset.done $0x0  }
0x72: {  	[sflag:s31] =	ssyncadd.s32 $0xFFFFF000  }
0x73: {  	_ =	swait.ge [sflag:s31], $0x1000  }
0x74: {  	[sflag:s31] =	ssyncset.done $0x0  }
0x75: {  	[sflag:s31] =	ssyncadd.s32 $0xFFFFF000  }
0x76: {  	_ =	swait.ge [sflag:s31], $0x1000  }
0x77: {  	[sflag:s31] =	ssyncset.done $0x0  }
0x78: {  	[sflag:s31] =	ssyncadd.s32 $0xFFFFF000  }
0x79: {  	_ =	swait.ge [sflag:s31], $0x1000  }
0x7a: {  	[sflag:s31] =	ssyncset.done $0x0  }
0x7b: {  	[sflag:s31] =	ssyncadd.s32 $0xFFFFF000  }
0x7c: {  	_ =	swait.ge [sflag:s31], $0x1000  }
0x7d: {  	[sflag:s31] =	ssyncset.done $0x0  }
0x7e: {  	[sflag:s31] =	ssyncadd.s32 $0xFFFFF000  }
0x7f: {  	_ =	swait.ge [sflag:s31], $0x1000  }
0x80: {  	[sflag:s31] =	ssyncset.done $0x0  }
0x81: {  	[sflag:s31] =	ssyncadd.s32 $0xFFFFF000  }
0x82: {  	_ =	swait.ge [sflag:s31], $0x1000  }
0x83: {  	[sflag:s31] =	ssyncset.done $0x0  }
0x84: {  	[sflag:s31] =	ssyncadd.s32 $0xFFFFF000  }
0x85: {  	_ =	swait.ge [sflag:s31], $0x1000  }
0x86: {  	s1 =	ssub.s32 $0x2, s1;
	[sflag:s31] =	ssyncset.done $0x0  }
0x87: {  	s16 =	sshrl.u32 s1, $0x1;
	[sflag:s31] =	ssyncadd.s32 $0xFFFFF000  }
0x88: {  	s0 =	ssub.s32 s1, s16;
	_ =	swait.ge [sflag:s31], $0x1000  }
0x89: {  	s0 =	smax.u32 s0, $0x1;
	[sflag:s31] =	ssyncset.done $0x0  }
0x8a: {  	p0 =	sne.s32 s0, $0x1;
	[sflag:s31] =	ssyncadd.s32 $0xFFFFF000  }
.Ltmp0:
0x8b: {  	_ =	swait.ge [sflag:s31], $0x1000;
	(pc) =	sbr.rel @!p0 .LBB2_2-.Ltmp0, $4  }
0x8c: {  	[sflag:s31] =	ssyncset.done $0x0  }
0x8d: {  	[sflag:s31] =	ssyncadd.s32 $0xFFFFF000  }
0x8e: {  	_ =	swait.ge [sflag:s31], $0x1000  }
0x8f: {  	s17 =	simm.s32 $0xDA00;
	s1 =	sadd.s32 $0xFFFFFFFF, s0;
	[sflag:s31] =	ssyncset.done $0x0  }
.LBB2_1:
0x90: {  	[sflag:s31] =	ssyncadd.s32 $0xFFFFF000  }
0x91: {  	[bflag:$0x0] =	sbarrier.arrive $0xFFFF  }
0x92: {  	s0 =	rddreg [dreg:$0x6]  }
0x93: {  	[hbm:s0], [sflag:s4] =	dma.local [spmem:s6], $0x9C8  }
0x94: {  	_ =	swait.ge [sflag:s5], $0x9C8  }
0x95: {  	[sflag:s5] =	ssyncset.done $0x0  }
0x96: {  	s13 =	rddreg [dreg:$0x3];
	[sflag:s5] =	ssyncadd.s32 $0xFFFFF638  }
0x97: {  	[spmem:s6], [sflag:s4] =	dma.local [hbm:s13], $0x9C8  }
0x98: {  	_ =	swait.ge [sflag:s5], $0x9C8  }
0x99: {  	[sflag:s5] =	ssyncset.done $0x0  }
0x9a: {  	s14 =	rddreg [dreg:$0x4];
	[sflag:s5] =	ssyncadd.s32 $0xFFFFF638  }
0x9b: {  	[tilespmem:s3], [sflag:$0x2] =	stream.linear.gather [hbm4b:s14+s3], $0xA00, $0x38;
	[tilespmem:$0x19840] =	vst v63  }
0x9c: {  	_ =	swait.ge [sflag:s5], $0xA00  }
0x9d: {  	[sflag:s5] =	ssyncset.done $0x0  }
0x9e: {  	s15 =	rddreg [dreg:$0x5];
	[sflag:s5] =	ssyncadd.s32 $0xFFFFF600  }
0x9f: {  	[tilespmem:s7], [sflag:$0x2] =	stream.linear.gather [hbm4b:s15+s3], $0x14000, $0x38;
	[tilespmem:$0x19840] =	vst v63  }
0xa0: {  	_ =	swait.ge [sflag:s5], $0x14000  }
0xa1: {  	[sflag:s5] =	ssyncset.done $0x0  }
0xa2: {  	[sflag:s5] =	ssyncadd.s32 $0xFFFEC000  }
0xa3: {  	[bflag:$0x0] =	sbarrier.arrive $0xFFFF  }
0xa4: {  	s0 =	rddreg [dreg:$0x15]  }
0xa5: {  	s9 =	rddreg [dreg:$0x13]  }
0xa6: {  	s10 =	rddreg [dreg:$0x11]  }
0xa7: {  	s11 =	rddreg [dreg:$0xf]  }
0xa8: {  	s12 =	rddreg [dreg:$0xd]  }
0xa9: {  	s13 =	rddreg [dreg:$0xb]  }
0xaa: {  	[spmem:s2] =	stream.indirect.scatter.add.f32 [tilespmem:s7], [sflag:$0x1], $0x20, s3, s8, $0xb8;
	[tilespmem:$0x19840] =	vst v63  }
0xab: {  	s14 =	rddreg [dreg:$0x7]  }
0xac: {  	s15 =	rddreg [dreg:$0x9]  }
0xad: {  	[spmem:s2] =	stream.indirect.scatter.add.f32 [tilespmem:s14], [sflag:$0x1], $0x20, s8, s8, $0xb8;
	[tilespmem:$0x19840] =	vst v63  }
0xae: {  	s16 =	rddreg [dreg:$0x8]  }
0xaf: {  	[spmem:s2] =	stream.indirect.scatter.add.f32 [tilespmem:s15], [sflag:$0x1], $0x20, s16, s8, $0xb8;
	[tilespmem:$0x19840] =	vst v63  }
0xb0: {  	s14 =	rddreg [dreg:$0xa]  }
0xb1: {  	[spmem:s2] =	stream.indirect.scatter.add.f32 [tilespmem:s13], [sflag:$0x1], $0x20, s14, s8, $0xb8;
	[tilespmem:$0x19840] =	vst v63  }
0xb2: {  	s16 =	rddreg [dreg:$0xc]  }
0xb3: {  	[spmem:s2] =	stream.indirect.scatter.add.f32 [tilespmem:s12], [sflag:$0x1], $0x20, s16, s8, $0xb8;
	[tilespmem:$0x19840] =	vst v63  }
0xb4: {  	s14 =	rddreg [dreg:$0xe]  }
0xb5: {  	[spmem:s2] =	stream.indirect.scatter.add.f32 [tilespmem:s11], [sflag:$0x1], $0x20, s14, s8, $0xb8;
	[tilespmem:$0x19840] =	vst v63  }
0xb6: {  	s16 =	rddreg [dreg:$0x10]  }
0xb7: {  	[spmem:s2] =	stream.indirect.scatter.add.f32 [tilespmem:s10], [sflag:$0x1], $0x20, s16, s8, $0xb8;
	[tilespmem:$0x19840] =	vst v63  }
0xb8: {  	s13 =	rddreg [dreg:$0x12]  }
0xb9: {  	[spmem:s2] =	stream.indirect.scatter.add.f32 [tilespmem:s9], [sflag:$0x1], $0x20, s13, s8, $0xb8;
	[tilespmem:$0x19840] =	vst v63  }
0xba: {  	s14 =	rddreg [dreg:$0x14]  }
0xbb: {  	[spmem:s2] =	stream.indirect.scatter.add.f32 [tilespmem:s0], [sflag:$0x1], $0x20, s14, s8, $0xb8;
	[tilespmem:$0x19840] =	vst v63  }
0xbc: {  	s15 =	rddreg [dreg:$0x16];
	s16 =	simm.s32 $0x9A00  }
0xbd: {  	[spmem:s2] =	stream.indirect.scatter.add.f32 [tilespmem:s16], [sflag:$0x1], $0x20, s15, s8, $0xb8;
	[tilespmem:$0x19840] =	vst v63  }
0xbe: {  	s11 =	simm.s32 $0xAA00;
	s10 =	simm.s32 $0x500  }
0xbf: {  	[spmem:s2] =	stream.indirect.scatter.add.f32 [tilespmem:s11], [sflag:$0x1], $0x20, s10, s8, $0xb8;
	[tilespmem:$0x19840] =	vst v63  }
0xc0: {  	s12 =	simm.s32 $0x580;
	s13 =	simm.s32 $0xBA00  }
0xc1: {  	[spmem:s2] =	stream.indirect.scatter.add.f32 [tilespmem:s13], [sflag:$0x1], $0x20, s12, s8, $0xb8;
	[tilespmem:$0x19840] =	vst v63  }
0xc2: {  	s14 =	simm.s32 $0x600;
	s15 =	simm.s32 $0xCA00  }
0xc3: {  	[spmem:s2] =	stream.indirect.scatter.add.f32 [tilespmem:s15], [sflag:$0x1], $0x20, s14, s8, $0xb8;
	[tilespmem:$0x19840] =	vst v63  }
0xc4: {  	s16 =	simm.s32 $0x680  }
0xc5: {  	[spmem:s2] =	stream.indirect.scatter.add.f32 [tilespmem:s17], [sflag:$0x1], $0x20, s16, s8, $0xb8;
	[tilespmem:$0x19840] =	vst v63  }
0xc6: {  	_ = 	snop  }
0xc7: {  	[spmem:s2] =	stream.indirect.scatter.add.f32 [tilespmem:s19], [sflag:$0x1], $0x20, s18, s8, $0xb8;
	[tilespmem:$0x19840] =	vst v63  }
0xc8: {  	_ = 	snop  }
0xc9: {  	[spmem:s2] =	stream.indirect.scatter.add.f32 [tilespmem:s21], [sflag:$0x1], $0x20, s20, s8, $0xb8;
	[tilespmem:$0x19840] =	vst v63  }
0xca: {  	_ = 	snop  }
0xcb: {  	[spmem:s2] =	stream.indirect.scatter.add.f32 [tilespmem:s23], [sflag:$0x1], $0x20, s22, s8, $0xb8;
	[tilespmem:$0x19840] =	vst v63  }
0xcc: {  	_ = 	snop  }
0xcd: {  	[spmem:s2] =	stream.indirect.scatter.add.f32 [tilespmem:s25], [sflag:$0x1], $0x20, s24, s8, $0xb8;
	[tilespmem:$0x19840] =	vst v63  }
0xce: {  	_ = 	snop  }
0xcf: {  	[spmem:s2] =	stream.indirect.scatter.add.f32 [tilespmem:s28], [sflag:$0x1], $0x20, s26, s8, $0xb8;
	[tilespmem:$0x19840] =	vst v63  }
0xd0: {  	_ = 	snop  }
0xd1: {  	[spmem:s2] =	stream.indirect.scatter.add.f32 [tilespmem:s30], [sflag:$0x1], $0x20, s29, s8, $0xb8;
	[tilespmem:$0x19840] =	vst v63  }
0xd2: {  	_ =	swait.ge [sflag:s31], $0x1000  }
0xd3: {  	[sflag:s31] =	ssyncset.done $0x0  }
0xd4: {  	[sflag:s31] =	ssyncadd.s32 $0xFFFFF000  }
0xd5: {  	_ =	swait.ge [sflag:s31], $0x1000  }
0xd6: {  	[sflag:s31] =	ssyncset.done $0x0  }
0xd7: {  	[sflag:s31] =	ssyncadd.s32 $0xFFFFF000  }
0xd8: {  	_ =	swait.ge [sflag:s31], $0x1000  }
0xd9: {  	[sflag:s31] =	ssyncset.done $0x0  }
0xda: {  	[sflag:s31] =	ssyncadd.s32 $0xFFFFF000  }
0xdb: {  	_ =	swait.ge [sflag:s31], $0x1000  }
0xdc: {  	[sflag:s31] =	ssyncset.done $0x0  }
0xdd: {  	[sflag:s31] =	ssyncadd.s32 $0xFFFFF000  }
0xde: {  	_ =	swait.ge [sflag:s31], $0x1000  }
0xdf: {  	[sflag:s31] =	ssyncset.done $0x0  }
0xe0: {  	[sflag:s31] =	ssyncadd.s32 $0xFFFFF000  }
0xe1: {  	_ =	swait.ge [sflag:s31], $0x1000  }
0xe2: {  	[sflag:s31] =	ssyncset.done $0x0  }
0xe3: {  	[sflag:s31] =	ssyncadd.s32 $0xFFFFF000  }
0xe4: {  	_ =	swait.ge [sflag:s31], $0x1000  }
0xe5: {  	[sflag:s31] =	ssyncset.done $0x0  }
0xe6: {  	[sflag:s31] =	ssyncadd.s32 $0xFFFFF000  }
0xe7: {  	_ =	swait.ge [sflag:s31], $0x1000  }
0xe8: {  	[sflag:s31] =	ssyncset.done $0x0  }
0xe9: {  	[sflag:s31] =	ssyncadd.s32 $0xFFFFF000  }
0xea: {  	_ =	swait.ge [sflag:s31], $0x1000  }
0xeb: {  	[sflag:s31] =	ssyncset.done $0x0  }
0xec: {  	[sflag:s31] =	ssyncadd.s32 $0xFFFFF000  }
0xed: {  	_ =	swait.ge [sflag:s31], $0x1000  }
0xee: {  	[sflag:s31] =	ssyncset.done $0x0  }
0xef: {  	[sflag:s31] =	ssyncadd.s32 $0xFFFFF000  }
0xf0: {  	_ =	swait.ge [sflag:s31], $0x1000  }
0xf1: {  	[sflag:s31] =	ssyncset.done $0x0  }
0xf2: {  	[sflag:s31] =	ssyncadd.s32 $0xFFFFF000  }
0xf3: {  	_ =	swait.ge [sflag:s31], $0x1000  }
0xf4: {  	[sflag:s31] =	ssyncset.done $0x0  }
0xf5: {  	[sflag:s31] =	ssyncadd.s32 $0xFFFFF000  }
0xf6: {  	_ =	swait.ge [sflag:s31], $0x1000  }
0xf7: {  	[sflag:s31] =	ssyncset.done $0x0  }
0xf8: {  	[sflag:s31] =	ssyncadd.s32 $0xFFFFF000  }
0xf9: {  	_ =	swait.ge [sflag:s31], $0x1000  }
0xfa: {  	[sflag:s31] =	ssyncset.done $0x0  }
0xfb: {  	[sflag:s31] =	ssyncadd.s32 $0xFFFFF000  }
0xfc: {  	_ =	swait.ge [sflag:s31], $0x1000  }
0xfd: {  	[sflag:s31] =	ssyncset.done $0x0  }
0xfe: {  	[sflag:s31] =	ssyncadd.s32 $0xFFFFF000  }
0xff: {  	_ =	swait.ge [sflag:s31], $0x1000  }
0x100: {  	[sflag:s31] =	ssyncset.done $0x0  }
0x101: {  	[sflag:s31] =	ssyncadd.s32 $0xFFFFF000  }
0x102: {  	_ =	swait.ge [sflag:s31], $0x1000  }
0x103: {  	[sflag:s31] =	ssyncset.done $0x0  }
0x104: {  	[sflag:s31] =	ssyncadd.s32 $0xFFFFF000  }
0x105: {  	_ =	swait.ge [sflag:s31], $0x1000  }
0x106: {  	[sflag:s31] =	ssyncset.done $0x0  }
0x107: {  	p0 =	sne.s32 s1, $0x1;
	[sflag:s31] =	ssyncadd.s32 $0xFFFFF000  }
.Ltmp1:
0x108: {  	_ =	swait.ge [sflag:s31], $0x1000;
	(pc) =	sbr.rel @p0 .LBB2_1-.Ltmp1, $4  }
0x109: {  	[sflag:s31] =	ssyncset.done $0x0  }
0x10a: {  	[sflag:s31] =	ssyncadd.s32 $0xFFFFF000  }
0x10b: {  	_ =	swait.ge [sflag:s31], $0x1000  }
0x10c: {  	s1 =	sadd.s32 $0xFFFFFFFF, s1;
	[sflag:s31] =	ssyncset.done $0x0  }
.LBB2_2:
0x10d: {  	[sflag:s31] =	ssyncadd.s32 $0xFFFFF000  }
0x10e: {  	[bflag:$0x0] =	sbarrier.arrive $0xFFFF  }
0x10f: {  	s0 =	rddreg [dreg:$0x6]  }
0x110: {  	[hbm:s0], [sflag:s4] =	dma.local [spmem:s6], $0x9C8  }
0x111: {  	_ =	swait.ge [sflag:s5], $0x9C8  }
0x112: {  	[sflag:s5] =	ssyncset.done $0x0  }
0x113: {  	[sflag:s5] =	ssyncadd.s32 $0xFFFFF638  }
0x114: {  	_ =	sfence.sel $0x180000  }
0x115: {  	[bflag:$0x0] =	sbarrier.arrive $0xFFFF  }
0x116: {  	_ =	strace $0x90000056  }
0x117: {  	s31 =	stileid.u32;
	[bflag:$0x2] =	sbarrier.arrive $0xFFFF  }
0x118: {  	p0 =	sne.s32 s31, $0x0;
	s0 =	rddreg [dreg:$0x2]  }
0x119: {  	s0 =	sadd.s32 @!p0 $0x100000, s0  }
0x11a: {  	[sflag:s0] =	ssyncadd.tile.s32 @!p0 $0x1;
	_ =	shalt  }
.Lfunc_end2:
_tile_overlayer_lowered:
.L_overlay_start_2:
0x11b: {  	(tag) =	ssettag $0x2  }
0x11c: {  	s0 =	rddreg [dreg:$0x0];
	s2 =	stileid.u32  }
0x11d: {  	s1 =	rddreg [dreg:$0x1];
	p0 =	sne.s32 s2, $0x0  }
0x11e: {  	s3 =	rddreg [dreg:$0x2];
	[bflag:$0x3] =	sbarrier.arrive $0xFFFF;
	s2 =	simm.s32 @!p0 $0x1C02  }
0x11f: {  	[timem:s3], [sflag:s2] =	dma.local @!p0 [hbm:s0], s1  }
0x120: {  	s0 =	simm.s32 @!p0 $0x2  }
0x121: {  	_ =	swait.ge @!p0 [sflag:s0], s1  }
0x122: {  	s1 =	ssub.s32 @!p0 $0x0, s1;
	[sflag:s0] =	ssyncset.done @!p0 $0x0  }
0x123: {  	[sflag:s0] =	ssyncadd.s32 @!p0 s1  }
0x124: {  	[bflag:$0x3] =	sbarrier.arrive $0xFFFF  }
0x125: {  	_ =	shalt  }

// kernel: kernel.37.cloned.1.call-start
scs
__scs_entry_jumppad:
0x0: {  	(pc) =	sbr.rel $0x88, $3  }
0x1: {  	(tag) =	ssettag $0x0;
	lr =	simm.s32 $0x1  }
0x2: {  	[smem:$0x3F7F] =	sst lr;
	_ =	strace $0xD0000000  }
0x3: {  	_ = 	snop  }
0x4: {  	_ = 	snop  }
0x5: {  	_ = 	snop  }
0x6: {  	_ = 	snop  }
0x7: {  	_ = 	snop  }
__scs_overlays_trampoline_lowered:
0x8: {  	[smem:$0x3F8E] =	sst s0  }
0x9: {  	[smem:$0x3F8F] =	sst s1  }
0xa: {  	[smem:$0x3F90] =	sst s2  }
0xb: {  	[smem:$0x3F91] =	sst s3  }
0xc: {  	[smem:$0x3F92] =	sst s4  }
0xd: {  	[smem:$0x3F93] =	sst s5  }
0xe: {  	[smem:$0x3F94] =	sst s6  }
0xf: {  	[smem:$0x3F95] =	sst s7  }
0x10: {  	[smem:$0x3F96] =	sst s8  }
0x11: {  	[smem:$0x3F97] =	sst s9;
	s0 =	simm.s32 @!p0 $0x0  }
0x12: {  	s1 =	sld [smem:$0x3F7D];
	s0 =	simm.s32 @p0 $0x1  }
0x13: {  	[smem:$0x3F98] =	sst s0;
	s0 =	simm.s32 @!p1 $0x0  }
0x14: {  	s2 =	sld [smem:$0x3F7C];
	s0 =	simm.s32 @p1 $0x1  }
0x15: {  	[smem:$0x3F99] =	sst s0;
	s0 =	simm.s32 @!p2 $0x0  }
0x16: {  	s3 =	sld [smem:$0x3FDB];
	s0 =	simm.s32 @p2 $0x1  }
0x17: {  	s4 =	simm.s32 $0x1BF5;
	[smem:$0x3F9B] =	sst s0  }
0x18: {  	s0 =	sld [smem:$0x3F7E];
	_ =	swait.ge [sflag:s4], $0x0  }
0x19: {  	s7 =	sld [smem:$0x3F7F]  }
0x1a: {  	s8 =	sadd.s32 $0xFFFFE003, lr  }
0x1b: {  	s9 =	sadd.s32 $0xFFFFFEF7, lr;
	s5 =	simm.s32 $0xFFFFFFFF;
	p2 =	slt.u32 s8, $0xFFFFF086  }
0x1c: {  	p1 =	slt.u32 s9, $0xF7A;
	s5 =	simm.s32 @!p2 $0x0  }
0x1d: {  	s5 =	simm.s32 @p1 $0x1;
	p0 =	seq.s32 s7, s2  }
0x1e: {  	s7 =	smul.u32 @!p0 $0xF7A, s2;
	p2 =	seq.s32 @!p0 s5, $0x0  }
0x1f: {  	s9 =	smul.u32 $0xF7A, s1;
	s8 =	simm.s32 @!p0 $0x1BF5;
	p2 =	por !p2, p0  }
0x20: {  	[sflag:s8] =	ssyncset.s32 @!p0 $0xFFFFF086;
	s6 =	sadd.s32 @!p0 s3, s7;
	s7 =	simm.s32 @!p0 $0x108  }
0x21: {  	s3 =	sadd.s32 s3, s9;
	s6 =	sadd.s32 @!p0 $0x88, s6;
	s7 =	simm.s32 @p2 $0x1082  }
0x22: {  	[simem:s7], [sflag:s8] =	dma.local @!p0 [hbm:s6], $0xF7A  }
0x23: {  	s9 =	sor.u32 $0xD0000000, s2;
	s6 =	simm.s32 $0x108;
	_ =	swait.ge @!p0 [sflag:s8], $0x0  }
0x24: {  	s3 =	sadd.s32 $0x88, s3;
	s6 =	simm.s32 @!p1 $0x1082;
	[sflag:s4] =	ssyncset.s32 $0xFFFFF086  }
0x25: {  	[simem:s6], [sflag:s4] =	dma.local [hbm:s3], $0xF7A  }
0x26: {  	[smem:$0x3F7F] =	sst s1;
	(tag) =	ssettag s2;
	_ =	strace s9  }
0x27: {  	s1 =	sld [smem:$0x3F8F]  }
0x28: {  	s2 =	sld [smem:$0x3F90]  }
0x29: {  	s4 =	sld [smem:$0x3F92]  }
0x2a: {  	p0 =	seq.s32 s5, $0x0;
	s5 =	sld [smem:$0x3F93]  }
0x2b: {  	s6 =	sld [smem:$0x3F94]  }
0x2c: {  	s7 =	sld [smem:$0x3F95]  }
0x2d: {  	s3 =	simm.s32 $0x108;
	s8 =	sld [smem:$0x3F96]  }
0x2e: {  	s3 =	simm.s32 @!p0 $0x1082;
	s9 =	sld [smem:$0x3F97]  }
0x2f: {  	lr =	sadd.s32 s0, s3;
	s0 =	sld [smem:$0x3F8E]  }
0x30: {  	s3 =	sld [smem:$0x3F91]  }
0x31: {  	[smem:$0x3F9A] =	sst s10  }
0x32: {  	s10 =	sld [smem:$0x3F98];
	_ =	sdelay $0x3  }
0x33: {  	p0 =	seq.s32 s10, $0x1;
	s10 =	sld [smem:$0x3F9A];
	_ =	sdelay $0x3  }
0x34: {  	[smem:$0x3F9A] =	sst s10  }
0x35: {  	s10 =	sld [smem:$0x3F99];
	_ =	sdelay $0x3  }
0x36: {  	p1 =	seq.s32 s10, $0x1;
	s10 =	sld [smem:$0x3F9A];
	_ =	sdelay $0x3  }
0x37: {  	[smem:$0x3F9A] =	sst s10  }
0x38: {  	s10 =	sld [smem:$0x3F9B]  }
0x39: {  	_ = 	snop;
	(pc) =	sbr.ind lr, $3  }
0x3a: {  	_ = 	snop  }
0x3b: {  	_ = 	snop  }
0x3c: {  	p2 =	seq.s32 s10, $0x1;
	s10 =	sld [smem:$0x3F9A]  }
0x3d: {  	_ =	shalt  }
0x3e: {  	_ =	shalt  }
0x3f: {  	_ =	shalt  }
0x40: {  	_ =	shalt  }
0x41: {  	_ =	shalt  }
0x42: {  	_ =	shalt  }
0x43: {  	_ =	shalt  }
0x44: {  	_ =	shalt  }
0x45: {  	_ =	shalt  }
0x46: {  	_ =	shalt  }
0x47: {  	_ =	shalt  }
0x48: {  	_ =	shalt  }
0x49: {  	_ =	shalt  }
0x4a: {  	_ =	shalt  }
0x4b: {  	_ =	shalt  }
0x4c: {  	_ =	shalt  }
0x4d: {  	_ =	shalt  }
0x4e: {  	_ =	shalt  }
0x4f: {  	_ =	shalt  }
0x50: {  	_ =	shalt  }
0x51: {  	_ =	shalt  }
0x52: {  	_ =	shalt  }
0x53: {  	_ =	shalt  }
0x54: {  	_ =	shalt  }
0x55: {  	_ =	shalt  }
0x56: {  	_ =	shalt  }
0x57: {  	_ =	shalt  }
0x58: {  	_ =	shalt  }
0x59: {  	_ =	shalt  }
0x5a: {  	_ =	shalt  }
0x5b: {  	_ =	shalt  }
0x5c: {  	_ =	shalt  }
0x5d: {  	_ =	shalt  }
0x5e: {  	_ =	shalt  }
0x5f: {  	_ =	shalt  }
0x60: {  	_ =	shalt  }
0x61: {  	_ =	shalt  }
0x62: {  	_ =	shalt  }
0x63: {  	_ =	shalt  }
0x64: {  	_ =	shalt  }
0x65: {  	_ =	shalt  }
0x66: {  	_ =	shalt  }
0x67: {  	_ =	shalt  }
0x68: {  	_ =	shalt  }
0x69: {  	_ =	shalt  }
0x6a: {  	_ =	shalt  }
0x6b: {  	_ =	shalt  }
0x6c: {  	_ =	shalt  }
0x6d: {  	_ =	shalt  }
0x6e: {  	_ =	shalt  }
0x6f: {  	_ =	shalt  }
0x70: {  	_ =	shalt  }
0x71: {  	_ =	shalt  }
0x72: {  	_ =	shalt  }
0x73: {  	_ =	shalt  }
0x74: {  	_ =	shalt  }
0x75: {  	_ =	shalt  }
0x76: {  	_ =	shalt  }
0x77: {  	_ =	shalt  }
0x78: {  	_ =	shalt  }
0x79: {  	_ =	shalt  }
0x7a: {  	_ =	shalt  }
0x7b: {  	_ =	shalt  }
0x7c: {  	_ =	shalt  }
0x7d: {  	_ =	shalt  }
0x7e: {  	_ =	shalt  }
0x7f: {  	_ =	shalt  }
0x80: {  	_ =	shalt  }
0x81: {  	_ =	shalt  }
0x82: {  	_ =	shalt  }
0x83: {  	_ =	shalt  }
0x84: {  	_ =	shalt  }
0x85: {  	_ =	shalt  }
0x86: {  	_ =	shalt  }
0x87: {  	_ =	shalt  }
.Lfunc_end0:
.L_simem_size_0:
called_computation.6_lowered:
.L_overlay_start_0:
0x88: {  	s2 =	sld [smem:$0x3FD9]  }
0x89: {  	s3 =	sld [smem:$0x3FFE];
	_ =	sdelay $0x1  }
0x8a: {  	s1 =	srdreg.scid  }
0x8b: {  	s0 =	sand.u32 $0x1, s1  }
0x8c: {  	s16 =	sshll.u32 s0, $0xA;
	s2 =	sadd.s32 s3, s2  }
0x8d: {  	s2 =	sadd.s32 s2, s16  }
0x8e: {  	[smem:$0x3FA6] =	sst s2  }
0x8f: {  	_ = 	snop  }
0x90: {  	(tm) =	ssettm $0x1  }
0x91: {  	s17 =	sld [smem:$0x3FFB];
	_ =	sdelay $0x3  }
0x92: {  	_ =	strace s17  }
0x93: {  	s2 =	sld [smem:$0x3FFC];
	_ =	sdelay $0x3  }
0x94: {  	_ =	strace s2  }
0x95: {  	s2 =	sld [smem:$0x3FFD];
	_ =	sdelay $0x3  }
0x96: {  	_ =	strace s2  }
0x97: {  	_ =	strace $0x8FFFFFFF  }
0x98: {  	s18 =	sld [smem:$0x3FDB];
	_ =	sdelay $0x1  }
0x99: {  	s19 =	simm.s32 $_scs_section_size  }
0x9a: {  	s4 =	simm.s32 $_size__tile_overlayer_lowered;
	s5 =	simm.s32 $_tile_overlayer_lowered  }
0x9b: {  	s22 =	simm.s32 $0x1BFF;
	s21 =	sshll.u32 s5, $0x1;
	s2 =	sadd.s32 s19, s18  }
0x9c: {  	s6 =	simm.s32 $0x0;
	s20 =	sshll.u32 s4, $0x1;
	s4 =	sadd.s32 s21, s2  }
0x9d: {  	[timem:s6], [sflag:s22] =	dma.local [hbm:s4], s20  }
0x9e: {  	_ =	swait.ge [sflag:s22], s20  }
0x9f: {  	s3 =	ssub.s32 $0x0, s20;
	[sflag:s22] =	ssyncset.done $0x0  }
0xa0: {  	[sflag:s22] =	ssyncadd.s32 s3;
	_ =	sdelay $0x1  }
0xa1: {  	s23 =	simm.s32 $0x1B8B  }
0xa2: {  	_ =	swait.ge [sflag:s23], $0x1  }
0xa3: {  	[sflag:s23] =	ssyncset.done $0x0  }
0xa4: {  	s25 =	simm.s32 $0x1B8E;
	s24 =	sld [smem:$0x3FFE];
	[sflag:s23] =	ssyncadd.s32 $0xFFFFFFFF  }
0xa5: {  	s26 =	simm.s32 $execute0_lowered;
	[smem:$0x3FD2] =	sst s25  }
0xa6: {  	s4 =	sshll.u32 s26, $0x1;
	_ =	strace $0x80000058;
	[dreg:$0x1] =	wrdreg $0xFFFFFFFF  }
0xa7: {  	s28 =	simm.s32 $_size_execute0_lowered;
	s2 =	sadd.s32 s2, s4;
	[dreg:$0x0] =	wrdreg $0x0  }
0xa8: {  	s4 =	sshll.u32 s28, $0x1;
	[dreg:$0x2] =	wrdreg s2  }
0xa9: {  	[dreg:$0x3] =	wrdreg s4  }
0xaa: {  	[dreg:$0x4] =	wrdreg $0xC0  }
0xab: {  	_ =	task [dreg:s6], $0x5FFFF  }
0xac: {  	[dreg:$0x1] =	wrdreg $0xFFFFFFFF  }
0xad: {  	[dreg:$0x0] =	wrdreg $0x60  }
0xae: {  	[dreg:$0x2] =	wrdreg s24  }
0xaf: {  	[dreg:$0x3] =	wrdreg $0x9  }
0xb0: {  	_ =	task.clear_ibuf [dreg:s6], $0x4FFFF;
	_ =	strace $0x90000058  }
0xb1: {  	s29 =	simm.s32 $0x9;
	_ =	strace $0x8000005A  }
0xb2: {  	_ =	swait.ge [sflag:s29], $0x1  }
0xb3: {  	[sflag:s29] =	ssyncadd.s32 $0xFFFFFFFF  }
0xb4: {  	_ =	strace $0x9000005A  }
0xb5: {  	_ =	sfence  }
0xb6: {  	s30 =	sld [smem:$0x0];
	_ =	sdelay $0x2  }
0xb7: {  	s31 =	sshll.u32 s1, $0xD;
	s1 =	sshrl.u32 s1, $0x2  }
0xb8: {  	s3 =	sand.u32 $0x4000, s31;
	s1 =	sadd.s32 s1, s30  }
0xb9: {  	s0 =	sor.u32 s3, s0;
	s1 =	sshll.u32 s1, $0x11  }
0xba: {  	s0 =	sor.u32 s1, s0  }
0xbb: {  	s0 =	sadd.s32 $0x8F2B, s0  }
0xbc: {  	[sflag:s0] =	ssyncadd.remote.s32 $0x1  }
0xbd: {  	_ =	sfence.sel $0xFFFF  }
0xbe: {  	[dreg:$0x0] =	wrdreg $0xFFFFFFFF;
	(pc) =	sbr.abs _section_cstart, $3  }
0xbf: {  	[dreg:$0x1] =	wrdreg $0xFFFFFFFF  }
0xc0: {  	_ =	task.clear_ibuf [dreg:s6], $0x2FFFF;
	_ =	strace $0x9FFFFFFF  }
0xc1: {  	(tm) =	ssettm $0x7FFFFFFF  }
tec
execute0_lowered:
.L_overlay_start_1:
0x0: {  	(tag) =	ssettag $0x1  }
0x1: {  	s1 =	srdreg.scid;
	s0 =	stileid.u32  }
0x2: {  	s1 =	sand.u32 $0x1, s1;
	s2 =	sshll.u32 s0, $0x1  }
0x3: {  	s4 =	rddreg [dreg:$0x0];
	s3 =	sor.u32 s1, s2;
	s2 =	simm.s32 $0x0  }
0x4: {  	s14 =	simm.s32 $0x1A00;
	[smem:$0x7FF] =	sst s2  }
0x5: {  	s15 =	simm.s32 $0x100;
	_ =	strace $0x80000059;
	[dreg:$0x4] =	wrdreg s14  }
0x6: {  	s16 =	simm.s32 $0x2A00;
	[dreg:$0x5] =	wrdreg s15  }
0x7: {  	s17 =	simm.s32 $0x180;
	[dreg:$0x6] =	wrdreg s16  }
0x8: {  	s18 =	simm.s32 $0x3A00;
	[dreg:$0x7] =	wrdreg s17  }
0x9: {  	s19 =	simm.s32 $0x200;
	[dreg:$0x8] =	wrdreg s18  }
0xa: {  	s20 =	simm.s32 $0x4A00;
	[dreg:$0x9] =	wrdreg s19  }
0xb: {  	s21 =	simm.s32 $0x280;
	[dreg:$0xa] =	wrdreg s20  }
0xc: {  	s22 =	simm.s32 $0x5A00;
	[dreg:$0xb] =	wrdreg s21  }
0xd: {  	s23 =	simm.s32 $0x300;
	[dreg:$0xc] =	wrdreg s22  }
0xe: {  	s24 =	simm.s32 $0x6A00;
	[dreg:$0xd] =	wrdreg s23  }
0xf: {  	s25 =	simm.s32 $0x380;
	s5 =	smul.u32 $0x140, s3;
	[dreg:$0xe] =	wrdreg s24  }
0x10: {  	s26 =	simm.s32 $0x7A00;
	s3 =	smul.u32 $0x2800, s3;
	[dreg:$0xf] =	wrdreg s25  }
0x11: {  	s6 =	simm.s32 $0x400;
	[dreg:$0x10] =	wrdreg s26;
	s5 =	sadd.s32 s5, s4  }
0x12: {  	[dreg:$0x11] =	wrdreg s6;
	s3 =	sadd.s32 s3, s4;
	s5 =	sadd.s32 $0x13800, s5  }
0x13: {  	s3 =	sadd.s32 $0x108800, s3;
	[dreg:$0x2] =	wrdreg s5  }
0x14: {  	[dreg:$0x3] =	wrdreg s3  }
0x15: {  	s3 =	simm.s32 $0x2;
	s5 =	rddreg [dreg:$0x2]  }
0x16: {  	[tilespmem:s2], [sflag:$0x2] =	stream.linear.gather [hbm4b:s5+s2], $0xA00, $0x38;
	[tilespmem:$0x14A00] =	vst v63  }
0x17: {  	_ =	swait.ge [sflag:s3], $0xA00  }
0x18: {  	s7 =	rddreg [dreg:$0x10]  }
0x19: {  	s8 =	rddreg [dreg:$0xe]  }
0x1a: {  	s9 =	rddreg [dreg:$0xc]  }
0x1b: {  	s6 =	simm.s32 $0x80;
	s10 =	rddreg [dreg:$0xa]  }
0x1c: {  	s4 =	sadd.s32 $0x16000, s4;
	s11 =	rddreg [dreg:$0x5];
	[sflag:s3] =	ssyncset.done $0x0  }
0x1d: {  	s5 =	simm.s32 $0xA00;
	s12 =	rddreg [dreg:$0x4];
	[sflag:s3] =	ssyncadd.s32 $0xFFFFF600  }
0x1e: {  	[tilespmem:s5], [sflag:$0x1] =	stream.indirect.gather [hbm4b:s4+s6], $0x20, s2, s6, $0xb8;
	[tilespmem:$0x14A00] =	vst v63  }
0x1f: {  	s13 =	rddreg [dreg:$0x6]  }
0x20: {  	[tilespmem:s12], [sflag:$0x1] =	stream.indirect.gather [hbm4b:s4+s6], $0x20, s6, s6, $0xb8;
	[tilespmem:$0x14A00] =	vst v63  }
0x21: {  	s14 =	rddreg [dreg:$0x8]  }
0x22: {  	[tilespmem:s13], [sflag:$0x1] =	stream.indirect.gather [hbm4b:s4+s6], $0x20, s11, s6, $0xb8;
	[tilespmem:$0x14A00] =	vst v63  }
0x23: {  	s0 =	rddreg [dreg:$0x7]  }
0x24: {  	[tilespmem:s14], [sflag:$0x1] =	stream.indirect.gather [hbm4b:s4+s6], $0x20, s0, s6, $0xb8;
	[tilespmem:$0x14A00] =	vst v63  }
0x25: {  	s15 =	rddreg [dreg:$0x9]  }
0x26: {  	[tilespmem:s10], [sflag:$0x1] =	stream.indirect.gather [hbm4b:s4+s6], $0x20, s15, s6, $0xb8;
	[tilespmem:$0x14A00] =	vst v63  }
0x27: {  	s16 =	rddreg [dreg:$0xb]  }
0x28: {  	[tilespmem:s9], [sflag:$0x1] =	stream.indirect.gather [hbm4b:s4+s6], $0x20, s16, s6, $0xb8;
	[tilespmem:$0x14A00] =	vst v63  }
0x29: {  	s17 =	rddreg [dreg:$0xd]  }
0x2a: {  	[tilespmem:s8], [sflag:$0x1] =	stream.indirect.gather [hbm4b:s4+s6], $0x20, s17, s6, $0xb8;
	[tilespmem:$0x14A00] =	vst v63  }
0x2b: {  	s18 =	rddreg [dreg:$0xf]  }
0x2c: {  	[tilespmem:s7], [sflag:$0x1] =	stream.indirect.gather [hbm4b:s4+s6], $0x20, s18, s6, $0xb8;
	[tilespmem:$0x14A00] =	vst v63  }
0x2d: {  	s20 =	simm.s32 $0x8A00;
	s19 =	rddreg [dreg:$0x11]  }
0x2e: {  	[tilespmem:s20], [sflag:$0x1] =	stream.indirect.gather [hbm4b:s4+s6], $0x20, s19, s6, $0xb8;
	[tilespmem:$0x14A00] =	vst v63  }
0x2f: {  	s21 =	simm.s32 $0x480;
	s22 =	simm.s32 $0x9A00  }
0x30: {  	[tilespmem:s22], [sflag:$0x1] =	stream.indirect.gather [hbm4b:s4+s6], $0x20, s21, s6, $0xb8;
	[tilespmem:$0x14A00] =	vst v63  }
0x31: {  	s23 =	simm.s32 $0x500;
	s24 =	simm.s32 $0xAA00  }
0x32: {  	[tilespmem:s24], [sflag:$0x1] =	stream.indirect.gather [hbm4b:s4+s6], $0x20, s23, s6, $0xb8;
	[tilespmem:$0x14A00] =	vst v63  }
0x33: {  	s25 =	simm.s32 $0x580;
	s26 =	simm.s32 $0xBA00  }
0x34: {  	[tilespmem:s26], [sflag:$0x1] =	stream.indirect.gather [hbm4b:s4+s6], $0x20, s25, s6, $0xb8;
	[tilespmem:$0x14A00] =	vst v63  }
0x35: {  	s14 =	simm.s32 $0x600;
	s15 =	simm.s32 $0xCA00  }
0x36: {  	[tilespmem:s15], [sflag:$0x1] =	stream.indirect.gather [hbm4b:s4+s6], $0x20, s14, s6, $0xb8;
	[tilespmem:$0x14A00] =	vst v63  }
0x37: {  	s1 =	ssub.s32 $0x2, s1;
	s16 =	simm.s32 $0x680;
	s17 =	simm.s32 $0xDA00  }
0x38: {  	[tilespmem:s17], [sflag:$0x1] =	stream.indirect.gather [hbm4b:s4+s6], $0x20, s16, s6, $0xb8;
	[tilespmem:$0x14A00] =	vst v63  }
0x39: {  	s18 =	simm.s32 $0x700;
	s19 =	simm.s32 $0xEA00;
	s26 =	sshrl.u32 s1, $0x1  }
0x3a: {  	[tilespmem:s19], [sflag:$0x1] =	stream.indirect.gather [hbm4b:s4+s6], $0x20, s18, s6, $0xb8;
	[tilespmem:$0x14A00] =	vst v63  }
0x3b: {  	s20 =	simm.s32 $0x780;
	s21 =	simm.s32 $0xFA00;
	s1 =	ssub.s32 s1, s26  }
0x3c: {  	[tilespmem:s21], [sflag:$0x1] =	stream.indirect.gather [hbm4b:s4+s6], $0x20, s20, s6, $0xb8;
	[tilespmem:$0x14A00] =	vst v63  }
0x3d: {  	s22 =	simm.s32 $0x800;
	s23 =	simm.s32 $0x10A00;
	s1 =	smax.u32 s1, $0x1  }
0x3e: {  	[tilespmem:s23], [sflag:$0x1] =	stream.indirect.gather [hbm4b:s4+s6], $0x20, s22, s6, $0xb8;
	[tilespmem:$0x14A00] =	vst v63  }
0x3f: {  	s24 =	simm.s32 $0x880;
	s25 =	simm.s32 $0x11A00;
	p0 =	sne.s32 s1, $0x1  }
0x40: {  	[tilespmem:s25], [sflag:$0x1] =	stream.indirect.gather [hbm4b:s4+s6], $0x20, s24, s6, $0xb8;
	[tilespmem:$0x14A00] =	vst v63  }
.Ltmp0:
0x41: {  	s28 =	simm.s32 $0x12A00;
	s26 =	simm.s32 $0x900;
	(pc) =	sbr.rel @!p0 .LBB2_2-.Ltmp0, $4  }
0x42: {  	[tilespmem:s28], [sflag:$0x1] =	stream.indirect.gather [hbm4b:s4+s6], $0x20, s26, s6, $0xb8;
	[tilespmem:$0x14A00] =	vst v63  }
0x43: {  	s29 =	simm.s32 $0x980;
	s31 =	simm.s32 $0x13A00;
	s30 =	simm.s32 $0x1  }
0x44: {  	[tilespmem:s31], [sflag:$0x1] =	stream.indirect.gather [hbm4b:s4+s6], $0x20, s29, s6, $0xb8;
	[tilespmem:$0x14A00] =	vst v63  }
0x45: {  	s1 =	sadd.s32 $0xFFFFFFFF, s1;
	_ =	swait.ge [sflag:s30], $0x14000  }
.LBB2_1:
0x46: {  	[sflag:s30] =	ssyncset.done $0x0  }
0x47: {  	s0 =	rddreg [dreg:$0x3];
	[sflag:s30] =	ssyncadd.s32 $0xFFFEC000  }
0x48: {  	[hbm4b:s0+s2] =	stream.linear.scatter [tilespmem:s5], [sflag:$0x2], $0x14000, $0x38;
	[tilespmem:$0x14A00] =	vst v63  }
0x49: {  	_ =	swait.ge [sflag:s3], $0x14000  }
0x4a: {  	[sflag:s3] =	ssyncset.done $0x0  }
0x4b: {  	s11 =	rddreg [dreg:$0x2];
	[sflag:s3] =	ssyncadd.s32 $0xFFFEC000  }
0x4c: {  	[tilespmem:s2], [sflag:$0x2] =	stream.linear.gather [hbm4b:s11+s2], $0xA00, $0x38;
	[tilespmem:$0x14A00] =	vst v63  }
0x4d: {  	_ =	swait.ge [sflag:s3], $0xA00  }
0x4e: {  	s0 =	rddreg [dreg:$0x10]  }
0x4f: {  	s7 =	rddreg [dreg:$0xe]  }
0x50: {  	s8 =	rddreg [dreg:$0xc]  }
0x51: {  	s9 =	rddreg [dreg:$0xa]  }
0x52: {  	s10 =	rddreg [dreg:$0x5];
	[sflag:s3] =	ssyncset.done $0x0  }
0x53: {  	s11 =	rddreg [dreg:$0x4];
	[sflag:s3] =	ssyncadd.s32 $0xFFFFF600  }
0x54: {  	[tilespmem:s5], [sflag:$0x1] =	stream.indirect.gather [hbm4b:s4+s6], $0x20, s2, s6, $0xb8;
	[tilespmem:$0x14A00] =	vst v63  }
0x55: {  	s12 =	rddreg [dreg:$0x6]  }
0x56: {  	[tilespmem:s11], [sflag:$0x1] =	stream.indirect.gather [hbm4b:s4+s6], $0x20, s6, s6, $0xb8;
	[tilespmem:$0x14A00] =	vst v63  }
0x57: {  	s13 =	rddreg [dreg:$0x8]  }
0x58: {  	[tilespmem:s12], [sflag:$0x1] =	stream.indirect.gather [hbm4b:s4+s6], $0x20, s10, s6, $0xb8;
	[tilespmem:$0x14A00] =	vst v63  }
0x59: {  	s11 =	rddreg [dreg:$0x7]  }
0x5a: {  	[tilespmem:s13], [sflag:$0x1] =	stream.indirect.gather [hbm4b:s4+s6], $0x20, s11, s6, $0xb8;
	[tilespmem:$0x14A00] =	vst v63  }
0x5b: {  	s12 =	rddreg [dreg:$0x9]  }
0x5c: {  	[tilespmem:s9], [sflag:$0x1] =	stream.indirect.gather [hbm4b:s4+s6], $0x20, s12, s6, $0xb8;
	[tilespmem:$0x14A00] =	vst v63  }
0x5d: {  	s13 =	rddreg [dreg:$0xb]  }
0x5e: {  	[tilespmem:s8], [sflag:$0x1] =	stream.indirect.gather [hbm4b:s4+s6], $0x20, s13, s6, $0xb8;
	[tilespmem:$0x14A00] =	vst v63  }
0x5f: {  	s10 =	rddreg [dreg:$0xd]  }
0x60: {  	[tilespmem:s7], [sflag:$0x1] =	stream.indirect.gather [hbm4b:s4+s6], $0x20, s10, s6, $0xb8;
	[tilespmem:$0x14A00] =	vst v63  }
0x61: {  	s11 =	rddreg [dreg:$0xf]  }
0x62: {  	[tilespmem:s0], [sflag:$0x1] =	stream.indirect.gather [hbm4b:s4+s6], $0x20, s11, s6, $0xb8;
	[tilespmem:$0x14A00] =	vst v63  }
0x63: {  	s12 =	rddreg [dreg:$0x11];
	s13 =	simm.s32 $0x8A00  }
0x64: {  	[tilespmem:s13], [sflag:$0x1] =	stream.indirect.gather [hbm4b:s4+s6], $0x20, s12, s6, $0xb8;
	[tilespmem:$0x14A00] =	vst v63  }
0x65: {  	s9 =	simm.s32 $0x9A00;
	s8 =	simm.s32 $0x480  }
0x66: {  	[tilespmem:s9], [sflag:$0x1] =	stream.indirect.gather [hbm4b:s4+s6], $0x20, s8, s6, $0xb8;
	[tilespmem:$0x14A00] =	vst v63  }
0x67: {  	s10 =	simm.s32 $0x500;
	s11 =	simm.s32 $0xAA00  }
0x68: {  	[tilespmem:s11], [sflag:$0x1] =	stream.indirect.gather [hbm4b:s4+s6], $0x20, s10, s6, $0xb8;
	[tilespmem:$0x14A00] =	vst v63  }
0x69: {  	s12 =	simm.s32 $0x580;
	s13 =	simm.s32 $0xBA00  }
0x6a: {  	[tilespmem:s13], [sflag:$0x1] =	stream.indirect.gather [hbm4b:s4+s6], $0x20, s12, s6, $0xb8;
	[tilespmem:$0x14A00] =	vst v63  }
0x6b: {  	_ = 	snop  }
0x6c: {  	[tilespmem:s15], [sflag:$0x1] =	stream.indirect.gather [hbm4b:s4+s6], $0x20, s14, s6, $0xb8;
	[tilespmem:$0x14A00] =	vst v63  }
0x6d: {  	_ = 	snop  }
0x6e: {  	[tilespmem:s17], [sflag:$0x1] =	stream.indirect.gather [hbm4b:s4+s6], $0x20, s16, s6, $0xb8;
	[tilespmem:$0x14A00] =	vst v63  }
0x6f: {  	_ = 	snop  }
0x70: {  	[tilespmem:s19], [sflag:$0x1] =	stream.indirect.gather [hbm4b:s4+s6], $0x20, s18, s6, $0xb8;
	[tilespmem:$0x14A00] =	vst v63  }
0x71: {  	_ = 	snop  }
0x72: {  	[tilespmem:s21], [sflag:$0x1] =	stream.indirect.gather [hbm4b:s4+s6], $0x20, s20, s6, $0xb8;
	[tilespmem:$0x14A00] =	vst v63  }
0x73: {  	_ = 	snop  }
0x74: {  	[tilespmem:s23], [sflag:$0x1] =	stream.indirect.gather [hbm4b:s4+s6], $0x20, s22, s6, $0xb8;
	[tilespmem:$0x14A00] =	vst v63  }
0x75: {  	p0 =	sne.s32 s1, $0x1  }
0x76: {  	[tilespmem:s25], [sflag:$0x1] =	stream.indirect.gather [hbm4b:s4+s6], $0x20, s24, s6, $0xb8;
	[tilespmem:$0x14A00] =	vst v63  }
.Ltmp1:
0x77: {  	_ = 	snop;
	(pc) =	sbr.rel @p0 .LBB2_1-.Ltmp1, $4  }
0x78: {  	[tilespmem:s28], [sflag:$0x1] =	stream.indirect.gather [hbm4b:s4+s6], $0x20, s26, s6, $0xb8;
	[tilespmem:$0x14A00] =	vst v63  }
0x79: {  	_ = 	snop  }
0x7a: {  	[tilespmem:s31], [sflag:$0x1] =	stream.indirect.gather [hbm4b:s4+s6], $0x20, s29, s6, $0xb8;
	[tilespmem:$0x14A00] =	vst v63  }
0x7b: {  	s1 =	sadd.s32 $0xFFFFFFFF, s1;
	_ =	swait.ge [sflag:s30], $0x14000  }
.LBB2_2:
0x7c: {  	[sflag:s30] =	ssyncset.done $0x0  }
0x7d: {  	s0 =	rddreg [dreg:$0x3];
	[sflag:s30] =	ssyncadd.s32 $0xFFFEC000  }
0x7e: {  	[hbm4b:s0+s2] =	stream.linear.scatter [tilespmem:s5], [sflag:$0x2], $0x14000, $0x38;
	[tilespmem:$0x14A00] =	vst v63  }
0x7f: {  	_ =	swait.ge [sflag:s3], $0x14000  }
0x80: {  	[sflag:s3] =	ssyncset.done $0x0  }
0x81: {  	[sflag:s3] =	ssyncadd.s32 $0xFFFEC000  }
0x82: {  	_ =	sfence.sel $0x180000  }
0x83: {  	[bflag:$0x0] =	sbarrier.arrive $0xFFFF  }
0x84: {  	_ =	strace $0x90000059  }
0x85: {  	s31 =	stileid.u32;
	[bflag:$0x2] =	sbarrier.arrive $0xFFFF  }
0x86: {  	p0 =	sne.s32 s31, $0x0;
	s0 =	rddreg [dreg:$0x1]  }
0x87: {  	s0 =	sadd.s32 @!p0 $0x100000, s0  }
0x88: {  	[sflag:s0] =	ssyncadd.tile.s32 @!p0 $0x1;
	_ =	shalt  }
.Lfunc_end2:
_tile_overlayer_lowered:
.L_overlay_start_2:
0x89: {  	(tag) =	ssettag $0x2  }
0x8a: {  	s0 =	rddreg [dreg:$0x0];
	s2 =	stileid.u32  }
0x8b: {  	s1 =	rddreg [dreg:$0x1];
	p0 =	sne.s32 s2, $0x0  }
0x8c: {  	s3 =	rddreg [dreg:$0x2];
	[bflag:$0x3] =	sbarrier.arrive $0xFFFF;
	s2 =	simm.s32 @!p0 $0x1C02  }
0x8d: {  	[timem:s3], [sflag:s2] =	dma.local @!p0 [hbm:s0], s1  }
0x8e: {  	s0 =	simm.s32 @!p0 $0x2  }
0x8f: {  	_ =	swait.ge @!p0 [sflag:s0], s1  }
0x90: {  	s1 =	ssub.s32 @!p0 $0x0, s1;
	[sflag:s0] =	ssyncset.done @!p0 $0x0  }
0x91: {  	[sflag:s0] =	ssyncadd.s32 @!p0 s1  }
0x92: {  	[bflag:$0x3] =	sbarrier.arrive $0xFFFF  }
0x93: {  	_ =	shalt  }

// kernel: kernel.40.cloned.1.call-start
scs
__scs_entry_jumppad:
0x0: {  	(pc) =	sbr.rel $0x88, $3  }
0x1: {  	(tag) =	ssettag $0x0;
	lr =	simm.s32 $0x1  }
0x2: {  	[smem:$0x3F7F] =	sst lr;
	_ =	strace $0xD0000000  }
0x3: {  	_ = 	snop  }
0x4: {  	_ = 	snop  }
0x5: {  	_ = 	snop  }
0x6: {  	_ = 	snop  }
0x7: {  	_ = 	snop  }
__scs_overlays_trampoline_lowered:
0x8: {  	[smem:$0x3F8E] =	sst s0  }
0x9: {  	[smem:$0x3F8F] =	sst s1  }
0xa: {  	[smem:$0x3F90] =	sst s2  }
0xb: {  	[smem:$0x3F91] =	sst s3  }
0xc: {  	[smem:$0x3F92] =	sst s4  }
0xd: {  	[smem:$0x3F93] =	sst s5  }
0xe: {  	[smem:$0x3F94] =	sst s6  }
0xf: {  	[smem:$0x3F95] =	sst s7  }
0x10: {  	[smem:$0x3F96] =	sst s8  }
0x11: {  	[smem:$0x3F97] =	sst s9;
	s0 =	simm.s32 @!p0 $0x0  }
0x12: {  	s1 =	sld [smem:$0x3F7D];
	s0 =	simm.s32 @p0 $0x1  }
0x13: {  	[smem:$0x3F98] =	sst s0;
	s0 =	simm.s32 @!p1 $0x0  }
0x14: {  	s2 =	sld [smem:$0x3F7C];
	s0 =	simm.s32 @p1 $0x1  }
0x15: {  	[smem:$0x3F99] =	sst s0;
	s0 =	simm.s32 @!p2 $0x0  }
0x16: {  	s3 =	sld [smem:$0x3FDB];
	s0 =	simm.s32 @p2 $0x1  }
0x17: {  	s4 =	simm.s32 $0x1BF5;
	[smem:$0x3F9B] =	sst s0  }
0x18: {  	s0 =	sld [smem:$0x3F7E];
	_ =	swait.ge [sflag:s4], $0x0  }
0x19: {  	s7 =	sld [smem:$0x3F7F]  }
0x1a: {  	s8 =	sadd.s32 $0xFFFFE003, lr  }
0x1b: {  	s9 =	sadd.s32 $0xFFFFFEF7, lr;
	s5 =	simm.s32 $0xFFFFFFFF;
	p2 =	slt.u32 s8, $0xFFFFF086  }
0x1c: {  	p1 =	slt.u32 s9, $0xF7A;
	s5 =	simm.s32 @!p2 $0x0  }
0x1d: {  	s5 =	simm.s32 @p1 $0x1;
	p0 =	seq.s32 s7, s2  }
0x1e: {  	s7 =	smul.u32 @!p0 $0xF7A, s2;
	p2 =	seq.s32 @!p0 s5, $0x0  }
0x1f: {  	s9 =	smul.u32 $0xF7A, s1;
	s8 =	simm.s32 @!p0 $0x1BF5;
	p2 =	por !p2, p0  }
0x20: {  	[sflag:s8] =	ssyncset.s32 @!p0 $0xFFFFF086;
	s6 =	sadd.s32 @!p0 s3, s7;
	s7 =	simm.s32 @!p0 $0x108  }
0x21: {  	s3 =	sadd.s32 s3, s9;
	s6 =	sadd.s32 @!p0 $0x88, s6;
	s7 =	simm.s32 @p2 $0x1082  }
0x22: {  	[simem:s7], [sflag:s8] =	dma.local @!p0 [hbm:s6], $0xF7A  }
0x23: {  	s9 =	sor.u32 $0xD0000000, s2;
	s6 =	simm.s32 $0x108;
	_ =	swait.ge @!p0 [sflag:s8], $0x0  }
0x24: {  	s3 =	sadd.s32 $0x88, s3;
	s6 =	simm.s32 @!p1 $0x1082;
	[sflag:s4] =	ssyncset.s32 $0xFFFFF086  }
0x25: {  	[simem:s6], [sflag:s4] =	dma.local [hbm:s3], $0xF7A  }
0x26: {  	[smem:$0x3F7F] =	sst s1;
	(tag) =	ssettag s2;
	_ =	strace s9  }
0x27: {  	s1 =	sld [smem:$0x3F8F]  }
0x28: {  	s2 =	sld [smem:$0x3F90]  }
0x29: {  	s4 =	sld [smem:$0x3F92]  }
0x2a: {  	p0 =	seq.s32 s5, $0x0;
	s5 =	sld [smem:$0x3F93]  }
0x2b: {  	s6 =	sld [smem:$0x3F94]  }
0x2c: {  	s7 =	sld [smem:$0x3F95]  }
0x2d: {  	s3 =	simm.s32 $0x108;
	s8 =	sld [smem:$0x3F96]  }
0x2e: {  	s3 =	simm.s32 @!p0 $0x1082;
	s9 =	sld [smem:$0x3F97]  }
0x2f: {  	lr =	sadd.s32 s0, s3;
	s0 =	sld [smem:$0x3F8E]  }
0x30: {  	s3 =	sld [smem:$0x3F91]  }
0x31: {  	[smem:$0x3F9A] =	sst s10  }
0x32: {  	s10 =	sld [smem:$0x3F98];
	_ =	sdelay $0x3  }
0x33: {  	p0 =	seq.s32 s10, $0x1;
	s10 =	sld [smem:$0x3F9A];
	_ =	sdelay $0x3  }
0x34: {  	[smem:$0x3F9A] =	sst s10  }
0x35: {  	s10 =	sld [smem:$0x3F99];
	_ =	sdelay $0x3  }
0x36: {  	p1 =	seq.s32 s10, $0x1;
	s10 =	sld [smem:$0x3F9A];
	_ =	sdelay $0x3  }
0x37: {  	[smem:$0x3F9A] =	sst s10  }
0x38: {  	s10 =	sld [smem:$0x3F9B]  }
0x39: {  	_ = 	snop;
	(pc) =	sbr.ind lr, $3  }
0x3a: {  	_ = 	snop  }
0x3b: {  	_ = 	snop  }
0x3c: {  	p2 =	seq.s32 s10, $0x1;
	s10 =	sld [smem:$0x3F9A]  }
0x3d: {  	_ =	shalt  }
0x3e: {  	_ =	shalt  }
0x3f: {  	_ =	shalt  }
0x40: {  	_ =	shalt  }
0x41: {  	_ =	shalt  }
0x42: {  	_ =	shalt  }
0x43: {  	_ =	shalt  }
0x44: {  	_ =	shalt  }
0x45: {  	_ =	shalt  }
0x46: {  	_ =	shalt  }
0x47: {  	_ =	shalt  }
0x48: {  	_ =	shalt  }
0x49: {  	_ =	shalt  }
0x4a: {  	_ =	shalt  }
0x4b: {  	_ =	shalt  }
0x4c: {  	_ =	shalt  }
0x4d: {  	_ =	shalt  }
0x4e: {  	_ =	shalt  }
0x4f: {  	_ =	shalt  }
0x50: {  	_ =	shalt  }
0x51: {  	_ =	shalt  }
0x52: {  	_ =	shalt  }
0x53: {  	_ =	shalt  }
0x54: {  	_ =	shalt  }
0x55: {  	_ =	shalt  }
0x56: {  	_ =	shalt  }
0x57: {  	_ =	shalt  }
0x58: {  	_ =	shalt  }
0x59: {  	_ =	shalt  }
0x5a: {  	_ =	shalt  }
0x5b: {  	_ =	shalt  }
0x5c: {  	_ =	shalt  }
0x5d: {  	_ =	shalt  }
0x5e: {  	_ =	shalt  }
0x5f: {  	_ =	shalt  }
0x60: {  	_ =	shalt  }
0x61: {  	_ =	shalt  }
0x62: {  	_ =	shalt  }
0x63: {  	_ =	shalt  }
0x64: {  	_ =	shalt  }
0x65: {  	_ =	shalt  }
0x66: {  	_ =	shalt  }
0x67: {  	_ =	shalt  }
0x68: {  	_ =	shalt  }
0x69: {  	_ =	shalt  }
0x6a: {  	_ =	shalt  }
0x6b: {  	_ =	shalt  }
0x6c: {  	_ =	shalt  }
0x6d: {  	_ =	shalt  }
0x6e: {  	_ =	shalt  }
0x6f: {  	_ =	shalt  }
0x70: {  	_ =	shalt  }
0x71: {  	_ =	shalt  }
0x72: {  	_ =	shalt  }
0x73: {  	_ =	shalt  }
0x74: {  	_ =	shalt  }
0x75: {  	_ =	shalt  }
0x76: {  	_ =	shalt  }
0x77: {  	_ =	shalt  }
0x78: {  	_ =	shalt  }
0x79: {  	_ =	shalt  }
0x7a: {  	_ =	shalt  }
0x7b: {  	_ =	shalt  }
0x7c: {  	_ =	shalt  }
0x7d: {  	_ =	shalt  }
0x7e: {  	_ =	shalt  }
0x7f: {  	_ =	shalt  }
0x80: {  	_ =	shalt  }
0x81: {  	_ =	shalt  }
0x82: {  	_ =	shalt  }
0x83: {  	_ =	shalt  }
0x84: {  	_ =	shalt  }
0x85: {  	_ =	shalt  }
0x86: {  	_ =	shalt  }
0x87: {  	_ =	shalt  }
.Lfunc_end0:
.L_simem_size_0:
called_computation.7_lowered:
.L_overlay_start_0:
0x88: {  	s2 =	sld [smem:$0x3FD9]  }
0x89: {  	s3 =	sld [smem:$0x3FFE];
	_ =	sdelay $0x1  }
0x8a: {  	s1 =	srdreg.scid  }
0x8b: {  	s0 =	sand.u32 $0x1, s1  }
0x8c: {  	s16 =	sshll.u32 s0, $0xA;
	s2 =	sadd.s32 s3, s2  }
0x8d: {  	s2 =	sadd.s32 s2, s16  }
0x8e: {  	[smem:$0x3FA6] =	sst s2  }
0x8f: {  	_ = 	snop  }
0x90: {  	(tm) =	ssettm $0x1  }
0x91: {  	s17 =	sld [smem:$0x3FFB];
	_ =	sdelay $0x3  }
0x92: {  	_ =	strace s17  }
0x93: {  	s2 =	sld [smem:$0x3FFC];
	_ =	sdelay $0x3  }
0x94: {  	_ =	strace s2  }
0x95: {  	s2 =	sld [smem:$0x3FFD];
	_ =	sdelay $0x3  }
0x96: {  	_ =	strace s2  }
0x97: {  	_ =	strace $0x8FFFFFFF  }
0x98: {  	s18 =	sld [smem:$0x3FDB];
	_ =	sdelay $0x1  }
0x99: {  	s19 =	simm.s32 $_scs_section_size  }
0x9a: {  	s4 =	simm.s32 $_size__tile_overlayer_lowered;
	s5 =	simm.s32 $_tile_overlayer_lowered  }
0x9b: {  	s22 =	simm.s32 $0x1BFF;
	s21 =	sshll.u32 s5, $0x1;
	s2 =	sadd.s32 s19, s18  }
0x9c: {  	s6 =	simm.s32 $0x0;
	s20 =	sshll.u32 s4, $0x1;
	s4 =	sadd.s32 s21, s2  }
0x9d: {  	[timem:s6], [sflag:s22] =	dma.local [hbm:s4], s20  }
0x9e: {  	_ =	swait.ge [sflag:s22], s20  }
0x9f: {  	s3 =	ssub.s32 $0x0, s20;
	[sflag:s22] =	ssyncset.done $0x0  }
0xa0: {  	[sflag:s22] =	ssyncadd.s32 s3;
	_ =	sdelay $0x1  }
0xa1: {  	s23 =	simm.s32 $0x1B8B  }
0xa2: {  	_ =	swait.ge [sflag:s23], $0x1  }
0xa3: {  	[sflag:s23] =	ssyncset.done $0x0  }
0xa4: {  	s25 =	simm.s32 $0x1B8E;
	s24 =	sld [smem:$0x3FFE];
	[sflag:s23] =	ssyncadd.s32 $0xFFFFFFFF  }
0xa5: {  	s26 =	simm.s32 $execute0_lowered;
	[smem:$0x3FD2] =	sst s25  }
0xa6: {  	s4 =	sshll.u32 s26, $0x1;
	_ =	strace $0x8000005B;
	[dreg:$0x1] =	wrdreg $0xFFFFFFFF  }
0xa7: {  	s28 =	simm.s32 $_size_execute0_lowered;
	s2 =	sadd.s32 s2, s4;
	[dreg:$0x0] =	wrdreg $0x0  }
0xa8: {  	s4 =	sshll.u32 s28, $0x1;
	[dreg:$0x2] =	wrdreg s2  }
0xa9: {  	[dreg:$0x3] =	wrdreg s4  }
0xaa: {  	[dreg:$0x4] =	wrdreg $0xC0  }
0xab: {  	_ =	task [dreg:s6], $0x5FFFF  }
0xac: {  	[dreg:$0x1] =	wrdreg $0xFFFFFFFF  }
0xad: {  	[dreg:$0x0] =	wrdreg $0x60  }
0xae: {  	[dreg:$0x2] =	wrdreg s24  }
0xaf: {  	[dreg:$0x3] =	wrdreg $0x14A000  }
0xb0: {  	[dreg:$0x4] =	wrdreg $0x9  }
0xb1: {  	_ =	task.clear_ibuf [dreg:s6], $0x5FFFF;
	_ =	strace $0x9000005B  }
0xb2: {  	s29 =	simm.s32 $0x9;
	_ =	strace $0x8000005D  }
0xb3: {  	_ =	swait.ge [sflag:s29], $0x1  }
0xb4: {  	[sflag:s29] =	ssyncadd.s32 $0xFFFFFFFF  }
0xb5: {  	_ =	strace $0x9000005D  }
0xb6: {  	_ =	sfence  }
0xb7: {  	s30 =	sld [smem:$0x0];
	_ =	sdelay $0x2  }
0xb8: {  	s31 =	sshll.u32 s1, $0xD;
	s1 =	sshrl.u32 s1, $0x2  }
0xb9: {  	s3 =	sand.u32 $0x4000, s31;
	s1 =	sadd.s32 s1, s30  }
0xba: {  	s0 =	sor.u32 s3, s0;
	s1 =	sshll.u32 s1, $0x11  }
0xbb: {  	s0 =	sor.u32 s1, s0  }
0xbc: {  	s0 =	sadd.s32 $0x8F2B, s0  }
0xbd: {  	[sflag:s0] =	ssyncadd.remote.s32 $0x1  }
0xbe: {  	_ =	sfence.sel $0xFFFF  }
0xbf: {  	[dreg:$0x0] =	wrdreg $0xFFFFFFFF;
	(pc) =	sbr.abs _section_cstart, $3  }
0xc0: {  	[dreg:$0x1] =	wrdreg $0xFFFFFFFF  }
0xc1: {  	_ =	task.clear_ibuf [dreg:s6], $0x2FFFF;
	_ =	strace $0x9FFFFFFF  }
0xc2: {  	(tm) =	ssettm $0x7FFFFFFF  }
0xc3: {  	_ =	shalt  }
tec
execute0_lowered:
.L_overlay_start_1:
0x0: {  	(tag) =	ssettag $0x1  }
0x1: {  	s1 =	srdreg.scid  }
0x2: {  	s0 =	stileid.u32;
	s5 =	rddreg [dreg:$0x0];
	s3 =	simm.s32 $0x0  }
0x3: {  	s1 =	sand.u32 $0x1, s1;
	s2 =	sshll.u32 s0, $0x1;
	[smem:$0x7FF] =	sst s3  }
0x4: {  	s26 =	simm.s32 $0x1A00;
	s4 =	sor.u32 s1, s2;
	s2 =	rddreg [dreg:$0x1]  }
0x5: {  	s10 =	simm.s32 $0x200;
	_ =	strace $0x8000005C;
	[dreg:$0x7] =	wrdreg s26  }
0x6: {  	s11 =	simm.s32 $0x4A00;
	[dreg:$0xc] =	wrdreg s10  }
0x7: {  	s12 =	simm.s32 $0x280;
	[dreg:$0xd] =	wrdreg s11  }
0x8: {  	s13 =	simm.s32 $0x5A00;
	[dreg:$0xe] =	wrdreg s12  }
0x9: {  	s14 =	simm.s32 $0x300;
	[dreg:$0xf] =	wrdreg s13  }
0xa: {  	s15 =	simm.s32 $0x6A00;
	s16 =	simm.s32 $0x380;
	[dreg:$0x10] =	wrdreg s14  }
0xb: {  	s17 =	simm.s32 $0x7A00;
	s18 =	simm.s32 $0x400;
	[dreg:$0x11] =	wrdreg s15  }
0xc: {  	s21 =	simm.s32 $0x8A00;
	s7 =	smul.u32 $0x4E40, s0;
	[dreg:$0x12] =	wrdreg s16  }
0xd: {  	s23 =	simm.s32 $0x480;
	[dreg:$0x13] =	wrdreg s17;
	s6 =	smul.u32 $0x2800, s4  }
0xe: {  	[dreg:$0x14] =	wrdreg s18;
	s4 =	smul.u32 $0x140, s4;
	s8 =	sshrl.u32 s7, $0x3  }
0xf: {  	s9 =	smul.u32 $0x4E400, s1;
	[dreg:$0x15] =	wrdreg s21;
	s8 =	sadd.s32 s8, s5  }
0x10: {  	[dreg:$0x16] =	wrdreg s23;
	s4 =	sadd.s32 s4, s5;
	s8 =	sadd.s32 $0x9A00, s8  }
0x11: {  	s6 =	sadd.s32 s6, s5;
	[dreg:$0x3] =	wrdreg s8;
	s4 =	sadd.s32 $0x106000, s4  }
0x12: {  	s24 =	sadd.s32 $0x13800, s6;
	[dreg:$0x4] =	wrdreg s4  }
0x13: {  	s9 =	sadd.s32 s7, s9;
	s6 =	simm.s32 $0x2A00;
	[dreg:$0x5] =	wrdreg s24  }
0x14: {  	s9 =	sshrl.u32 s9, $0x3;
	s8 =	simm.s32 $0x180;
	[dreg:$0x9] =	wrdreg s6  }
0x15: {  	s5 =	sadd.s32 s9, s5;
	s9 =	simm.s32 $0x3A00;
	[dreg:$0xa] =	wrdreg s8  }
0x16: {  	s20 =	sshll.u32 s0, $0x6;
	[dreg:$0xb] =	wrdreg s9  }
0x17: {  	s19 =	sadd.s32 s7, s2;
	s25 =	sadd.s32 $0x63800, s5;
	s22 =	rddreg [dreg:$0x3]  }
0x18: {  	s5 =	simm.s32 $0x100;
	s4 =	sor.u32 $0x1C02, s20;
	[dreg:$0x6] =	wrdreg s25  }
0x19: {  	s6 =	sshrl.u32 s19, $0x3;
	[dreg:$0x8] =	wrdreg s5;
	s5 =	simm.s32 $0x2  }
0x1a: {  	[spmem:s6], [sflag:s4] =	dma.local [hbm:s22], $0x9C8  }
0x1b: {  	_ =	swait.ge [sflag:s5], $0x9C8  }
0x1c: {  	[sflag:s5] =	ssyncset.done $0x0  }
0x1d: {  	s24 =	rddreg [dreg:$0x4];
	[sflag:s5] =	ssyncadd.s32 $0xFFFFF638  }
0x1e: {  	[tilespmem:s3], [sflag:$0x2] =	stream.linear.gather [hbm4b:s24+s3], $0xA00, $0x38;
	[tilespmem:$0x19840] =	vst v63  }
0x1f: {  	_ =	swait.ge [sflag:s5], $0xA00  }
0x20: {  	[sflag:s5] =	ssyncset.done $0x0  }
0x21: {  	s7 =	simm.s32 $0xA00;
	s25 =	rddreg [dreg:$0x5];
	[sflag:s5] =	ssyncadd.s32 $0xFFFFF600  }
0x22: {  	[tilespmem:s7], [sflag:$0x2] =	stream.linear.gather [hbm4b:s25+s3], $0x14000, $0x38;
	[tilespmem:$0x19840] =	vst v63  }
0x23: {  	_ =	swait.ge [sflag:s5], $0x14000  }
0x24: {  	[sflag:s5] =	ssyncset.done $0x0  }
0x25: {  	[sflag:s5] =	ssyncadd.s32 $0xFFFEC000  }
0x26: {  	[bflag:$0x0] =	sbarrier.arrive $0xFFFF  }
0x27: {  	s26 =	rddreg [dreg:$0x15]  }
0x28: {  	s10 =	rddreg [dreg:$0x13]  }
0x29: {  	s11 =	rddreg [dreg:$0x11]  }
0x2a: {  	s12 =	rddreg [dreg:$0xf]  }
0x2b: {  	s13 =	rddreg [dreg:$0xd]  }
0x2c: {  	s8 =	simm.s32 $0x80;
	s14 =	rddreg [dreg:$0xb]  }
0x2d: {  	[spmem:s2] =	stream.indirect.scatter.add.f32 [tilespmem:s7], [sflag:$0x1], $0x20, s3, s8, $0xb8;
	[tilespmem:$0x19840] =	vst v63  }
0x2e: {  	s15 =	rddreg [dreg:$0x7]  }
0x2f: {  	s16 =	rddreg [dreg:$0x9]  }
0x30: {  	[spmem:s2] =	stream.indirect.scatter.add.f32 [tilespmem:s15], [sflag:$0x1], $0x20, s8, s8, $0xb8;
	[tilespmem:$0x19840] =	vst v63  }
0x31: {  	s17 =	rddreg [dreg:$0x8]  }
0x32: {  	[spmem:s2] =	stream.indirect.scatter.add.f32 [tilespmem:s16], [sflag:$0x1], $0x20, s17, s8, $0xb8;
	[tilespmem:$0x19840] =	vst v63  }
0x33: {  	s0 =	rddreg [dreg:$0xa]  }
0x34: {  	[spmem:s2] =	stream.indirect.scatter.add.f32 [tilespmem:s14], [sflag:$0x1], $0x20, s0, s8, $0xb8;
	[tilespmem:$0x19840] =	vst v63  }
0x35: {  	s18 =	rddreg [dreg:$0xc]  }
0x36: {  	[spmem:s2] =	stream.indirect.scatter.add.f32 [tilespmem:s13], [sflag:$0x1], $0x20, s18, s8, $0xb8;
	[tilespmem:$0x19840] =	vst v63  }
0x37: {  	s19 =	rddreg [dreg:$0xe]  }
0x38: {  	[spmem:s2] =	stream.indirect.scatter.add.f32 [tilespmem:s12], [sflag:$0x1], $0x20, s19, s8, $0xb8;
	[tilespmem:$0x19840] =	vst v63  }
0x39: {  	s20 =	rddreg [dreg:$0x10]  }
0x3a: {  	[spmem:s2] =	stream.indirect.scatter.add.f32 [tilespmem:s11], [sflag:$0x1], $0x20, s20, s8, $0xb8;
	[tilespmem:$0x19840] =	vst v63  }
0x3b: {  	s21 =	rddreg [dreg:$0x12]  }
0x3c: {  	[spmem:s2] =	stream.indirect.scatter.add.f32 [tilespmem:s10], [sflag:$0x1], $0x20, s21, s8, $0xb8;
	[tilespmem:$0x19840] =	vst v63  }
0x3d: {  	s22 =	rddreg [dreg:$0x14]  }
0x3e: {  	[spmem:s2] =	stream.indirect.scatter.add.f32 [tilespmem:s26], [sflag:$0x1], $0x20, s22, s8, $0xb8;
	[tilespmem:$0x19840] =	vst v63  }
0x3f: {  	s24 =	simm.s32 $0x9A00;
	s23 =	rddreg [dreg:$0x16]  }
0x40: {  	[spmem:s2] =	stream.indirect.scatter.add.f32 [tilespmem:s24], [sflag:$0x1], $0x20, s23, s8, $0xb8;
	[tilespmem:$0x19840] =	vst v63  }
0x41: {  	s25 =	simm.s32 $0x500;
	s26 =	simm.s32 $0xAA00  }
0x42: {  	[spmem:s2] =	stream.indirect.scatter.add.f32 [tilespmem:s26], [sflag:$0x1], $0x20, s25, s8, $0xb8;
	[tilespmem:$0x19840] =	vst v63  }
0x43: {  	s11 =	simm.s32 $0xBA00;
	s10 =	simm.s32 $0x580  }
0x44: {  	[spmem:s2] =	stream.indirect.scatter.add.f32 [tilespmem:s11], [sflag:$0x1], $0x20, s10, s8, $0xb8;
	[tilespmem:$0x19840] =	vst v63  }
0x45: {  	s13 =	simm.s32 $0xCA00;
	s12 =	simm.s32 $0x600  }
0x46: {  	[spmem:s2] =	stream.indirect.scatter.add.f32 [tilespmem:s13], [sflag:$0x1], $0x20, s12, s8, $0xb8;
	[tilespmem:$0x19840] =	vst v63  }
0x47: {  	s15 =	simm.s32 $0xDA00;
	s14 =	simm.s32 $0x680  }
0x48: {  	[spmem:s2] =	stream.indirect.scatter.add.f32 [tilespmem:s15], [sflag:$0x1], $0x20, s14, s8, $0xb8;
	[tilespmem:$0x19840] =	vst v63  }
0x49: {  	s18 =	simm.s32 $0x700;
	s19 =	simm.s32 $0xEA00  }
0x4a: {  	[spmem:s2] =	stream.indirect.scatter.add.f32 [tilespmem:s19], [sflag:$0x1], $0x20, s18, s8, $0xb8;
	[tilespmem:$0x19840] =	vst v63  }
0x4b: {  	s20 =	simm.s32 $0x780;
	s21 =	simm.s32 $0xFA00  }
0x4c: {  	[spmem:s2] =	stream.indirect.scatter.add.f32 [tilespmem:s21], [sflag:$0x1], $0x20, s20, s8, $0xb8;
	[tilespmem:$0x19840] =	vst v63  }
0x4d: {  	s22 =	simm.s32 $0x800;
	s23 =	simm.s32 $0x10A00  }
0x4e: {  	[spmem:s2] =	stream.indirect.scatter.add.f32 [tilespmem:s23], [sflag:$0x1], $0x20, s22, s8, $0xb8;
	[tilespmem:$0x19840] =	vst v63  }
0x4f: {  	s24 =	simm.s32 $0x880;
	s25 =	simm.s32 $0x11A00  }
0x50: {  	[spmem:s2] =	stream.indirect.scatter.add.f32 [tilespmem:s25], [sflag:$0x1], $0x20, s24, s8, $0xb8;
	[tilespmem:$0x19840] =	vst v63  }
0x51: {  	s28 =	simm.s32 $0x12A00;
	s26 =	simm.s32 $0x900  }
0x52: {  	[spmem:s2] =	stream.indirect.scatter.add.f32 [tilespmem:s28], [sflag:$0x1], $0x20, s26, s8, $0xb8;
	[tilespmem:$0x19840] =	vst v63  }
0x53: {  	s29 =	simm.s32 $0x980;
	s30 =	simm.s32 $0x13A00;
	s31 =	simm.s32 $0x1  }
0x54: {  	[spmem:s2] =	stream.indirect.scatter.add.f32 [tilespmem:s30], [sflag:$0x1], $0x20, s29, s8, $0xb8;
	[tilespmem:$0x19840] =	vst v63  }
0x55: {  	_ =	swait.ge [sflag:s31], $0x1000  }
0x56: {  	[sflag:s31] =	ssyncset.done $0x0  }
0x57: {  	[sflag:s31] =	ssyncadd.s32 $0xFFFFF000  }
0x58: {  	_ =	swait.ge [sflag:s31], $0x1000  }
0x59: {  	[sflag:s31] =	ssyncset.done $0x0  }
0x5a: {  	[sflag:s31] =	ssyncadd.s32 $0xFFFFF000  }
0x5b: {  	_ =	swait.ge [sflag:s31], $0x1000  }
0x5c: {  	[sflag:s31] =	ssyncset.done $0x0  }
0x5d: {  	[sflag:s31] =	ssyncadd.s32 $0xFFFFF000  }
0x5e: {  	_ =	swait.ge [sflag:s31], $0x1000  }
0x5f: {  	[sflag:s31] =	ssyncset.done $0x0  }
0x60: {  	[sflag:s31] =	ssyncadd.s32 $0xFFFFF000  }
0x61: {  	_ =	swait.ge [sflag:s31], $0x1000  }
0x62: {  	[sflag:s31] =	ssyncset.done $0x0  }
0x63: {  	[sflag:s31] =	ssyncadd.s32 $0xFFFFF000  }
0x64: {  	_ =	swait.ge [sflag:s31], $0x1000  }
0x65: {  	[sflag:s31] =	ssyncset.done $0x0  }
0x66: {  	[sflag:s31] =	ssyncadd.s32 $0xFFFFF000  }
0x67: {  	_ =	swait.ge [sflag:s31], $0x1000  }
0x68: {  	[sflag:s31] =	ssyncset.done $0x0  }
0x69: {  	[sflag:s31] =	ssyncadd.s32 $0xFFFFF000  }
0x6a: {  	_ =	swait.ge [sflag:s31], $0x1000  }
0x6b: {  	[sflag:s31] =	ssyncset.done $0x0  }
0x6c: {  	[sflag:s31] =	ssyncadd.s32 $0xFFFFF000  }
0x6d: {  	_ =	swait.ge [sflag:s31], $0x1000  }
0x6e: {  	[sflag:s31] =	ssyncset.done $0x0  }
0x6f: {  	[sflag:s31] =	ssyncadd.s32 $0xFFFFF000  }
0x70: {  	_ =	swait.ge [sflag:s31], $0x1000  }
0x71: {  	[sflag:s31] =	ssyncset.done $0x0  }
0x72: {  	[sflag:s31] =	ssyncadd.s32 $0xFFFFF000  }
0x73: {  	_ =	swait.ge [sflag:s31], $0x1000  }
0x74: {  	[sflag:s31] =	ssyncset.done $0x0  }
0x75: {  	[sflag:s31] =	ssyncadd.s32 $0xFFFFF000  }
0x76: {  	_ =	swait.ge [sflag:s31], $0x1000  }
0x77: {  	[sflag:s31] =	ssyncset.done $0x0  }
0x78: {  	[sflag:s31] =	ssyncadd.s32 $0xFFFFF000  }
0x79: {  	_ =	swait.ge [sflag:s31], $0x1000  }
0x7a: {  	[sflag:s31] =	ssyncset.done $0x0  }
0x7b: {  	[sflag:s31] =	ssyncadd.s32 $0xFFFFF000  }
0x7c: {  	_ =	swait.ge [sflag:s31], $0x1000  }
0x7d: {  	[sflag:s31] =	ssyncset.done $0x0  }
0x7e: {  	[sflag:s31] =	ssyncadd.s32 $0xFFFFF000  }
0x7f: {  	_ =	swait.ge [sflag:s31], $0x1000  }
0x80: {  	[sflag:s31] =	ssyncset.done $0x0  }
0x81: {  	[sflag:s31] =	ssyncadd.s32 $0xFFFFF000  }
0x82: {  	_ =	swait.ge [sflag:s31], $0x1000  }
0x83: {  	[sflag:s31] =	ssyncset.done $0x0  }
0x84: {  	[sflag:s31] =	ssyncadd.s32 $0xFFFFF000  }
0x85: {  	_ =	swait.ge [sflag:s31], $0x1000  }
0x86: {  	s1 =	ssub.s32 $0x2, s1;
	[sflag:s31] =	ssyncset.done $0x0  }
0x87: {  	s16 =	sshrl.u32 s1, $0x1;
	[sflag:s31] =	ssyncadd.s32 $0xFFFFF000  }
0x88: {  	s0 =	ssub.s32 s1, s16;
	_ =	swait.ge [sflag:s31], $0x1000  }
0x89: {  	s0 =	smax.u32 s0, $0x1;
	[sflag:s31] =	ssyncset.done $0x0  }
0x8a: {  	p0 =	sne.s32 s0, $0x1;
	[sflag:s31] =	ssyncadd.s32 $0xFFFFF000  }
.Ltmp0:
0x8b: {  	_ =	swait.ge [sflag:s31], $0x1000;
	(pc) =	sbr.rel @!p0 .LBB2_2-.Ltmp0, $4  }
0x8c: {  	[sflag:s31] =	ssyncset.done $0x0  }
0x8d: {  	[sflag:s31] =	ssyncadd.s32 $0xFFFFF000  }
0x8e: {  	_ =	swait.ge [sflag:s31], $0x1000  }
0x8f: {  	s17 =	simm.s32 $0xDA00;
	s1 =	sadd.s32 $0xFFFFFFFF, s0;
	[sflag:s31] =	ssyncset.done $0x0  }
.LBB2_1:
0x90: {  	[sflag:s31] =	ssyncadd.s32 $0xFFFFF000  }
0x91: {  	[bflag:$0x0] =	sbarrier.arrive $0xFFFF  }
0x92: {  	s0 =	rddreg [dreg:$0x6]  }
0x93: {  	[hbm:s0], [sflag:s4] =	dma.local [spmem:s6], $0x9C8  }
0x94: {  	_ =	swait.ge [sflag:s5], $0x9C8  }
0x95: {  	[sflag:s5] =	ssyncset.done $0x0  }
0x96: {  	s13 =	rddreg [dreg:$0x3];
	[sflag:s5] =	ssyncadd.s32 $0xFFFFF638  }
0x97: {  	[spmem:s6], [sflag:s4] =	dma.local [hbm:s13], $0x9C8  }
0x98: {  	_ =	swait.ge [sflag:s5], $0x9C8  }
0x99: {  	[sflag:s5] =	ssyncset.done $0x0  }
0x9a: {  	s14 =	rddreg [dreg:$0x4];
	[sflag:s5] =	ssyncadd.s32 $0xFFFFF638  }
0x9b: {  	[tilespmem:s3], [sflag:$0x2] =	stream.linear.gather [hbm4b:s14+s3], $0xA00, $0x38;
	[tilespmem:$0x19840] =	vst v63  }
0x9c: {  	_ =	swait.ge [sflag:s5], $0xA00  }
0x9d: {  	[sflag:s5] =	ssyncset.done $0x0  }
0x9e: {  	s15 =	rddreg [dreg:$0x5];
	[sflag:s5] =	ssyncadd.s32 $0xFFFFF600  }
0x9f: {  	[tilespmem:s7], [sflag:$0x2] =	stream.linear.gather [hbm4b:s15+s3], $0x14000, $0x38;
	[tilespmem:$0x19840] =	vst v63  }
0xa0: {  	_ =	swait.ge [sflag:s5], $0x14000  }
0xa1: {  	[sflag:s5] =	ssyncset.done $0x0  }
0xa2: {  	[sflag:s5] =	ssyncadd.s32 $0xFFFEC000  }
0xa3: {  	[bflag:$0x0] =	sbarrier.arrive $0xFFFF  }
0xa4: {  	s0 =	rddreg [dreg:$0x15]  }
0xa5: {  	s9 =	rddreg [dreg:$0x13]  }
0xa6: {  	s10 =	rddreg [dreg:$0x11]  }
0xa7: {  	s11 =	rddreg [dreg:$0xf]  }
0xa8: {  	s12 =	rddreg [dreg:$0xd]  }
0xa9: {  	s13 =	rddreg [dreg:$0xb]  }
0xaa: {  	[spmem:s2] =	stream.indirect.scatter.add.f32 [tilespmem:s7], [sflag:$0x1], $0x20, s3, s8, $0xb8;
	[tilespmem:$0x19840] =	vst v63  }
0xab: {  	s14 =	rddreg [dreg:$0x7]  }
0xac: {  	s15 =	rddreg [dreg:$0x9]  }
0xad: {  	[spmem:s2] =	stream.indirect.scatter.add.f32 [tilespmem:s14], [sflag:$0x1], $0x20, s8, s8, $0xb8;
	[tilespmem:$0x19840] =	vst v63  }
0xae: {  	s16 =	rddreg [dreg:$0x8]  }
0xaf: {  	[spmem:s2] =	stream.indirect.scatter.add.f32 [tilespmem:s15], [sflag:$0x1], $0x20, s16, s8, $0xb8;
	[tilespmem:$0x19840] =	vst v63  }
0xb0: {  	s14 =	rddreg [dreg:$0xa]  }
0xb1: {  	[spmem:s2] =	stream.indirect.scatter.add.f32 [tilespmem:s13], [sflag:$0x1], $0x20, s14, s8, $0xb8;
	[tilespmem:$0x19840] =	vst v63  }
0xb2: {  	s16 =	rddreg [dreg:$0xc]  }
0xb3: {  	[spmem:s2] =	stream.indirect.scatter.add.f32 [tilespmem:s12], [sflag:$0x1], $0x20, s16, s8, $0xb8;
	[tilespmem:$0x19840] =	vst v63  }
0xb4: {  	s14 =	rddreg [dreg:$0xe]  }
0xb5: {  	[spmem:s2] =	stream.indirect.scatter.add.f32 [tilespmem:s11], [sflag:$0x1], $0x20, s14, s8, $0xb8;
	[tilespmem:$0x19840] =	vst v63  }
0xb6: {  	s16 =	rddreg [dreg:$0x10]  }
0xb7: {  	[spmem:s2] =	stream.indirect.scatter.add.f32 [tilespmem:s10], [sflag:$0x1], $0x20, s16, s8, $0xb8;
	[tilespmem:$0x19840] =	vst v63  }
0xb8: {  	s13 =	rddreg [dreg:$0x12]  }
0xb9: {  	[spmem:s2] =	stream.indirect.scatter.add.f32 [tilespmem:s9], [sflag:$0x1], $0x20, s13, s8, $0xb8;
	[tilespmem:$0x19840] =	vst v63  }
0xba: {  	s14 =	rddreg [dreg:$0x14]  }
0xbb: {  	[spmem:s2] =	stream.indirect.scatter.add.f32 [tilespmem:s0], [sflag:$0x1], $0x20, s14, s8, $0xb8;
	[tilespmem:$0x19840] =	vst v63  }
0xbc: {  	s15 =	rddreg [dreg:$0x16];
	s16 =	simm.s32 $0x9A00  }
0xbd: {  	[spmem:s2] =	stream.indirect.scatter.add.f32 [tilespmem:s16], [sflag:$0x1], $0x20, s15, s8, $0xb8;
	[tilespmem:$0x19840] =	vst v63  }
0xbe: {  	s11 =	simm.s32 $0xAA00;
	s10 =	simm.s32 $0x500  }
0xbf: {  	[spmem:s2] =	stream.indirect.scatter.add.f32 [tilespmem:s11], [sflag:$0x1], $0x20, s10, s8, $0xb8;
	[tilespmem:$0x19840] =	vst v63  }
0xc0: {  	s12 =	simm.s32 $0x580;
	s13 =	simm.s32 $0xBA00  }
0xc1: {  	[spmem:s2] =	stream.indirect.scatter.add.f32 [tilespmem:s13], [sflag:$0x1], $0x20, s12, s8, $0xb8;
	[tilespmem:$0x19840] =	vst v63  }
0xc2: {  	s14 =	simm.s32 $0x600;
	s15 =	simm.s32 $0xCA00  }
0xc3: {  	[spmem:s2] =	stream.indirect.scatter.add.f32 [tilespmem:s15], [sflag:$0x1], $0x20, s14, s8, $0xb8;
	[tilespmem:$0x19840] =	vst v63  }
0xc4: {  	s16 =	simm.s32 $0x680  }
0xc5: {  	[spmem:s2] =	stream.indirect.scatter.add.f32 [tilespmem:s17], [sflag:$0x1], $0x20, s16, s8, $0xb8;
	[tilespmem:$0x19840] =	vst v63  }
0xc6: {  	_ = 	snop  }
0xc7: {  	[spmem:s2] =	stream.indirect.scatter.add.f32 [tilespmem:s19], [sflag:$0x1], $0x20, s18, s8, $0xb8;
	[tilespmem:$0x19840] =	vst v63  }
0xc8: {  	_ = 	snop  }
0xc9: {  	[spmem:s2] =	stream.indirect.scatter.add.f32 [tilespmem:s21], [sflag:$0x1], $0x20, s20, s8, $0xb8;
	[tilespmem:$0x19840] =	vst v63  }
0xca: {  	_ = 	snop  }
0xcb: {  	[spmem:s2] =	stream.indirect.scatter.add.f32 [tilespmem:s23], [sflag:$0x1], $0x20, s22, s8, $0xb8;
	[tilespmem:$0x19840] =	vst v63  }
0xcc: {  	_ = 	snop  }
0xcd: {  	[spmem:s2] =	stream.indirect.scatter.add.f32 [tilespmem:s25], [sflag:$0x1], $0x20, s24, s8, $0xb8;
	[tilespmem:$0x19840] =	vst v63  }
0xce: {  	_ = 	snop  }
0xcf: {  	[spmem:s2] =	stream.indirect.scatter.add.f32 [tilespmem:s28], [sflag:$0x1], $0x20, s26, s8, $0xb8;
	[tilespmem:$0x19840] =	vst v63  }
0xd0: {  	_ = 	snop  }
0xd1: {  	[spmem:s2] =	stream.indirect.scatter.add.f32 [tilespmem:s30], [sflag:$0x1], $0x20, s29, s8, $0xb8;
	[tilespmem:$0x19840] =	vst v63  }
0xd2: {  	_ =	swait.ge [sflag:s31], $0x1000  }
0xd3: {  	[sflag:s31] =	ssyncset.done $0x0  }
0xd4: {  	[sflag:s31] =	ssyncadd.s32 $0xFFFFF000  }
0xd5: {  	_ =	swait.ge [sflag:s31], $0x1000  }
0xd6: {  	[sflag:s31] =	ssyncset.done $0x0  }
0xd7: {  	[sflag:s31] =	ssyncadd.s32 $0xFFFFF000  }
0xd8: {  	_ =	swait.ge [sflag:s31], $0x1000  }
0xd9: {  	[sflag:s31] =	ssyncset.done $0x0  }
0xda: {  	[sflag:s31] =	ssyncadd.s32 $0xFFFFF000  }
0xdb: {  	_ =	swait.ge [sflag:s31], $0x1000  }
0xdc: {  	[sflag:s31] =	ssyncset.done $0x0  }
0xdd: {  	[sflag:s31] =	ssyncadd.s32 $0xFFFFF000  }
0xde: {  	_ =	swait.ge [sflag:s31], $0x1000  }
0xdf: {  	[sflag:s31] =	ssyncset.done $0x0  }
0xe0: {  	[sflag:s31] =	ssyncadd.s32 $0xFFFFF000  }
0xe1: {  	_ =	swait.ge [sflag:s31], $0x1000  }
0xe2: {  	[sflag:s31] =	ssyncset.done $0x0  }
0xe3: {  	[sflag:s31] =	ssyncadd.s32 $0xFFFFF000  }
0xe4: {  	_ =	swait.ge [sflag:s31], $0x1000  }
0xe5: {  	[sflag:s31] =	ssyncset.done $0x0  }
0xe6: {  	[sflag:s31] =	ssyncadd.s32 $0xFFFFF000  }
0xe7: {  	_ =	swait.ge [sflag:s31], $0x1000  }
0xe8: {  	[sflag:s31] =	ssyncset.done $0x0  }
0xe9: {  	[sflag:s31] =	ssyncadd.s32 $0xFFFFF000  }
0xea: {  	_ =	swait.ge [sflag:s31], $0x1000  }
0xeb: {  	[sflag:s31] =	ssyncset.done $0x0  }
0xec: {  	[sflag:s31] =	ssyncadd.s32 $0xFFFFF000  }
0xed: {  	_ =	swait.ge [sflag:s31], $0x1000  }
0xee: {  	[sflag:s31] =	ssyncset.done $0x0  }
0xef: {  	[sflag:s31] =	ssyncadd.s32 $0xFFFFF000  }
0xf0: {  	_ =	swait.ge [sflag:s31], $0x1000  }
0xf1: {  	[sflag:s31] =	ssyncset.done $0x0  }
0xf2: {  	[sflag:s31] =	ssyncadd.s32 $0xFFFFF000  }
0xf3: {  	_ =	swait.ge [sflag:s31], $0x1000  }
0xf4: {  	[sflag:s31] =	ssyncset.done $0x0  }
0xf5: {  	[sflag:s31] =	ssyncadd.s32 $0xFFFFF000  }
0xf6: {  	_ =	swait.ge [sflag:s31], $0x1000  }
0xf7: {  	[sflag:s31] =	ssyncset.done $0x0  }
0xf8: {  	[sflag:s31] =	ssyncadd.s32 $0xFFFFF000  }
0xf9: {  	_ =	swait.ge [sflag:s31], $0x1000  }
0xfa: {  	[sflag:s31] =	ssyncset.done $0x0  }
0xfb: {  	[sflag:s31] =	ssyncadd.s32 $0xFFFFF000  }
0xfc: {  	_ =	swait.ge [sflag:s31], $0x1000  }
0xfd: {  	[sflag:s31] =	ssyncset.done $0x0  }
0xfe: {  	[sflag:s31] =	ssyncadd.s32 $0xFFFFF000  }
0xff: {  	_ =	swait.ge [sflag:s31], $0x1000  }
0x100: {  	[sflag:s31] =	ssyncset.done $0x0  }
0x101: {  	[sflag:s31] =	ssyncadd.s32 $0xFFFFF000  }
0x102: {  	_ =	swait.ge [sflag:s31], $0x1000  }
0x103: {  	[sflag:s31] =	ssyncset.done $0x0  }
0x104: {  	[sflag:s31] =	ssyncadd.s32 $0xFFFFF000  }
0x105: {  	_ =	swait.ge [sflag:s31], $0x1000  }
0x106: {  	[sflag:s31] =	ssyncset.done $0x0  }
0x107: {  	p0 =	sne.s32 s1, $0x1;
	[sflag:s31] =	ssyncadd.s32 $0xFFFFF000  }
.Ltmp1:
0x108: {  	_ =	swait.ge [sflag:s31], $0x1000;
	(pc) =	sbr.rel @p0 .LBB2_1-.Ltmp1, $4  }
0x109: {  	[sflag:s31] =	ssyncset.done $0x0  }
0x10a: {  	[sflag:s31] =	ssyncadd.s32 $0xFFFFF000  }
0x10b: {  	_ =	swait.ge [sflag:s31], $0x1000  }
0x10c: {  	s1 =	sadd.s32 $0xFFFFFFFF, s1;
	[sflag:s31] =	ssyncset.done $0x0  }
.LBB2_2:
0x10d: {  	[sflag:s31] =	ssyncadd.s32 $0xFFFFF000  }
0x10e: {  	[bflag:$0x0] =	sbarrier.arrive $0xFFFF  }
0x10f: {  	s0 =	rddreg [dreg:$0x6]  }
0x110: {  	[hbm:s0], [sflag:s4] =	dma.local [spmem:s6], $0x9C8  }
0x111: {  	_ =	swait.ge [sflag:s5], $0x9C8  }
0x112: {  	[sflag:s5] =	ssyncset.done $0x0  }
0x113: {  	[sflag:s5] =	ssyncadd.s32 $0xFFFFF638  }
0x114: {  	_ =	sfence.sel $0x180000  }
0x115: {  	[bflag:$0x0] =	sbarrier.arrive $0xFFFF  }
0x116: {  	_ =	strace $0x9000005C  }
0x117: {  	s31 =	stileid.u32;
	[bflag:$0x2] =	sbarrier.arrive $0xFFFF  }
0x118: {  	p0 =	sne.s32 s31, $0x0;
	s0 =	rddreg [dreg:$0x2]  }
0x119: {  	s0 =	sadd.s32 @!p0 $0x100000, s0  }
0x11a: {  	[sflag:s0] =	ssyncadd.tile.s32 @!p0 $0x1;
	_ =	shalt  }
.Lfunc_end2:
_tile_overlayer_lowered:
.L_overlay_start_2:
0x11b: {  	(tag) =	ssettag $0x2  }
0x11c: {  	s0 =	rddreg [dreg:$0x0];
	s2 =	stileid.u32  }
0x11d: {  	s1 =	rddreg [dreg:$0x1];
	p0 =	sne.s32 s2, $0x0  }
0x11e: {  	s3 =	rddreg [dreg:$0x2];
	[bflag:$0x3] =	sbarrier.arrive $0xFFFF;
	s2 =	simm.s32 @!p0 $0x1C02  }
0x11f: {  	[timem:s3], [sflag:s2] =	dma.local @!p0 [hbm:s0], s1  }
0x120: {  	s0 =	simm.s32 @!p0 $0x2  }
0x121: {  	_ =	swait.ge @!p0 [sflag:s0], s1  }
0x122: {  	s1 =	ssub.s32 @!p0 $0x0, s1;
	[sflag:s0] =	ssyncset.done @!p0 $0x0  }
0x123: {  	[sflag:s0] =	ssyncadd.s32 @!p0 s1  }
0x124: {  	[bflag:$0x3] =	sbarrier.arrive $0xFFFF  }
0x125: {  	_ =	shalt  }

</sc_bundles>
